<compile_context>
chip_gen: v7x
topology: tpu7x:2x2x1
jax: 0.10.2.dev20260603
libtpu: 0.0.44.dev20260713+nightly
codegen_flags: <defaults>
</compile_context>

<pallas_src>
import jax
import jax.numpy as jnp
from jax import lax
from jax.experimental import pallas as pl
from jax.experimental.pallas import tpu as pltpu
from jax.experimental.pallas import tpu_sc as plsc

N_RESP = 100000
D = 32
S = 200
B = 4096
NC = 2
NS = 16
NW = NC * NS
BB = B // NW
GROUP = 4
NGROUP = S // GROUP
NPAIR = NGROUP // 2
TILE = 8 * BB
D8STRIDE = NW * TILE
SROW = (D // 8) * D8STRIDE
OUT_WORDS = S * SROW
PITCH = BB + 1
OROWS = GROUP * 4 * 8


def _body(resp4_hbm, table_hbm, pos_hbm, out_hbm,
          idx_v, rowsA, rowsB, outA, outB, pos_v, gA, gB, sA, sB):
    wid = lax.axis_index("s") * NC + lax.axis_index("c")
    pltpu.sync_copy(pos_hbm, pos_v)
    pltpu.sync_copy(resp4_hbm.at[:, wid], idx_v)

    lane = lax.iota(jnp.int32, 16)
    rows_lo = lane
    rows_hi = lane + 16
    cols = [jnp.full((16,), u, jnp.int32) for u in range(16)]

    def fire_g(g, rows, sem):
        for sl in range(GROUP):
            s = g * GROUP + sl
            pltpu.async_copy(
                table_hbm.at[idx_v.at[s >> 3, s & 7]],
                rows.at[pl.ds(sl * BB, BB)],
                sem,
            )

    def drain_g(rows, sem):
        for sl in range(GROUP):
            pltpu.make_async_copy(
                table_hbm.at[idx_v.at[0, 0]], rows.at[pl.ds(sl * BB, BB)], sem
            ).wait()

    def fire_st(s0, outbuf, sem):
        for sl in range(GROUP):
            for d8 in range(4):
                pltpu.async_copy(
                    outbuf.at[pl.ds((sl * 4 + d8) * 8, 8), pl.ds(0, BB)],
                    out_hbm.at[pl.ds((s0 + sl) * (SROW // BB)
                                     + d8 * (D8STRIDE // BB) + wid * 8, 8), :],
                    sem,
                )

    def drain_st(outbuf, sem):
        pltpu.make_async_copy(
            outbuf.at[pl.ds(0, OROWS), pl.ds(0, BB)],
            out_hbm.at[pl.ds(0, OROWS), :], sem
        ).wait()

    def compute(s0, rows, outbuf):
        for sl in range(GROUP):
            s = s0 + sl
            p0 = pos_v[s, pl.ds(0, 16)]
            p1 = pos_v[s, pl.ds(16, 16)]

            @plsc.parallel_loop(0, BB // 8)
            def bi_body(k, sl=sl, p0=p0, p1=p1):
                dst = outbuf.at[pl.ds(sl * 32, 32)]
                lo = [rows[sl * BB + k * 8 + u, pl.ds(0, 16)] + p0
                      for u in range(8)]
                hi = [rows[sl * BB + k * 8 + u, pl.ds(16, 16)] + p1
                      for u in range(8)]
                cks = [cols[u] + k * 8 for u in range(8)]
                for u in range(8):
                    plsc.store_scatter(dst, [rows_lo, cks[u]], lo[u])
                    plsc.store_scatter(dst, [rows_hi, cks[u]], hi[u])

    fire_g(0, rowsA, gA)

    def pair_body(gp, carry):
        gA_id = 2 * gp
        s0 = gA_id * GROUP

        pl.when(gp > 0)(lambda: drain_st(outA, sA))
        fire_g(gA_id + 1, rowsB, gB)
        drain_g(rowsA, gA)
        compute(s0, rowsA, outA)
        fire_st(s0, outA, sA)

        pl.when(gp > 0)(lambda: drain_st(outB, sB))

        def _fire_next():
            fire_g(gA_id + 2, rowsA, gA)

        pl.when(gp < NPAIR - 1)(_fire_next)
        drain_g(rowsB, gB)
        compute(s0 + GROUP, rowsB, outB)
        fire_st(s0 + GROUP, outB, sB)
        return carry

    lax.fori_loop(0, NPAIR, pair_body, 0)
    drain_st(outA, sA)
    drain_st(outB, sB)


_sc_kernel = pl.kernel(
    _body,
    out_type=jax.ShapeDtypeStruct((OUT_WORDS // BB, BB), jnp.float32),
    mesh=plsc.VectorSubcoreMesh(
        core_axis_name="c", subcore_axis_name="s", num_cores=NC, num_subcores=NS
    ),
    scratch_types=[
        pltpu.VMEM((S // 8, 8, BB), jnp.int32),
        pltpu.VMEM((GROUP * BB, D), jnp.float32),
        pltpu.VMEM((GROUP * BB, D), jnp.float32),
        pltpu.VMEM((OROWS, PITCH), jnp.float32),
        pltpu.VMEM((OROWS, PITCH), jnp.float32),
        pltpu.VMEM((S, D), jnp.float32),
        pltpu.SemaphoreType.DMA,
        pltpu.SemaphoreType.DMA,
        pltpu.SemaphoreType.DMA,
        pltpu.SemaphoreType.DMA,
    ],
    compiler_params=pltpu.CompilerParams(
        use_tc_tiling_on_sc=False, needs_layout_passes=False
    ),
)


def kernel(responses, response_table, position_table):
    resp4 = (responses.astype(jnp.int32)
             .reshape(B // BB, BB, S // 8, 8).transpose(2, 0, 3, 1))
    raw = _sc_kernel(resp4, response_table, position_table)
    raw5 = raw.reshape(S, D // 8, B // BB, 8, BB)
    return raw5.transpose(2, 4, 0, 1, 3).reshape(B, S, D)

# --- scband reference (transcript-rebuilt; emitter-appended) ---
"""Pipeline reference for scband-decoder-embedding-5205500363340 (READ-ONLY COPY).

The authoritative reference and input builder live on the scoring server;
editing this copy changes nothing except your own understanding.
"""

import jax, jax.numpy as jnp
import numpy as np

N_RESPONSES = 100000
N_DIMS = 32
SEQ_LEN = 200
BATCH = 4096


def setup_inputs(seed: int = 0) -> dict:
    key = jax.random.key(seed)
    k1, k2, k3 = jax.random.split(key, 3)
    responses = jax.random.randint(k1, (BATCH, SEQ_LEN), 0, N_RESPONSES, dtype=jnp.int64 if jax.config.jax_enable_x64 else jnp.int32)
    # learned parameters (nn.Embedding default init ~ N(0,1))
    response_table = jax.random.normal(k2, (N_RESPONSES, N_DIMS), dtype=jnp.float32)
    position_table = jax.random.normal(k3, (SEQ_LEN, N_DIMS), dtype=jnp.float32)
    return {"responses": responses, "response_table": response_table, "position_table": position_table}


def reference(responses, response_table, position_table):
    # e = self.response_embed(responses)  -> gather rows
    e = jnp.take(response_table, responses, axis=0)  # [B, S, D]
    # seq = arange(seq_len).unsqueeze(0); p = self.position_embed(seq)
    seq = jnp.arange(SEQ_LEN)[None, :]  # [1, S]
    p = jnp.take(position_table, seq, axis=0)  # [1, S, D]
    return p + e  # broadcast over batch

if __name__ == "__main__":
    import jax
    _d = setup_inputs()
    print(jax.jit(kernel)(*tuple(_d.values())))

</pallas_src>

<mosaic_0001>
#map = affine_map<(d0, d1) -> (0, 0, 0, 0)>
#map1 = affine_map<(d0, d1) -> (0, 0)>
module attributes {stable_mosaic.version = 14 : i64} {
  func.func @_body(%arg0: i32, %arg1: i32, %arg2: memref<25x32x8x128xi32, #tpu.memory_space<hbm>>, %arg3: memref<100000x32xf32, #tpu.memory_space<hbm>>, %arg4: memref<200x32xf32, #tpu.memory_space<hbm>>, %arg5: memref<204800x128xf32, #tpu.memory_space<hbm>>, %arg6: memref<25x8x128xi32, #tpu.memory_space<vmem>>, %arg7: memref<512x32xf32, #tpu.memory_space<vmem>>, %arg8: memref<512x32xf32, #tpu.memory_space<vmem>>, %arg9: memref<128x129xf32, #tpu.memory_space<vmem>>, %arg10: memref<128x129xf32, #tpu.memory_space<vmem>>, %arg11: memref<200x32xf32, #tpu.memory_space<vmem>>, %arg12: memref<!tpu.dma_semaphore, #tpu.memory_space<semaphore_mem>>, %arg13: memref<!tpu.dma_semaphore, #tpu.memory_space<semaphore_mem>>, %arg14: memref<!tpu.dma_semaphore, #tpu.memory_space<semaphore_mem>>, %arg15: memref<!tpu.dma_semaphore, #tpu.memory_space<semaphore_mem>>) attributes {dimension_semantics = [#tpu.dimension_semantics<core_parallel>, #tpu.dimension_semantics<subcore_parallel>], iteration_bounds = array<i64: 2, 16>, scalar_prefetch = 0 : i64, scratch_operands = 10 : i64, tpu.core_type = #tpu.core_type<sc_vector_subcore>, window_params = [{transform_indices = #map}, {transform_indices = #map1}, {transform_indices = #map1}, {transform_indices = #map1}]} {
    %mul3A = arith.constant 2 : i32
    %mul3A_0 = arith.muli %arg1, %mul3A : i32
    %add3A = arith.addi %mul3A_0, %arg0 : i32
    "tpu.region"() ({
      %run_scoped3A = tpu.sem_alloc : memref<!tpu.dma_semaphore, #tpu.memory_space<semaphore_mem>>
      tpu.enqueue_dma source(%arg4 : memref<200x32xf32, #tpu.memory_space<hbm>>) target(%arg11 : memref<200x32xf32, #tpu.memory_space<vmem>>) target_semaphore(%run_scoped3A : memref<!tpu.dma_semaphore, #tpu.memory_space<semaphore_mem>>)
      tpu.wait_dma2 semaphore(%run_scoped3A : memref<!tpu.dma_semaphore, #tpu.memory_space<semaphore_mem>>) src(%arg4 : memref<200x32xf32, #tpu.memory_space<hbm>>) dst(%arg11 : memref<200x32xf32, #tpu.memory_space<vmem>>)
      tpu.yield
    }) : () -> ()
    "tpu.region"() ({
      %run_scoped3A = tpu.sem_alloc : memref<!tpu.dma_semaphore, #tpu.memory_space<semaphore_mem>>
      %dma_start3A_106 = arith.constant 0 : i32
      %dma_start3A_107 = arith.constant 0 : i32
      %dma_start3A_108 = arith.constant 0 : i32
      %dma_start3A_109 = tpu.memref_slice %arg2[%dma_start3A_106, %add3A, %dma_start3A_107, %dma_start3A_108] : memref<25x32x8x128xi32, #tpu.memory_space<hbm>> -> memref<25x1x8x128xi32, #tpu.memory_space<hbm>>
      %dma_start3A_110 = tpu.memref_squeeze %dma_start3A_109 : memref<25x1x8x128xi32, #tpu.memory_space<hbm>> -> memref<25x8x128xi32, #tpu.memory_space<hbm>>
      %dma_start3A_111 = arith.constant 0 : i32
      %dma_start3A_112 = arith.constant 0 : i32
      %dma_start3A_113 = arith.constant 0 : i32
      %dma_start3A_114 = tpu.memref_slice %arg2[%dma_start3A_111, %add3A, %dma_start3A_112, %dma_start3A_113] : memref<25x32x8x128xi32, #tpu.memory_space<hbm>> -> memref<25x1x8x128xi32, #tpu.memory_space<hbm>>
      %dma_start3A_115 = tpu.memref_squeeze %dma_start3A_114 : memref<25x1x8x128xi32, #tpu.memory_space<hbm>> -> memref<25x8x128xi32, #tpu.memory_space<hbm>>
      tpu.enqueue_dma source(%dma_start3A_115 : memref<25x8x128xi32, #tpu.memory_space<hbm>>) target(%arg6 : memref<25x8x128xi32, #tpu.memory_space<vmem>>) target_semaphore(%run_scoped3A : memref<!tpu.dma_semaphore, #tpu.memory_space<semaphore_mem>>)
      %dma_wait3A_116 = arith.constant 0 : i32
      %dma_wait3A_117 = arith.constant 0 : i32
      %dma_wait3A_118 = arith.constant 0 : i32
      %dma_wait3A_119 = tpu.memref_slice %arg2[%dma_wait3A_116, %add3A, %dma_wait3A_117, %dma_wait3A_118] : memref<25x32x8x128xi32, #tpu.memory_space<hbm>> -> memref<25x1x8x128xi32, #tpu.memory_space<hbm>>
      %dma_wait3A_120 = tpu.memref_squeeze %dma_wait3A_119 : memref<25x1x8x128xi32, #tpu.memory_space<hbm>> -> memref<25x8x128xi32, #tpu.memory_space<hbm>>
      %dma_wait3A_121 = arith.constant 0 : i32
      %dma_wait3A_122 = arith.constant 0 : i32
      %dma_wait3A_123 = arith.constant 0 : i32
      %dma_wait3A_124 = tpu.memref_slice %arg2[%dma_wait3A_121, %add3A, %dma_wait3A_122, %dma_wait3A_123] : memref<25x32x8x128xi32, #tpu.memory_space<hbm>> -> memref<25x1x8x128xi32, #tpu.memory_space<hbm>>
      %dma_wait3A_125 = tpu.memref_squeeze %dma_wait3A_124 : memref<25x1x8x128xi32, #tpu.memory_space<hbm>> -> memref<25x8x128xi32, #tpu.memory_space<hbm>>
      tpu.wait_dma2 semaphore(%run_scoped3A : memref<!tpu.dma_semaphore, #tpu.memory_space<semaphore_mem>>) src(%dma_wait3A_125 : memref<25x8x128xi32, #tpu.memory_space<hbm>>) dst(%arg6 : memref<25x8x128xi32, #tpu.memory_space<vmem>>)
      tpu.yield
    }) : () -> ()
    %iota3A = tpu.iota {dimensions = array<i32: 0>} : vector<16xi32>
    %add3A_1 = arith.constant 16 : i32
    %add3A_2 = vector.broadcast %add3A_1 : i32 to vector<16xi32>
    %add3A_3 = arith.addi %iota3A, %add3A_2 : vector<16xi32>
    %broadcast_in_dim3A = arith.constant 0 : i32
    %broadcast_in_dim3A_4 = vector.broadcast %broadcast_in_dim3A : i32 to vector<16xi32>
    %broadcast_in_dim3A_5 = arith.constant 1 : i32
    %broadcast_in_dim3A_6 = vector.broadcast %broadcast_in_dim3A_5 : i32 to vector<16xi32>
    %broadcast_in_dim3A_7 = arith.constant 2 : i32
    %broadcast_in_dim3A_8 = vector.broadcast %broadcast_in_dim3A_7 : i32 to vector<16xi32>
    %broadcast_in_dim3A_9 = arith.constant 3 : i32
    %broadcast_in_dim3A_10 = vector.broadcast %broadcast_in_dim3A_9 : i32 to vector<16xi32>
    %broadcast_in_dim3A_11 = arith.constant 4 : i32
    %broadcast_in_dim3A_12 = vector.broadcast %broadcast_in_dim3A_11 : i32 to vector<16xi32>
    %broadcast_in_dim3A_13 = arith.constant 5 : i32
    %broadcast_in_dim3A_14 = vector.broadcast %broadcast_in_dim3A_13 : i32 to vector<16xi32>
    %broadcast_in_dim3A_15 = arith.constant 6 : i32
    %broadcast_in_dim3A_16 = vector.broadcast %broadcast_in_dim3A_15 : i32 to vector<16xi32>
    %broadcast_in_dim3A_17 = arith.constant 7 : i32
    %broadcast_in_dim3A_18 = vector.broadcast %broadcast_in_dim3A_17 : i32 to vector<16xi32>
    %broadcast_in_dim3A_19 = arith.constant 8 : i32
    %broadcast_in_dim3A_20 = vector.broadcast %broadcast_in_dim3A_19 : i32 to vector<16xi32>
    %broadcast_in_dim3A_21 = arith.constant 9 : i32
    %broadcast_in_dim3A_22 = vector.broadcast %broadcast_in_dim3A_21 : i32 to vector<16xi32>
    %broadcast_in_dim3A_23 = arith.constant 10 : i32
    %broadcast_in_dim3A_24 = vector.broadcast %broadcast_in_dim3A_23 : i32 to vector<16xi32>
    %broadcast_in_dim3A_25 = arith.constant 11 : i32
    %broadcast_in_dim3A_26 = vector.broadcast %broadcast_in_dim3A_25 : i32 to vector<16xi32>
    %broadcast_in_dim3A_27 = arith.constant 12 : i32
    %broadcast_in_dim3A_28 = vector.broadcast %broadcast_in_dim3A_27 : i32 to vector<16xi32>
    %broadcast_in_dim3A_29 = arith.constant 13 : i32
    %broadcast_in_dim3A_30 = vector.broadcast %broadcast_in_dim3A_29 : i32 to vector<16xi32>
    %broadcast_in_dim3A_31 = arith.constant 14 : i32
    %broadcast_in_dim3A_32 = vector.broadcast %broadcast_in_dim3A_31 : i32 to vector<16xi32>
    %broadcast_in_dim3A_33 = arith.constant 15 : i32
    %broadcast_in_dim3A_34 = vector.broadcast %broadcast_in_dim3A_33 : i32 to vector<16xi32>
    %dma_start3A = arith.constant 0 : i32
    %dma_start3A_35 = arith.constant 0 : i32
    %dma_start3A_36 = arith.constant 0 : i32
    %dma_start3A_37 = arith.constant 0 : i32
    %dma_start3A_38 = tpu.memref_slice %arg7[%dma_start3A_36, %dma_start3A_37] : memref<512x32xf32, #tpu.memory_space<vmem>> -> memref<128x32xf32, #tpu.memory_space<vmem>>
    %dma_start3A_39 = arith.constant 0 : i32
    %dma_start3A_40 = tpu.memref_slice %arg6[%dma_start3A, %dma_start3A_35, %dma_start3A_39] : memref<25x8x128xi32, #tpu.memory_space<vmem>> -> memref<1x1x128xi32, #tpu.memory_space<vmem>>
    %dma_start3A_41 = tpu.memref_squeeze %dma_start3A_40 : memref<1x1x128xi32, #tpu.memory_space<vmem>> -> memref<128xi32, #tpu.memory_space<vmem>>
    %dma_start3A_42 = arith.constant 0 : i32
    %dma_start3A_43 = arith.constant 0 : i32
    %dma_start3A_44 = tpu.memref_slice %arg3[%dma_start3A_42, %dma_start3A_43] : memref<100000x32xf32, #tpu.memory_space<hbm>> -> memref<100000x32xf32, #tpu.memory_space<hbm>>
    tpu.enqueue_indirect_dma source(%dma_start3A_44 : memref<100000x32xf32, #tpu.memory_space<hbm>>) target(%dma_start3A_38 : memref<128x32xf32, #tpu.memory_space<vmem>>) offsets(%dma_start3A_41 : memref<128xi32, #tpu.memory_space<vmem>>) semaphore(%arg12 : memref<!tpu.dma_semaphore, #tpu.memory_space<semaphore_mem>>)
    %dma_start3A_45 = arith.constant 0 : i32
    %dma_start3A_46 = arith.constant 1 : i32
    %dma_start3A_47 = arith.constant 128 : i32
    %dma_start3A_48 = arith.constant 0 : i32
    %dma_start3A_49 = tpu.memref_slice %arg7[%dma_start3A_47, %dma_start3A_48] : memref<512x32xf32, #tpu.memory_space<vmem>> -> memref<128x32xf32, #tpu.memory_space<vmem>>
    %dma_start3A_50 = arith.constant 0 : i32
    %dma_start3A_51 = tpu.memref_slice %arg6[%dma_start3A_45, %dma_start3A_46, %dma_start3A_50] : memref<25x8x128xi32, #tpu.memory_space<vmem>> -> memref<1x1x128xi32, #tpu.memory_space<vmem>>
    %dma_start3A_52 = tpu.memref_squeeze %dma_start3A_51 : memref<1x1x128xi32, #tpu.memory_space<vmem>> -> memref<128xi32, #tpu.memory_space<vmem>>
    %dma_start3A_53 = arith.constant 0 : i32
    %dma_start3A_54 = arith.constant 0 : i32
    %dma_start3A_55 = tpu.memref_slice %arg3[%dma_start3A_53, %dma_start3A_54] : memref<100000x32xf32, #tpu.memory_space<hbm>> -> memref<100000x32xf32, #tpu.memory_space<hbm>>
    tpu.enqueue_indirect_dma source(%dma_start3A_55 : memref<100000x32xf32, #tpu.memory_space<hbm>>) target(%dma_start3A_49 : memref<128x32xf32, #tpu.memory_space<vmem>>) offsets(%dma_start3A_52 : memref<128xi32, #tpu.memory_space<vmem>>) semaphore(%arg12 : memref<!tpu.dma_semaphore, #tpu.memory_space<semaphore_mem>>)
    %dma_start3A_56 = arith.constant 0 : i32
    %dma_start3A_57 = arith.constant 2 : i32
    %dma_start3A_58 = arith.constant 256 : i32
    %dma_start3A_59 = arith.constant 0 : i32
    %dma_start3A_60 = tpu.memref_slice %arg7[%dma_start3A_58, %dma_start3A_59] : memref<512x32xf32, #tpu.memory_space<vmem>> -> memref<128x32xf32, #tpu.memory_space<vmem>>
    %dma_start3A_61 = arith.constant 0 : i32
    %dma_start3A_62 = tpu.memref_slice %arg6[%dma_start3A_56, %dma_start3A_57, %dma_start3A_61] : memref<25x8x128xi32, #tpu.memory_space<vmem>> -> memref<1x1x128xi32, #tpu.memory_space<vmem>>
    %dma_start3A_63 = tpu.memref_squeeze %dma_start3A_62 : memref<1x1x128xi32, #tpu.memory_space<vmem>> -> memref<128xi32, #tpu.memory_space<vmem>>
    %dma_start3A_64 = arith.constant 0 : i32
    %dma_start3A_65 = arith.constant 0 : i32
    %dma_start3A_66 = tpu.memref_slice %arg3[%dma_start3A_64, %dma_start3A_65] : memref<100000x32xf32, #tpu.memory_space<hbm>> -> memref<100000x32xf32, #tpu.memory_space<hbm>>
    tpu.enqueue_indirect_dma source(%dma_start3A_66 : memref<100000x32xf32, #tpu.memory_space<hbm>>) target(%dma_start3A_60 : memref<128x32xf32, #tpu.memory_space<vmem>>) offsets(%dma_start3A_63 : memref<128xi32, #tpu.memory_space<vmem>>) semaphore(%arg12 : memref<!tpu.dma_semaphore, #tpu.memory_space<semaphore_mem>>)
    %dma_start3A_67 = arith.constant 0 : i32
    %dma_start3A_68 = arith.constant 3 : i32
    %dma_start3A_69 = arith.constant 384 : i32
    %dma_start3A_70 = arith.constant 0 : i32
    %dma_start3A_71 = tpu.memref_slice %arg7[%dma_start3A_69, %dma_start3A_70] : memref<512x32xf32, #tpu.memory_space<vmem>> -> memref<128x32xf32, #tpu.memory_space<vmem>>
    %dma_start3A_72 = arith.constant 0 : i32
    %dma_start3A_73 = tpu.memref_slice %arg6[%dma_start3A_67, %dma_start3A_68, %dma_start3A_72] : memref<25x8x128xi32, #tpu.memory_space<vmem>> -> memref<1x1x128xi32, #tpu.memory_space<vmem>>
    %dma_start3A_74 = tpu.memref_squeeze %dma_start3A_73 : memref<1x1x128xi32, #tpu.memory_space<vmem>> -> memref<128xi32, #tpu.memory_space<vmem>>
    %dma_start3A_75 = arith.constant 0 : i32
    %dma_start3A_76 = arith.constant 0 : i32
    %dma_start3A_77 = tpu.memref_slice %arg3[%dma_start3A_75, %dma_start3A_76] : memref<100000x32xf32, #tpu.memory_space<hbm>> -> memref<100000x32xf32, #tpu.memory_space<hbm>>
    tpu.enqueue_indirect_dma source(%dma_start3A_77 : memref<100000x32xf32, #tpu.memory_space<hbm>>) target(%dma_start3A_71 : memref<128x32xf32, #tpu.memory_space<vmem>>) offsets(%dma_start3A_74 : memref<128xi32, #tpu.memory_space<vmem>>) semaphore(%arg12 : memref<!tpu.dma_semaphore, #tpu.memory_space<semaphore_mem>>)
    %scan3A = arith.constant 0 : i32
    %scan3A_78 = arith.constant 0 : i32
    %scan3A_79 = arith.constant 25 : i32
    %scan3A_80 = arith.addi %scan3A_78, %scan3A_79 : i32
    %scan3A_81 = arith.constant 1 : i32
    scf.for %scan3A_106 = %scan3A_78 to %scan3A_80 step %scan3A_81  : i32 {
      %mul3A_107 = arith.constant 2 : i32
      %mul3A_108 = arith.muli %mul3A_107, %scan3A_106 : i32
      %mul3A_109 = arith.constant 4 : i32
      %mul3A_110 = arith.muli %mul3A_108, %mul3A_109 : i32
      %gt3A = arith.constant 0 : i32
      %gt3A_111 = arith.cmpi sgt, %scan3A_106, %gt3A : i32
      %convert_element_type3A = arith.extui %gt3A_111 : i1 to i32
      %cond3A = arith.constant 0 : i32
      %cond3A_112 = arith.cmpi ne, %convert_element_type3A, %cond3A : i32
      scf.if %cond3A_112 {
        %dma_wait3A_976 = arith.constant 0 : i32
        %dma_wait3A_977 = arith.constant 0 : i32
        %dma_wait3A_978 = tpu.memref_slice %arg9[%dma_wait3A_976, %dma_wait3A_977] : memref<128x129xf32, #tpu.memory_space<vmem>> -> memref<128x128xf32, #tpu.memory_space<vmem>>
        %dma_wait3A_979 = arith.constant 0 : i32
        %dma_wait3A_980 = arith.constant 0 : i32
        %dma_wait3A_981 = tpu.memref_slice %arg5[%dma_wait3A_979, %dma_wait3A_980] : memref<204800x128xf32, #tpu.memory_space<hbm>> -> memref<128x128xf32, #tpu.memory_space<hbm>>
        %dma_wait3A_982 = arith.constant 0 : i32
        %dma_wait3A_983 = arith.constant 0 : i32
        %dma_wait3A_984 = tpu.memref_slice %arg5[%dma_wait3A_982, %dma_wait3A_983] : memref<204800x128xf32, #tpu.memory_space<hbm>> -> memref<128x128xf32, #tpu.memory_space<hbm>>
        %dma_wait3A_985 = arith.constant 0 : i32
        %dma_wait3A_986 = arith.constant 0 : i32
        %dma_wait3A_987 = tpu.memref_slice %arg9[%dma_wait3A_985, %dma_wait3A_986] : memref<128x129xf32, #tpu.memory_space<vmem>> -> memref<128x128xf32, #tpu.memory_space<vmem>>
        tpu.wait_dma2 semaphore(%arg14 : memref<!tpu.dma_semaphore, #tpu.memory_space<semaphore_mem>>) src(%dma_wait3A_987 : memref<128x128xf32, #tpu.memory_space<vmem>>) dst(%dma_wait3A_984 : memref<128x128xf32, #tpu.memory_space<hbm>>)
      } else {
      }
      %add3A_113 = arith.constant 1 : i32
      %add3A_114 = arith.addi %mul3A_108, %add3A_113 : i32
      %mul3A_115 = arith.constant 4 : i32
      %mul3A_116 = arith.muli %add3A_114, %mul3A_115 : i32
      %add3A_117 = arith.constant 0 : i32
      %add3A_118 = arith.addi %mul3A_116, %add3A_117 : i32
      %shift_right_arithmetic3A = arith.constant 3 : i32
      %shift_right_arithmetic3A_119 = arith.shrsi %add3A_118, %shift_right_arithmetic3A : i32
      %and3A = arith.constant 7 : i32
      %and3A_120 = arith.andi %add3A_118, %and3A : i32
      %dma_start3A_121 = arith.constant 0 : i32
      %dma_start3A_122 = arith.constant 0 : i32
      %dma_start3A_123 = tpu.memref_slice %arg8[%dma_start3A_121, %dma_start3A_122] : memref<512x32xf32, #tpu.memory_space<vmem>> -> memref<128x32xf32, #tpu.memory_space<vmem>>
      %dma_start3A_124 = arith.constant 0 : i32
      %dma_start3A_125 = tpu.memref_slice %arg6[%shift_right_arithmetic3A_119, %and3A_120, %dma_start3A_124] : memref<25x8x128xi32, #tpu.memory_space<vmem>> -> memref<1x1x128xi32, #tpu.memory_space<vmem>>
      %dma_start3A_126 = tpu.memref_squeeze %dma_start3A_125 : memref<1x1x128xi32, #tpu.memory_space<vmem>> -> memref<128xi32, #tpu.memory_space<vmem>>
      %dma_start3A_127 = arith.constant 0 : i32
      %dma_start3A_128 = arith.constant 0 : i32
      %dma_start3A_129 = tpu.memref_slice %arg3[%dma_start3A_127, %dma_start3A_128] : memref<100000x32xf32, #tpu.memory_space<hbm>> -> memref<100000x32xf32, #tpu.memory_space<hbm>>
      tpu.enqueue_indirect_dma source(%dma_start3A_129 : memref<100000x32xf32, #tpu.memory_space<hbm>>) target(%dma_start3A_123 : memref<128x32xf32, #tpu.memory_space<vmem>>) offsets(%dma_start3A_126 : memref<128xi32, #tpu.memory_space<vmem>>) semaphore(%arg13 : memref<!tpu.dma_semaphore, #tpu.memory_space<semaphore_mem>>)
      %mul3A_130 = arith.constant 4 : i32
      %mul3A_131 = arith.muli %add3A_114, %mul3A_130 : i32
      %add3A_132 = arith.constant 1 : i32
      %add3A_133 = arith.addi %mul3A_131, %add3A_132 : i32
      %shift_right_arithmetic3A_134 = arith.constant 3 : i32
      %shift_right_arithmetic3A_135 = arith.shrsi %add3A_133, %shift_right_arithmetic3A_134 : i32
      %and3A_136 = arith.constant 7 : i32
      %and3A_137 = arith.andi %add3A_133, %and3A_136 : i32
      %dma_start3A_138 = arith.constant 128 : i32
      %dma_start3A_139 = arith.constant 0 : i32
      %dma_start3A_140 = tpu.memref_slice %arg8[%dma_start3A_138, %dma_start3A_139] : memref<512x32xf32, #tpu.memory_space<vmem>> -> memref<128x32xf32, #tpu.memory_space<vmem>>
      %dma_start3A_141 = arith.constant 0 : i32
      %dma_start3A_142 = tpu.memref_slice %arg6[%shift_right_arithmetic3A_135, %and3A_137, %dma_start3A_141] : memref<25x8x128xi32, #tpu.memory_space<vmem>> -> memref<1x1x128xi32, #tpu.memory_space<vmem>>
      %dma_start3A_143 = tpu.memref_squeeze %dma_start3A_142 : memref<1x1x128xi32, #tpu.memory_space<vmem>> -> memref<128xi32, #tpu.memory_space<vmem>>
      %dma_start3A_144 = arith.constant 0 : i32
      %dma_start3A_145 = arith.constant 0 : i32
      %dma_start3A_146 = tpu.memref_slice %arg3[%dma_start3A_144, %dma_start3A_145] : memref<100000x32xf32, #tpu.memory_space<hbm>> -> memref<100000x32xf32, #tpu.memory_space<hbm>>
      tpu.enqueue_indirect_dma source(%dma_start3A_146 : memref<100000x32xf32, #tpu.memory_space<hbm>>) target(%dma_start3A_140 : memref<128x32xf32, #tpu.memory_space<vmem>>) offsets(%dma_start3A_143 : memref<128xi32, #tpu.memory_space<vmem>>) semaphore(%arg13 : memref<!tpu.dma_semaphore, #tpu.memory_space<semaphore_mem>>)
      %mul3A_147 = arith.constant 4 : i32
      %mul3A_148 = arith.muli %add3A_114, %mul3A_147 : i32
      %add3A_149 = arith.constant 2 : i32
      %add3A_150 = arith.addi %mul3A_148, %add3A_149 : i32
      %shift_right_arithmetic3A_151 = arith.constant 3 : i32
      %shift_right_arithmetic3A_152 = arith.shrsi %add3A_150, %shift_right_arithmetic3A_151 : i32
      %and3A_153 = arith.constant 7 : i32
      %and3A_154 = arith.andi %add3A_150, %and3A_153 : i32
      %dma_start3A_155 = arith.constant 256 : i32
      %dma_start3A_156 = arith.constant 0 : i32
      %dma_start3A_157 = tpu.memref_slice %arg8[%dma_start3A_155, %dma_start3A_156] : memref<512x32xf32, #tpu.memory_space<vmem>> -> memref<128x32xf32, #tpu.memory_space<vmem>>
      %dma_start3A_158 = arith.constant 0 : i32
      %dma_start3A_159 = tpu.memref_slice %arg6[%shift_right_arithmetic3A_152, %and3A_154, %dma_start3A_158] : memref<25x8x128xi32, #tpu.memory_space<vmem>> -> memref<1x1x128xi32, #tpu.memory_space<vmem>>
      %dma_start3A_160 = tpu.memref_squeeze %dma_start3A_159 : memref<1x1x128xi32, #tpu.memory_space<vmem>> -> memref<128xi32, #tpu.memory_space<vmem>>
      %dma_start3A_161 = arith.constant 0 : i32
      %dma_start3A_162 = arith.constant 0 : i32
      %dma_start3A_163 = tpu.memref_slice %arg3[%dma_start3A_161, %dma_start3A_162] : memref<100000x32xf32, #tpu.memory_space<hbm>> -> memref<100000x32xf32, #tpu.memory_space<hbm>>
      tpu.enqueue_indirect_dma source(%dma_start3A_163 : memref<100000x32xf32, #tpu.memory_space<hbm>>) target(%dma_start3A_157 : memref<128x32xf32, #tpu.memory_space<vmem>>) offsets(%dma_start3A_160 : memref<128xi32, #tpu.memory_space<vmem>>) semaphore(%arg13 : memref<!tpu.dma_semaphore, #tpu.memory_space<semaphore_mem>>)
      %mul3A_164 = arith.constant 4 : i32
      %mul3A_165 = arith.muli %add3A_114, %mul3A_164 : i32
      %add3A_166 = arith.constant 3 : i32
      %add3A_167 = arith.addi %mul3A_165, %add3A_166 : i32
      %shift_right_arithmetic3A_168 = arith.constant 3 : i32
      %shift_right_arithmetic3A_169 = arith.shrsi %add3A_167, %shift_right_arithmetic3A_168 : i32
      %and3A_170 = arith.constant 7 : i32
      %and3A_171 = arith.andi %add3A_167, %and3A_170 : i32
      %dma_start3A_172 = arith.constant 384 : i32
      %dma_start3A_173 = arith.constant 0 : i32
      %dma_start3A_174 = tpu.memref_slice %arg8[%dma_start3A_172, %dma_start3A_173] : memref<512x32xf32, #tpu.memory_space<vmem>> -> memref<128x32xf32, #tpu.memory_space<vmem>>
      %dma_start3A_175 = arith.constant 0 : i32
      %dma_start3A_176 = tpu.memref_slice %arg6[%shift_right_arithmetic3A_169, %and3A_171, %dma_start3A_175] : memref<25x8x128xi32, #tpu.memory_space<vmem>> -> memref<1x1x128xi32, #tpu.memory_space<vmem>>
      %dma_start3A_177 = tpu.memref_squeeze %dma_start3A_176 : memref<1x1x128xi32, #tpu.memory_space<vmem>> -> memref<128xi32, #tpu.memory_space<vmem>>
      %dma_start3A_178 = arith.constant 0 : i32
      %dma_start3A_179 = arith.constant 0 : i32
      %dma_start3A_180 = tpu.memref_slice %arg3[%dma_start3A_178, %dma_start3A_179] : memref<100000x32xf32, #tpu.memory_space<hbm>> -> memref<100000x32xf32, #tpu.memory_space<hbm>>
      tpu.enqueue_indirect_dma source(%dma_start3A_180 : memref<100000x32xf32, #tpu.memory_space<hbm>>) target(%dma_start3A_174 : memref<128x32xf32, #tpu.memory_space<vmem>>) offsets(%dma_start3A_177 : memref<128xi32, #tpu.memory_space<vmem>>) semaphore(%arg13 : memref<!tpu.dma_semaphore, #tpu.memory_space<semaphore_mem>>)
      %dma_wait3A_181 = arith.constant 0 : i32
      %dma_wait3A_182 = arith.constant 0 : i32
      %dma_wait3A_183 = arith.constant 0 : i32
      %dma_wait3A_184 = arith.constant 0 : i32
      %dma_wait3A_185 = tpu.memref_slice %arg7[%dma_wait3A_183, %dma_wait3A_184] : memref<512x32xf32, #tpu.memory_space<vmem>> -> memref<128x32xf32, #tpu.memory_space<vmem>>
      %dma_wait3A_186 = arith.constant 0 : i32
      %dma_wait3A_187 = tpu.memref_slice %arg6[%dma_wait3A_181, %dma_wait3A_182, %dma_wait3A_186] : memref<25x8x128xi32, #tpu.memory_space<vmem>> -> memref<1x1x128xi32, #tpu.memory_space<vmem>>
      %dma_wait3A_188 = tpu.memref_squeeze %dma_wait3A_187 : memref<1x1x128xi32, #tpu.memory_space<vmem>> -> memref<128xi32, #tpu.memory_space<vmem>>
      %dma_wait3A_189 = arith.constant 0 : i32
      %dma_wait3A_190 = arith.constant 0 : i32
      %dma_wait3A_191 = tpu.memref_slice %arg3[%dma_wait3A_189, %dma_wait3A_190] : memref<100000x32xf32, #tpu.memory_space<hbm>> -> memref<100000x32xf32, #tpu.memory_space<hbm>>
      tpu.wait_indirect_dma semaphore(%arg12 : memref<!tpu.dma_semaphore, #tpu.memory_space<semaphore_mem>>) src(%dma_wait3A_191 : memref<100000x32xf32, #tpu.memory_space<hbm>>) dst(%dma_wait3A_185 : memref<128x32xf32, #tpu.memory_space<vmem>>)
      %dma_wait3A_192 = arith.constant 0 : i32
      %dma_wait3A_193 = arith.constant 0 : i32
      %dma_wait3A_194 = arith.constant 128 : i32
      %dma_wait3A_195 = arith.constant 0 : i32
      %dma_wait3A_196 = tpu.memref_slice %arg7[%dma_wait3A_194, %dma_wait3A_195] : memref<512x32xf32, #tpu.memory_space<vmem>> -> memref<128x32xf32, #tpu.memory_space<vmem>>
      %dma_wait3A_197 = arith.constant 0 : i32
      %dma_wait3A_198 = tpu.memref_slice %arg6[%dma_wait3A_192, %dma_wait3A_193, %dma_wait3A_197] : memref<25x8x128xi32, #tpu.memory_space<vmem>> -> memref<1x1x128xi32, #tpu.memory_space<vmem>>
      %dma_wait3A_199 = tpu.memref_squeeze %dma_wait3A_198 : memref<1x1x128xi32, #tpu.memory_space<vmem>> -> memref<128xi32, #tpu.memory_space<vmem>>
      %dma_wait3A_200 = arith.constant 0 : i32
      %dma_wait3A_201 = arith.constant 0 : i32
      %dma_wait3A_202 = tpu.memref_slice %arg3[%dma_wait3A_200, %dma_wait3A_201] : memref<100000x32xf32, #tpu.memory_space<hbm>> -> memref<100000x32xf32, #tpu.memory_space<hbm>>
      tpu.wait_indirect_dma semaphore(%arg12 : memref<!tpu.dma_semaphore, #tpu.memory_space<semaphore_mem>>) src(%dma_wait3A_202 : memref<100000x32xf32, #tpu.memory_space<hbm>>) dst(%dma_wait3A_196 : memref<128x32xf32, #tpu.memory_space<vmem>>)
      %dma_wait3A_203 = arith.constant 0 : i32
      %dma_wait3A_204 = arith.constant 0 : i32
      %dma_wait3A_205 = arith.constant 256 : i32
      %dma_wait3A_206 = arith.constant 0 : i32
      %dma_wait3A_207 = tpu.memref_slice %arg7[%dma_wait3A_205, %dma_wait3A_206] : memref<512x32xf32, #tpu.memory_space<vmem>> -> memref<128x32xf32, #tpu.memory_space<vmem>>
      %dma_wait3A_208 = arith.constant 0 : i32
      %dma_wait3A_209 = tpu.memref_slice %arg6[%dma_wait3A_203, %dma_wait3A_204, %dma_wait3A_208] : memref<25x8x128xi32, #tpu.memory_space<vmem>> -> memref<1x1x128xi32, #tpu.memory_space<vmem>>
      %dma_wait3A_210 = tpu.memref_squeeze %dma_wait3A_209 : memref<1x1x128xi32, #tpu.memory_space<vmem>> -> memref<128xi32, #tpu.memory_space<vmem>>
      %dma_wait3A_211 = arith.constant 0 : i32
      %dma_wait3A_212 = arith.constant 0 : i32
      %dma_wait3A_213 = tpu.memref_slice %arg3[%dma_wait3A_211, %dma_wait3A_212] : memref<100000x32xf32, #tpu.memory_space<hbm>> -> memref<100000x32xf32, #tpu.memory_space<hbm>>
      tpu.wait_indirect_dma semaphore(%arg12 : memref<!tpu.dma_semaphore, #tpu.memory_space<semaphore_mem>>) src(%dma_wait3A_213 : memref<100000x32xf32, #tpu.memory_space<hbm>>) dst(%dma_wait3A_207 : memref<128x32xf32, #tpu.memory_space<vmem>>)
      %dma_wait3A_214 = arith.constant 0 : i32
      %dma_wait3A_215 = arith.constant 0 : i32
      %dma_wait3A_216 = arith.constant 384 : i32
      %dma_wait3A_217 = arith.constant 0 : i32
      %dma_wait3A_218 = tpu.memref_slice %arg7[%dma_wait3A_216, %dma_wait3A_217] : memref<512x32xf32, #tpu.memory_space<vmem>> -> memref<128x32xf32, #tpu.memory_space<vmem>>
      %dma_wait3A_219 = arith.constant 0 : i32
      %dma_wait3A_220 = tpu.memref_slice %arg6[%dma_wait3A_214, %dma_wait3A_215, %dma_wait3A_219] : memref<25x8x128xi32, #tpu.memory_space<vmem>> -> memref<1x1x128xi32, #tpu.memory_space<vmem>>
      %dma_wait3A_221 = tpu.memref_squeeze %dma_wait3A_220 : memref<1x1x128xi32, #tpu.memory_space<vmem>> -> memref<128xi32, #tpu.memory_space<vmem>>
      %dma_wait3A_222 = arith.constant 0 : i32
      %dma_wait3A_223 = arith.constant 0 : i32
      %dma_wait3A_224 = tpu.memref_slice %arg3[%dma_wait3A_222, %dma_wait3A_223] : memref<100000x32xf32, #tpu.memory_space<hbm>> -> memref<100000x32xf32, #tpu.memory_space<hbm>>
      tpu.wait_indirect_dma semaphore(%arg12 : memref<!tpu.dma_semaphore, #tpu.memory_space<semaphore_mem>>) src(%dma_wait3A_224 : memref<100000x32xf32, #tpu.memory_space<hbm>>) dst(%dma_wait3A_218 : memref<128x32xf32, #tpu.memory_space<vmem>>)
      %add3A_225 = arith.constant 0 : i32
      %add3A_226 = arith.addi %mul3A_110, %add3A_225 : i32
      %get3A = arith.index_cast %add3A_226 : i32 to index
      %get3A_227 = arith.constant 0 : index
      %get3A_228 = tpu.vector_load %arg11[%get3A, %get3A_227] {strides = array<i32>} : memref<200x32xf32, #tpu.memory_space<vmem>>, vector<16xf32>,
      %get3A_229 = arith.index_cast %add3A_226 : i32 to index
      %get3A_230 = arith.constant 16 : index
      %get3A_231 = tpu.vector_load %arg11[%get3A_229, %get3A_230] {strides = array<i32>} : memref<200x32xf32, #tpu.memory_space<vmem>>, vector<16xf32>,
      %parallel_loop3A = arith.constant 0 : i32
      %parallel_loop3A_232 = arith.constant 16 : i32
      %parallel_loop3A_233 = arith.constant 1 : i32
      scf.for %parallel_loop3A_976 = %parallel_loop3A to %parallel_loop3A_232 step %parallel_loop3A_233  : i32 {
        %parallel_loop3A_977 = arith.constant 8 : i32
        %parallel_loop3A_978 = arith.muli %parallel_loop3A_976, %parallel_loop3A_977 : i32
        %parallel_loop3A_979 = arith.constant 0 : i32
        %parallel_loop3A_980 = arith.addi %parallel_loop3A_979, %parallel_loop3A_978 : i32
        %parallel_loop3A_981 = arith.constant 0 : i32
        %parallel_loop3A_982 = arith.addi %parallel_loop3A_980, %parallel_loop3A_981 : i32
        %parallel_loop3A_983 = arith.index_cast %parallel_loop3A_982 : i32 to index
        %parallel_loop3A_984 = arith.constant 0 : index
        %parallel_loop3A_985 = tpu.vector_load %arg7[%parallel_loop3A_983, %parallel_loop3A_984] {strides = array<i32>} : memref<512x32xf32, #tpu.memory_space<vmem>>, vector<16xf32>,
        %parallel_loop3A_986 = arith.addf %parallel_loop3A_985, %get3A_228 : vector<16xf32>
        %parallel_loop3A_987 = arith.constant 8 : i32
        %parallel_loop3A_988 = arith.muli %parallel_loop3A_976, %parallel_loop3A_987 : i32
        %parallel_loop3A_989 = arith.constant 0 : i32
        %parallel_loop3A_990 = arith.addi %parallel_loop3A_989, %parallel_loop3A_988 : i32
        %parallel_loop3A_991 = arith.constant 1 : i32
        %parallel_loop3A_992 = arith.addi %parallel_loop3A_990, %parallel_loop3A_991 : i32
        %parallel_loop3A_993 = arith.index_cast %parallel_loop3A_992 : i32 to index
        %parallel_loop3A_994 = arith.constant 0 : index
        %parallel_loop3A_995 = tpu.vector_load %arg7[%parallel_loop3A_993, %parallel_loop3A_994] {strides = array<i32>} : memref<512x32xf32, #tpu.memory_space<vmem>>, vector<16xf32>,
        %parallel_loop3A_996 = arith.addf %parallel_loop3A_995, %get3A_228 : vector<16xf32>
        %parallel_loop3A_997 = arith.constant 8 : i32
        %parallel_loop3A_998 = arith.muli %parallel_loop3A_976, %parallel_loop3A_997 : i32
        %parallel_loop3A_999 = arith.constant 0 : i32
        %parallel_loop3A_1000 = arith.addi %parallel_loop3A_999, %parallel_loop3A_998 : i32
        %parallel_loop3A_1001 = arith.constant 2 : i32
        %parallel_loop3A_1002 = arith.addi %parallel_loop3A_1000, %parallel_loop3A_1001 : i32
        %parallel_loop3A_1003 = arith.index_cast %parallel_loop3A_1002 : i32 to index
        %parallel_loop3A_1004 = arith.constant 0 : index
        %parallel_loop3A_1005 = tpu.vector_load %arg7[%parallel_loop3A_1003, %parallel_loop3A_1004] {strides = array<i32>} : memref<512x32xf32, #tpu.memory_space<vmem>>, vector<16xf32>,
        %parallel_loop3A_1006 = arith.addf %parallel_loop3A_1005, %get3A_228 : vector<16xf32>
        %parallel_loop3A_1007 = arith.constant 8 : i32
        %parallel_loop3A_1008 = arith.muli %parallel_loop3A_976, %parallel_loop3A_1007 : i32
        %parallel_loop3A_1009 = arith.constant 0 : i32
        %parallel_loop3A_1010 = arith.addi %parallel_loop3A_1009, %parallel_loop3A_1008 : i32
        %parallel_loop3A_1011 = arith.constant 3 : i32
        %parallel_loop3A_1012 = arith.addi %parallel_loop3A_1010, %parallel_loop3A_1011 : i32
        %parallel_loop3A_1013 = arith.index_cast %parallel_loop3A_1012 : i32 to index
        %parallel_loop3A_1014 = arith.constant 0 : index
        %parallel_loop3A_1015 = tpu.vector_load %arg7[%parallel_loop3A_1013, %parallel_loop3A_1014] {strides = array<i32>} : memref<512x32xf32, #tpu.memory_space<vmem>>, vector<16xf32>,
        %parallel_loop3A_1016 = arith.addf %parallel_loop3A_1015, %get3A_228 : vector<16xf32>
        %parallel_loop3A_1017 = arith.constant 8 : i32
        %parallel_loop3A_1018 = arith.muli %parallel_loop3A_976, %parallel_loop3A_1017 : i32
        %parallel_loop3A_1019 = arith.constant 0 : i32
        %parallel_loop3A_1020 = arith.addi %parallel_loop3A_1019, %parallel_loop3A_1018 : i32
        %parallel_loop3A_1021 = arith.constant 4 : i32
        %parallel_loop3A_1022 = arith.addi %parallel_loop3A_1020, %parallel_loop3A_1021 : i32
        %parallel_loop3A_1023 = arith.index_cast %parallel_loop3A_1022 : i32 to index
        %parallel_loop3A_1024 = arith.constant 0 : index
        %parallel_loop3A_1025 = tpu.vector_load %arg7[%parallel_loop3A_1023, %parallel_loop3A_1024] {strides = array<i32>} : memref<512x32xf32, #tpu.memory_space<vmem>>, vector<16xf32>,
        %parallel_loop3A_1026 = arith.addf %parallel_loop3A_1025, %get3A_228 : vector<16xf32>
        %parallel_loop3A_1027 = arith.constant 8 : i32
        %parallel_loop3A_1028 = arith.muli %parallel_loop3A_976, %parallel_loop3A_1027 : i32
        %parallel_loop3A_1029 = arith.constant 0 : i32
        %parallel_loop3A_1030 = arith.addi %parallel_loop3A_1029, %parallel_loop3A_1028 : i32
        %parallel_loop3A_1031 = arith.constant 5 : i32
        %parallel_loop3A_1032 = arith.addi %parallel_loop3A_1030, %parallel_loop3A_1031 : i32
        %parallel_loop3A_1033 = arith.index_cast %parallel_loop3A_1032 : i32 to index
        %parallel_loop3A_1034 = arith.constant 0 : index
        %parallel_loop3A_1035 = tpu.vector_load %arg7[%parallel_loop3A_1033, %parallel_loop3A_1034] {strides = array<i32>} : memref<512x32xf32, #tpu.memory_space<vmem>>, vector<16xf32>,
        %parallel_loop3A_1036 = arith.addf %parallel_loop3A_1035, %get3A_228 : vector<16xf32>
        %parallel_loop3A_1037 = arith.constant 8 : i32
        %parallel_loop3A_1038 = arith.muli %parallel_loop3A_976, %parallel_loop3A_1037 : i32
        %parallel_loop3A_1039 = arith.constant 0 : i32
        %parallel_loop3A_1040 = arith.addi %parallel_loop3A_1039, %parallel_loop3A_1038 : i32
        %parallel_loop3A_1041 = arith.constant 6 : i32
        %parallel_loop3A_1042 = arith.addi %parallel_loop3A_1040, %parallel_loop3A_1041 : i32
        %parallel_loop3A_1043 = arith.index_cast %parallel_loop3A_1042 : i32 to index
        %parallel_loop3A_1044 = arith.constant 0 : index
        %parallel_loop3A_1045 = tpu.vector_load %arg7[%parallel_loop3A_1043, %parallel_loop3A_1044] {strides = array<i32>} : memref<512x32xf32, #tpu.memory_space<vmem>>, vector<16xf32>,
        %parallel_loop3A_1046 = arith.addf %parallel_loop3A_1045, %get3A_228 : vector<16xf32>
        %parallel_loop3A_1047 = arith.constant 8 : i32
        %parallel_loop3A_1048 = arith.muli %parallel_loop3A_976, %parallel_loop3A_1047 : i32
        %parallel_loop3A_1049 = arith.constant 0 : i32
        %parallel_loop3A_1050 = arith.addi %parallel_loop3A_1049, %parallel_loop3A_1048 : i32
        %parallel_loop3A_1051 = arith.constant 7 : i32
        %parallel_loop3A_1052 = arith.addi %parallel_loop3A_1050, %parallel_loop3A_1051 : i32
        %parallel_loop3A_1053 = arith.index_cast %parallel_loop3A_1052 : i32 to index
        %parallel_loop3A_1054 = arith.constant 0 : index
        %parallel_loop3A_1055 = tpu.vector_load %arg7[%parallel_loop3A_1053, %parallel_loop3A_1054] {strides = array<i32>} : memref<512x32xf32, #tpu.memory_space<vmem>>, vector<16xf32>,
        %parallel_loop3A_1056 = arith.addf %parallel_loop3A_1055, %get3A_228 : vector<16xf32>
        %parallel_loop3A_1057 = arith.constant 8 : i32
        %parallel_loop3A_1058 = arith.muli %parallel_loop3A_976, %parallel_loop3A_1057 : i32
        %parallel_loop3A_1059 = arith.constant 0 : i32
        %parallel_loop3A_1060 = arith.addi %parallel_loop3A_1059, %parallel_loop3A_1058 : i32
        %parallel_loop3A_1061 = arith.constant 0 : i32
        %parallel_loop3A_1062 = arith.addi %parallel_loop3A_1060, %parallel_loop3A_1061 : i32
        %parallel_loop3A_1063 = arith.index_cast %parallel_loop3A_1062 : i32 to index
        %parallel_loop3A_1064 = arith.constant 16 : index
        %parallel_loop3A_1065 = tpu.vector_load %arg7[%parallel_loop3A_1063, %parallel_loop3A_1064] {strides = array<i32>} : memref<512x32xf32, #tpu.memory_space<vmem>>, vector<16xf32>,
        %parallel_loop3A_1066 = arith.addf %parallel_loop3A_1065, %get3A_231 : vector<16xf32>
        %parallel_loop3A_1067 = arith.constant 8 : i32
        %parallel_loop3A_1068 = arith.muli %parallel_loop3A_976, %parallel_loop3A_1067 : i32
        %parallel_loop3A_1069 = arith.constant 0 : i32
        %parallel_loop3A_1070 = arith.addi %parallel_loop3A_1069, %parallel_loop3A_1068 : i32
        %parallel_loop3A_1071 = arith.constant 1 : i32
        %parallel_loop3A_1072 = arith.addi %parallel_loop3A_1070, %parallel_loop3A_1071 : i32
        %parallel_loop3A_1073 = arith.index_cast %parallel_loop3A_1072 : i32 to index
        %parallel_loop3A_1074 = arith.constant 16 : index
        %parallel_loop3A_1075 = tpu.vector_load %arg7[%parallel_loop3A_1073, %parallel_loop3A_1074] {strides = array<i32>} : memref<512x32xf32, #tpu.memory_space<vmem>>, vector<16xf32>,
        %parallel_loop3A_1076 = arith.addf %parallel_loop3A_1075, %get3A_231 : vector<16xf32>
        %parallel_loop3A_1077 = arith.constant 8 : i32
        %parallel_loop3A_1078 = arith.muli %parallel_loop3A_976, %parallel_loop3A_1077 : i32
        %parallel_loop3A_1079 = arith.constant 0 : i32
        %parallel_loop3A_1080 = arith.addi %parallel_loop3A_1079, %parallel_loop3A_1078 : i32
        %parallel_loop3A_1081 = arith.constant 2 : i32
        %parallel_loop3A_1082 = arith.addi %parallel_loop3A_1080, %parallel_loop3A_1081 : i32
        %parallel_loop3A_1083 = arith.index_cast %parallel_loop3A_1082 : i32 to index
        %parallel_loop3A_1084 = arith.constant 16 : index
        %parallel_loop3A_1085 = tpu.vector_load %arg7[%parallel_loop3A_1083, %parallel_loop3A_1084] {strides = array<i32>} : memref<512x32xf32, #tpu.memory_space<vmem>>, vector<16xf32>,
        %parallel_loop3A_1086 = arith.addf %parallel_loop3A_1085, %get3A_231 : vector<16xf32>
        %parallel_loop3A_1087 = arith.constant 8 : i32
        %parallel_loop3A_1088 = arith.muli %parallel_loop3A_976, %parallel_loop3A_1087 : i32
        %parallel_loop3A_1089 = arith.constant 0 : i32
        %parallel_loop3A_1090 = arith.addi %parallel_loop3A_1089, %parallel_loop3A_1088 : i32
        %parallel_loop3A_1091 = arith.constant 3 : i32
        %parallel_loop3A_1092 = arith.addi %parallel_loop3A_1090, %parallel_loop3A_1091 : i32
        %parallel_loop3A_1093 = arith.index_cast %parallel_loop3A_1092 : i32 to index
        %parallel_loop3A_1094 = arith.constant 16 : index
        %parallel_loop3A_1095 = tpu.vector_load %arg7[%parallel_loop3A_1093, %parallel_loop3A_1094] {strides = array<i32>} : memref<512x32xf32, #tpu.memory_space<vmem>>, vector<16xf32>,
        %parallel_loop3A_1096 = arith.addf %parallel_loop3A_1095, %get3A_231 : vector<16xf32>
        %parallel_loop3A_1097 = arith.constant 8 : i32
        %parallel_loop3A_1098 = arith.muli %parallel_loop3A_976, %parallel_loop3A_1097 : i32
        %parallel_loop3A_1099 = arith.constant 0 : i32
        %parallel_loop3A_1100 = arith.addi %parallel_loop3A_1099, %parallel_loop3A_1098 : i32
        %parallel_loop3A_1101 = arith.constant 4 : i32
        %parallel_loop3A_1102 = arith.addi %parallel_loop3A_1100, %parallel_loop3A_1101 : i32
        %parallel_loop3A_1103 = arith.index_cast %parallel_loop3A_1102 : i32 to index
        %parallel_loop3A_1104 = arith.constant 16 : index
        %parallel_loop3A_1105 = tpu.vector_load %arg7[%parallel_loop3A_1103, %parallel_loop3A_1104] {strides = array<i32>} : memref<512x32xf32, #tpu.memory_space<vmem>>, vector<16xf32>,
        %parallel_loop3A_1106 = arith.addf %parallel_loop3A_1105, %get3A_231 : vector<16xf32>
        %parallel_loop3A_1107 = arith.constant 8 : i32
        %parallel_loop3A_1108 = arith.muli %parallel_loop3A_976, %parallel_loop3A_1107 : i32
        %parallel_loop3A_1109 = arith.constant 0 : i32
        %parallel_loop3A_1110 = arith.addi %parallel_loop3A_1109, %parallel_loop3A_1108 : i32
        %parallel_loop3A_1111 = arith.constant 5 : i32
        %parallel_loop3A_1112 = arith.addi %parallel_loop3A_1110, %parallel_loop3A_1111 : i32
        %parallel_loop3A_1113 = arith.index_cast %parallel_loop3A_1112 : i32 to index
        %parallel_loop3A_1114 = arith.constant 16 : index
        %parallel_loop3A_1115 = tpu.vector_load %arg7[%parallel_loop3A_1113, %parallel_loop3A_1114] {strides = array<i32>} : memref<512x32xf32, #tpu.memory_space<vmem>>, vector<16xf32>,
        %parallel_loop3A_1116 = arith.addf %parallel_loop3A_1115, %get3A_231 : vector<16xf32>
        %parallel_loop3A_1117 = arith.constant 8 : i32
        %parallel_loop3A_1118 = arith.muli %parallel_loop3A_976, %parallel_loop3A_1117 : i32
        %parallel_loop3A_1119 = arith.constant 0 : i32
        %parallel_loop3A_1120 = arith.addi %parallel_loop3A_1119, %parallel_loop3A_1118 : i32
        %parallel_loop3A_1121 = arith.constant 6 : i32
        %parallel_loop3A_1122 = arith.addi %parallel_loop3A_1120, %parallel_loop3A_1121 : i32
        %parallel_loop3A_1123 = arith.index_cast %parallel_loop3A_1122 : i32 to index
        %parallel_loop3A_1124 = arith.constant 16 : index
        %parallel_loop3A_1125 = tpu.vector_load %arg7[%parallel_loop3A_1123, %parallel_loop3A_1124] {strides = array<i32>} : memref<512x32xf32, #tpu.memory_space<vmem>>, vector<16xf32>,
        %parallel_loop3A_1126 = arith.addf %parallel_loop3A_1125, %get3A_231 : vector<16xf32>
        %parallel_loop3A_1127 = arith.constant 8 : i32
        %parallel_loop3A_1128 = arith.muli %parallel_loop3A_976, %parallel_loop3A_1127 : i32
        %parallel_loop3A_1129 = arith.constant 0 : i32
        %parallel_loop3A_1130 = arith.addi %parallel_loop3A_1129, %parallel_loop3A_1128 : i32
        %parallel_loop3A_1131 = arith.constant 7 : i32
        %parallel_loop3A_1132 = arith.addi %parallel_loop3A_1130, %parallel_loop3A_1131 : i32
        %parallel_loop3A_1133 = arith.index_cast %parallel_loop3A_1132 : i32 to index
        %parallel_loop3A_1134 = arith.constant 16 : index
        %parallel_loop3A_1135 = tpu.vector_load %arg7[%parallel_loop3A_1133, %parallel_loop3A_1134] {strides = array<i32>} : memref<512x32xf32, #tpu.memory_space<vmem>>, vector<16xf32>,
        %parallel_loop3A_1136 = arith.addf %parallel_loop3A_1135, %get3A_231 : vector<16xf32>
        %parallel_loop3A_1137 = arith.constant 8 : i32
        %parallel_loop3A_1138 = arith.muli %parallel_loop3A_976, %parallel_loop3A_1137 : i32
        %parallel_loop3A_1139 = vector.broadcast %parallel_loop3A_1138 : i32 to vector<16xi32>
        %parallel_loop3A_1140 = arith.addi %broadcast_in_dim3A_4, %parallel_loop3A_1139 : vector<16xi32>
        %parallel_loop3A_1141 = arith.constant 8 : i32
        %parallel_loop3A_1142 = arith.muli %parallel_loop3A_976, %parallel_loop3A_1141 : i32
        %parallel_loop3A_1143 = vector.broadcast %parallel_loop3A_1142 : i32 to vector<16xi32>
        %parallel_loop3A_1144 = arith.addi %broadcast_in_dim3A_6, %parallel_loop3A_1143 : vector<16xi32>
        %parallel_loop3A_1145 = arith.constant 8 : i32
        %parallel_loop3A_1146 = arith.muli %parallel_loop3A_976, %parallel_loop3A_1145 : i32
        %parallel_loop3A_1147 = vector.broadcast %parallel_loop3A_1146 : i32 to vector<16xi32>
        %parallel_loop3A_1148 = arith.addi %broadcast_in_dim3A_8, %parallel_loop3A_1147 : vector<16xi32>
        %parallel_loop3A_1149 = arith.constant 8 : i32
        %parallel_loop3A_1150 = arith.muli %parallel_loop3A_976, %parallel_loop3A_1149 : i32
        %parallel_loop3A_1151 = vector.broadcast %parallel_loop3A_1150 : i32 to vector<16xi32>
        %parallel_loop3A_1152 = arith.addi %broadcast_in_dim3A_10, %parallel_loop3A_1151 : vector<16xi32>
        %parallel_loop3A_1153 = arith.constant 8 : i32
        %parallel_loop3A_1154 = arith.muli %parallel_loop3A_976, %parallel_loop3A_1153 : i32
        %parallel_loop3A_1155 = vector.broadcast %parallel_loop3A_1154 : i32 to vector<16xi32>
        %parallel_loop3A_1156 = arith.addi %broadcast_in_dim3A_12, %parallel_loop3A_1155 : vector<16xi32>
        %parallel_loop3A_1157 = arith.constant 8 : i32
        %parallel_loop3A_1158 = arith.muli %parallel_loop3A_976, %parallel_loop3A_1157 : i32
        %parallel_loop3A_1159 = vector.broadcast %parallel_loop3A_1158 : i32 to vector<16xi32>
        %parallel_loop3A_1160 = arith.addi %broadcast_in_dim3A_14, %parallel_loop3A_1159 : vector<16xi32>
        %parallel_loop3A_1161 = arith.constant 8 : i32
        %parallel_loop3A_1162 = arith.muli %parallel_loop3A_976, %parallel_loop3A_1161 : i32
        %parallel_loop3A_1163 = vector.broadcast %parallel_loop3A_1162 : i32 to vector<16xi32>
        %parallel_loop3A_1164 = arith.addi %broadcast_in_dim3A_16, %parallel_loop3A_1163 : vector<16xi32>
        %parallel_loop3A_1165 = arith.constant 8 : i32
        %parallel_loop3A_1166 = arith.muli %parallel_loop3A_976, %parallel_loop3A_1165 : i32
        %parallel_loop3A_1167 = vector.broadcast %parallel_loop3A_1166 : i32 to vector<16xi32>
        %parallel_loop3A_1168 = arith.addi %broadcast_in_dim3A_18, %parallel_loop3A_1167 : vector<16xi32>
        %parallel_loop3A_1169 = arith.constant 0 : i32
        %parallel_loop3A_1170 = arith.constant 0 : i32
        %parallel_loop3A_1171 = tpu.memref_slice %arg9[%parallel_loop3A_1169, %parallel_loop3A_1170] : memref<128x129xf32, #tpu.memory_space<vmem>> -> memref<32x129xf32, #tpu.memory_space<vmem>>
        tpu.vector_store_idx %parallel_loop3A_1171[%iota3A, %parallel_loop3A_1140], %parallel_loop3A_986 : memref<32x129xf32, #tpu.memory_space<vmem>>[vector<16xi32>, vector<16xi32>], vector<16xf32>,
        %parallel_loop3A_1172 = arith.constant 0 : i32
        %parallel_loop3A_1173 = arith.constant 0 : i32
        %parallel_loop3A_1174 = tpu.memref_slice %arg9[%parallel_loop3A_1172, %parallel_loop3A_1173] : memref<128x129xf32, #tpu.memory_space<vmem>> -> memref<32x129xf32, #tpu.memory_space<vmem>>
        tpu.vector_store_idx %parallel_loop3A_1174[%add3A_3, %parallel_loop3A_1140], %parallel_loop3A_1066 : memref<32x129xf32, #tpu.memory_space<vmem>>[vector<16xi32>, vector<16xi32>], vector<16xf32>,
        %parallel_loop3A_1175 = arith.constant 0 : i32
        %parallel_loop3A_1176 = arith.constant 0 : i32
        %parallel_loop3A_1177 = tpu.memref_slice %arg9[%parallel_loop3A_1175, %parallel_loop3A_1176] : memref<128x129xf32, #tpu.memory_space<vmem>> -> memref<32x129xf32, #tpu.memory_space<vmem>>
        tpu.vector_store_idx %parallel_loop3A_1177[%iota3A, %parallel_loop3A_1144], %parallel_loop3A_996 : memref<32x129xf32, #tpu.memory_space<vmem>>[vector<16xi32>, vector<16xi32>], vector<16xf32>,
        %parallel_loop3A_1178 = arith.constant 0 : i32
        %parallel_loop3A_1179 = arith.constant 0 : i32
        %parallel_loop3A_1180 = tpu.memref_slice %arg9[%parallel_loop3A_1178, %parallel_loop3A_1179] : memref<128x129xf32, #tpu.memory_space<vmem>> -> memref<32x129xf32, #tpu.memory_space<vmem>>
        tpu.vector_store_idx %parallel_loop3A_1180[%add3A_3, %parallel_loop3A_1144], %parallel_loop3A_1076 : memref<32x129xf32, #tpu.memory_space<vmem>>[vector<16xi32>, vector<16xi32>], vector<16xf32>,
        %parallel_loop3A_1181 = arith.constant 0 : i32
        %parallel_loop3A_1182 = arith.constant 0 : i32
        %parallel_loop3A_1183 = tpu.memref_slice %arg9[%parallel_loop3A_1181, %parallel_loop3A_1182] : memref<128x129xf32, #tpu.memory_space<vmem>> -> memref<32x129xf32, #tpu.memory_space<vmem>>
        tpu.vector_store_idx %parallel_loop3A_1183[%iota3A, %parallel_loop3A_1148], %parallel_loop3A_1006 : memref<32x129xf32, #tpu.memory_space<vmem>>[vector<16xi32>, vector<16xi32>], vector<16xf32>,
        %parallel_loop3A_1184 = arith.constant 0 : i32
        %parallel_loop3A_1185 = arith.constant 0 : i32
        %parallel_loop3A_1186 = tpu.memref_slice %arg9[%parallel_loop3A_1184, %parallel_loop3A_1185] : memref<128x129xf32, #tpu.memory_space<vmem>> -> memref<32x129xf32, #tpu.memory_space<vmem>>
        tpu.vector_store_idx %parallel_loop3A_1186[%add3A_3, %parallel_loop3A_1148], %parallel_loop3A_1086 : memref<32x129xf32, #tpu.memory_space<vmem>>[vector<16xi32>, vector<16xi32>], vector<16xf32>,
        %parallel_loop3A_1187 = arith.constant 0 : i32
        %parallel_loop3A_1188 = arith.constant 0 : i32
        %parallel_loop3A_1189 = tpu.memref_slice %arg9[%parallel_loop3A_1187, %parallel_loop3A_1188] : memref<128x129xf32, #tpu.memory_space<vmem>> -> memref<32x129xf32, #tpu.memory_space<vmem>>
        tpu.vector_store_idx %parallel_loop3A_1189[%iota3A, %parallel_loop3A_1152], %parallel_loop3A_1016 : memref<32x129xf32, #tpu.memory_space<vmem>>[vector<16xi32>, vector<16xi32>], vector<16xf32>,
        %parallel_loop3A_1190 = arith.constant 0 : i32
        %parallel_loop3A_1191 = arith.constant 0 : i32
        %parallel_loop3A_1192 = tpu.memref_slice %arg9[%parallel_loop3A_1190, %parallel_loop3A_1191] : memref<128x129xf32, #tpu.memory_space<vmem>> -> memref<32x129xf32, #tpu.memory_space<vmem>>
        tpu.vector_store_idx %parallel_loop3A_1192[%add3A_3, %parallel_loop3A_1152], %parallel_loop3A_1096 : memref<32x129xf32, #tpu.memory_space<vmem>>[vector<16xi32>, vector<16xi32>], vector<16xf32>,
        %parallel_loop3A_1193 = arith.constant 0 : i32
        %parallel_loop3A_1194 = arith.constant 0 : i32
        %parallel_loop3A_1195 = tpu.memref_slice %arg9[%parallel_loop3A_1193, %parallel_loop3A_1194] : memref<128x129xf32, #tpu.memory_space<vmem>> -> memref<32x129xf32, #tpu.memory_space<vmem>>
        tpu.vector_store_idx %parallel_loop3A_1195[%iota3A, %parallel_loop3A_1156], %parallel_loop3A_1026 : memref<32x129xf32, #tpu.memory_space<vmem>>[vector<16xi32>, vector<16xi32>], vector<16xf32>,
        %parallel_loop3A_1196 = arith.constant 0 : i32
        %parallel_loop3A_1197 = arith.constant 0 : i32
        %parallel_loop3A_1198 = tpu.memref_slice %arg9[%parallel_loop3A_1196, %parallel_loop3A_1197] : memref<128x129xf32, #tpu.memory_space<vmem>> -> memref<32x129xf32, #tpu.memory_space<vmem>>
        tpu.vector_store_idx %parallel_loop3A_1198[%add3A_3, %parallel_loop3A_1156], %parallel_loop3A_1106 : memref<32x129xf32, #tpu.memory_space<vmem>>[vector<16xi32>, vector<16xi32>], vector<16xf32>,
        %parallel_loop3A_1199 = arith.constant 0 : i32
        %parallel_loop3A_1200 = arith.constant 0 : i32
        %parallel_loop3A_1201 = tpu.memref_slice %arg9[%parallel_loop3A_1199, %parallel_loop3A_1200] : memref<128x129xf32, #tpu.memory_space<vmem>> -> memref<32x129xf32, #tpu.memory_space<vmem>>
        tpu.vector_store_idx %parallel_loop3A_1201[%iota3A, %parallel_loop3A_1160], %parallel_loop3A_1036 : memref<32x129xf32, #tpu.memory_space<vmem>>[vector<16xi32>, vector<16xi32>], vector<16xf32>,
        %parallel_loop3A_1202 = arith.constant 0 : i32
        %parallel_loop3A_1203 = arith.constant 0 : i32
        %parallel_loop3A_1204 = tpu.memref_slice %arg9[%parallel_loop3A_1202, %parallel_loop3A_1203] : memref<128x129xf32, #tpu.memory_space<vmem>> -> memref<32x129xf32, #tpu.memory_space<vmem>>
        tpu.vector_store_idx %parallel_loop3A_1204[%add3A_3, %parallel_loop3A_1160], %parallel_loop3A_1116 : memref<32x129xf32, #tpu.memory_space<vmem>>[vector<16xi32>, vector<16xi32>], vector<16xf32>,
        %parallel_loop3A_1205 = arith.constant 0 : i32
        %parallel_loop3A_1206 = arith.constant 0 : i32
        %parallel_loop3A_1207 = tpu.memref_slice %arg9[%parallel_loop3A_1205, %parallel_loop3A_1206] : memref<128x129xf32, #tpu.memory_space<vmem>> -> memref<32x129xf32, #tpu.memory_space<vmem>>
        tpu.vector_store_idx %parallel_loop3A_1207[%iota3A, %parallel_loop3A_1164], %parallel_loop3A_1046 : memref<32x129xf32, #tpu.memory_space<vmem>>[vector<16xi32>, vector<16xi32>], vector<16xf32>,
        %parallel_loop3A_1208 = arith.constant 0 : i32
        %parallel_loop3A_1209 = arith.constant 0 : i32
        %parallel_loop3A_1210 = tpu.memref_slice %arg9[%parallel_loop3A_1208, %parallel_loop3A_1209] : memref<128x129xf32, #tpu.memory_space<vmem>> -> memref<32x129xf32, #tpu.memory_space<vmem>>
        tpu.vector_store_idx %parallel_loop3A_1210[%add3A_3, %parallel_loop3A_1164], %parallel_loop3A_1126 : memref<32x129xf32, #tpu.memory_space<vmem>>[vector<16xi32>, vector<16xi32>], vector<16xf32>,
        %parallel_loop3A_1211 = arith.constant 0 : i32
        %parallel_loop3A_1212 = arith.constant 0 : i32
        %parallel_loop3A_1213 = tpu.memref_slice %arg9[%parallel_loop3A_1211, %parallel_loop3A_1212] : memref<128x129xf32, #tpu.memory_space<vmem>> -> memref<32x129xf32, #tpu.memory_space<vmem>>
        tpu.vector_store_idx %parallel_loop3A_1213[%iota3A, %parallel_loop3A_1168], %parallel_loop3A_1056 : memref<32x129xf32, #tpu.memory_space<vmem>>[vector<16xi32>, vector<16xi32>], vector<16xf32>,
        %parallel_loop3A_1214 = arith.constant 0 : i32
        %parallel_loop3A_1215 = arith.constant 0 : i32
        %parallel_loop3A_1216 = tpu.memref_slice %arg9[%parallel_loop3A_1214, %parallel_loop3A_1215] : memref<128x129xf32, #tpu.memory_space<vmem>> -> memref<32x129xf32, #tpu.memory_space<vmem>>
        tpu.vector_store_idx %parallel_loop3A_1216[%add3A_3, %parallel_loop3A_1168], %parallel_loop3A_1136 : memref<32x129xf32, #tpu.memory_space<vmem>>[vector<16xi32>, vector<16xi32>], vector<16xf32>,
      } {sc.loop_unroll_factor = 1 : i64, sc.parallel_access}
      %add3A_234 = arith.constant 1 : i32
      %add3A_235 = arith.addi %mul3A_110, %add3A_234 : i32
      %get3A_236 = arith.index_cast %add3A_235 : i32 to index
      %get3A_237 = arith.constant 0 : index
      %get3A_238 = tpu.vector_load %arg11[%get3A_236, %get3A_237] {strides = array<i32>} : memref<200x32xf32, #tpu.memory_space<vmem>>, vector<16xf32>,
      %get3A_239 = arith.index_cast %add3A_235 : i32 to index
      %get3A_240 = arith.constant 16 : index
      %get3A_241 = tpu.vector_load %arg11[%get3A_239, %get3A_240] {strides = array<i32>} : memref<200x32xf32, #tpu.memory_space<vmem>>, vector<16xf32>,
      %parallel_loop3A_242 = arith.constant 0 : i32
      %parallel_loop3A_243 = arith.constant 16 : i32
      %parallel_loop3A_244 = arith.constant 1 : i32
      scf.for %parallel_loop3A_976 = %parallel_loop3A_242 to %parallel_loop3A_243 step %parallel_loop3A_244  : i32 {
        %parallel_loop3A_977 = arith.constant 8 : i32
        %parallel_loop3A_978 = arith.muli %parallel_loop3A_976, %parallel_loop3A_977 : i32
        %parallel_loop3A_979 = arith.constant 128 : i32
        %parallel_loop3A_980 = arith.addi %parallel_loop3A_979, %parallel_loop3A_978 : i32
        %parallel_loop3A_981 = arith.constant 0 : i32
        %parallel_loop3A_982 = arith.addi %parallel_loop3A_980, %parallel_loop3A_981 : i32
        %parallel_loop3A_983 = arith.index_cast %parallel_loop3A_982 : i32 to index
        %parallel_loop3A_984 = arith.constant 0 : index
        %parallel_loop3A_985 = tpu.vector_load %arg7[%parallel_loop3A_983, %parallel_loop3A_984] {strides = array<i32>} : memref<512x32xf32, #tpu.memory_space<vmem>>, vector<16xf32>,
        %parallel_loop3A_986 = arith.addf %parallel_loop3A_985, %get3A_238 : vector<16xf32>
        %parallel_loop3A_987 = arith.constant 8 : i32
        %parallel_loop3A_988 = arith.muli %parallel_loop3A_976, %parallel_loop3A_987 : i32
        %parallel_loop3A_989 = arith.constant 128 : i32
        %parallel_loop3A_990 = arith.addi %parallel_loop3A_989, %parallel_loop3A_988 : i32
        %parallel_loop3A_991 = arith.constant 1 : i32
        %parallel_loop3A_992 = arith.addi %parallel_loop3A_990, %parallel_loop3A_991 : i32
        %parallel_loop3A_993 = arith.index_cast %parallel_loop3A_992 : i32 to index
        %parallel_loop3A_994 = arith.constant 0 : index
        %parallel_loop3A_995 = tpu.vector_load %arg7[%parallel_loop3A_993, %parallel_loop3A_994] {strides = array<i32>} : memref<512x32xf32, #tpu.memory_space<vmem>>, vector<16xf32>,
        %parallel_loop3A_996 = arith.addf %parallel_loop3A_995, %get3A_238 : vector<16xf32>
        %parallel_loop3A_997 = arith.constant 8 : i32
        %parallel_loop3A_998 = arith.muli %parallel_loop3A_976, %parallel_loop3A_997 : i32
        %parallel_loop3A_999 = arith.constant 128 : i32
        %parallel_loop3A_1000 = arith.addi %parallel_loop3A_999, %parallel_loop3A_998 : i32
        %parallel_loop3A_1001 = arith.constant 2 : i32
        %parallel_loop3A_1002 = arith.addi %parallel_loop3A_1000, %parallel_loop3A_1001 : i32
        %parallel_loop3A_1003 = arith.index_cast %parallel_loop3A_1002 : i32 to index
        %parallel_loop3A_1004 = arith.constant 0 : index
        %parallel_loop3A_1005 = tpu.vector_load %arg7[%parallel_loop3A_1003, %parallel_loop3A_1004] {strides = array<i32>} : memref<512x32xf32, #tpu.memory_space<vmem>>, vector<16xf32>,
        %parallel_loop3A_1006 = arith.addf %parallel_loop3A_1005, %get3A_238 : vector<16xf32>
        %parallel_loop3A_1007 = arith.constant 8 : i32
        %parallel_loop3A_1008 = arith.muli %parallel_loop3A_976, %parallel_loop3A_1007 : i32
        %parallel_loop3A_1009 = arith.constant 128 : i32
        %parallel_loop3A_1010 = arith.addi %parallel_loop3A_1009, %parallel_loop3A_1008 : i32
        %parallel_loop3A_1011 = arith.constant 3 : i32
        %parallel_loop3A_1012 = arith.addi %parallel_loop3A_1010, %parallel_loop3A_1011 : i32
        %parallel_loop3A_1013 = arith.index_cast %parallel_loop3A_1012 : i32 to index
        %parallel_loop3A_1014 = arith.constant 0 : index
        %parallel_loop3A_1015 = tpu.vector_load %arg7[%parallel_loop3A_1013, %parallel_loop3A_1014] {strides = array<i32>} : memref<512x32xf32, #tpu.memory_space<vmem>>, vector<16xf32>,
        %parallel_loop3A_1016 = arith.addf %parallel_loop3A_1015, %get3A_238 : vector<16xf32>
        %parallel_loop3A_1017 = arith.constant 8 : i32
        %parallel_loop3A_1018 = arith.muli %parallel_loop3A_976, %parallel_loop3A_1017 : i32
        %parallel_loop3A_1019 = arith.constant 128 : i32
        %parallel_loop3A_1020 = arith.addi %parallel_loop3A_1019, %parallel_loop3A_1018 : i32
        %parallel_loop3A_1021 = arith.constant 4 : i32
        %parallel_loop3A_1022 = arith.addi %parallel_loop3A_1020, %parallel_loop3A_1021 : i32
        %parallel_loop3A_1023 = arith.index_cast %parallel_loop3A_1022 : i32 to index
        %parallel_loop3A_1024 = arith.constant 0 : index
        %parallel_loop3A_1025 = tpu.vector_load %arg7[%parallel_loop3A_1023, %parallel_loop3A_1024] {strides = array<i32>} : memref<512x32xf32, #tpu.memory_space<vmem>>, vector<16xf32>,
        %parallel_loop3A_1026 = arith.addf %parallel_loop3A_1025, %get3A_238 : vector<16xf32>
        %parallel_loop3A_1027 = arith.constant 8 : i32
        %parallel_loop3A_1028 = arith.muli %parallel_loop3A_976, %parallel_loop3A_1027 : i32
        %parallel_loop3A_1029 = arith.constant 128 : i32
        %parallel_loop3A_1030 = arith.addi %parallel_loop3A_1029, %parallel_loop3A_1028 : i32
        %parallel_loop3A_1031 = arith.constant 5 : i32
        %parallel_loop3A_1032 = arith.addi %parallel_loop3A_1030, %parallel_loop3A_1031 : i32
        %parallel_loop3A_1033 = arith.index_cast %parallel_loop3A_1032 : i32 to index
        %parallel_loop3A_1034 = arith.constant 0 : index
        %parallel_loop3A_1035 = tpu.vector_load %arg7[%parallel_loop3A_1033, %parallel_loop3A_1034] {strides = array<i32>} : memref<512x32xf32, #tpu.memory_space<vmem>>, vector<16xf32>,
        %parallel_loop3A_1036 = arith.addf %parallel_loop3A_1035, %get3A_238 : vector<16xf32>
        %parallel_loop3A_1037 = arith.constant 8 : i32
        %parallel_loop3A_1038 = arith.muli %parallel_loop3A_976, %parallel_loop3A_1037 : i32
        %parallel_loop3A_1039 = arith.constant 128 : i32
        %parallel_loop3A_1040 = arith.addi %parallel_loop3A_1039, %parallel_loop3A_1038 : i32
        %parallel_loop3A_1041 = arith.constant 6 : i32
        %parallel_loop3A_1042 = arith.addi %parallel_loop3A_1040, %parallel_loop3A_1041 : i32
        %parallel_loop3A_1043 = arith.index_cast %parallel_loop3A_1042 : i32 to index
        %parallel_loop3A_1044 = arith.constant 0 : index
        %parallel_loop3A_1045 = tpu.vector_load %arg7[%parallel_loop3A_1043, %parallel_loop3A_1044] {strides = array<i32>} : memref<512x32xf32, #tpu.memory_space<vmem>>, vector<16xf32>,
        %parallel_loop3A_1046 = arith.addf %parallel_loop3A_1045, %get3A_238 : vector<16xf32>
        %parallel_loop3A_1047 = arith.constant 8 : i32
        %parallel_loop3A_1048 = arith.muli %parallel_loop3A_976, %parallel_loop3A_1047 : i32
        %parallel_loop3A_1049 = arith.constant 128 : i32
        %parallel_loop3A_1050 = arith.addi %parallel_loop3A_1049, %parallel_loop3A_1048 : i32
        %parallel_loop3A_1051 = arith.constant 7 : i32
        %parallel_loop3A_1052 = arith.addi %parallel_loop3A_1050, %parallel_loop3A_1051 : i32
        %parallel_loop3A_1053 = arith.index_cast %parallel_loop3A_1052 : i32 to index
        %parallel_loop3A_1054 = arith.constant 0 : index
        %parallel_loop3A_1055 = tpu.vector_load %arg7[%parallel_loop3A_1053, %parallel_loop3A_1054] {strides = array<i32>} : memref<512x32xf32, #tpu.memory_space<vmem>>, vector<16xf32>,
        %parallel_loop3A_1056 = arith.addf %parallel_loop3A_1055, %get3A_238 : vector<16xf32>
        %parallel_loop3A_1057 = arith.constant 8 : i32
        %parallel_loop3A_1058 = arith.muli %parallel_loop3A_976, %parallel_loop3A_1057 : i32
        %parallel_loop3A_1059 = arith.constant 128 : i32
        %parallel_loop3A_1060 = arith.addi %parallel_loop3A_1059, %parallel_loop3A_1058 : i32
        %parallel_loop3A_1061 = arith.constant 0 : i32
        %parallel_loop3A_1062 = arith.addi %parallel_loop3A_1060, %parallel_loop3A_1061 : i32
        %parallel_loop3A_1063 = arith.index_cast %parallel_loop3A_1062 : i32 to index
        %parallel_loop3A_1064 = arith.constant 16 : index
        %parallel_loop3A_1065 = tpu.vector_load %arg7[%parallel_loop3A_1063, %parallel_loop3A_1064] {strides = array<i32>} : memref<512x32xf32, #tpu.memory_space<vmem>>, vector<16xf32>,
        %parallel_loop3A_1066 = arith.addf %parallel_loop3A_1065, %get3A_241 : vector<16xf32>
        %parallel_loop3A_1067 = arith.constant 8 : i32
        %parallel_loop3A_1068 = arith.muli %parallel_loop3A_976, %parallel_loop3A_1067 : i32
        %parallel_loop3A_1069 = arith.constant 128 : i32
        %parallel_loop3A_1070 = arith.addi %parallel_loop3A_1069, %parallel_loop3A_1068 : i32
        %parallel_loop3A_1071 = arith.constant 1 : i32
        %parallel_loop3A_1072 = arith.addi %parallel_loop3A_1070, %parallel_loop3A_1071 : i32
        %parallel_loop3A_1073 = arith.index_cast %parallel_loop3A_1072 : i32 to index
        %parallel_loop3A_1074 = arith.constant 16 : index
        %parallel_loop3A_1075 = tpu.vector_load %arg7[%parallel_loop3A_1073, %parallel_loop3A_1074] {strides = array<i32>} : memref<512x32xf32, #tpu.memory_space<vmem>>, vector<16xf32>,
        %parallel_loop3A_1076 = arith.addf %parallel_loop3A_1075, %get3A_241 : vector<16xf32>
        %parallel_loop3A_1077 = arith.constant 8 : i32
        %parallel_loop3A_1078 = arith.muli %parallel_loop3A_976, %parallel_loop3A_1077 : i32
        %parallel_loop3A_1079 = arith.constant 128 : i32
        %parallel_loop3A_1080 = arith.addi %parallel_loop3A_1079, %parallel_loop3A_1078 : i32
        %parallel_loop3A_1081 = arith.constant 2 : i32
        %parallel_loop3A_1082 = arith.addi %parallel_loop3A_1080, %parallel_loop3A_1081 : i32
        %parallel_loop3A_1083 = arith.index_cast %parallel_loop3A_1082 : i32 to index
        %parallel_loop3A_1084 = arith.constant 16 : index
        %parallel_loop3A_1085 = tpu.vector_load %arg7[%parallel_loop3A_1083, %parallel_loop3A_1084] {strides = array<i32>} : memref<512x32xf32, #tpu.memory_space<vmem>>, vector<16xf32>,
        %parallel_loop3A_1086 = arith.addf %parallel_loop3A_1085, %get3A_241 : vector<16xf32>
        %parallel_loop3A_1087 = arith.constant 8 : i32
        %parallel_loop3A_1088 = arith.muli %parallel_loop3A_976, %parallel_loop3A_1087 : i32
        %parallel_loop3A_1089 = arith.constant 128 : i32
        %parallel_loop3A_1090 = arith.addi %parallel_loop3A_1089, %parallel_loop3A_1088 : i32
        %parallel_loop3A_1091 = arith.constant 3 : i32
        %parallel_loop3A_1092 = arith.addi %parallel_loop3A_1090, %parallel_loop3A_1091 : i32
        %parallel_loop3A_1093 = arith.index_cast %parallel_loop3A_1092 : i32 to index
        %parallel_loop3A_1094 = arith.constant 16 : index
        %parallel_loop3A_1095 = tpu.vector_load %arg7[%parallel_loop3A_1093, %parallel_loop3A_1094] {strides = array<i32>} : memref<512x32xf32, #tpu.memory_space<vmem>>, vector<16xf32>,
        %parallel_loop3A_1096 = arith.addf %parallel_loop3A_1095, %get3A_241 : vector<16xf32>
        %parallel_loop3A_1097 = arith.constant 8 : i32
        %parallel_loop3A_1098 = arith.muli %parallel_loop3A_976, %parallel_loop3A_1097 : i32
        %parallel_loop3A_1099 = arith.constant 128 : i32
        %parallel_loop3A_1100 = arith.addi %parallel_loop3A_1099, %parallel_loop3A_1098 : i32
        %parallel_loop3A_1101 = arith.constant 4 : i32
        %parallel_loop3A_1102 = arith.addi %parallel_loop3A_1100, %parallel_loop3A_1101 : i32
        %parallel_loop3A_1103 = arith.index_cast %parallel_loop3A_1102 : i32 to index
        %parallel_loop3A_1104 = arith.constant 16 : index
        %parallel_loop3A_1105 = tpu.vector_load %arg7[%parallel_loop3A_1103, %parallel_loop3A_1104] {strides = array<i32>} : memref<512x32xf32, #tpu.memory_space<vmem>>, vector<16xf32>,
        %parallel_loop3A_1106 = arith.addf %parallel_loop3A_1105, %get3A_241 : vector<16xf32>
        %parallel_loop3A_1107 = arith.constant 8 : i32
        %parallel_loop3A_1108 = arith.muli %parallel_loop3A_976, %parallel_loop3A_1107 : i32
        %parallel_loop3A_1109 = arith.constant 128 : i32
        %parallel_loop3A_1110 = arith.addi %parallel_loop3A_1109, %parallel_loop3A_1108 : i32
        %parallel_loop3A_1111 = arith.constant 5 : i32
        %parallel_loop3A_1112 = arith.addi %parallel_loop3A_1110, %parallel_loop3A_1111 : i32
        %parallel_loop3A_1113 = arith.index_cast %parallel_loop3A_1112 : i32 to index
        %parallel_loop3A_1114 = arith.constant 16 : index
        %parallel_loop3A_1115 = tpu.vector_load %arg7[%parallel_loop3A_1113, %parallel_loop3A_1114] {strides = array<i32>} : memref<512x32xf32, #tpu.memory_space<vmem>>, vector<16xf32>,
        %parallel_loop3A_1116 = arith.addf %parallel_loop3A_1115, %get3A_241 : vector<16xf32>
        %parallel_loop3A_1117 = arith.constant 8 : i32
        %parallel_loop3A_1118 = arith.muli %parallel_loop3A_976, %parallel_loop3A_1117 : i32
        %parallel_loop3A_1119 = arith.constant 128 : i32
        %parallel_loop3A_1120 = arith.addi %parallel_loop3A_1119, %parallel_loop3A_1118 : i32
        %parallel_loop3A_1121 = arith.constant 6 : i32
        %parallel_loop3A_1122 = arith.addi %parallel_loop3A_1120, %parallel_loop3A_1121 : i32
        %parallel_loop3A_1123 = arith.index_cast %parallel_loop3A_1122 : i32 to index
        %parallel_loop3A_1124 = arith.constant 16 : index
        %parallel_loop3A_1125 = tpu.vector_load %arg7[%parallel_loop3A_1123, %parallel_loop3A_1124] {strides = array<i32>} : memref<512x32xf32, #tpu.memory_space<vmem>>, vector<16xf32>,
        %parallel_loop3A_1126 = arith.addf %parallel_loop3A_1125, %get3A_241 : vector<16xf32>
        %parallel_loop3A_1127 = arith.constant 8 : i32
        %parallel_loop3A_1128 = arith.muli %parallel_loop3A_976, %parallel_loop3A_1127 : i32
        %parallel_loop3A_1129 = arith.constant 128 : i32
        %parallel_loop3A_1130 = arith.addi %parallel_loop3A_1129, %parallel_loop3A_1128 : i32
        %parallel_loop3A_1131 = arith.constant 7 : i32
        %parallel_loop3A_1132 = arith.addi %parallel_loop3A_1130, %parallel_loop3A_1131 : i32
        %parallel_loop3A_1133 = arith.index_cast %parallel_loop3A_1132 : i32 to index
        %parallel_loop3A_1134 = arith.constant 16 : index
        %parallel_loop3A_1135 = tpu.vector_load %arg7[%parallel_loop3A_1133, %parallel_loop3A_1134] {strides = array<i32>} : memref<512x32xf32, #tpu.memory_space<vmem>>, vector<16xf32>,
        %parallel_loop3A_1136 = arith.addf %parallel_loop3A_1135, %get3A_241 : vector<16xf32>
        %parallel_loop3A_1137 = arith.constant 8 : i32
        %parallel_loop3A_1138 = arith.muli %parallel_loop3A_976, %parallel_loop3A_1137 : i32
        %parallel_loop3A_1139 = vector.broadcast %parallel_loop3A_1138 : i32 to vector<16xi32>
        %parallel_loop3A_1140 = arith.addi %broadcast_in_dim3A_4, %parallel_loop3A_1139 : vector<16xi32>
        %parallel_loop3A_1141 = arith.constant 8 : i32
        %parallel_loop3A_1142 = arith.muli %parallel_loop3A_976, %parallel_loop3A_1141 : i32
        %parallel_loop3A_1143 = vector.broadcast %parallel_loop3A_1142 : i32 to vector<16xi32>
        %parallel_loop3A_1144 = arith.addi %broadcast_in_dim3A_6, %parallel_loop3A_1143 : vector<16xi32>
        %parallel_loop3A_1145 = arith.constant 8 : i32
        %parallel_loop3A_1146 = arith.muli %parallel_loop3A_976, %parallel_loop3A_1145 : i32
        %parallel_loop3A_1147 = vector.broadcast %parallel_loop3A_1146 : i32 to vector<16xi32>
        %parallel_loop3A_1148 = arith.addi %broadcast_in_dim3A_8, %parallel_loop3A_1147 : vector<16xi32>
        %parallel_loop3A_1149 = arith.constant 8 : i32
        %parallel_loop3A_1150 = arith.muli %parallel_loop3A_976, %parallel_loop3A_1149 : i32
        %parallel_loop3A_1151 = vector.broadcast %parallel_loop3A_1150 : i32 to vector<16xi32>
        %parallel_loop3A_1152 = arith.addi %broadcast_in_dim3A_10, %parallel_loop3A_1151 : vector<16xi32>
        %parallel_loop3A_1153 = arith.constant 8 : i32
        %parallel_loop3A_1154 = arith.muli %parallel_loop3A_976, %parallel_loop3A_1153 : i32
        %parallel_loop3A_1155 = vector.broadcast %parallel_loop3A_1154 : i32 to vector<16xi32>
        %parallel_loop3A_1156 = arith.addi %broadcast_in_dim3A_12, %parallel_loop3A_1155 : vector<16xi32>
        %parallel_loop3A_1157 = arith.constant 8 : i32
        %parallel_loop3A_1158 = arith.muli %parallel_loop3A_976, %parallel_loop3A_1157 : i32
        %parallel_loop3A_1159 = vector.broadcast %parallel_loop3A_1158 : i32 to vector<16xi32>
        %parallel_loop3A_1160 = arith.addi %broadcast_in_dim3A_14, %parallel_loop3A_1159 : vector<16xi32>
        %parallel_loop3A_1161 = arith.constant 8 : i32
        %parallel_loop3A_1162 = arith.muli %parallel_loop3A_976, %parallel_loop3A_1161 : i32
        %parallel_loop3A_1163 = vector.broadcast %parallel_loop3A_1162 : i32 to vector<16xi32>
        %parallel_loop3A_1164 = arith.addi %broadcast_in_dim3A_16, %parallel_loop3A_1163 : vector<16xi32>
        %parallel_loop3A_1165 = arith.constant 8 : i32
        %parallel_loop3A_1166 = arith.muli %parallel_loop3A_976, %parallel_loop3A_1165 : i32
        %parallel_loop3A_1167 = vector.broadcast %parallel_loop3A_1166 : i32 to vector<16xi32>
        %parallel_loop3A_1168 = arith.addi %broadcast_in_dim3A_18, %parallel_loop3A_1167 : vector<16xi32>
        %parallel_loop3A_1169 = arith.constant 32 : i32
        %parallel_loop3A_1170 = arith.constant 0 : i32
        %parallel_loop3A_1171 = tpu.memref_slice %arg9[%parallel_loop3A_1169, %parallel_loop3A_1170] : memref<128x129xf32, #tpu.memory_space<vmem>> -> memref<32x129xf32, #tpu.memory_space<vmem>>
        tpu.vector_store_idx %parallel_loop3A_1171[%iota3A, %parallel_loop3A_1140], %parallel_loop3A_986 : memref<32x129xf32, #tpu.memory_space<vmem>>[vector<16xi32>, vector<16xi32>], vector<16xf32>,
        %parallel_loop3A_1172 = arith.constant 32 : i32
        %parallel_loop3A_1173 = arith.constant 0 : i32
        %parallel_loop3A_1174 = tpu.memref_slice %arg9[%parallel_loop3A_1172, %parallel_loop3A_1173] : memref<128x129xf32, #tpu.memory_space<vmem>> -> memref<32x129xf32, #tpu.memory_space<vmem>>
        tpu.vector_store_idx %parallel_loop3A_1174[%add3A_3, %parallel_loop3A_1140], %parallel_loop3A_1066 : memref<32x129xf32, #tpu.memory_space<vmem>>[vector<16xi32>, vector<16xi32>], vector<16xf32>,
        %parallel_loop3A_1175 = arith.constant 32 : i32
        %parallel_loop3A_1176 = arith.constant 0 : i32
        %parallel_loop3A_1177 = tpu.memref_slice %arg9[%parallel_loop3A_1175, %parallel_loop3A_1176] : memref<128x129xf32, #tpu.memory_space<vmem>> -> memref<32x129xf32, #tpu.memory_space<vmem>>
        tpu.vector_store_idx %parallel_loop3A_1177[%iota3A, %parallel_loop3A_1144], %parallel_loop3A_996 : memref<32x129xf32, #tpu.memory_space<vmem>>[vector<16xi32>, vector<16xi32>], vector<16xf32>,
        %parallel_loop3A_1178 = arith.constant 32 : i32
        %parallel_loop3A_1179 = arith.constant 0 : i32
        %parallel_loop3A_1180 = tpu.memref_slice %arg9[%parallel_loop3A_1178, %parallel_loop3A_1179] : memref<128x129xf32, #tpu.memory_space<vmem>> -> memref<32x129xf32, #tpu.memory_space<vmem>>
        tpu.vector_store_idx %parallel_loop3A_1180[%add3A_3, %parallel_loop3A_1144], %parallel_loop3A_1076 : memref<32x129xf32, #tpu.memory_space<vmem>>[vector<16xi32>, vector<16xi32>], vector<16xf32>,
        %parallel_loop3A_1181 = arith.constant 32 : i32
        %parallel_loop3A_1182 = arith.constant 0 : i32
        %parallel_loop3A_1183 = tpu.memref_slice %arg9[%parallel_loop3A_1181, %parallel_loop3A_1182] : memref<128x129xf32, #tpu.memory_space<vmem>> -> memref<32x129xf32, #tpu.memory_space<vmem>>
        tpu.vector_store_idx %parallel_loop3A_1183[%iota3A, %parallel_loop3A_1148], %parallel_loop3A_1006 : memref<32x129xf32, #tpu.memory_space<vmem>>[vector<16xi32>, vector<16xi32>], vector<16xf32>,
        %parallel_loop3A_1184 = arith.constant 32 : i32
        %parallel_loop3A_1185 = arith.constant 0 : i32
        %parallel_loop3A_1186 = tpu.memref_slice %arg9[%parallel_loop3A_1184, %parallel_loop3A_1185] : memref<128x129xf32, #tpu.memory_space<vmem>> -> memref<32x129xf32, #tpu.memory_space<vmem>>
        tpu.vector_store_idx %parallel_loop3A_1186[%add3A_3, %parallel_loop3A_1148], %parallel_loop3A_1086 : memref<32x129xf32, #tpu.memory_space<vmem>>[vector<16xi32>, vector<16xi32>], vector<16xf32>,
        %parallel_loop3A_1187 = arith.constant 32 : i32
        %parallel_loop3A_1188 = arith.constant 0 : i32
        %parallel_loop3A_1189 = tpu.memref_slice %arg9[%parallel_loop3A_1187, %parallel_loop3A_1188] : memref<128x129xf32, #tpu.memory_space<vmem>> -> memref<32x129xf32, #tpu.memory_space<vmem>>
        tpu.vector_store_idx %parallel_loop3A_1189[%iota3A, %parallel_loop3A_1152], %parallel_loop3A_1016 : memref<32x129xf32, #tpu.memory_space<vmem>>[vector<16xi32>, vector<16xi32>], vector<16xf32>,
        %parallel_loop3A_1190 = arith.constant 32 : i32
        %parallel_loop3A_1191 = arith.constant 0 : i32
        %parallel_loop3A_1192 = tpu.memref_slice %arg9[%parallel_loop3A_1190, %parallel_loop3A_1191] : memref<128x129xf32, #tpu.memory_space<vmem>> -> memref<32x129xf32, #tpu.memory_space<vmem>>
        tpu.vector_store_idx %parallel_loop3A_1192[%add3A_3, %parallel_loop3A_1152], %parallel_loop3A_1096 : memref<32x129xf32, #tpu.memory_space<vmem>>[vector<16xi32>, vector<16xi32>], vector<16xf32>,
        %parallel_loop3A_1193 = arith.constant 32 : i32
        %parallel_loop3A_1194 = arith.constant 0 : i32
        %parallel_loop3A_1195 = tpu.memref_slice %arg9[%parallel_loop3A_1193, %parallel_loop3A_1194] : memref<128x129xf32, #tpu.memory_space<vmem>> -> memref<32x129xf32, #tpu.memory_space<vmem>>
        tpu.vector_store_idx %parallel_loop3A_1195[%iota3A, %parallel_loop3A_1156], %parallel_loop3A_1026 : memref<32x129xf32, #tpu.memory_space<vmem>>[vector<16xi32>, vector<16xi32>], vector<16xf32>,
        %parallel_loop3A_1196 = arith.constant 32 : i32
        %parallel_loop3A_1197 = arith.constant 0 : i32
        %parallel_loop3A_1198 = tpu.memref_slice %arg9[%parallel_loop3A_1196, %parallel_loop3A_1197] : memref<128x129xf32, #tpu.memory_space<vmem>> -> memref<32x129xf32, #tpu.memory_space<vmem>>
        tpu.vector_store_idx %parallel_loop3A_1198[%add3A_3, %parallel_loop3A_1156], %parallel_loop3A_1106 : memref<32x129xf32, #tpu.memory_space<vmem>>[vector<16xi32>, vector<16xi32>], vector<16xf32>,
        %parallel_loop3A_1199 = arith.constant 32 : i32
        %parallel_loop3A_1200 = arith.constant 0 : i32
        %parallel_loop3A_1201 = tpu.memref_slice %arg9[%parallel_loop3A_1199, %parallel_loop3A_1200] : memref<128x129xf32, #tpu.memory_space<vmem>> -> memref<32x129xf32, #tpu.memory_space<vmem>>
        tpu.vector_store_idx %parallel_loop3A_1201[%iota3A, %parallel_loop3A_1160], %parallel_loop3A_1036 : memref<32x129xf32, #tpu.memory_space<vmem>>[vector<16xi32>, vector<16xi32>], vector<16xf32>,
        %parallel_loop3A_1202 = arith.constant 32 : i32
        %parallel_loop3A_1203 = arith.constant 0 : i32
        %parallel_loop3A_1204 = tpu.memref_slice %arg9[%parallel_loop3A_1202, %parallel_loop3A_1203] : memref<128x129xf32, #tpu.memory_space<vmem>> -> memref<32x129xf32, #tpu.memory_space<vmem>>
        tpu.vector_store_idx %parallel_loop3A_1204[%add3A_3, %parallel_loop3A_1160], %parallel_loop3A_1116 : memref<32x129xf32, #tpu.memory_space<vmem>>[vector<16xi32>, vector<16xi32>], vector<16xf32>,
        %parallel_loop3A_1205 = arith.constant 32 : i32
        %parallel_loop3A_1206 = arith.constant 0 : i32
        %parallel_loop3A_1207 = tpu.memref_slice %arg9[%parallel_loop3A_1205, %parallel_loop3A_1206] : memref<128x129xf32, #tpu.memory_space<vmem>> -> memref<32x129xf32, #tpu.memory_space<vmem>>
        tpu.vector_store_idx %parallel_loop3A_1207[%iota3A, %parallel_loop3A_1164], %parallel_loop3A_1046 : memref<32x129xf32, #tpu.memory_space<vmem>>[vector<16xi32>, vector<16xi32>], vector<16xf32>,
        %parallel_loop3A_1208 = arith.constant 32 : i32
        %parallel_loop3A_1209 = arith.constant 0 : i32
        %parallel_loop3A_1210 = tpu.memref_slice %arg9[%parallel_loop3A_1208, %parallel_loop3A_1209] : memref<128x129xf32, #tpu.memory_space<vmem>> -> memref<32x129xf32, #tpu.memory_space<vmem>>
        tpu.vector_store_idx %parallel_loop3A_1210[%add3A_3, %parallel_loop3A_1164], %parallel_loop3A_1126 : memref<32x129xf32, #tpu.memory_space<vmem>>[vector<16xi32>, vector<16xi32>], vector<16xf32>,
        %parallel_loop3A_1211 = arith.constant 32 : i32
        %parallel_loop3A_1212 = arith.constant 0 : i32
        %parallel_loop3A_1213 = tpu.memref_slice %arg9[%parallel_loop3A_1211, %parallel_loop3A_1212] : memref<128x129xf32, #tpu.memory_space<vmem>> -> memref<32x129xf32, #tpu.memory_space<vmem>>
        tpu.vector_store_idx %parallel_loop3A_1213[%iota3A, %parallel_loop3A_1168], %parallel_loop3A_1056 : memref<32x129xf32, #tpu.memory_space<vmem>>[vector<16xi32>, vector<16xi32>], vector<16xf32>,
        %parallel_loop3A_1214 = arith.constant 32 : i32
        %parallel_loop3A_1215 = arith.constant 0 : i32
        %parallel_loop3A_1216 = tpu.memref_slice %arg9[%parallel_loop3A_1214, %parallel_loop3A_1215] : memref<128x129xf32, #tpu.memory_space<vmem>> -> memref<32x129xf32, #tpu.memory_space<vmem>>
        tpu.vector_store_idx %parallel_loop3A_1216[%add3A_3, %parallel_loop3A_1168], %parallel_loop3A_1136 : memref<32x129xf32, #tpu.memory_space<vmem>>[vector<16xi32>, vector<16xi32>], vector<16xf32>,
      } {sc.loop_unroll_factor = 1 : i64, sc.parallel_access}
      %add3A_245 = arith.constant 2 : i32
      %add3A_246 = arith.addi %mul3A_110, %add3A_245 : i32
      %get3A_247 = arith.index_cast %add3A_246 : i32 to index
      %get3A_248 = arith.constant 0 : index
      %get3A_249 = tpu.vector_load %arg11[%get3A_247, %get3A_248] {strides = array<i32>} : memref<200x32xf32, #tpu.memory_space<vmem>>, vector<16xf32>,
      %get3A_250 = arith.index_cast %add3A_246 : i32 to index
      %get3A_251 = arith.constant 16 : index
      %get3A_252 = tpu.vector_load %arg11[%get3A_250, %get3A_251] {strides = array<i32>} : memref<200x32xf32, #tpu.memory_space<vmem>>, vector<16xf32>,
      %parallel_loop3A_253 = arith.constant 0 : i32
      %parallel_loop3A_254 = arith.constant 16 : i32
      %parallel_loop3A_255 = arith.constant 1 : i32
      scf.for %parallel_loop3A_976 = %parallel_loop3A_253 to %parallel_loop3A_254 step %parallel_loop3A_255  : i32 {
        %parallel_loop3A_977 = arith.constant 8 : i32
        %parallel_loop3A_978 = arith.muli %parallel_loop3A_976, %parallel_loop3A_977 : i32
        %parallel_loop3A_979 = arith.constant 256 : i32
        %parallel_loop3A_980 = arith.addi %parallel_loop3A_979, %parallel_loop3A_978 : i32
        %parallel_loop3A_981 = arith.constant 0 : i32
        %parallel_loop3A_982 = arith.addi %parallel_loop3A_980, %parallel_loop3A_981 : i32
        %parallel_loop3A_983 = arith.index_cast %parallel_loop3A_982 : i32 to index
        %parallel_loop3A_984 = arith.constant 0 : index
        %parallel_loop3A_985 = tpu.vector_load %arg7[%parallel_loop3A_983, %parallel_loop3A_984] {strides = array<i32>} : memref<512x32xf32, #tpu.memory_space<vmem>>, vector<16xf32>,
        %parallel_loop3A_986 = arith.addf %parallel_loop3A_985, %get3A_249 : vector<16xf32>
        %parallel_loop3A_987 = arith.constant 8 : i32
        %parallel_loop3A_988 = arith.muli %parallel_loop3A_976, %parallel_loop3A_987 : i32
        %parallel_loop3A_989 = arith.constant 256 : i32
        %parallel_loop3A_990 = arith.addi %parallel_loop3A_989, %parallel_loop3A_988 : i32
        %parallel_loop3A_991 = arith.constant 1 : i32
        %parallel_loop3A_992 = arith.addi %parallel_loop3A_990, %parallel_loop3A_991 : i32
        %parallel_loop3A_993 = arith.index_cast %parallel_loop3A_992 : i32 to index
        %parallel_loop3A_994 = arith.constant 0 : index
        %parallel_loop3A_995 = tpu.vector_load %arg7[%parallel_loop3A_993, %parallel_loop3A_994] {strides = array<i32>} : memref<512x32xf32, #tpu.memory_space<vmem>>, vector<16xf32>,
        %parallel_loop3A_996 = arith.addf %parallel_loop3A_995, %get3A_249 : vector<16xf32>
        %parallel_loop3A_997 = arith.constant 8 : i32
        %parallel_loop3A_998 = arith.muli %parallel_loop3A_976, %parallel_loop3A_997 : i32
        %parallel_loop3A_999 = arith.constant 256 : i32
        %parallel_loop3A_1000 = arith.addi %parallel_loop3A_999, %parallel_loop3A_998 : i32
        %parallel_loop3A_1001 = arith.constant 2 : i32
        %parallel_loop3A_1002 = arith.addi %parallel_loop3A_1000, %parallel_loop3A_1001 : i32
        %parallel_loop3A_1003 = arith.index_cast %parallel_loop3A_1002 : i32 to index
        %parallel_loop3A_1004 = arith.constant 0 : index
        %parallel_loop3A_1005 = tpu.vector_load %arg7[%parallel_loop3A_1003, %parallel_loop3A_1004] {strides = array<i32>} : memref<512x32xf32, #tpu.memory_space<vmem>>, vector<16xf32>,
        %parallel_loop3A_1006 = arith.addf %parallel_loop3A_1005, %get3A_249 : vector<16xf32>
        %parallel_loop3A_1007 = arith.constant 8 : i32
        %parallel_loop3A_1008 = arith.muli %parallel_loop3A_976, %parallel_loop3A_1007 : i32
        %parallel_loop3A_1009 = arith.constant 256 : i32
        %parallel_loop3A_1010 = arith.addi %parallel_loop3A_1009, %parallel_loop3A_1008 : i32
        %parallel_loop3A_1011 = arith.constant 3 : i32
        %parallel_loop3A_1012 = arith.addi %parallel_loop3A_1010, %parallel_loop3A_1011 : i32
        %parallel_loop3A_1013 = arith.index_cast %parallel_loop3A_1012 : i32 to index
        %parallel_loop3A_1014 = arith.constant 0 : index
        %parallel_loop3A_1015 = tpu.vector_load %arg7[%parallel_loop3A_1013, %parallel_loop3A_1014] {strides = array<i32>} : memref<512x32xf32, #tpu.memory_space<vmem>>, vector<16xf32>,
        %parallel_loop3A_1016 = arith.addf %parallel_loop3A_1015, %get3A_249 : vector<16xf32>
        %parallel_loop3A_1017 = arith.constant 8 : i32
        %parallel_loop3A_1018 = arith.muli %parallel_loop3A_976, %parallel_loop3A_1017 : i32
        %parallel_loop3A_1019 = arith.constant 256 : i32
        %parallel_loop3A_1020 = arith.addi %parallel_loop3A_1019, %parallel_loop3A_1018 : i32
        %parallel_loop3A_1021 = arith.constant 4 : i32
        %parallel_loop3A_1022 = arith.addi %parallel_loop3A_1020, %parallel_loop3A_1021 : i32
        %parallel_loop3A_1023 = arith.index_cast %parallel_loop3A_1022 : i32 to index
        %parallel_loop3A_1024 = arith.constant 0 : index
        %parallel_loop3A_1025 = tpu.vector_load %arg7[%parallel_loop3A_1023, %parallel_loop3A_1024] {strides = array<i32>} : memref<512x32xf32, #tpu.memory_space<vmem>>, vector<16xf32>,
        %parallel_loop3A_1026 = arith.addf %parallel_loop3A_1025, %get3A_249 : vector<16xf32>
        %parallel_loop3A_1027 = arith.constant 8 : i32
        %parallel_loop3A_1028 = arith.muli %parallel_loop3A_976, %parallel_loop3A_1027 : i32
        %parallel_loop3A_1029 = arith.constant 256 : i32
        %parallel_loop3A_1030 = arith.addi %parallel_loop3A_1029, %parallel_loop3A_1028 : i32
        %parallel_loop3A_1031 = arith.constant 5 : i32
        %parallel_loop3A_1032 = arith.addi %parallel_loop3A_1030, %parallel_loop3A_1031 : i32
        %parallel_loop3A_1033 = arith.index_cast %parallel_loop3A_1032 : i32 to index
        %parallel_loop3A_1034 = arith.constant 0 : index
        %parallel_loop3A_1035 = tpu.vector_load %arg7[%parallel_loop3A_1033, %parallel_loop3A_1034] {strides = array<i32>} : memref<512x32xf32, #tpu.memory_space<vmem>>, vector<16xf32>,
        %parallel_loop3A_1036 = arith.addf %parallel_loop3A_1035, %get3A_249 : vector<16xf32>
        %parallel_loop3A_1037 = arith.constant 8 : i32
        %parallel_loop3A_1038 = arith.muli %parallel_loop3A_976, %parallel_loop3A_1037 : i32
        %parallel_loop3A_1039 = arith.constant 256 : i32
        %parallel_loop3A_1040 = arith.addi %parallel_loop3A_1039, %parallel_loop3A_1038 : i32
        %parallel_loop3A_1041 = arith.constant 6 : i32
        %parallel_loop3A_1042 = arith.addi %parallel_loop3A_1040, %parallel_loop3A_1041 : i32
        %parallel_loop3A_1043 = arith.index_cast %parallel_loop3A_1042 : i32 to index
        %parallel_loop3A_1044 = arith.constant 0 : index
        %parallel_loop3A_1045 = tpu.vector_load %arg7[%parallel_loop3A_1043, %parallel_loop3A_1044] {strides = array<i32>} : memref<512x32xf32, #tpu.memory_space<vmem>>, vector<16xf32>,
        %parallel_loop3A_1046 = arith.addf %parallel_loop3A_1045, %get3A_249 : vector<16xf32>
        %parallel_loop3A_1047 = arith.constant 8 : i32
        %parallel_loop3A_1048 = arith.muli %parallel_loop3A_976, %parallel_loop3A_1047 : i32
        %parallel_loop3A_1049 = arith.constant 256 : i32
        %parallel_loop3A_1050 = arith.addi %parallel_loop3A_1049, %parallel_loop3A_1048 : i32
        %parallel_loop3A_1051 = arith.constant 7 : i32
        %parallel_loop3A_1052 = arith.addi %parallel_loop3A_1050, %parallel_loop3A_1051 : i32
        %parallel_loop3A_1053 = arith.index_cast %parallel_loop3A_1052 : i32 to index
        %parallel_loop3A_1054 = arith.constant 0 : index
        %parallel_loop3A_1055 = tpu.vector_load %arg7[%parallel_loop3A_1053, %parallel_loop3A_1054] {strides = array<i32>} : memref<512x32xf32, #tpu.memory_space<vmem>>, vector<16xf32>,
        %parallel_loop3A_1056 = arith.addf %parallel_loop3A_1055, %get3A_249 : vector<16xf32>
        %parallel_loop3A_1057 = arith.constant 8 : i32
        %parallel_loop3A_1058 = arith.muli %parallel_loop3A_976, %parallel_loop3A_1057 : i32
        %parallel_loop3A_1059 = arith.constant 256 : i32
        %parallel_loop3A_1060 = arith.addi %parallel_loop3A_1059, %parallel_loop3A_1058 : i32
        %parallel_loop3A_1061 = arith.constant 0 : i32
        %parallel_loop3A_1062 = arith.addi %parallel_loop3A_1060, %parallel_loop3A_1061 : i32
        %parallel_loop3A_1063 = arith.index_cast %parallel_loop3A_1062 : i32 to index
        %parallel_loop3A_1064 = arith.constant 16 : index
        %parallel_loop3A_1065 = tpu.vector_load %arg7[%parallel_loop3A_1063, %parallel_loop3A_1064] {strides = array<i32>} : memref<512x32xf32, #tpu.memory_space<vmem>>, vector<16xf32>,
        %parallel_loop3A_1066 = arith.addf %parallel_loop3A_1065, %get3A_252 : vector<16xf32>
        %parallel_loop3A_1067 = arith.constant 8 : i32
        %parallel_loop3A_1068 = arith.muli %parallel_loop3A_976, %parallel_loop3A_1067 : i32
        %parallel_loop3A_1069 = arith.constant 256 : i32
        %parallel_loop3A_1070 = arith.addi %parallel_loop3A_1069, %parallel_loop3A_1068 : i32
        %parallel_loop3A_1071 = arith.constant 1 : i32
        %parallel_loop3A_1072 = arith.addi %parallel_loop3A_1070, %parallel_loop3A_1071 : i32
        %parallel_loop3A_1073 = arith.index_cast %parallel_loop3A_1072 : i32 to index
        %parallel_loop3A_1074 = arith.constant 16 : index
        %parallel_loop3A_1075 = tpu.vector_load %arg7[%parallel_loop3A_1073, %parallel_loop3A_1074] {strides = array<i32>} : memref<512x32xf32, #tpu.memory_space<vmem>>, vector<16xf32>,
        %parallel_loop3A_1076 = arith.addf %parallel_loop3A_1075, %get3A_252 : vector<16xf32>
        %parallel_loop3A_1077 = arith.constant 8 : i32
        %parallel_loop3A_1078 = arith.muli %parallel_loop3A_976, %parallel_loop3A_1077 : i32
        %parallel_loop3A_1079 = arith.constant 256 : i32
        %parallel_loop3A_1080 = arith.addi %parallel_loop3A_1079, %parallel_loop3A_1078 : i32
        %parallel_loop3A_1081 = arith.constant 2 : i32
        %parallel_loop3A_1082 = arith.addi %parallel_loop3A_1080, %parallel_loop3A_1081 : i32
        %parallel_loop3A_1083 = arith.index_cast %parallel_loop3A_1082 : i32 to index
        %parallel_loop3A_1084 = arith.constant 16 : index
        %parallel_loop3A_1085 = tpu.vector_load %arg7[%parallel_loop3A_1083, %parallel_loop3A_1084] {strides = array<i32>} : memref<512x32xf32, #tpu.memory_space<vmem>>, vector<16xf32>,
        %parallel_loop3A_1086 = arith.addf %parallel_loop3A_1085, %get3A_252 : vector<16xf32>
        %parallel_loop3A_1087 = arith.constant 8 : i32
        %parallel_loop3A_1088 = arith.muli %parallel_loop3A_976, %parallel_loop3A_1087 : i32
        %parallel_loop3A_1089 = arith.constant 256 : i32
        %parallel_loop3A_1090 = arith.addi %parallel_loop3A_1089, %parallel_loop3A_1088 : i32
        %parallel_loop3A_1091 = arith.constant 3 : i32
        %parallel_loop3A_1092 = arith.addi %parallel_loop3A_1090, %parallel_loop3A_1091 : i32
        %parallel_loop3A_1093 = arith.index_cast %parallel_loop3A_1092 : i32 to index
        %parallel_loop3A_1094 = arith.constant 16 : index
        %parallel_loop3A_1095 = tpu.vector_load %arg7[%parallel_loop3A_1093, %parallel_loop3A_1094] {strides = array<i32>} : memref<512x32xf32, #tpu.memory_space<vmem>>, vector<16xf32>,
        %parallel_loop3A_1096 = arith.addf %parallel_loop3A_1095, %get3A_252 : vector<16xf32>
        %parallel_loop3A_1097 = arith.constant 8 : i32
        %parallel_loop3A_1098 = arith.muli %parallel_loop3A_976, %parallel_loop3A_1097 : i32
        %parallel_loop3A_1099 = arith.constant 256 : i32
        %parallel_loop3A_1100 = arith.addi %parallel_loop3A_1099, %parallel_loop3A_1098 : i32
        %parallel_loop3A_1101 = arith.constant 4 : i32
        %parallel_loop3A_1102 = arith.addi %parallel_loop3A_1100, %parallel_loop3A_1101 : i32
        %parallel_loop3A_1103 = arith.index_cast %parallel_loop3A_1102 : i32 to index
        %parallel_loop3A_1104 = arith.constant 16 : index
        %parallel_loop3A_1105 = tpu.vector_load %arg7[%parallel_loop3A_1103, %parallel_loop3A_1104] {strides = array<i32>} : memref<512x32xf32, #tpu.memory_space<vmem>>, vector<16xf32>,
        %parallel_loop3A_1106 = arith.addf %parallel_loop3A_1105, %get3A_252 : vector<16xf32>
        %parallel_loop3A_1107 = arith.constant 8 : i32
        %parallel_loop3A_1108 = arith.muli %parallel_loop3A_976, %parallel_loop3A_1107 : i32
        %parallel_loop3A_1109 = arith.constant 256 : i32
        %parallel_loop3A_1110 = arith.addi %parallel_loop3A_1109, %parallel_loop3A_1108 : i32
        %parallel_loop3A_1111 = arith.constant 5 : i32
        %parallel_loop3A_1112 = arith.addi %parallel_loop3A_1110, %parallel_loop3A_1111 : i32
        %parallel_loop3A_1113 = arith.index_cast %parallel_loop3A_1112 : i32 to index
        %parallel_loop3A_1114 = arith.constant 16 : index
        %parallel_loop3A_1115 = tpu.vector_load %arg7[%parallel_loop3A_1113, %parallel_loop3A_1114] {strides = array<i32>} : memref<512x32xf32, #tpu.memory_space<vmem>>, vector<16xf32>,
        %parallel_loop3A_1116 = arith.addf %parallel_loop3A_1115, %get3A_252 : vector<16xf32>
        %parallel_loop3A_1117 = arith.constant 8 : i32
        %parallel_loop3A_1118 = arith.muli %parallel_loop3A_976, %parallel_loop3A_1117 : i32
        %parallel_loop3A_1119 = arith.constant 256 : i32
        %parallel_loop3A_1120 = arith.addi %parallel_loop3A_1119, %parallel_loop3A_1118 : i32
        %parallel_loop3A_1121 = arith.constant 6 : i32
        %parallel_loop3A_1122 = arith.addi %parallel_loop3A_1120, %parallel_loop3A_1121 : i32
        %parallel_loop3A_1123 = arith.index_cast %parallel_loop3A_1122 : i32 to index
        %parallel_loop3A_1124 = arith.constant 16 : index
        %parallel_loop3A_1125 = tpu.vector_load %arg7[%parallel_loop3A_1123, %parallel_loop3A_1124] {strides = array<i32>} : memref<512x32xf32, #tpu.memory_space<vmem>>, vector<16xf32>,
        %parallel_loop3A_1126 = arith.addf %parallel_loop3A_1125, %get3A_252 : vector<16xf32>
        %parallel_loop3A_1127 = arith.constant 8 : i32
        %parallel_loop3A_1128 = arith.muli %parallel_loop3A_976, %parallel_loop3A_1127 : i32
        %parallel_loop3A_1129 = arith.constant 256 : i32
        %parallel_loop3A_1130 = arith.addi %parallel_loop3A_1129, %parallel_loop3A_1128 : i32
        %parallel_loop3A_1131 = arith.constant 7 : i32
        %parallel_loop3A_1132 = arith.addi %parallel_loop3A_1130, %parallel_loop3A_1131 : i32
        %parallel_loop3A_1133 = arith.index_cast %parallel_loop3A_1132 : i32 to index
        %parallel_loop3A_1134 = arith.constant 16 : index
        %parallel_loop3A_1135 = tpu.vector_load %arg7[%parallel_loop3A_1133, %parallel_loop3A_1134] {strides = array<i32>} : memref<512x32xf32, #tpu.memory_space<vmem>>, vector<16xf32>,
        %parallel_loop3A_1136 = arith.addf %parallel_loop3A_1135, %get3A_252 : vector<16xf32>
        %parallel_loop3A_1137 = arith.constant 8 : i32
        %parallel_loop3A_1138 = arith.muli %parallel_loop3A_976, %parallel_loop3A_1137 : i32
        %parallel_loop3A_1139 = vector.broadcast %parallel_loop3A_1138 : i32 to vector<16xi32>
        %parallel_loop3A_1140 = arith.addi %broadcast_in_dim3A_4, %parallel_loop3A_1139 : vector<16xi32>
        %parallel_loop3A_1141 = arith.constant 8 : i32
        %parallel_loop3A_1142 = arith.muli %parallel_loop3A_976, %parallel_loop3A_1141 : i32
        %parallel_loop3A_1143 = vector.broadcast %parallel_loop3A_1142 : i32 to vector<16xi32>
        %parallel_loop3A_1144 = arith.addi %broadcast_in_dim3A_6, %parallel_loop3A_1143 : vector<16xi32>
        %parallel_loop3A_1145 = arith.constant 8 : i32
        %parallel_loop3A_1146 = arith.muli %parallel_loop3A_976, %parallel_loop3A_1145 : i32
        %parallel_loop3A_1147 = vector.broadcast %parallel_loop3A_1146 : i32 to vector<16xi32>
        %parallel_loop3A_1148 = arith.addi %broadcast_in_dim3A_8, %parallel_loop3A_1147 : vector<16xi32>
        %parallel_loop3A_1149 = arith.constant 8 : i32
        %parallel_loop3A_1150 = arith.muli %parallel_loop3A_976, %parallel_loop3A_1149 : i32
        %parallel_loop3A_1151 = vector.broadcast %parallel_loop3A_1150 : i32 to vector<16xi32>
        %parallel_loop3A_1152 = arith.addi %broadcast_in_dim3A_10, %parallel_loop3A_1151 : vector<16xi32>
        %parallel_loop3A_1153 = arith.constant 8 : i32
        %parallel_loop3A_1154 = arith.muli %parallel_loop3A_976, %parallel_loop3A_1153 : i32
        %parallel_loop3A_1155 = vector.broadcast %parallel_loop3A_1154 : i32 to vector<16xi32>
        %parallel_loop3A_1156 = arith.addi %broadcast_in_dim3A_12, %parallel_loop3A_1155 : vector<16xi32>
        %parallel_loop3A_1157 = arith.constant 8 : i32
        %parallel_loop3A_1158 = arith.muli %parallel_loop3A_976, %parallel_loop3A_1157 : i32
        %parallel_loop3A_1159 = vector.broadcast %parallel_loop3A_1158 : i32 to vector<16xi32>
        %parallel_loop3A_1160 = arith.addi %broadcast_in_dim3A_14, %parallel_loop3A_1159 : vector<16xi32>
        %parallel_loop3A_1161 = arith.constant 8 : i32
        %parallel_loop3A_1162 = arith.muli %parallel_loop3A_976, %parallel_loop3A_1161 : i32
        %parallel_loop3A_1163 = vector.broadcast %parallel_loop3A_1162 : i32 to vector<16xi32>
        %parallel_loop3A_1164 = arith.addi %broadcast_in_dim3A_16, %parallel_loop3A_1163 : vector<16xi32>
        %parallel_loop3A_1165 = arith.constant 8 : i32
        %parallel_loop3A_1166 = arith.muli %parallel_loop3A_976, %parallel_loop3A_1165 : i32
        %parallel_loop3A_1167 = vector.broadcast %parallel_loop3A_1166 : i32 to vector<16xi32>
        %parallel_loop3A_1168 = arith.addi %broadcast_in_dim3A_18, %parallel_loop3A_1167 : vector<16xi32>
        %parallel_loop3A_1169 = arith.constant 64 : i32
        %parallel_loop3A_1170 = arith.constant 0 : i32
        %parallel_loop3A_1171 = tpu.memref_slice %arg9[%parallel_loop3A_1169, %parallel_loop3A_1170] : memref<128x129xf32, #tpu.memory_space<vmem>> -> memref<32x129xf32, #tpu.memory_space<vmem>>
        tpu.vector_store_idx %parallel_loop3A_1171[%iota3A, %parallel_loop3A_1140], %parallel_loop3A_986 : memref<32x129xf32, #tpu.memory_space<vmem>>[vector<16xi32>, vector<16xi32>], vector<16xf32>,
        %parallel_loop3A_1172 = arith.constant 64 : i32
        %parallel_loop3A_1173 = arith.constant 0 : i32
        %parallel_loop3A_1174 = tpu.memref_slice %arg9[%parallel_loop3A_1172, %parallel_loop3A_1173] : memref<128x129xf32, #tpu.memory_space<vmem>> -> memref<32x129xf32, #tpu.memory_space<vmem>>
        tpu.vector_store_idx %parallel_loop3A_1174[%add3A_3, %parallel_loop3A_1140], %parallel_loop3A_1066 : memref<32x129xf32, #tpu.memory_space<vmem>>[vector<16xi32>, vector<16xi32>], vector<16xf32>,
        %parallel_loop3A_1175 = arith.constant 64 : i32
        %parallel_loop3A_1176 = arith.constant 0 : i32
        %parallel_loop3A_1177 = tpu.memref_slice %arg9[%parallel_loop3A_1175, %parallel_loop3A_1176] : memref<128x129xf32, #tpu.memory_space<vmem>> -> memref<32x129xf32, #tpu.memory_space<vmem>>
        tpu.vector_store_idx %parallel_loop3A_1177[%iota3A, %parallel_loop3A_1144], %parallel_loop3A_996 : memref<32x129xf32, #tpu.memory_space<vmem>>[vector<16xi32>, vector<16xi32>], vector<16xf32>,
        %parallel_loop3A_1178 = arith.constant 64 : i32
        %parallel_loop3A_1179 = arith.constant 0 : i32
        %parallel_loop3A_1180 = tpu.memref_slice %arg9[%parallel_loop3A_1178, %parallel_loop3A_1179] : memref<128x129xf32, #tpu.memory_space<vmem>> -> memref<32x129xf32, #tpu.memory_space<vmem>>
        tpu.vector_store_idx %parallel_loop3A_1180[%add3A_3, %parallel_loop3A_1144], %parallel_loop3A_1076 : memref<32x129xf32, #tpu.memory_space<vmem>>[vector<16xi32>, vector<16xi32>], vector<16xf32>,
        %parallel_loop3A_1181 = arith.constant 64 : i32
        %parallel_loop3A_1182 = arith.constant 0 : i32
        %parallel_loop3A_1183 = tpu.memref_slice %arg9[%parallel_loop3A_1181, %parallel_loop3A_1182] : memref<128x129xf32, #tpu.memory_space<vmem>> -> memref<32x129xf32, #tpu.memory_space<vmem>>
        tpu.vector_store_idx %parallel_loop3A_1183[%iota3A, %parallel_loop3A_1148], %parallel_loop3A_1006 : memref<32x129xf32, #tpu.memory_space<vmem>>[vector<16xi32>, vector<16xi32>], vector<16xf32>,
        %parallel_loop3A_1184 = arith.constant 64 : i32
        %parallel_loop3A_1185 = arith.constant 0 : i32
        %parallel_loop3A_1186 = tpu.memref_slice %arg9[%parallel_loop3A_1184, %parallel_loop3A_1185] : memref<128x129xf32, #tpu.memory_space<vmem>> -> memref<32x129xf32, #tpu.memory_space<vmem>>
        tpu.vector_store_idx %parallel_loop3A_1186[%add3A_3, %parallel_loop3A_1148], %parallel_loop3A_1086 : memref<32x129xf32, #tpu.memory_space<vmem>>[vector<16xi32>, vector<16xi32>], vector<16xf32>,
        %parallel_loop3A_1187 = arith.constant 64 : i32
        %parallel_loop3A_1188 = arith.constant 0 : i32
        %parallel_loop3A_1189 = tpu.memref_slice %arg9[%parallel_loop3A_1187, %parallel_loop3A_1188] : memref<128x129xf32, #tpu.memory_space<vmem>> -> memref<32x129xf32, #tpu.memory_space<vmem>>
        tpu.vector_store_idx %parallel_loop3A_1189[%iota3A, %parallel_loop3A_1152], %parallel_loop3A_1016 : memref<32x129xf32, #tpu.memory_space<vmem>>[vector<16xi32>, vector<16xi32>], vector<16xf32>,
        %parallel_loop3A_1190 = arith.constant 64 : i32
        %parallel_loop3A_1191 = arith.constant 0 : i32
        %parallel_loop3A_1192 = tpu.memref_slice %arg9[%parallel_loop3A_1190, %parallel_loop3A_1191] : memref<128x129xf32, #tpu.memory_space<vmem>> -> memref<32x129xf32, #tpu.memory_space<vmem>>
        tpu.vector_store_idx %parallel_loop3A_1192[%add3A_3, %parallel_loop3A_1152], %parallel_loop3A_1096 : memref<32x129xf32, #tpu.memory_space<vmem>>[vector<16xi32>, vector<16xi32>], vector<16xf32>,
        %parallel_loop3A_1193 = arith.constant 64 : i32
        %parallel_loop3A_1194 = arith.constant 0 : i32
        %parallel_loop3A_1195 = tpu.memref_slice %arg9[%parallel_loop3A_1193, %parallel_loop3A_1194] : memref<128x129xf32, #tpu.memory_space<vmem>> -> memref<32x129xf32, #tpu.memory_space<vmem>>
        tpu.vector_store_idx %parallel_loop3A_1195[%iota3A, %parallel_loop3A_1156], %parallel_loop3A_1026 : memref<32x129xf32, #tpu.memory_space<vmem>>[vector<16xi32>, vector<16xi32>], vector<16xf32>,
        %parallel_loop3A_1196 = arith.constant 64 : i32
        %parallel_loop3A_1197 = arith.constant 0 : i32
        %parallel_loop3A_1198 = tpu.memref_slice %arg9[%parallel_loop3A_1196, %parallel_loop3A_1197] : memref<128x129xf32, #tpu.memory_space<vmem>> -> memref<32x129xf32, #tpu.memory_space<vmem>>
        tpu.vector_store_idx %parallel_loop3A_1198[%add3A_3, %parallel_loop3A_1156], %parallel_loop3A_1106 : memref<32x129xf32, #tpu.memory_space<vmem>>[vector<16xi32>, vector<16xi32>], vector<16xf32>,
        %parallel_loop3A_1199 = arith.constant 64 : i32
        %parallel_loop3A_1200 = arith.constant 0 : i32
        %parallel_loop3A_1201 = tpu.memref_slice %arg9[%parallel_loop3A_1199, %parallel_loop3A_1200] : memref<128x129xf32, #tpu.memory_space<vmem>> -> memref<32x129xf32, #tpu.memory_space<vmem>>
        tpu.vector_store_idx %parallel_loop3A_1201[%iota3A, %parallel_loop3A_1160], %parallel_loop3A_1036 : memref<32x129xf32, #tpu.memory_space<vmem>>[vector<16xi32>, vector<16xi32>], vector<16xf32>,
        %parallel_loop3A_1202 = arith.constant 64 : i32
        %parallel_loop3A_1203 = arith.constant 0 : i32
        %parallel_loop3A_1204 = tpu.memref_slice %arg9[%parallel_loop3A_1202, %parallel_loop3A_1203] : memref<128x129xf32, #tpu.memory_space<vmem>> -> memref<32x129xf32, #tpu.memory_space<vmem>>
        tpu.vector_store_idx %parallel_loop3A_1204[%add3A_3, %parallel_loop3A_1160], %parallel_loop3A_1116 : memref<32x129xf32, #tpu.memory_space<vmem>>[vector<16xi32>, vector<16xi32>], vector<16xf32>,
        %parallel_loop3A_1205 = arith.constant 64 : i32
        %parallel_loop3A_1206 = arith.constant 0 : i32
        %parallel_loop3A_1207 = tpu.memref_slice %arg9[%parallel_loop3A_1205, %parallel_loop3A_1206] : memref<128x129xf32, #tpu.memory_space<vmem>> -> memref<32x129xf32, #tpu.memory_space<vmem>>
        tpu.vector_store_idx %parallel_loop3A_1207[%iota3A, %parallel_loop3A_1164], %parallel_loop3A_1046 : memref<32x129xf32, #tpu.memory_space<vmem>>[vector<16xi32>, vector<16xi32>], vector<16xf32>,
        %parallel_loop3A_1208 = arith.constant 64 : i32
        %parallel_loop3A_1209 = arith.constant 0 : i32
        %parallel_loop3A_1210 = tpu.memref_slice %arg9[%parallel_loop3A_1208, %parallel_loop3A_1209] : memref<128x129xf32, #tpu.memory_space<vmem>> -> memref<32x129xf32, #tpu.memory_space<vmem>>
        tpu.vector_store_idx %parallel_loop3A_1210[%add3A_3, %parallel_loop3A_1164], %parallel_loop3A_1126 : memref<32x129xf32, #tpu.memory_space<vmem>>[vector<16xi32>, vector<16xi32>], vector<16xf32>,
        %parallel_loop3A_1211 = arith.constant 64 : i32
        %parallel_loop3A_1212 = arith.constant 0 : i32
        %parallel_loop3A_1213 = tpu.memref_slice %arg9[%parallel_loop3A_1211, %parallel_loop3A_1212] : memref<128x129xf32, #tpu.memory_space<vmem>> -> memref<32x129xf32, #tpu.memory_space<vmem>>
        tpu.vector_store_idx %parallel_loop3A_1213[%iota3A, %parallel_loop3A_1168], %parallel_loop3A_1056 : memref<32x129xf32, #tpu.memory_space<vmem>>[vector<16xi32>, vector<16xi32>], vector<16xf32>,
        %parallel_loop3A_1214 = arith.constant 64 : i32
        %parallel_loop3A_1215 = arith.constant 0 : i32
        %parallel_loop3A_1216 = tpu.memref_slice %arg9[%parallel_loop3A_1214, %parallel_loop3A_1215] : memref<128x129xf32, #tpu.memory_space<vmem>> -> memref<32x129xf32, #tpu.memory_space<vmem>>
        tpu.vector_store_idx %parallel_loop3A_1216[%add3A_3, %parallel_loop3A_1168], %parallel_loop3A_1136 : memref<32x129xf32, #tpu.memory_space<vmem>>[vector<16xi32>, vector<16xi32>], vector<16xf32>,
      } {sc.loop_unroll_factor = 1 : i64, sc.parallel_access}
      %add3A_256 = arith.constant 3 : i32
      %add3A_257 = arith.addi %mul3A_110, %add3A_256 : i32
      %get3A_258 = arith.index_cast %add3A_257 : i32 to index
      %get3A_259 = arith.constant 0 : index
      %get3A_260 = tpu.vector_load %arg11[%get3A_258, %get3A_259] {strides = array<i32>} : memref<200x32xf32, #tpu.memory_space<vmem>>, vector<16xf32>,
      %get3A_261 = arith.index_cast %add3A_257 : i32 to index
      %get3A_262 = arith.constant 16 : index
      %get3A_263 = tpu.vector_load %arg11[%get3A_261, %get3A_262] {strides = array<i32>} : memref<200x32xf32, #tpu.memory_space<vmem>>, vector<16xf32>,
      %parallel_loop3A_264 = arith.constant 0 : i32
      %parallel_loop3A_265 = arith.constant 16 : i32
      %parallel_loop3A_266 = arith.constant 1 : i32
      scf.for %parallel_loop3A_976 = %parallel_loop3A_264 to %parallel_loop3A_265 step %parallel_loop3A_266  : i32 {
        %parallel_loop3A_977 = arith.constant 8 : i32
        %parallel_loop3A_978 = arith.muli %parallel_loop3A_976, %parallel_loop3A_977 : i32
        %parallel_loop3A_979 = arith.constant 384 : i32
        %parallel_loop3A_980 = arith.addi %parallel_loop3A_979, %parallel_loop3A_978 : i32
        %parallel_loop3A_981 = arith.constant 0 : i32
        %parallel_loop3A_982 = arith.addi %parallel_loop3A_980, %parallel_loop3A_981 : i32
        %parallel_loop3A_983 = arith.index_cast %parallel_loop3A_982 : i32 to index
        %parallel_loop3A_984 = arith.constant 0 : index
        %parallel_loop3A_985 = tpu.vector_load %arg7[%parallel_loop3A_983, %parallel_loop3A_984] {strides = array<i32>} : memref<512x32xf32, #tpu.memory_space<vmem>>, vector<16xf32>,
        %parallel_loop3A_986 = arith.addf %parallel_loop3A_985, %get3A_260 : vector<16xf32>
        %parallel_loop3A_987 = arith.constant 8 : i32
        %parallel_loop3A_988 = arith.muli %parallel_loop3A_976, %parallel_loop3A_987 : i32
        %parallel_loop3A_989 = arith.constant 384 : i32
        %parallel_loop3A_990 = arith.addi %parallel_loop3A_989, %parallel_loop3A_988 : i32
        %parallel_loop3A_991 = arith.constant 1 : i32
        %parallel_loop3A_992 = arith.addi %parallel_loop3A_990, %parallel_loop3A_991 : i32
        %parallel_loop3A_993 = arith.index_cast %parallel_loop3A_992 : i32 to index
        %parallel_loop3A_994 = arith.constant 0 : index
        %parallel_loop3A_995 = tpu.vector_load %arg7[%parallel_loop3A_993, %parallel_loop3A_994] {strides = array<i32>} : memref<512x32xf32, #tpu.memory_space<vmem>>, vector<16xf32>,
        %parallel_loop3A_996 = arith.addf %parallel_loop3A_995, %get3A_260 : vector<16xf32>
        %parallel_loop3A_997 = arith.constant 8 : i32
        %parallel_loop3A_998 = arith.muli %parallel_loop3A_976, %parallel_loop3A_997 : i32
        %parallel_loop3A_999 = arith.constant 384 : i32
        %parallel_loop3A_1000 = arith.addi %parallel_loop3A_999, %parallel_loop3A_998 : i32
        %parallel_loop3A_1001 = arith.constant 2 : i32
        %parallel_loop3A_1002 = arith.addi %parallel_loop3A_1000, %parallel_loop3A_1001 : i32
        %parallel_loop3A_1003 = arith.index_cast %parallel_loop3A_1002 : i32 to index
        %parallel_loop3A_1004 = arith.constant 0 : index
        %parallel_loop3A_1005 = tpu.vector_load %arg7[%parallel_loop3A_1003, %parallel_loop3A_1004] {strides = array<i32>} : memref<512x32xf32, #tpu.memory_space<vmem>>, vector<16xf32>,
        %parallel_loop3A_1006 = arith.addf %parallel_loop3A_1005, %get3A_260 : vector<16xf32>
        %parallel_loop3A_1007 = arith.constant 8 : i32
        %parallel_loop3A_1008 = arith.muli %parallel_loop3A_976, %parallel_loop3A_1007 : i32
        %parallel_loop3A_1009 = arith.constant 384 : i32
        %parallel_loop3A_1010 = arith.addi %parallel_loop3A_1009, %parallel_loop3A_1008 : i32
        %parallel_loop3A_1011 = arith.constant 3 : i32
        %parallel_loop3A_1012 = arith.addi %parallel_loop3A_1010, %parallel_loop3A_1011 : i32
        %parallel_loop3A_1013 = arith.index_cast %parallel_loop3A_1012 : i32 to index
        %parallel_loop3A_1014 = arith.constant 0 : index
        %parallel_loop3A_1015 = tpu.vector_load %arg7[%parallel_loop3A_1013, %parallel_loop3A_1014] {strides = array<i32>} : memref<512x32xf32, #tpu.memory_space<vmem>>, vector<16xf32>,
        %parallel_loop3A_1016 = arith.addf %parallel_loop3A_1015, %get3A_260 : vector<16xf32>
        %parallel_loop3A_1017 = arith.constant 8 : i32
        %parallel_loop3A_1018 = arith.muli %parallel_loop3A_976, %parallel_loop3A_1017 : i32
        %parallel_loop3A_1019 = arith.constant 384 : i32
        %parallel_loop3A_1020 = arith.addi %parallel_loop3A_1019, %parallel_loop3A_1018 : i32
        %parallel_loop3A_1021 = arith.constant 4 : i32
        %parallel_loop3A_1022 = arith.addi %parallel_loop3A_1020, %parallel_loop3A_1021 : i32
        %parallel_loop3A_1023 = arith.index_cast %parallel_loop3A_1022 : i32 to index
        %parallel_loop3A_1024 = arith.constant 0 : index
        %parallel_loop3A_1025 = tpu.vector_load %arg7[%parallel_loop3A_1023, %parallel_loop3A_1024] {strides = array<i32>} : memref<512x32xf32, #tpu.memory_space<vmem>>, vector<16xf32>,
        %parallel_loop3A_1026 = arith.addf %parallel_loop3A_1025, %get3A_260 : vector<16xf32>
        %parallel_loop3A_1027 = arith.constant 8 : i32
        %parallel_loop3A_1028 = arith.muli %parallel_loop3A_976, %parallel_loop3A_1027 : i32
        %parallel_loop3A_1029 = arith.constant 384 : i32
        %parallel_loop3A_1030 = arith.addi %parallel_loop3A_1029, %parallel_loop3A_1028 : i32
        %parallel_loop3A_1031 = arith.constant 5 : i32
        %parallel_loop3A_1032 = arith.addi %parallel_loop3A_1030, %parallel_loop3A_1031 : i32
        %parallel_loop3A_1033 = arith.index_cast %parallel_loop3A_1032 : i32 to index
        %parallel_loop3A_1034 = arith.constant 0 : index
        %parallel_loop3A_1035 = tpu.vector_load %arg7[%parallel_loop3A_1033, %parallel_loop3A_1034] {strides = array<i32>} : memref<512x32xf32, #tpu.memory_space<vmem>>, vector<16xf32>,
        %parallel_loop3A_1036 = arith.addf %parallel_loop3A_1035, %get3A_260 : vector<16xf32>
        %parallel_loop3A_1037 = arith.constant 8 : i32
        %parallel_loop3A_1038 = arith.muli %parallel_loop3A_976, %parallel_loop3A_1037 : i32
        %parallel_loop3A_1039 = arith.constant 384 : i32
        %parallel_loop3A_1040 = arith.addi %parallel_loop3A_1039, %parallel_loop3A_1038 : i32
        %parallel_loop3A_1041 = arith.constant 6 : i32
        %parallel_loop3A_1042 = arith.addi %parallel_loop3A_1040, %parallel_loop3A_1041 : i32
        %parallel_loop3A_1043 = arith.index_cast %parallel_loop3A_1042 : i32 to index
        %parallel_loop3A_1044 = arith.constant 0 : index
        %parallel_loop3A_1045 = tpu.vector_load %arg7[%parallel_loop3A_1043, %parallel_loop3A_1044] {strides = array<i32>} : memref<512x32xf32, #tpu.memory_space<vmem>>, vector<16xf32>,
        %parallel_loop3A_1046 = arith.addf %parallel_loop3A_1045, %get3A_260 : vector<16xf32>
        %parallel_loop3A_1047 = arith.constant 8 : i32
        %parallel_loop3A_1048 = arith.muli %parallel_loop3A_976, %parallel_loop3A_1047 : i32
        %parallel_loop3A_1049 = arith.constant 384 : i32
        %parallel_loop3A_1050 = arith.addi %parallel_loop3A_1049, %parallel_loop3A_1048 : i32
        %parallel_loop3A_1051 = arith.constant 7 : i32
        %parallel_loop3A_1052 = arith.addi %parallel_loop3A_1050, %parallel_loop3A_1051 : i32
        %parallel_loop3A_1053 = arith.index_cast %parallel_loop3A_1052 : i32 to index
        %parallel_loop3A_1054 = arith.constant 0 : index
        %parallel_loop3A_1055 = tpu.vector_load %arg7[%parallel_loop3A_1053, %parallel_loop3A_1054] {strides = array<i32>} : memref<512x32xf32, #tpu.memory_space<vmem>>, vector<16xf32>,
        %parallel_loop3A_1056 = arith.addf %parallel_loop3A_1055, %get3A_260 : vector<16xf32>
        %parallel_loop3A_1057 = arith.constant 8 : i32
        %parallel_loop3A_1058 = arith.muli %parallel_loop3A_976, %parallel_loop3A_1057 : i32
        %parallel_loop3A_1059 = arith.constant 384 : i32
        %parallel_loop3A_1060 = arith.addi %parallel_loop3A_1059, %parallel_loop3A_1058 : i32
        %parallel_loop3A_1061 = arith.constant 0 : i32
        %parallel_loop3A_1062 = arith.addi %parallel_loop3A_1060, %parallel_loop3A_1061 : i32
        %parallel_loop3A_1063 = arith.index_cast %parallel_loop3A_1062 : i32 to index
        %parallel_loop3A_1064 = arith.constant 16 : index
        %parallel_loop3A_1065 = tpu.vector_load %arg7[%parallel_loop3A_1063, %parallel_loop3A_1064] {strides = array<i32>} : memref<512x32xf32, #tpu.memory_space<vmem>>, vector<16xf32>,
        %parallel_loop3A_1066 = arith.addf %parallel_loop3A_1065, %get3A_263 : vector<16xf32>
        %parallel_loop3A_1067 = arith.constant 8 : i32
        %parallel_loop3A_1068 = arith.muli %parallel_loop3A_976, %parallel_loop3A_1067 : i32
        %parallel_loop3A_1069 = arith.constant 384 : i32
        %parallel_loop3A_1070 = arith.addi %parallel_loop3A_1069, %parallel_loop3A_1068 : i32
        %parallel_loop3A_1071 = arith.constant 1 : i32
        %parallel_loop3A_1072 = arith.addi %parallel_loop3A_1070, %parallel_loop3A_1071 : i32
        %parallel_loop3A_1073 = arith.index_cast %parallel_loop3A_1072 : i32 to index
        %parallel_loop3A_1074 = arith.constant 16 : index
        %parallel_loop3A_1075 = tpu.vector_load %arg7[%parallel_loop3A_1073, %parallel_loop3A_1074] {strides = array<i32>} : memref<512x32xf32, #tpu.memory_space<vmem>>, vector<16xf32>,
        %parallel_loop3A_1076 = arith.addf %parallel_loop3A_1075, %get3A_263 : vector<16xf32>
        %parallel_loop3A_1077 = arith.constant 8 : i32
        %parallel_loop3A_1078 = arith.muli %parallel_loop3A_976, %parallel_loop3A_1077 : i32
        %parallel_loop3A_1079 = arith.constant 384 : i32
        %parallel_loop3A_1080 = arith.addi %parallel_loop3A_1079, %parallel_loop3A_1078 : i32
        %parallel_loop3A_1081 = arith.constant 2 : i32
        %parallel_loop3A_1082 = arith.addi %parallel_loop3A_1080, %parallel_loop3A_1081 : i32
        %parallel_loop3A_1083 = arith.index_cast %parallel_loop3A_1082 : i32 to index
        %parallel_loop3A_1084 = arith.constant 16 : index
        %parallel_loop3A_1085 = tpu.vector_load %arg7[%parallel_loop3A_1083, %parallel_loop3A_1084] {strides = array<i32>} : memref<512x32xf32, #tpu.memory_space<vmem>>, vector<16xf32>,
        %parallel_loop3A_1086 = arith.addf %parallel_loop3A_1085, %get3A_263 : vector<16xf32>
        %parallel_loop3A_1087 = arith.constant 8 : i32
        %parallel_loop3A_1088 = arith.muli %parallel_loop3A_976, %parallel_loop3A_1087 : i32
        %parallel_loop3A_1089 = arith.constant 384 : i32
        %parallel_loop3A_1090 = arith.addi %parallel_loop3A_1089, %parallel_loop3A_1088 : i32
        %parallel_loop3A_1091 = arith.constant 3 : i32
        %parallel_loop3A_1092 = arith.addi %parallel_loop3A_1090, %parallel_loop3A_1091 : i32
        %parallel_loop3A_1093 = arith.index_cast %parallel_loop3A_1092 : i32 to index
        %parallel_loop3A_1094 = arith.constant 16 : index
        %parallel_loop3A_1095 = tpu.vector_load %arg7[%parallel_loop3A_1093, %parallel_loop3A_1094] {strides = array<i32>} : memref<512x32xf32, #tpu.memory_space<vmem>>, vector<16xf32>,
        %parallel_loop3A_1096 = arith.addf %parallel_loop3A_1095, %get3A_263 : vector<16xf32>
        %parallel_loop3A_1097 = arith.constant 8 : i32
        %parallel_loop3A_1098 = arith.muli %parallel_loop3A_976, %parallel_loop3A_1097 : i32
        %parallel_loop3A_1099 = arith.constant 384 : i32
        %parallel_loop3A_1100 = arith.addi %parallel_loop3A_1099, %parallel_loop3A_1098 : i32
        %parallel_loop3A_1101 = arith.constant 4 : i32
        %parallel_loop3A_1102 = arith.addi %parallel_loop3A_1100, %parallel_loop3A_1101 : i32
        %parallel_loop3A_1103 = arith.index_cast %parallel_loop3A_1102 : i32 to index
        %parallel_loop3A_1104 = arith.constant 16 : index
        %parallel_loop3A_1105 = tpu.vector_load %arg7[%parallel_loop3A_1103, %parallel_loop3A_1104] {strides = array<i32>} : memref<512x32xf32, #tpu.memory_space<vmem>>, vector<16xf32>,
        %parallel_loop3A_1106 = arith.addf %parallel_loop3A_1105, %get3A_263 : vector<16xf32>
        %parallel_loop3A_1107 = arith.constant 8 : i32
        %parallel_loop3A_1108 = arith.muli %parallel_loop3A_976, %parallel_loop3A_1107 : i32
        %parallel_loop3A_1109 = arith.constant 384 : i32
        %parallel_loop3A_1110 = arith.addi %parallel_loop3A_1109, %parallel_loop3A_1108 : i32
        %parallel_loop3A_1111 = arith.constant 5 : i32
        %parallel_loop3A_1112 = arith.addi %parallel_loop3A_1110, %parallel_loop3A_1111 : i32
        %parallel_loop3A_1113 = arith.index_cast %parallel_loop3A_1112 : i32 to index
        %parallel_loop3A_1114 = arith.constant 16 : index
        %parallel_loop3A_1115 = tpu.vector_load %arg7[%parallel_loop3A_1113, %parallel_loop3A_1114] {strides = array<i32>} : memref<512x32xf32, #tpu.memory_space<vmem>>, vector<16xf32>,
        %parallel_loop3A_1116 = arith.addf %parallel_loop3A_1115, %get3A_263 : vector<16xf32>
        %parallel_loop3A_1117 = arith.constant 8 : i32
        %parallel_loop3A_1118 = arith.muli %parallel_loop3A_976, %parallel_loop3A_1117 : i32
        %parallel_loop3A_1119 = arith.constant 384 : i32
        %parallel_loop3A_1120 = arith.addi %parallel_loop3A_1119, %parallel_loop3A_1118 : i32
        %parallel_loop3A_1121 = arith.constant 6 : i32
        %parallel_loop3A_1122 = arith.addi %parallel_loop3A_1120, %parallel_loop3A_1121 : i32
        %parallel_loop3A_1123 = arith.index_cast %parallel_loop3A_1122 : i32 to index
        %parallel_loop3A_1124 = arith.constant 16 : index
        %parallel_loop3A_1125 = tpu.vector_load %arg7[%parallel_loop3A_1123, %parallel_loop3A_1124] {strides = array<i32>} : memref<512x32xf32, #tpu.memory_space<vmem>>, vector<16xf32>,
        %parallel_loop3A_1126 = arith.addf %parallel_loop3A_1125, %get3A_263 : vector<16xf32>
        %parallel_loop3A_1127 = arith.constant 8 : i32
        %parallel_loop3A_1128 = arith.muli %parallel_loop3A_976, %parallel_loop3A_1127 : i32
        %parallel_loop3A_1129 = arith.constant 384 : i32
        %parallel_loop3A_1130 = arith.addi %parallel_loop3A_1129, %parallel_loop3A_1128 : i32
        %parallel_loop3A_1131 = arith.constant 7 : i32
        %parallel_loop3A_1132 = arith.addi %parallel_loop3A_1130, %parallel_loop3A_1131 : i32
        %parallel_loop3A_1133 = arith.index_cast %parallel_loop3A_1132 : i32 to index
        %parallel_loop3A_1134 = arith.constant 16 : index
        %parallel_loop3A_1135 = tpu.vector_load %arg7[%parallel_loop3A_1133, %parallel_loop3A_1134] {strides = array<i32>} : memref<512x32xf32, #tpu.memory_space<vmem>>, vector<16xf32>,
        %parallel_loop3A_1136 = arith.addf %parallel_loop3A_1135, %get3A_263 : vector<16xf32>
        %parallel_loop3A_1137 = arith.constant 8 : i32
        %parallel_loop3A_1138 = arith.muli %parallel_loop3A_976, %parallel_loop3A_1137 : i32
        %parallel_loop3A_1139 = vector.broadcast %parallel_loop3A_1138 : i32 to vector<16xi32>
        %parallel_loop3A_1140 = arith.addi %broadcast_in_dim3A_4, %parallel_loop3A_1139 : vector<16xi32>
        %parallel_loop3A_1141 = arith.constant 8 : i32
        %parallel_loop3A_1142 = arith.muli %parallel_loop3A_976, %parallel_loop3A_1141 : i32
        %parallel_loop3A_1143 = vector.broadcast %parallel_loop3A_1142 : i32 to vector<16xi32>
        %parallel_loop3A_1144 = arith.addi %broadcast_in_dim3A_6, %parallel_loop3A_1143 : vector<16xi32>
        %parallel_loop3A_1145 = arith.constant 8 : i32
        %parallel_loop3A_1146 = arith.muli %parallel_loop3A_976, %parallel_loop3A_1145 : i32
        %parallel_loop3A_1147 = vector.broadcast %parallel_loop3A_1146 : i32 to vector<16xi32>
        %parallel_loop3A_1148 = arith.addi %broadcast_in_dim3A_8, %parallel_loop3A_1147 : vector<16xi32>
        %parallel_loop3A_1149 = arith.constant 8 : i32
        %parallel_loop3A_1150 = arith.muli %parallel_loop3A_976, %parallel_loop3A_1149 : i32
        %parallel_loop3A_1151 = vector.broadcast %parallel_loop3A_1150 : i32 to vector<16xi32>
        %parallel_loop3A_1152 = arith.addi %broadcast_in_dim3A_10, %parallel_loop3A_1151 : vector<16xi32>
        %parallel_loop3A_1153 = arith.constant 8 : i32
        %parallel_loop3A_1154 = arith.muli %parallel_loop3A_976, %parallel_loop3A_1153 : i32
        %parallel_loop3A_1155 = vector.broadcast %parallel_loop3A_1154 : i32 to vector<16xi32>
        %parallel_loop3A_1156 = arith.addi %broadcast_in_dim3A_12, %parallel_loop3A_1155 : vector<16xi32>
        %parallel_loop3A_1157 = arith.constant 8 : i32
        %parallel_loop3A_1158 = arith.muli %parallel_loop3A_976, %parallel_loop3A_1157 : i32
        %parallel_loop3A_1159 = vector.broadcast %parallel_loop3A_1158 : i32 to vector<16xi32>
        %parallel_loop3A_1160 = arith.addi %broadcast_in_dim3A_14, %parallel_loop3A_1159 : vector<16xi32>
        %parallel_loop3A_1161 = arith.constant 8 : i32
        %parallel_loop3A_1162 = arith.muli %parallel_loop3A_976, %parallel_loop3A_1161 : i32
        %parallel_loop3A_1163 = vector.broadcast %parallel_loop3A_1162 : i32 to vector<16xi32>
        %parallel_loop3A_1164 = arith.addi %broadcast_in_dim3A_16, %parallel_loop3A_1163 : vector<16xi32>
        %parallel_loop3A_1165 = arith.constant 8 : i32
        %parallel_loop3A_1166 = arith.muli %parallel_loop3A_976, %parallel_loop3A_1165 : i32
        %parallel_loop3A_1167 = vector.broadcast %parallel_loop3A_1166 : i32 to vector<16xi32>
        %parallel_loop3A_1168 = arith.addi %broadcast_in_dim3A_18, %parallel_loop3A_1167 : vector<16xi32>
        %parallel_loop3A_1169 = arith.constant 96 : i32
        %parallel_loop3A_1170 = arith.constant 0 : i32
        %parallel_loop3A_1171 = tpu.memref_slice %arg9[%parallel_loop3A_1169, %parallel_loop3A_1170] : memref<128x129xf32, #tpu.memory_space<vmem>> -> memref<32x129xf32, #tpu.memory_space<vmem>>
        tpu.vector_store_idx %parallel_loop3A_1171[%iota3A, %parallel_loop3A_1140], %parallel_loop3A_986 : memref<32x129xf32, #tpu.memory_space<vmem>>[vector<16xi32>, vector<16xi32>], vector<16xf32>,
        %parallel_loop3A_1172 = arith.constant 96 : i32
        %parallel_loop3A_1173 = arith.constant 0 : i32
        %parallel_loop3A_1174 = tpu.memref_slice %arg9[%parallel_loop3A_1172, %parallel_loop3A_1173] : memref<128x129xf32, #tpu.memory_space<vmem>> -> memref<32x129xf32, #tpu.memory_space<vmem>>
        tpu.vector_store_idx %parallel_loop3A_1174[%add3A_3, %parallel_loop3A_1140], %parallel_loop3A_1066 : memref<32x129xf32, #tpu.memory_space<vmem>>[vector<16xi32>, vector<16xi32>], vector<16xf32>,
        %parallel_loop3A_1175 = arith.constant 96 : i32
        %parallel_loop3A_1176 = arith.constant 0 : i32
        %parallel_loop3A_1177 = tpu.memref_slice %arg9[%parallel_loop3A_1175, %parallel_loop3A_1176] : memref<128x129xf32, #tpu.memory_space<vmem>> -> memref<32x129xf32, #tpu.memory_space<vmem>>
        tpu.vector_store_idx %parallel_loop3A_1177[%iota3A, %parallel_loop3A_1144], %parallel_loop3A_996 : memref<32x129xf32, #tpu.memory_space<vmem>>[vector<16xi32>, vector<16xi32>], vector<16xf32>,
        %parallel_loop3A_1178 = arith.constant 96 : i32
        %parallel_loop3A_1179 = arith.constant 0 : i32
        %parallel_loop3A_1180 = tpu.memref_slice %arg9[%parallel_loop3A_1178, %parallel_loop3A_1179] : memref<128x129xf32, #tpu.memory_space<vmem>> -> memref<32x129xf32, #tpu.memory_space<vmem>>
        tpu.vector_store_idx %parallel_loop3A_1180[%add3A_3, %parallel_loop3A_1144], %parallel_loop3A_1076 : memref<32x129xf32, #tpu.memory_space<vmem>>[vector<16xi32>, vector<16xi32>], vector<16xf32>,
        %parallel_loop3A_1181 = arith.constant 96 : i32
        %parallel_loop3A_1182 = arith.constant 0 : i32
        %parallel_loop3A_1183 = tpu.memref_slice %arg9[%parallel_loop3A_1181, %parallel_loop3A_1182] : memref<128x129xf32, #tpu.memory_space<vmem>> -> memref<32x129xf32, #tpu.memory_space<vmem>>
        tpu.vector_store_idx %parallel_loop3A_1183[%iota3A, %parallel_loop3A_1148], %parallel_loop3A_1006 : memref<32x129xf32, #tpu.memory_space<vmem>>[vector<16xi32>, vector<16xi32>], vector<16xf32>,
        %parallel_loop3A_1184 = arith.constant 96 : i32
        %parallel_loop3A_1185 = arith.constant 0 : i32
        %parallel_loop3A_1186 = tpu.memref_slice %arg9[%parallel_loop3A_1184, %parallel_loop3A_1185] : memref<128x129xf32, #tpu.memory_space<vmem>> -> memref<32x129xf32, #tpu.memory_space<vmem>>
        tpu.vector_store_idx %parallel_loop3A_1186[%add3A_3, %parallel_loop3A_1148], %parallel_loop3A_1086 : memref<32x129xf32, #tpu.memory_space<vmem>>[vector<16xi32>, vector<16xi32>], vector<16xf32>,
        %parallel_loop3A_1187 = arith.constant 96 : i32
        %parallel_loop3A_1188 = arith.constant 0 : i32
        %parallel_loop3A_1189 = tpu.memref_slice %arg9[%parallel_loop3A_1187, %parallel_loop3A_1188] : memref<128x129xf32, #tpu.memory_space<vmem>> -> memref<32x129xf32, #tpu.memory_space<vmem>>
        tpu.vector_store_idx %parallel_loop3A_1189[%iota3A, %parallel_loop3A_1152], %parallel_loop3A_1016 : memref<32x129xf32, #tpu.memory_space<vmem>>[vector<16xi32>, vector<16xi32>], vector<16xf32>,
        %parallel_loop3A_1190 = arith.constant 96 : i32
        %parallel_loop3A_1191 = arith.constant 0 : i32
        %parallel_loop3A_1192 = tpu.memref_slice %arg9[%parallel_loop3A_1190, %parallel_loop3A_1191] : memref<128x129xf32, #tpu.memory_space<vmem>> -> memref<32x129xf32, #tpu.memory_space<vmem>>
        tpu.vector_store_idx %parallel_loop3A_1192[%add3A_3, %parallel_loop3A_1152], %parallel_loop3A_1096 : memref<32x129xf32, #tpu.memory_space<vmem>>[vector<16xi32>, vector<16xi32>], vector<16xf32>,
        %parallel_loop3A_1193 = arith.constant 96 : i32
        %parallel_loop3A_1194 = arith.constant 0 : i32
        %parallel_loop3A_1195 = tpu.memref_slice %arg9[%parallel_loop3A_1193, %parallel_loop3A_1194] : memref<128x129xf32, #tpu.memory_space<vmem>> -> memref<32x129xf32, #tpu.memory_space<vmem>>
        tpu.vector_store_idx %parallel_loop3A_1195[%iota3A, %parallel_loop3A_1156], %parallel_loop3A_1026 : memref<32x129xf32, #tpu.memory_space<vmem>>[vector<16xi32>, vector<16xi32>], vector<16xf32>,
        %parallel_loop3A_1196 = arith.constant 96 : i32
        %parallel_loop3A_1197 = arith.constant 0 : i32
        %parallel_loop3A_1198 = tpu.memref_slice %arg9[%parallel_loop3A_1196, %parallel_loop3A_1197] : memref<128x129xf32, #tpu.memory_space<vmem>> -> memref<32x129xf32, #tpu.memory_space<vmem>>
        tpu.vector_store_idx %parallel_loop3A_1198[%add3A_3, %parallel_loop3A_1156], %parallel_loop3A_1106 : memref<32x129xf32, #tpu.memory_space<vmem>>[vector<16xi32>, vector<16xi32>], vector<16xf32>,
        %parallel_loop3A_1199 = arith.constant 96 : i32
        %parallel_loop3A_1200 = arith.constant 0 : i32
        %parallel_loop3A_1201 = tpu.memref_slice %arg9[%parallel_loop3A_1199, %parallel_loop3A_1200] : memref<128x129xf32, #tpu.memory_space<vmem>> -> memref<32x129xf32, #tpu.memory_space<vmem>>
        tpu.vector_store_idx %parallel_loop3A_1201[%iota3A, %parallel_loop3A_1160], %parallel_loop3A_1036 : memref<32x129xf32, #tpu.memory_space<vmem>>[vector<16xi32>, vector<16xi32>], vector<16xf32>,
        %parallel_loop3A_1202 = arith.constant 96 : i32
        %parallel_loop3A_1203 = arith.constant 0 : i32
        %parallel_loop3A_1204 = tpu.memref_slice %arg9[%parallel_loop3A_1202, %parallel_loop3A_1203] : memref<128x129xf32, #tpu.memory_space<vmem>> -> memref<32x129xf32, #tpu.memory_space<vmem>>
        tpu.vector_store_idx %parallel_loop3A_1204[%add3A_3, %parallel_loop3A_1160], %parallel_loop3A_1116 : memref<32x129xf32, #tpu.memory_space<vmem>>[vector<16xi32>, vector<16xi32>], vector<16xf32>,
        %parallel_loop3A_1205 = arith.constant 96 : i32
        %parallel_loop3A_1206 = arith.constant 0 : i32
        %parallel_loop3A_1207 = tpu.memref_slice %arg9[%parallel_loop3A_1205, %parallel_loop3A_1206] : memref<128x129xf32, #tpu.memory_space<vmem>> -> memref<32x129xf32, #tpu.memory_space<vmem>>
        tpu.vector_store_idx %parallel_loop3A_1207[%iota3A, %parallel_loop3A_1164], %parallel_loop3A_1046 : memref<32x129xf32, #tpu.memory_space<vmem>>[vector<16xi32>, vector<16xi32>], vector<16xf32>,
        %parallel_loop3A_1208 = arith.constant 96 : i32
        %parallel_loop3A_1209 = arith.constant 0 : i32
        %parallel_loop3A_1210 = tpu.memref_slice %arg9[%parallel_loop3A_1208, %parallel_loop3A_1209] : memref<128x129xf32, #tpu.memory_space<vmem>> -> memref<32x129xf32, #tpu.memory_space<vmem>>
        tpu.vector_store_idx %parallel_loop3A_1210[%add3A_3, %parallel_loop3A_1164], %parallel_loop3A_1126 : memref<32x129xf32, #tpu.memory_space<vmem>>[vector<16xi32>, vector<16xi32>], vector<16xf32>,
        %parallel_loop3A_1211 = arith.constant 96 : i32
        %parallel_loop3A_1212 = arith.constant 0 : i32
        %parallel_loop3A_1213 = tpu.memref_slice %arg9[%parallel_loop3A_1211, %parallel_loop3A_1212] : memref<128x129xf32, #tpu.memory_space<vmem>> -> memref<32x129xf32, #tpu.memory_space<vmem>>
        tpu.vector_store_idx %parallel_loop3A_1213[%iota3A, %parallel_loop3A_1168], %parallel_loop3A_1056 : memref<32x129xf32, #tpu.memory_space<vmem>>[vector<16xi32>, vector<16xi32>], vector<16xf32>,
        %parallel_loop3A_1214 = arith.constant 96 : i32
        %parallel_loop3A_1215 = arith.constant 0 : i32
        %parallel_loop3A_1216 = tpu.memref_slice %arg9[%parallel_loop3A_1214, %parallel_loop3A_1215] : memref<128x129xf32, #tpu.memory_space<vmem>> -> memref<32x129xf32, #tpu.memory_space<vmem>>
        tpu.vector_store_idx %parallel_loop3A_1216[%add3A_3, %parallel_loop3A_1168], %parallel_loop3A_1136 : memref<32x129xf32, #tpu.memory_space<vmem>>[vector<16xi32>, vector<16xi32>], vector<16xf32>,
      } {sc.loop_unroll_factor = 1 : i64, sc.parallel_access}
      %add3A_267 = arith.constant 0 : i32
      %add3A_268 = arith.addi %mul3A_110, %add3A_267 : i32
      %mul3A_269 = arith.constant 1024 : i32
      %mul3A_270 = arith.muli %add3A_268, %mul3A_269 : i32
      %add3A_271 = arith.constant 0 : i32
      %add3A_272 = arith.addi %mul3A_270, %add3A_271 : i32
      %mul3A_273 = arith.constant 8 : i32
      %mul3A_274 = arith.muli %add3A, %mul3A_273 : i32
      %add3A_275 = arith.addi %add3A_272, %mul3A_274 : i32
      %dma_start3A_276 = arith.constant 0 : i32
      %dma_start3A_277 = arith.constant 0 : i32
      %dma_start3A_278 = tpu.memref_slice %arg9[%dma_start3A_276, %dma_start3A_277] : memref<128x129xf32, #tpu.memory_space<vmem>> -> memref<8x128xf32, #tpu.memory_space<vmem>>
      %dma_start3A_279 = arith.constant 0 : i32
      %dma_start3A_280 = tpu.memref_slice %arg5[%add3A_275, %dma_start3A_279] : memref<204800x128xf32, #tpu.memory_space<hbm>> -> memref<8x128xf32, #tpu.memory_space<hbm>>
      %dma_start3A_281 = arith.constant 0 : i32
      %dma_start3A_282 = tpu.memref_slice %arg5[%add3A_275, %dma_start3A_281] : memref<204800x128xf32, #tpu.memory_space<hbm>> -> memref<8x128xf32, #tpu.memory_space<hbm>>
      %dma_start3A_283 = arith.constant 0 : i32
      %dma_start3A_284 = arith.constant 0 : i32
      %dma_start3A_285 = tpu.memref_slice %arg9[%dma_start3A_283, %dma_start3A_284] : memref<128x129xf32, #tpu.memory_space<vmem>> -> memref<8x128xf32, #tpu.memory_space<vmem>>
      tpu.enqueue_dma source(%dma_start3A_285 : memref<8x128xf32, #tpu.memory_space<vmem>>) target(%dma_start3A_282 : memref<8x128xf32, #tpu.memory_space<hbm>>) target_semaphore(%arg14 : memref<!tpu.dma_semaphore, #tpu.memory_space<semaphore_mem>>)
      %add3A_286 = arith.constant 0 : i32
      %add3A_287 = arith.addi %mul3A_110, %add3A_286 : i32
      %mul3A_288 = arith.constant 1024 : i32
      %mul3A_289 = arith.muli %add3A_287, %mul3A_288 : i32
      %add3A_290 = arith.constant 256 : i32
      %add3A_291 = arith.addi %mul3A_289, %add3A_290 : i32
      %mul3A_292 = arith.constant 8 : i32
      %mul3A_293 = arith.muli %add3A, %mul3A_292 : i32
      %add3A_294 = arith.addi %add3A_291, %mul3A_293 : i32
      %dma_start3A_295 = arith.constant 8 : i32
      %dma_start3A_296 = arith.constant 0 : i32
      %dma_start3A_297 = tpu.memref_slice %arg9[%dma_start3A_295, %dma_start3A_296] : memref<128x129xf32, #tpu.memory_space<vmem>> -> memref<8x128xf32, #tpu.memory_space<vmem>>
      %dma_start3A_298 = arith.constant 0 : i32
      %dma_start3A_299 = tpu.memref_slice %arg5[%add3A_294, %dma_start3A_298] : memref<204800x128xf32, #tpu.memory_space<hbm>> -> memref<8x128xf32, #tpu.memory_space<hbm>>
      %dma_start3A_300 = arith.constant 0 : i32
      %dma_start3A_301 = tpu.memref_slice %arg5[%add3A_294, %dma_start3A_300] : memref<204800x128xf32, #tpu.memory_space<hbm>> -> memref<8x128xf32, #tpu.memory_space<hbm>>
      %dma_start3A_302 = arith.constant 8 : i32
      %dma_start3A_303 = arith.constant 0 : i32
      %dma_start3A_304 = tpu.memref_slice %arg9[%dma_start3A_302, %dma_start3A_303] : memref<128x129xf32, #tpu.memory_space<vmem>> -> memref<8x128xf32, #tpu.memory_space<vmem>>
      tpu.enqueue_dma source(%dma_start3A_304 : memref<8x128xf32, #tpu.memory_space<vmem>>) target(%dma_start3A_301 : memref<8x128xf32, #tpu.memory_space<hbm>>) target_semaphore(%arg14 : memref<!tpu.dma_semaphore, #tpu.memory_space<semaphore_mem>>)
      %add3A_305 = arith.constant 0 : i32
      %add3A_306 = arith.addi %mul3A_110, %add3A_305 : i32
      %mul3A_307 = arith.constant 1024 : i32
      %mul3A_308 = arith.muli %add3A_306, %mul3A_307 : i32
      %add3A_309 = arith.constant 512 : i32
      %add3A_310 = arith.addi %mul3A_308, %add3A_309 : i32
      %mul3A_311 = arith.constant 8 : i32
      %mul3A_312 = arith.muli %add3A, %mul3A_311 : i32
      %add3A_313 = arith.addi %add3A_310, %mul3A_312 : i32
      %dma_start3A_314 = arith.constant 16 : i32
      %dma_start3A_315 = arith.constant 0 : i32
      %dma_start3A_316 = tpu.memref_slice %arg9[%dma_start3A_314, %dma_start3A_315] : memref<128x129xf32, #tpu.memory_space<vmem>> -> memref<8x128xf32, #tpu.memory_space<vmem>>
      %dma_start3A_317 = arith.constant 0 : i32
      %dma_start3A_318 = tpu.memref_slice %arg5[%add3A_313, %dma_start3A_317] : memref<204800x128xf32, #tpu.memory_space<hbm>> -> memref<8x128xf32, #tpu.memory_space<hbm>>
      %dma_start3A_319 = arith.constant 0 : i32
      %dma_start3A_320 = tpu.memref_slice %arg5[%add3A_313, %dma_start3A_319] : memref<204800x128xf32, #tpu.memory_space<hbm>> -> memref<8x128xf32, #tpu.memory_space<hbm>>
      %dma_start3A_321 = arith.constant 16 : i32
      %dma_start3A_322 = arith.constant 0 : i32
      %dma_start3A_323 = tpu.memref_slice %arg9[%dma_start3A_321, %dma_start3A_322] : memref<128x129xf32, #tpu.memory_space<vmem>> -> memref<8x128xf32, #tpu.memory_space<vmem>>
      tpu.enqueue_dma source(%dma_start3A_323 : memref<8x128xf32, #tpu.memory_space<vmem>>) target(%dma_start3A_320 : memref<8x128xf32, #tpu.memory_space<hbm>>) target_semaphore(%arg14 : memref<!tpu.dma_semaphore, #tpu.memory_space<semaphore_mem>>)
      %add3A_324 = arith.constant 0 : i32
      %add3A_325 = arith.addi %mul3A_110, %add3A_324 : i32
      %mul3A_326 = arith.constant 1024 : i32
      %mul3A_327 = arith.muli %add3A_325, %mul3A_326 : i32
      %add3A_328 = arith.constant 768 : i32
      %add3A_329 = arith.addi %mul3A_327, %add3A_328 : i32
      %mul3A_330 = arith.constant 8 : i32
      %mul3A_331 = arith.muli %add3A, %mul3A_330 : i32
      %add3A_332 = arith.addi %add3A_329, %mul3A_331 : i32
      %dma_start3A_333 = arith.constant 24 : i32
      %dma_start3A_334 = arith.constant 0 : i32
      %dma_start3A_335 = tpu.memref_slice %arg9[%dma_start3A_333, %dma_start3A_334] : memref<128x129xf32, #tpu.memory_space<vmem>> -> memref<8x128xf32, #tpu.memory_space<vmem>>
      %dma_start3A_336 = arith.constant 0 : i32
      %dma_start3A_337 = tpu.memref_slice %arg5[%add3A_332, %dma_start3A_336] : memref<204800x128xf32, #tpu.memory_space<hbm>> -> memref<8x128xf32, #tpu.memory_space<hbm>>
      %dma_start3A_338 = arith.constant 0 : i32
      %dma_start3A_339 = tpu.memref_slice %arg5[%add3A_332, %dma_start3A_338] : memref<204800x128xf32, #tpu.memory_space<hbm>> -> memref<8x128xf32, #tpu.memory_space<hbm>>
      %dma_start3A_340 = arith.constant 24 : i32
      %dma_start3A_341 = arith.constant 0 : i32
      %dma_start3A_342 = tpu.memref_slice %arg9[%dma_start3A_340, %dma_start3A_341] : memref<128x129xf32, #tpu.memory_space<vmem>> -> memref<8x128xf32, #tpu.memory_space<vmem>>
      tpu.enqueue_dma source(%dma_start3A_342 : memref<8x128xf32, #tpu.memory_space<vmem>>) target(%dma_start3A_339 : memref<8x128xf32, #tpu.memory_space<hbm>>) target_semaphore(%arg14 : memref<!tpu.dma_semaphore, #tpu.memory_space<semaphore_mem>>)
      %add3A_343 = arith.constant 1 : i32
      %add3A_344 = arith.addi %mul3A_110, %add3A_343 : i32
      %mul3A_345 = arith.constant 1024 : i32
      %mul3A_346 = arith.muli %add3A_344, %mul3A_345 : i32
      %add3A_347 = arith.constant 0 : i32
      %add3A_348 = arith.addi %mul3A_346, %add3A_347 : i32
      %mul3A_349 = arith.constant 8 : i32
      %mul3A_350 = arith.muli %add3A, %mul3A_349 : i32
      %add3A_351 = arith.addi %add3A_348, %mul3A_350 : i32
      %dma_start3A_352 = arith.constant 32 : i32
      %dma_start3A_353 = arith.constant 0 : i32
      %dma_start3A_354 = tpu.memref_slice %arg9[%dma_start3A_352, %dma_start3A_353] : memref<128x129xf32, #tpu.memory_space<vmem>> -> memref<8x128xf32, #tpu.memory_space<vmem>>
      %dma_start3A_355 = arith.constant 0 : i32
      %dma_start3A_356 = tpu.memref_slice %arg5[%add3A_351, %dma_start3A_355] : memref<204800x128xf32, #tpu.memory_space<hbm>> -> memref<8x128xf32, #tpu.memory_space<hbm>>
      %dma_start3A_357 = arith.constant 0 : i32
      %dma_start3A_358 = tpu.memref_slice %arg5[%add3A_351, %dma_start3A_357] : memref<204800x128xf32, #tpu.memory_space<hbm>> -> memref<8x128xf32, #tpu.memory_space<hbm>>
      %dma_start3A_359 = arith.constant 32 : i32
      %dma_start3A_360 = arith.constant 0 : i32
      %dma_start3A_361 = tpu.memref_slice %arg9[%dma_start3A_359, %dma_start3A_360] : memref<128x129xf32, #tpu.memory_space<vmem>> -> memref<8x128xf32, #tpu.memory_space<vmem>>
      tpu.enqueue_dma source(%dma_start3A_361 : memref<8x128xf32, #tpu.memory_space<vmem>>) target(%dma_start3A_358 : memref<8x128xf32, #tpu.memory_space<hbm>>) target_semaphore(%arg14 : memref<!tpu.dma_semaphore, #tpu.memory_space<semaphore_mem>>)
      %add3A_362 = arith.constant 1 : i32
      %add3A_363 = arith.addi %mul3A_110, %add3A_362 : i32
      %mul3A_364 = arith.constant 1024 : i32
      %mul3A_365 = arith.muli %add3A_363, %mul3A_364 : i32
      %add3A_366 = arith.constant 256 : i32
      %add3A_367 = arith.addi %mul3A_365, %add3A_366 : i32
      %mul3A_368 = arith.constant 8 : i32
      %mul3A_369 = arith.muli %add3A, %mul3A_368 : i32
      %add3A_370 = arith.addi %add3A_367, %mul3A_369 : i32
      %dma_start3A_371 = arith.constant 40 : i32
      %dma_start3A_372 = arith.constant 0 : i32
      %dma_start3A_373 = tpu.memref_slice %arg9[%dma_start3A_371, %dma_start3A_372] : memref<128x129xf32, #tpu.memory_space<vmem>> -> memref<8x128xf32, #tpu.memory_space<vmem>>
      %dma_start3A_374 = arith.constant 0 : i32
      %dma_start3A_375 = tpu.memref_slice %arg5[%add3A_370, %dma_start3A_374] : memref<204800x128xf32, #tpu.memory_space<hbm>> -> memref<8x128xf32, #tpu.memory_space<hbm>>
      %dma_start3A_376 = arith.constant 0 : i32
      %dma_start3A_377 = tpu.memref_slice %arg5[%add3A_370, %dma_start3A_376] : memref<204800x128xf32, #tpu.memory_space<hbm>> -> memref<8x128xf32, #tpu.memory_space<hbm>>
      %dma_start3A_378 = arith.constant 40 : i32
      %dma_start3A_379 = arith.constant 0 : i32
      %dma_start3A_380 = tpu.memref_slice %arg9[%dma_start3A_378, %dma_start3A_379] : memref<128x129xf32, #tpu.memory_space<vmem>> -> memref<8x128xf32, #tpu.memory_space<vmem>>
      tpu.enqueue_dma source(%dma_start3A_380 : memref<8x128xf32, #tpu.memory_space<vmem>>) target(%dma_start3A_377 : memref<8x128xf32, #tpu.memory_space<hbm>>) target_semaphore(%arg14 : memref<!tpu.dma_semaphore, #tpu.memory_space<semaphore_mem>>)
      %add3A_381 = arith.constant 1 : i32
      %add3A_382 = arith.addi %mul3A_110, %add3A_381 : i32
      %mul3A_383 = arith.constant 1024 : i32
      %mul3A_384 = arith.muli %add3A_382, %mul3A_383 : i32
      %add3A_385 = arith.constant 512 : i32
      %add3A_386 = arith.addi %mul3A_384, %add3A_385 : i32
      %mul3A_387 = arith.constant 8 : i32
      %mul3A_388 = arith.muli %add3A, %mul3A_387 : i32
      %add3A_389 = arith.addi %add3A_386, %mul3A_388 : i32
      %dma_start3A_390 = arith.constant 48 : i32
      %dma_start3A_391 = arith.constant 0 : i32
      %dma_start3A_392 = tpu.memref_slice %arg9[%dma_start3A_390, %dma_start3A_391] : memref<128x129xf32, #tpu.memory_space<vmem>> -> memref<8x128xf32, #tpu.memory_space<vmem>>
      %dma_start3A_393 = arith.constant 0 : i32
      %dma_start3A_394 = tpu.memref_slice %arg5[%add3A_389, %dma_start3A_393] : memref<204800x128xf32, #tpu.memory_space<hbm>> -> memref<8x128xf32, #tpu.memory_space<hbm>>
      %dma_start3A_395 = arith.constant 0 : i32
      %dma_start3A_396 = tpu.memref_slice %arg5[%add3A_389, %dma_start3A_395] : memref<204800x128xf32, #tpu.memory_space<hbm>> -> memref<8x128xf32, #tpu.memory_space<hbm>>
      %dma_start3A_397 = arith.constant 48 : i32
      %dma_start3A_398 = arith.constant 0 : i32
      %dma_start3A_399 = tpu.memref_slice %arg9[%dma_start3A_397, %dma_start3A_398] : memref<128x129xf32, #tpu.memory_space<vmem>> -> memref<8x128xf32, #tpu.memory_space<vmem>>
      tpu.enqueue_dma source(%dma_start3A_399 : memref<8x128xf32, #tpu.memory_space<vmem>>) target(%dma_start3A_396 : memref<8x128xf32, #tpu.memory_space<hbm>>) target_semaphore(%arg14 : memref<!tpu.dma_semaphore, #tpu.memory_space<semaphore_mem>>)
      %add3A_400 = arith.constant 1 : i32
      %add3A_401 = arith.addi %mul3A_110, %add3A_400 : i32
      %mul3A_402 = arith.constant 1024 : i32
      %mul3A_403 = arith.muli %add3A_401, %mul3A_402 : i32
      %add3A_404 = arith.constant 768 : i32
      %add3A_405 = arith.addi %mul3A_403, %add3A_404 : i32
      %mul3A_406 = arith.constant 8 : i32
      %mul3A_407 = arith.muli %add3A, %mul3A_406 : i32
      %add3A_408 = arith.addi %add3A_405, %mul3A_407 : i32
      %dma_start3A_409 = arith.constant 56 : i32
      %dma_start3A_410 = arith.constant 0 : i32
      %dma_start3A_411 = tpu.memref_slice %arg9[%dma_start3A_409, %dma_start3A_410] : memref<128x129xf32, #tpu.memory_space<vmem>> -> memref<8x128xf32, #tpu.memory_space<vmem>>
      %dma_start3A_412 = arith.constant 0 : i32
      %dma_start3A_413 = tpu.memref_slice %arg5[%add3A_408, %dma_start3A_412] : memref<204800x128xf32, #tpu.memory_space<hbm>> -> memref<8x128xf32, #tpu.memory_space<hbm>>
      %dma_start3A_414 = arith.constant 0 : i32
      %dma_start3A_415 = tpu.memref_slice %arg5[%add3A_408, %dma_start3A_414] : memref<204800x128xf32, #tpu.memory_space<hbm>> -> memref<8x128xf32, #tpu.memory_space<hbm>>
      %dma_start3A_416 = arith.constant 56 : i32
      %dma_start3A_417 = arith.constant 0 : i32
      %dma_start3A_418 = tpu.memref_slice %arg9[%dma_start3A_416, %dma_start3A_417] : memref<128x129xf32, #tpu.memory_space<vmem>> -> memref<8x128xf32, #tpu.memory_space<vmem>>
      tpu.enqueue_dma source(%dma_start3A_418 : memref<8x128xf32, #tpu.memory_space<vmem>>) target(%dma_start3A_415 : memref<8x128xf32, #tpu.memory_space<hbm>>) target_semaphore(%arg14 : memref<!tpu.dma_semaphore, #tpu.memory_space<semaphore_mem>>)
      %add3A_419 = arith.constant 2 : i32
      %add3A_420 = arith.addi %mul3A_110, %add3A_419 : i32
      %mul3A_421 = arith.constant 1024 : i32
      %mul3A_422 = arith.muli %add3A_420, %mul3A_421 : i32
      %add3A_423 = arith.constant 0 : i32
      %add3A_424 = arith.addi %mul3A_422, %add3A_423 : i32
      %mul3A_425 = arith.constant 8 : i32
      %mul3A_426 = arith.muli %add3A, %mul3A_425 : i32
      %add3A_427 = arith.addi %add3A_424, %mul3A_426 : i32
      %dma_start3A_428 = arith.constant 64 : i32
      %dma_start3A_429 = arith.constant 0 : i32
      %dma_start3A_430 = tpu.memref_slice %arg9[%dma_start3A_428, %dma_start3A_429] : memref<128x129xf32, #tpu.memory_space<vmem>> -> memref<8x128xf32, #tpu.memory_space<vmem>>
      %dma_start3A_431 = arith.constant 0 : i32
      %dma_start3A_432 = tpu.memref_slice %arg5[%add3A_427, %dma_start3A_431] : memref<204800x128xf32, #tpu.memory_space<hbm>> -> memref<8x128xf32, #tpu.memory_space<hbm>>
      %dma_start3A_433 = arith.constant 0 : i32
      %dma_start3A_434 = tpu.memref_slice %arg5[%add3A_427, %dma_start3A_433] : memref<204800x128xf32, #tpu.memory_space<hbm>> -> memref<8x128xf32, #tpu.memory_space<hbm>>
      %dma_start3A_435 = arith.constant 64 : i32
      %dma_start3A_436 = arith.constant 0 : i32
      %dma_start3A_437 = tpu.memref_slice %arg9[%dma_start3A_435, %dma_start3A_436] : memref<128x129xf32, #tpu.memory_space<vmem>> -> memref<8x128xf32, #tpu.memory_space<vmem>>
      tpu.enqueue_dma source(%dma_start3A_437 : memref<8x128xf32, #tpu.memory_space<vmem>>) target(%dma_start3A_434 : memref<8x128xf32, #tpu.memory_space<hbm>>) target_semaphore(%arg14 : memref<!tpu.dma_semaphore, #tpu.memory_space<semaphore_mem>>)
      %add3A_438 = arith.constant 2 : i32
      %add3A_439 = arith.addi %mul3A_110, %add3A_438 : i32
      %mul3A_440 = arith.constant 1024 : i32
      %mul3A_441 = arith.muli %add3A_439, %mul3A_440 : i32
      %add3A_442 = arith.constant 256 : i32
      %add3A_443 = arith.addi %mul3A_441, %add3A_442 : i32
      %mul3A_444 = arith.constant 8 : i32
      %mul3A_445 = arith.muli %add3A, %mul3A_444 : i32
      %add3A_446 = arith.addi %add3A_443, %mul3A_445 : i32
      %dma_start3A_447 = arith.constant 72 : i32
      %dma_start3A_448 = arith.constant 0 : i32
      %dma_start3A_449 = tpu.memref_slice %arg9[%dma_start3A_447, %dma_start3A_448] : memref<128x129xf32, #tpu.memory_space<vmem>> -> memref<8x128xf32, #tpu.memory_space<vmem>>
      %dma_start3A_450 = arith.constant 0 : i32
      %dma_start3A_451 = tpu.memref_slice %arg5[%add3A_446, %dma_start3A_450] : memref<204800x128xf32, #tpu.memory_space<hbm>> -> memref<8x128xf32, #tpu.memory_space<hbm>>
      %dma_start3A_452 = arith.constant 0 : i32
      %dma_start3A_453 = tpu.memref_slice %arg5[%add3A_446, %dma_start3A_452] : memref<204800x128xf32, #tpu.memory_space<hbm>> -> memref<8x128xf32, #tpu.memory_space<hbm>>
      %dma_start3A_454 = arith.constant 72 : i32
      %dma_start3A_455 = arith.constant 0 : i32
      %dma_start3A_456 = tpu.memref_slice %arg9[%dma_start3A_454, %dma_start3A_455] : memref<128x129xf32, #tpu.memory_space<vmem>> -> memref<8x128xf32, #tpu.memory_space<vmem>>
      tpu.enqueue_dma source(%dma_start3A_456 : memref<8x128xf32, #tpu.memory_space<vmem>>) target(%dma_start3A_453 : memref<8x128xf32, #tpu.memory_space<hbm>>) target_semaphore(%arg14 : memref<!tpu.dma_semaphore, #tpu.memory_space<semaphore_mem>>)
      %add3A_457 = arith.constant 2 : i32
      %add3A_458 = arith.addi %mul3A_110, %add3A_457 : i32
      %mul3A_459 = arith.constant 1024 : i32
      %mul3A_460 = arith.muli %add3A_458, %mul3A_459 : i32
      %add3A_461 = arith.constant 512 : i32
      %add3A_462 = arith.addi %mul3A_460, %add3A_461 : i32
      %mul3A_463 = arith.constant 8 : i32
      %mul3A_464 = arith.muli %add3A, %mul3A_463 : i32
      %add3A_465 = arith.addi %add3A_462, %mul3A_464 : i32
      %dma_start3A_466 = arith.constant 80 : i32
      %dma_start3A_467 = arith.constant 0 : i32
      %dma_start3A_468 = tpu.memref_slice %arg9[%dma_start3A_466, %dma_start3A_467] : memref<128x129xf32, #tpu.memory_space<vmem>> -> memref<8x128xf32, #tpu.memory_space<vmem>>
      %dma_start3A_469 = arith.constant 0 : i32
      %dma_start3A_470 = tpu.memref_slice %arg5[%add3A_465, %dma_start3A_469] : memref<204800x128xf32, #tpu.memory_space<hbm>> -> memref<8x128xf32, #tpu.memory_space<hbm>>
      %dma_start3A_471 = arith.constant 0 : i32
      %dma_start3A_472 = tpu.memref_slice %arg5[%add3A_465, %dma_start3A_471] : memref<204800x128xf32, #tpu.memory_space<hbm>> -> memref<8x128xf32, #tpu.memory_space<hbm>>
      %dma_start3A_473 = arith.constant 80 : i32
      %dma_start3A_474 = arith.constant 0 : i32
      %dma_start3A_475 = tpu.memref_slice %arg9[%dma_start3A_473, %dma_start3A_474] : memref<128x129xf32, #tpu.memory_space<vmem>> -> memref<8x128xf32, #tpu.memory_space<vmem>>
      tpu.enqueue_dma source(%dma_start3A_475 : memref<8x128xf32, #tpu.memory_space<vmem>>) target(%dma_start3A_472 : memref<8x128xf32, #tpu.memory_space<hbm>>) target_semaphore(%arg14 : memref<!tpu.dma_semaphore, #tpu.memory_space<semaphore_mem>>)
      %add3A_476 = arith.constant 2 : i32
      %add3A_477 = arith.addi %mul3A_110, %add3A_476 : i32
      %mul3A_478 = arith.constant 1024 : i32
      %mul3A_479 = arith.muli %add3A_477, %mul3A_478 : i32
      %add3A_480 = arith.constant 768 : i32
      %add3A_481 = arith.addi %mul3A_479, %add3A_480 : i32
      %mul3A_482 = arith.constant 8 : i32
      %mul3A_483 = arith.muli %add3A, %mul3A_482 : i32
      %add3A_484 = arith.addi %add3A_481, %mul3A_483 : i32
      %dma_start3A_485 = arith.constant 88 : i32
      %dma_start3A_486 = arith.constant 0 : i32
      %dma_start3A_487 = tpu.memref_slice %arg9[%dma_start3A_485, %dma_start3A_486] : memref<128x129xf32, #tpu.memory_space<vmem>> -> memref<8x128xf32, #tpu.memory_space<vmem>>
      %dma_start3A_488 = arith.constant 0 : i32
      %dma_start3A_489 = tpu.memref_slice %arg5[%add3A_484, %dma_start3A_488] : memref<204800x128xf32, #tpu.memory_space<hbm>> -> memref<8x128xf32, #tpu.memory_space<hbm>>
      %dma_start3A_490 = arith.constant 0 : i32
      %dma_start3A_491 = tpu.memref_slice %arg5[%add3A_484, %dma_start3A_490] : memref<204800x128xf32, #tpu.memory_space<hbm>> -> memref<8x128xf32, #tpu.memory_space<hbm>>
      %dma_start3A_492 = arith.constant 88 : i32
      %dma_start3A_493 = arith.constant 0 : i32
      %dma_start3A_494 = tpu.memref_slice %arg9[%dma_start3A_492, %dma_start3A_493] : memref<128x129xf32, #tpu.memory_space<vmem>> -> memref<8x128xf32, #tpu.memory_space<vmem>>
      tpu.enqueue_dma source(%dma_start3A_494 : memref<8x128xf32, #tpu.memory_space<vmem>>) target(%dma_start3A_491 : memref<8x128xf32, #tpu.memory_space<hbm>>) target_semaphore(%arg14 : memref<!tpu.dma_semaphore, #tpu.memory_space<semaphore_mem>>)
      %add3A_495 = arith.constant 3 : i32
      %add3A_496 = arith.addi %mul3A_110, %add3A_495 : i32
      %mul3A_497 = arith.constant 1024 : i32
      %mul3A_498 = arith.muli %add3A_496, %mul3A_497 : i32
      %add3A_499 = arith.constant 0 : i32
      %add3A_500 = arith.addi %mul3A_498, %add3A_499 : i32
      %mul3A_501 = arith.constant 8 : i32
      %mul3A_502 = arith.muli %add3A, %mul3A_501 : i32
      %add3A_503 = arith.addi %add3A_500, %mul3A_502 : i32
      %dma_start3A_504 = arith.constant 96 : i32
      %dma_start3A_505 = arith.constant 0 : i32
      %dma_start3A_506 = tpu.memref_slice %arg9[%dma_start3A_504, %dma_start3A_505] : memref<128x129xf32, #tpu.memory_space<vmem>> -> memref<8x128xf32, #tpu.memory_space<vmem>>
      %dma_start3A_507 = arith.constant 0 : i32
      %dma_start3A_508 = tpu.memref_slice %arg5[%add3A_503, %dma_start3A_507] : memref<204800x128xf32, #tpu.memory_space<hbm>> -> memref<8x128xf32, #tpu.memory_space<hbm>>
      %dma_start3A_509 = arith.constant 0 : i32
      %dma_start3A_510 = tpu.memref_slice %arg5[%add3A_503, %dma_start3A_509] : memref<204800x128xf32, #tpu.memory_space<hbm>> -> memref<8x128xf32, #tpu.memory_space<hbm>>
      %dma_start3A_511 = arith.constant 96 : i32
      %dma_start3A_512 = arith.constant 0 : i32
      %dma_start3A_513 = tpu.memref_slice %arg9[%dma_start3A_511, %dma_start3A_512] : memref<128x129xf32, #tpu.memory_space<vmem>> -> memref<8x128xf32, #tpu.memory_space<vmem>>
      tpu.enqueue_dma source(%dma_start3A_513 : memref<8x128xf32, #tpu.memory_space<vmem>>) target(%dma_start3A_510 : memref<8x128xf32, #tpu.memory_space<hbm>>) target_semaphore(%arg14 : memref<!tpu.dma_semaphore, #tpu.memory_space<semaphore_mem>>)
      %add3A_514 = arith.constant 3 : i32
      %add3A_515 = arith.addi %mul3A_110, %add3A_514 : i32
      %mul3A_516 = arith.constant 1024 : i32
      %mul3A_517 = arith.muli %add3A_515, %mul3A_516 : i32
      %add3A_518 = arith.constant 256 : i32
      %add3A_519 = arith.addi %mul3A_517, %add3A_518 : i32
      %mul3A_520 = arith.constant 8 : i32
      %mul3A_521 = arith.muli %add3A, %mul3A_520 : i32
      %add3A_522 = arith.addi %add3A_519, %mul3A_521 : i32
      %dma_start3A_523 = arith.constant 104 : i32
      %dma_start3A_524 = arith.constant 0 : i32
      %dma_start3A_525 = tpu.memref_slice %arg9[%dma_start3A_523, %dma_start3A_524] : memref<128x129xf32, #tpu.memory_space<vmem>> -> memref<8x128xf32, #tpu.memory_space<vmem>>
      %dma_start3A_526 = arith.constant 0 : i32
      %dma_start3A_527 = tpu.memref_slice %arg5[%add3A_522, %dma_start3A_526] : memref<204800x128xf32, #tpu.memory_space<hbm>> -> memref<8x128xf32, #tpu.memory_space<hbm>>
      %dma_start3A_528 = arith.constant 0 : i32
      %dma_start3A_529 = tpu.memref_slice %arg5[%add3A_522, %dma_start3A_528] : memref<204800x128xf32, #tpu.memory_space<hbm>> -> memref<8x128xf32, #tpu.memory_space<hbm>>
      %dma_start3A_530 = arith.constant 104 : i32
      %dma_start3A_531 = arith.constant 0 : i32
      %dma_start3A_532 = tpu.memref_slice %arg9[%dma_start3A_530, %dma_start3A_531] : memref<128x129xf32, #tpu.memory_space<vmem>> -> memref<8x128xf32, #tpu.memory_space<vmem>>
      tpu.enqueue_dma source(%dma_start3A_532 : memref<8x128xf32, #tpu.memory_space<vmem>>) target(%dma_start3A_529 : memref<8x128xf32, #tpu.memory_space<hbm>>) target_semaphore(%arg14 : memref<!tpu.dma_semaphore, #tpu.memory_space<semaphore_mem>>)
      %add3A_533 = arith.constant 3 : i32
      %add3A_534 = arith.addi %mul3A_110, %add3A_533 : i32
      %mul3A_535 = arith.constant 1024 : i32
      %mul3A_536 = arith.muli %add3A_534, %mul3A_535 : i32
      %add3A_537 = arith.constant 512 : i32
      %add3A_538 = arith.addi %mul3A_536, %add3A_537 : i32
      %mul3A_539 = arith.constant 8 : i32
      %mul3A_540 = arith.muli %add3A, %mul3A_539 : i32
      %add3A_541 = arith.addi %add3A_538, %mul3A_540 : i32
      %dma_start3A_542 = arith.constant 112 : i32
      %dma_start3A_543 = arith.constant 0 : i32
      %dma_start3A_544 = tpu.memref_slice %arg9[%dma_start3A_542, %dma_start3A_543] : memref<128x129xf32, #tpu.memory_space<vmem>> -> memref<8x128xf32, #tpu.memory_space<vmem>>
      %dma_start3A_545 = arith.constant 0 : i32
      %dma_start3A_546 = tpu.memref_slice %arg5[%add3A_541, %dma_start3A_545] : memref<204800x128xf32, #tpu.memory_space<hbm>> -> memref<8x128xf32, #tpu.memory_space<hbm>>
      %dma_start3A_547 = arith.constant 0 : i32
      %dma_start3A_548 = tpu.memref_slice %arg5[%add3A_541, %dma_start3A_547] : memref<204800x128xf32, #tpu.memory_space<hbm>> -> memref<8x128xf32, #tpu.memory_space<hbm>>
      %dma_start3A_549 = arith.constant 112 : i32
      %dma_start3A_550 = arith.constant 0 : i32
      %dma_start3A_551 = tpu.memref_slice %arg9[%dma_start3A_549, %dma_start3A_550] : memref<128x129xf32, #tpu.memory_space<vmem>> -> memref<8x128xf32, #tpu.memory_space<vmem>>
      tpu.enqueue_dma source(%dma_start3A_551 : memref<8x128xf32, #tpu.memory_space<vmem>>) target(%dma_start3A_548 : memref<8x128xf32, #tpu.memory_space<hbm>>) target_semaphore(%arg14 : memref<!tpu.dma_semaphore, #tpu.memory_space<semaphore_mem>>)
      %add3A_552 = arith.constant 3 : i32
      %add3A_553 = arith.addi %mul3A_110, %add3A_552 : i32
      %mul3A_554 = arith.constant 1024 : i32
      %mul3A_555 = arith.muli %add3A_553, %mul3A_554 : i32
      %add3A_556 = arith.constant 768 : i32
      %add3A_557 = arith.addi %mul3A_555, %add3A_556 : i32
      %mul3A_558 = arith.constant 8 : i32
      %mul3A_559 = arith.muli %add3A, %mul3A_558 : i32
      %add3A_560 = arith.addi %add3A_557, %mul3A_559 : i32
      %dma_start3A_561 = arith.constant 120 : i32
      %dma_start3A_562 = arith.constant 0 : i32
      %dma_start3A_563 = tpu.memref_slice %arg9[%dma_start3A_561, %dma_start3A_562] : memref<128x129xf32, #tpu.memory_space<vmem>> -> memref<8x128xf32, #tpu.memory_space<vmem>>
      %dma_start3A_564 = arith.constant 0 : i32
      %dma_start3A_565 = tpu.memref_slice %arg5[%add3A_560, %dma_start3A_564] : memref<204800x128xf32, #tpu.memory_space<hbm>> -> memref<8x128xf32, #tpu.memory_space<hbm>>
      %dma_start3A_566 = arith.constant 0 : i32
      %dma_start3A_567 = tpu.memref_slice %arg5[%add3A_560, %dma_start3A_566] : memref<204800x128xf32, #tpu.memory_space<hbm>> -> memref<8x128xf32, #tpu.memory_space<hbm>>
      %dma_start3A_568 = arith.constant 120 : i32
      %dma_start3A_569 = arith.constant 0 : i32
      %dma_start3A_570 = tpu.memref_slice %arg9[%dma_start3A_568, %dma_start3A_569] : memref<128x129xf32, #tpu.memory_space<vmem>> -> memref<8x128xf32, #tpu.memory_space<vmem>>
      tpu.enqueue_dma source(%dma_start3A_570 : memref<8x128xf32, #tpu.memory_space<vmem>>) target(%dma_start3A_567 : memref<8x128xf32, #tpu.memory_space<hbm>>) target_semaphore(%arg14 : memref<!tpu.dma_semaphore, #tpu.memory_space<semaphore_mem>>)
      %gt3A_571 = arith.constant 0 : i32
      %gt3A_572 = arith.cmpi sgt, %scan3A_106, %gt3A_571 : i32
      %convert_element_type3A_573 = arith.extui %gt3A_572 : i1 to i32
      %cond3A_574 = arith.constant 0 : i32
      %cond3A_575 = arith.cmpi ne, %convert_element_type3A_573, %cond3A_574 : i32
      scf.if %cond3A_575 {
        %dma_wait3A_976 = arith.constant 0 : i32
        %dma_wait3A_977 = arith.constant 0 : i32
        %dma_wait3A_978 = tpu.memref_slice %arg10[%dma_wait3A_976, %dma_wait3A_977] : memref<128x129xf32, #tpu.memory_space<vmem>> -> memref<128x128xf32, #tpu.memory_space<vmem>>
        %dma_wait3A_979 = arith.constant 0 : i32
        %dma_wait3A_980 = arith.constant 0 : i32
        %dma_wait3A_981 = tpu.memref_slice %arg5[%dma_wait3A_979, %dma_wait3A_980] : memref<204800x128xf32, #tpu.memory_space<hbm>> -> memref<128x128xf32, #tpu.memory_space<hbm>>
        %dma_wait3A_982 = arith.constant 0 : i32
        %dma_wait3A_983 = arith.constant 0 : i32
        %dma_wait3A_984 = tpu.memref_slice %arg5[%dma_wait3A_982, %dma_wait3A_983] : memref<204800x128xf32, #tpu.memory_space<hbm>> -> memref<128x128xf32, #tpu.memory_space<hbm>>
        %dma_wait3A_985 = arith.constant 0 : i32
        %dma_wait3A_986 = arith.constant 0 : i32
        %dma_wait3A_987 = tpu.memref_slice %arg10[%dma_wait3A_985, %dma_wait3A_986] : memref<128x129xf32, #tpu.memory_space<vmem>> -> memref<128x128xf32, #tpu.memory_space<vmem>>
        tpu.wait_dma2 semaphore(%arg15 : memref<!tpu.dma_semaphore, #tpu.memory_space<semaphore_mem>>) src(%dma_wait3A_987 : memref<128x128xf32, #tpu.memory_space<vmem>>) dst(%dma_wait3A_984 : memref<128x128xf32, #tpu.memory_space<hbm>>)
      } else {
      }
      %lt3A = arith.constant 24 : i32
      %lt3A_576 = arith.cmpi slt, %scan3A_106, %lt3A : i32
      %convert_element_type3A_577 = arith.extui %lt3A_576 : i1 to i32
      %cond3A_578 = arith.constant 0 : i32
      %cond3A_579 = arith.cmpi ne, %convert_element_type3A_577, %cond3A_578 : i32
      scf.if %cond3A_579 {
        %add3A_976 = arith.constant 2 : i32
        %add3A_977 = arith.addi %mul3A_108, %add3A_976 : i32
        %mul3A_978 = arith.constant 4 : i32
        %mul3A_979 = arith.muli %add3A_977, %mul3A_978 : i32
        %add3A_980 = arith.constant 0 : i32
        %add3A_981 = arith.addi %mul3A_979, %add3A_980 : i32
        %shift_right_arithmetic3A_982 = arith.constant 3 : i32
        %shift_right_arithmetic3A_983 = arith.shrsi %add3A_981, %shift_right_arithmetic3A_982 : i32
        %and3A_984 = arith.constant 7 : i32
        %and3A_985 = arith.andi %add3A_981, %and3A_984 : i32
        %dma_start3A_986 = arith.constant 0 : i32
        %dma_start3A_987 = arith.constant 0 : i32
        %dma_start3A_988 = tpu.memref_slice %arg7[%dma_start3A_986, %dma_start3A_987] : memref<512x32xf32, #tpu.memory_space<vmem>> -> memref<128x32xf32, #tpu.memory_space<vmem>>
        %dma_start3A_989 = arith.constant 0 : i32
        %dma_start3A_990 = tpu.memref_slice %arg6[%shift_right_arithmetic3A_983, %and3A_985, %dma_start3A_989] : memref<25x8x128xi32, #tpu.memory_space<vmem>> -> memref<1x1x128xi32, #tpu.memory_space<vmem>>
        %dma_start3A_991 = tpu.memref_squeeze %dma_start3A_990 : memref<1x1x128xi32, #tpu.memory_space<vmem>> -> memref<128xi32, #tpu.memory_space<vmem>>
        %dma_start3A_992 = arith.constant 0 : i32
        %dma_start3A_993 = arith.constant 0 : i32
        %dma_start3A_994 = tpu.memref_slice %arg3[%dma_start3A_992, %dma_start3A_993] : memref<100000x32xf32, #tpu.memory_space<hbm>> -> memref<100000x32xf32, #tpu.memory_space<hbm>>
        tpu.enqueue_indirect_dma source(%dma_start3A_994 : memref<100000x32xf32, #tpu.memory_space<hbm>>) target(%dma_start3A_988 : memref<128x32xf32, #tpu.memory_space<vmem>>) offsets(%dma_start3A_991 : memref<128xi32, #tpu.memory_space<vmem>>) semaphore(%arg12 : memref<!tpu.dma_semaphore, #tpu.memory_space<semaphore_mem>>)
        %mul3A_995 = arith.constant 4 : i32
        %mul3A_996 = arith.muli %add3A_977, %mul3A_995 : i32
        %add3A_997 = arith.constant 1 : i32
        %add3A_998 = arith.addi %mul3A_996, %add3A_997 : i32
        %shift_right_arithmetic3A_999 = arith.constant 3 : i32
        %shift_right_arithmetic3A_1000 = arith.shrsi %add3A_998, %shift_right_arithmetic3A_999 : i32
        %and3A_1001 = arith.constant 7 : i32
        %and3A_1002 = arith.andi %add3A_998, %and3A_1001 : i32
        %dma_start3A_1003 = arith.constant 128 : i32
        %dma_start3A_1004 = arith.constant 0 : i32
        %dma_start3A_1005 = tpu.memref_slice %arg7[%dma_start3A_1003, %dma_start3A_1004] : memref<512x32xf32, #tpu.memory_space<vmem>> -> memref<128x32xf32, #tpu.memory_space<vmem>>
        %dma_start3A_1006 = arith.constant 0 : i32
        %dma_start3A_1007 = tpu.memref_slice %arg6[%shift_right_arithmetic3A_1000, %and3A_1002, %dma_start3A_1006] : memref<25x8x128xi32, #tpu.memory_space<vmem>> -> memref<1x1x128xi32, #tpu.memory_space<vmem>>
        %dma_start3A_1008 = tpu.memref_squeeze %dma_start3A_1007 : memref<1x1x128xi32, #tpu.memory_space<vmem>> -> memref<128xi32, #tpu.memory_space<vmem>>
        %dma_start3A_1009 = arith.constant 0 : i32
        %dma_start3A_1010 = arith.constant 0 : i32
        %dma_start3A_1011 = tpu.memref_slice %arg3[%dma_start3A_1009, %dma_start3A_1010] : memref<100000x32xf32, #tpu.memory_space<hbm>> -> memref<100000x32xf32, #tpu.memory_space<hbm>>
        tpu.enqueue_indirect_dma source(%dma_start3A_1011 : memref<100000x32xf32, #tpu.memory_space<hbm>>) target(%dma_start3A_1005 : memref<128x32xf32, #tpu.memory_space<vmem>>) offsets(%dma_start3A_1008 : memref<128xi32, #tpu.memory_space<vmem>>) semaphore(%arg12 : memref<!tpu.dma_semaphore, #tpu.memory_space<semaphore_mem>>)
        %mul3A_1012 = arith.constant 4 : i32
        %mul3A_1013 = arith.muli %add3A_977, %mul3A_1012 : i32
        %add3A_1014 = arith.constant 2 : i32
        %add3A_1015 = arith.addi %mul3A_1013, %add3A_1014 : i32
        %shift_right_arithmetic3A_1016 = arith.constant 3 : i32
        %shift_right_arithmetic3A_1017 = arith.shrsi %add3A_1015, %shift_right_arithmetic3A_1016 : i32
        %and3A_1018 = arith.constant 7 : i32
        %and3A_1019 = arith.andi %add3A_1015, %and3A_1018 : i32
        %dma_start3A_1020 = arith.constant 256 : i32
        %dma_start3A_1021 = arith.constant 0 : i32
        %dma_start3A_1022 = tpu.memref_slice %arg7[%dma_start3A_1020, %dma_start3A_1021] : memref<512x32xf32, #tpu.memory_space<vmem>> -> memref<128x32xf32, #tpu.memory_space<vmem>>
        %dma_start3A_1023 = arith.constant 0 : i32
        %dma_start3A_1024 = tpu.memref_slice %arg6[%shift_right_arithmetic3A_1017, %and3A_1019, %dma_start3A_1023] : memref<25x8x128xi32, #tpu.memory_space<vmem>> -> memref<1x1x128xi32, #tpu.memory_space<vmem>>
        %dma_start3A_1025 = tpu.memref_squeeze %dma_start3A_1024 : memref<1x1x128xi32, #tpu.memory_space<vmem>> -> memref<128xi32, #tpu.memory_space<vmem>>
        %dma_start3A_1026 = arith.constant 0 : i32
        %dma_start3A_1027 = arith.constant 0 : i32
        %dma_start3A_1028 = tpu.memref_slice %arg3[%dma_start3A_1026, %dma_start3A_1027] : memref<100000x32xf32, #tpu.memory_space<hbm>> -> memref<100000x32xf32, #tpu.memory_space<hbm>>
        tpu.enqueue_indirect_dma source(%dma_start3A_1028 : memref<100000x32xf32, #tpu.memory_space<hbm>>) target(%dma_start3A_1022 : memref<128x32xf32, #tpu.memory_space<vmem>>) offsets(%dma_start3A_1025 : memref<128xi32, #tpu.memory_space<vmem>>) semaphore(%arg12 : memref<!tpu.dma_semaphore, #tpu.memory_space<semaphore_mem>>)
        %mul3A_1029 = arith.constant 4 : i32
        %mul3A_1030 = arith.muli %add3A_977, %mul3A_1029 : i32
        %add3A_1031 = arith.constant 3 : i32
        %add3A_1032 = arith.addi %mul3A_1030, %add3A_1031 : i32
        %shift_right_arithmetic3A_1033 = arith.constant 3 : i32
        %shift_right_arithmetic3A_1034 = arith.shrsi %add3A_1032, %shift_right_arithmetic3A_1033 : i32
        %and3A_1035 = arith.constant 7 : i32
        %and3A_1036 = arith.andi %add3A_1032, %and3A_1035 : i32
        %dma_start3A_1037 = arith.constant 384 : i32
        %dma_start3A_1038 = arith.constant 0 : i32
        %dma_start3A_1039 = tpu.memref_slice %arg7[%dma_start3A_1037, %dma_start3A_1038] : memref<512x32xf32, #tpu.memory_space<vmem>> -> memref<128x32xf32, #tpu.memory_space<vmem>>
        %dma_start3A_1040 = arith.constant 0 : i32
        %dma_start3A_1041 = tpu.memref_slice %arg6[%shift_right_arithmetic3A_1034, %and3A_1036, %dma_start3A_1040] : memref<25x8x128xi32, #tpu.memory_space<vmem>> -> memref<1x1x128xi32, #tpu.memory_space<vmem>>
        %dma_start3A_1042 = tpu.memref_squeeze %dma_start3A_1041 : memref<1x1x128xi32, #tpu.memory_space<vmem>> -> memref<128xi32, #tpu.memory_space<vmem>>
        %dma_start3A_1043 = arith.constant 0 : i32
        %dma_start3A_1044 = arith.constant 0 : i32
        %dma_start3A_1045 = tpu.memref_slice %arg3[%dma_start3A_1043, %dma_start3A_1044] : memref<100000x32xf32, #tpu.memory_space<hbm>> -> memref<100000x32xf32, #tpu.memory_space<hbm>>
        tpu.enqueue_indirect_dma source(%dma_start3A_1045 : memref<100000x32xf32, #tpu.memory_space<hbm>>) target(%dma_start3A_1039 : memref<128x32xf32, #tpu.memory_space<vmem>>) offsets(%dma_start3A_1042 : memref<128xi32, #tpu.memory_space<vmem>>) semaphore(%arg12 : memref<!tpu.dma_semaphore, #tpu.memory_space<semaphore_mem>>)
      } else {
      }
      %dma_wait3A_580 = arith.constant 0 : i32
      %dma_wait3A_581 = arith.constant 0 : i32
      %dma_wait3A_582 = arith.constant 0 : i32
      %dma_wait3A_583 = arith.constant 0 : i32
      %dma_wait3A_584 = tpu.memref_slice %arg8[%dma_wait3A_582, %dma_wait3A_583] : memref<512x32xf32, #tpu.memory_space<vmem>> -> memref<128x32xf32, #tpu.memory_space<vmem>>
      %dma_wait3A_585 = arith.constant 0 : i32
      %dma_wait3A_586 = tpu.memref_slice %arg6[%dma_wait3A_580, %dma_wait3A_581, %dma_wait3A_585] : memref<25x8x128xi32, #tpu.memory_space<vmem>> -> memref<1x1x128xi32, #tpu.memory_space<vmem>>
      %dma_wait3A_587 = tpu.memref_squeeze %dma_wait3A_586 : memref<1x1x128xi32, #tpu.memory_space<vmem>> -> memref<128xi32, #tpu.memory_space<vmem>>
      %dma_wait3A_588 = arith.constant 0 : i32
      %dma_wait3A_589 = arith.constant 0 : i32
      %dma_wait3A_590 = tpu.memref_slice %arg3[%dma_wait3A_588, %dma_wait3A_589] : memref<100000x32xf32, #tpu.memory_space<hbm>> -> memref<100000x32xf32, #tpu.memory_space<hbm>>
      tpu.wait_indirect_dma semaphore(%arg13 : memref<!tpu.dma_semaphore, #tpu.memory_space<semaphore_mem>>) src(%dma_wait3A_590 : memref<100000x32xf32, #tpu.memory_space<hbm>>) dst(%dma_wait3A_584 : memref<128x32xf32, #tpu.memory_space<vmem>>)
      %dma_wait3A_591 = arith.constant 0 : i32
      %dma_wait3A_592 = arith.constant 0 : i32
      %dma_wait3A_593 = arith.constant 128 : i32
      %dma_wait3A_594 = arith.constant 0 : i32
      %dma_wait3A_595 = tpu.memref_slice %arg8[%dma_wait3A_593, %dma_wait3A_594] : memref<512x32xf32, #tpu.memory_space<vmem>> -> memref<128x32xf32, #tpu.memory_space<vmem>>
      %dma_wait3A_596 = arith.constant 0 : i32
      %dma_wait3A_597 = tpu.memref_slice %arg6[%dma_wait3A_591, %dma_wait3A_592, %dma_wait3A_596] : memref<25x8x128xi32, #tpu.memory_space<vmem>> -> memref<1x1x128xi32, #tpu.memory_space<vmem>>
      %dma_wait3A_598 = tpu.memref_squeeze %dma_wait3A_597 : memref<1x1x128xi32, #tpu.memory_space<vmem>> -> memref<128xi32, #tpu.memory_space<vmem>>
      %dma_wait3A_599 = arith.constant 0 : i32
      %dma_wait3A_600 = arith.constant 0 : i32
      %dma_wait3A_601 = tpu.memref_slice %arg3[%dma_wait3A_599, %dma_wait3A_600] : memref<100000x32xf32, #tpu.memory_space<hbm>> -> memref<100000x32xf32, #tpu.memory_space<hbm>>
      tpu.wait_indirect_dma semaphore(%arg13 : memref<!tpu.dma_semaphore, #tpu.memory_space<semaphore_mem>>) src(%dma_wait3A_601 : memref<100000x32xf32, #tpu.memory_space<hbm>>) dst(%dma_wait3A_595 : memref<128x32xf32, #tpu.memory_space<vmem>>)
      %dma_wait3A_602 = arith.constant 0 : i32
      %dma_wait3A_603 = arith.constant 0 : i32
      %dma_wait3A_604 = arith.constant 256 : i32
      %dma_wait3A_605 = arith.constant 0 : i32
      %dma_wait3A_606 = tpu.memref_slice %arg8[%dma_wait3A_604, %dma_wait3A_605] : memref<512x32xf32, #tpu.memory_space<vmem>> -> memref<128x32xf32, #tpu.memory_space<vmem>>
      %dma_wait3A_607 = arith.constant 0 : i32
      %dma_wait3A_608 = tpu.memref_slice %arg6[%dma_wait3A_602, %dma_wait3A_603, %dma_wait3A_607] : memref<25x8x128xi32, #tpu.memory_space<vmem>> -> memref<1x1x128xi32, #tpu.memory_space<vmem>>
      %dma_wait3A_609 = tpu.memref_squeeze %dma_wait3A_608 : memref<1x1x128xi32, #tpu.memory_space<vmem>> -> memref<128xi32, #tpu.memory_space<vmem>>
      %dma_wait3A_610 = arith.constant 0 : i32
      %dma_wait3A_611 = arith.constant 0 : i32
      %dma_wait3A_612 = tpu.memref_slice %arg3[%dma_wait3A_610, %dma_wait3A_611] : memref<100000x32xf32, #tpu.memory_space<hbm>> -> memref<100000x32xf32, #tpu.memory_space<hbm>>
      tpu.wait_indirect_dma semaphore(%arg13 : memref<!tpu.dma_semaphore, #tpu.memory_space<semaphore_mem>>) src(%dma_wait3A_612 : memref<100000x32xf32, #tpu.memory_space<hbm>>) dst(%dma_wait3A_606 : memref<128x32xf32, #tpu.memory_space<vmem>>)
      %dma_wait3A_613 = arith.constant 0 : i32
      %dma_wait3A_614 = arith.constant 0 : i32
      %dma_wait3A_615 = arith.constant 384 : i32
      %dma_wait3A_616 = arith.constant 0 : i32
      %dma_wait3A_617 = tpu.memref_slice %arg8[%dma_wait3A_615, %dma_wait3A_616] : memref<512x32xf32, #tpu.memory_space<vmem>> -> memref<128x32xf32, #tpu.memory_space<vmem>>
      %dma_wait3A_618 = arith.constant 0 : i32
      %dma_wait3A_619 = tpu.memref_slice %arg6[%dma_wait3A_613, %dma_wait3A_614, %dma_wait3A_618] : memref<25x8x128xi32, #tpu.memory_space<vmem>> -> memref<1x1x128xi32, #tpu.memory_space<vmem>>
      %dma_wait3A_620 = tpu.memref_squeeze %dma_wait3A_619 : memref<1x1x128xi32, #tpu.memory_space<vmem>> -> memref<128xi32, #tpu.memory_space<vmem>>
      %dma_wait3A_621 = arith.constant 0 : i32
      %dma_wait3A_622 = arith.constant 0 : i32
      %dma_wait3A_623 = tpu.memref_slice %arg3[%dma_wait3A_621, %dma_wait3A_622] : memref<100000x32xf32, #tpu.memory_space<hbm>> -> memref<100000x32xf32, #tpu.memory_space<hbm>>
      tpu.wait_indirect_dma semaphore(%arg13 : memref<!tpu.dma_semaphore, #tpu.memory_space<semaphore_mem>>) src(%dma_wait3A_623 : memref<100000x32xf32, #tpu.memory_space<hbm>>) dst(%dma_wait3A_617 : memref<128x32xf32, #tpu.memory_space<vmem>>)
      %add3A_624 = arith.constant 4 : i32
      %add3A_625 = arith.addi %mul3A_110, %add3A_624 : i32
      %add3A_626 = arith.constant 0 : i32
      %add3A_627 = arith.addi %add3A_625, %add3A_626 : i32
      %get3A_628 = arith.index_cast %add3A_627 : i32 to index
      %get3A_629 = arith.constant 0 : index
      %get3A_630 = tpu.vector_load %arg11[%get3A_628, %get3A_629] {strides = array<i32>} : memref<200x32xf32, #tpu.memory_space<vmem>>, vector<16xf32>,
      %get3A_631 = arith.index_cast %add3A_627 : i32 to index
      %get3A_632 = arith.constant 16 : index
      %get3A_633 = tpu.vector_load %arg11[%get3A_631, %get3A_632] {strides = array<i32>} : memref<200x32xf32, #tpu.memory_space<vmem>>, vector<16xf32>,
      %parallel_loop3A_634 = arith.constant 0 : i32
      %parallel_loop3A_635 = arith.constant 16 : i32
      %parallel_loop3A_636 = arith.constant 1 : i32
      scf.for %parallel_loop3A_976 = %parallel_loop3A_634 to %parallel_loop3A_635 step %parallel_loop3A_636  : i32 {
        %parallel_loop3A_977 = arith.constant 8 : i32
        %parallel_loop3A_978 = arith.muli %parallel_loop3A_976, %parallel_loop3A_977 : i32
        %parallel_loop3A_979 = arith.constant 0 : i32
        %parallel_loop3A_980 = arith.addi %parallel_loop3A_979, %parallel_loop3A_978 : i32
        %parallel_loop3A_981 = arith.constant 0 : i32
        %parallel_loop3A_982 = arith.addi %parallel_loop3A_980, %parallel_loop3A_981 : i32
        %parallel_loop3A_983 = arith.index_cast %parallel_loop3A_982 : i32 to index
        %parallel_loop3A_984 = arith.constant 0 : index
        %parallel_loop3A_985 = tpu.vector_load %arg8[%parallel_loop3A_983, %parallel_loop3A_984] {strides = array<i32>} : memref<512x32xf32, #tpu.memory_space<vmem>>, vector<16xf32>,
        %parallel_loop3A_986 = arith.addf %parallel_loop3A_985, %get3A_630 : vector<16xf32>
        %parallel_loop3A_987 = arith.constant 8 : i32
        %parallel_loop3A_988 = arith.muli %parallel_loop3A_976, %parallel_loop3A_987 : i32
        %parallel_loop3A_989 = arith.constant 0 : i32
        %parallel_loop3A_990 = arith.addi %parallel_loop3A_989, %parallel_loop3A_988 : i32
        %parallel_loop3A_991 = arith.constant 1 : i32
        %parallel_loop3A_992 = arith.addi %parallel_loop3A_990, %parallel_loop3A_991 : i32
        %parallel_loop3A_993 = arith.index_cast %parallel_loop3A_992 : i32 to index
        %parallel_loop3A_994 = arith.constant 0 : index
        %parallel_loop3A_995 = tpu.vector_load %arg8[%parallel_loop3A_993, %parallel_loop3A_994] {strides = array<i32>} : memref<512x32xf32, #tpu.memory_space<vmem>>, vector<16xf32>,
        %parallel_loop3A_996 = arith.addf %parallel_loop3A_995, %get3A_630 : vector<16xf32>
        %parallel_loop3A_997 = arith.constant 8 : i32
        %parallel_loop3A_998 = arith.muli %parallel_loop3A_976, %parallel_loop3A_997 : i32
        %parallel_loop3A_999 = arith.constant 0 : i32
        %parallel_loop3A_1000 = arith.addi %parallel_loop3A_999, %parallel_loop3A_998 : i32
        %parallel_loop3A_1001 = arith.constant 2 : i32
        %parallel_loop3A_1002 = arith.addi %parallel_loop3A_1000, %parallel_loop3A_1001 : i32
        %parallel_loop3A_1003 = arith.index_cast %parallel_loop3A_1002 : i32 to index
        %parallel_loop3A_1004 = arith.constant 0 : index
        %parallel_loop3A_1005 = tpu.vector_load %arg8[%parallel_loop3A_1003, %parallel_loop3A_1004] {strides = array<i32>} : memref<512x32xf32, #tpu.memory_space<vmem>>, vector<16xf32>,
        %parallel_loop3A_1006 = arith.addf %parallel_loop3A_1005, %get3A_630 : vector<16xf32>
        %parallel_loop3A_1007 = arith.constant 8 : i32
        %parallel_loop3A_1008 = arith.muli %parallel_loop3A_976, %parallel_loop3A_1007 : i32
        %parallel_loop3A_1009 = arith.constant 0 : i32
        %parallel_loop3A_1010 = arith.addi %parallel_loop3A_1009, %parallel_loop3A_1008 : i32
        %parallel_loop3A_1011 = arith.constant 3 : i32
        %parallel_loop3A_1012 = arith.addi %parallel_loop3A_1010, %parallel_loop3A_1011 : i32
        %parallel_loop3A_1013 = arith.index_cast %parallel_loop3A_1012 : i32 to index
        %parallel_loop3A_1014 = arith.constant 0 : index
        %parallel_loop3A_1015 = tpu.vector_load %arg8[%parallel_loop3A_1013, %parallel_loop3A_1014] {strides = array<i32>} : memref<512x32xf32, #tpu.memory_space<vmem>>, vector<16xf32>,
        %parallel_loop3A_1016 = arith.addf %parallel_loop3A_1015, %get3A_630 : vector<16xf32>
        %parallel_loop3A_1017 = arith.constant 8 : i32
        %parallel_loop3A_1018 = arith.muli %parallel_loop3A_976, %parallel_loop3A_1017 : i32
        %parallel_loop3A_1019 = arith.constant 0 : i32
        %parallel_loop3A_1020 = arith.addi %parallel_loop3A_1019, %parallel_loop3A_1018 : i32
        %parallel_loop3A_1021 = arith.constant 4 : i32
        %parallel_loop3A_1022 = arith.addi %parallel_loop3A_1020, %parallel_loop3A_1021 : i32
        %parallel_loop3A_1023 = arith.index_cast %parallel_loop3A_1022 : i32 to index
        %parallel_loop3A_1024 = arith.constant 0 : index
        %parallel_loop3A_1025 = tpu.vector_load %arg8[%parallel_loop3A_1023, %parallel_loop3A_1024] {strides = array<i32>} : memref<512x32xf32, #tpu.memory_space<vmem>>, vector<16xf32>,
        %parallel_loop3A_1026 = arith.addf %parallel_loop3A_1025, %get3A_630 : vector<16xf32>
        %parallel_loop3A_1027 = arith.constant 8 : i32
        %parallel_loop3A_1028 = arith.muli %parallel_loop3A_976, %parallel_loop3A_1027 : i32
        %parallel_loop3A_1029 = arith.constant 0 : i32
        %parallel_loop3A_1030 = arith.addi %parallel_loop3A_1029, %parallel_loop3A_1028 : i32
        %parallel_loop3A_1031 = arith.constant 5 : i32
        %parallel_loop3A_1032 = arith.addi %parallel_loop3A_1030, %parallel_loop3A_1031 : i32
        %parallel_loop3A_1033 = arith.index_cast %parallel_loop3A_1032 : i32 to index
        %parallel_loop3A_1034 = arith.constant 0 : index
        %parallel_loop3A_1035 = tpu.vector_load %arg8[%parallel_loop3A_1033, %parallel_loop3A_1034] {strides = array<i32>} : memref<512x32xf32, #tpu.memory_space<vmem>>, vector<16xf32>,
        %parallel_loop3A_1036 = arith.addf %parallel_loop3A_1035, %get3A_630 : vector<16xf32>
        %parallel_loop3A_1037 = arith.constant 8 : i32
        %parallel_loop3A_1038 = arith.muli %parallel_loop3A_976, %parallel_loop3A_1037 : i32
        %parallel_loop3A_1039 = arith.constant 0 : i32
        %parallel_loop3A_1040 = arith.addi %parallel_loop3A_1039, %parallel_loop3A_1038 : i32
        %parallel_loop3A_1041 = arith.constant 6 : i32
        %parallel_loop3A_1042 = arith.addi %parallel_loop3A_1040, %parallel_loop3A_1041 : i32
        %parallel_loop3A_1043 = arith.index_cast %parallel_loop3A_1042 : i32 to index
        %parallel_loop3A_1044 = arith.constant 0 : index
        %parallel_loop3A_1045 = tpu.vector_load %arg8[%parallel_loop3A_1043, %parallel_loop3A_1044] {strides = array<i32>} : memref<512x32xf32, #tpu.memory_space<vmem>>, vector<16xf32>,
        %parallel_loop3A_1046 = arith.addf %parallel_loop3A_1045, %get3A_630 : vector<16xf32>
        %parallel_loop3A_1047 = arith.constant 8 : i32
        %parallel_loop3A_1048 = arith.muli %parallel_loop3A_976, %parallel_loop3A_1047 : i32
        %parallel_loop3A_1049 = arith.constant 0 : i32
        %parallel_loop3A_1050 = arith.addi %parallel_loop3A_1049, %parallel_loop3A_1048 : i32
        %parallel_loop3A_1051 = arith.constant 7 : i32
        %parallel_loop3A_1052 = arith.addi %parallel_loop3A_1050, %parallel_loop3A_1051 : i32
        %parallel_loop3A_1053 = arith.index_cast %parallel_loop3A_1052 : i32 to index
        %parallel_loop3A_1054 = arith.constant 0 : index
        %parallel_loop3A_1055 = tpu.vector_load %arg8[%parallel_loop3A_1053, %parallel_loop3A_1054] {strides = array<i32>} : memref<512x32xf32, #tpu.memory_space<vmem>>, vector<16xf32>,
        %parallel_loop3A_1056 = arith.addf %parallel_loop3A_1055, %get3A_630 : vector<16xf32>
        %parallel_loop3A_1057 = arith.constant 8 : i32
        %parallel_loop3A_1058 = arith.muli %parallel_loop3A_976, %parallel_loop3A_1057 : i32
        %parallel_loop3A_1059 = arith.constant 0 : i32
        %parallel_loop3A_1060 = arith.addi %parallel_loop3A_1059, %parallel_loop3A_1058 : i32
        %parallel_loop3A_1061 = arith.constant 0 : i32
        %parallel_loop3A_1062 = arith.addi %parallel_loop3A_1060, %parallel_loop3A_1061 : i32
        %parallel_loop3A_1063 = arith.index_cast %parallel_loop3A_1062 : i32 to index
        %parallel_loop3A_1064 = arith.constant 16 : index
        %parallel_loop3A_1065 = tpu.vector_load %arg8[%parallel_loop3A_1063, %parallel_loop3A_1064] {strides = array<i32>} : memref<512x32xf32, #tpu.memory_space<vmem>>, vector<16xf32>,
        %parallel_loop3A_1066 = arith.addf %parallel_loop3A_1065, %get3A_633 : vector<16xf32>
        %parallel_loop3A_1067 = arith.constant 8 : i32
        %parallel_loop3A_1068 = arith.muli %parallel_loop3A_976, %parallel_loop3A_1067 : i32
        %parallel_loop3A_1069 = arith.constant 0 : i32
        %parallel_loop3A_1070 = arith.addi %parallel_loop3A_1069, %parallel_loop3A_1068 : i32
        %parallel_loop3A_1071 = arith.constant 1 : i32
        %parallel_loop3A_1072 = arith.addi %parallel_loop3A_1070, %parallel_loop3A_1071 : i32
        %parallel_loop3A_1073 = arith.index_cast %parallel_loop3A_1072 : i32 to index
        %parallel_loop3A_1074 = arith.constant 16 : index
        %parallel_loop3A_1075 = tpu.vector_load %arg8[%parallel_loop3A_1073, %parallel_loop3A_1074] {strides = array<i32>} : memref<512x32xf32, #tpu.memory_space<vmem>>, vector<16xf32>,
        %parallel_loop3A_1076 = arith.addf %parallel_loop3A_1075, %get3A_633 : vector<16xf32>
        %parallel_loop3A_1077 = arith.constant 8 : i32
        %parallel_loop3A_1078 = arith.muli %parallel_loop3A_976, %parallel_loop3A_1077 : i32
        %parallel_loop3A_1079 = arith.constant 0 : i32
        %parallel_loop3A_1080 = arith.addi %parallel_loop3A_1079, %parallel_loop3A_1078 : i32
        %parallel_loop3A_1081 = arith.constant 2 : i32
        %parallel_loop3A_1082 = arith.addi %parallel_loop3A_1080, %parallel_loop3A_1081 : i32
        %parallel_loop3A_1083 = arith.index_cast %parallel_loop3A_1082 : i32 to index
        %parallel_loop3A_1084 = arith.constant 16 : index
        %parallel_loop3A_1085 = tpu.vector_load %arg8[%parallel_loop3A_1083, %parallel_loop3A_1084] {strides = array<i32>} : memref<512x32xf32, #tpu.memory_space<vmem>>, vector<16xf32>,
        %parallel_loop3A_1086 = arith.addf %parallel_loop3A_1085, %get3A_633 : vector<16xf32>
        %parallel_loop3A_1087 = arith.constant 8 : i32
        %parallel_loop3A_1088 = arith.muli %parallel_loop3A_976, %parallel_loop3A_1087 : i32
        %parallel_loop3A_1089 = arith.constant 0 : i32
        %parallel_loop3A_1090 = arith.addi %parallel_loop3A_1089, %parallel_loop3A_1088 : i32
        %parallel_loop3A_1091 = arith.constant 3 : i32
        %parallel_loop3A_1092 = arith.addi %parallel_loop3A_1090, %parallel_loop3A_1091 : i32
        %parallel_loop3A_1093 = arith.index_cast %parallel_loop3A_1092 : i32 to index
        %parallel_loop3A_1094 = arith.constant 16 : index
        %parallel_loop3A_1095 = tpu.vector_load %arg8[%parallel_loop3A_1093, %parallel_loop3A_1094] {strides = array<i32>} : memref<512x32xf32, #tpu.memory_space<vmem>>, vector<16xf32>,
        %parallel_loop3A_1096 = arith.addf %parallel_loop3A_1095, %get3A_633 : vector<16xf32>
        %parallel_loop3A_1097 = arith.constant 8 : i32
        %parallel_loop3A_1098 = arith.muli %parallel_loop3A_976, %parallel_loop3A_1097 : i32
        %parallel_loop3A_1099 = arith.constant 0 : i32
        %parallel_loop3A_1100 = arith.addi %parallel_loop3A_1099, %parallel_loop3A_1098 : i32
        %parallel_loop3A_1101 = arith.constant 4 : i32
        %parallel_loop3A_1102 = arith.addi %parallel_loop3A_1100, %parallel_loop3A_1101 : i32
        %parallel_loop3A_1103 = arith.index_cast %parallel_loop3A_1102 : i32 to index
        %parallel_loop3A_1104 = arith.constant 16 : index
        %parallel_loop3A_1105 = tpu.vector_load %arg8[%parallel_loop3A_1103, %parallel_loop3A_1104] {strides = array<i32>} : memref<512x32xf32, #tpu.memory_space<vmem>>, vector<16xf32>,
        %parallel_loop3A_1106 = arith.addf %parallel_loop3A_1105, %get3A_633 : vector<16xf32>
        %parallel_loop3A_1107 = arith.constant 8 : i32
        %parallel_loop3A_1108 = arith.muli %parallel_loop3A_976, %parallel_loop3A_1107 : i32
        %parallel_loop3A_1109 = arith.constant 0 : i32
        %parallel_loop3A_1110 = arith.addi %parallel_loop3A_1109, %parallel_loop3A_1108 : i32
        %parallel_loop3A_1111 = arith.constant 5 : i32
        %parallel_loop3A_1112 = arith.addi %parallel_loop3A_1110, %parallel_loop3A_1111 : i32
        %parallel_loop3A_1113 = arith.index_cast %parallel_loop3A_1112 : i32 to index
        %parallel_loop3A_1114 = arith.constant 16 : index
        %parallel_loop3A_1115 = tpu.vector_load %arg8[%parallel_loop3A_1113, %parallel_loop3A_1114] {strides = array<i32>} : memref<512x32xf32, #tpu.memory_space<vmem>>, vector<16xf32>,
        %parallel_loop3A_1116 = arith.addf %parallel_loop3A_1115, %get3A_633 : vector<16xf32>
        %parallel_loop3A_1117 = arith.constant 8 : i32
        %parallel_loop3A_1118 = arith.muli %parallel_loop3A_976, %parallel_loop3A_1117 : i32
        %parallel_loop3A_1119 = arith.constant 0 : i32
        %parallel_loop3A_1120 = arith.addi %parallel_loop3A_1119, %parallel_loop3A_1118 : i32
        %parallel_loop3A_1121 = arith.constant 6 : i32
        %parallel_loop3A_1122 = arith.addi %parallel_loop3A_1120, %parallel_loop3A_1121 : i32
        %parallel_loop3A_1123 = arith.index_cast %parallel_loop3A_1122 : i32 to index
        %parallel_loop3A_1124 = arith.constant 16 : index
        %parallel_loop3A_1125 = tpu.vector_load %arg8[%parallel_loop3A_1123, %parallel_loop3A_1124] {strides = array<i32>} : memref<512x32xf32, #tpu.memory_space<vmem>>, vector<16xf32>,
        %parallel_loop3A_1126 = arith.addf %parallel_loop3A_1125, %get3A_633 : vector<16xf32>
        %parallel_loop3A_1127 = arith.constant 8 : i32
        %parallel_loop3A_1128 = arith.muli %parallel_loop3A_976, %parallel_loop3A_1127 : i32
        %parallel_loop3A_1129 = arith.constant 0 : i32
        %parallel_loop3A_1130 = arith.addi %parallel_loop3A_1129, %parallel_loop3A_1128 : i32
        %parallel_loop3A_1131 = arith.constant 7 : i32
        %parallel_loop3A_1132 = arith.addi %parallel_loop3A_1130, %parallel_loop3A_1131 : i32
        %parallel_loop3A_1133 = arith.index_cast %parallel_loop3A_1132 : i32 to index
        %parallel_loop3A_1134 = arith.constant 16 : index
        %parallel_loop3A_1135 = tpu.vector_load %arg8[%parallel_loop3A_1133, %parallel_loop3A_1134] {strides = array<i32>} : memref<512x32xf32, #tpu.memory_space<vmem>>, vector<16xf32>,
        %parallel_loop3A_1136 = arith.addf %parallel_loop3A_1135, %get3A_633 : vector<16xf32>
        %parallel_loop3A_1137 = arith.constant 8 : i32
        %parallel_loop3A_1138 = arith.muli %parallel_loop3A_976, %parallel_loop3A_1137 : i32
        %parallel_loop3A_1139 = vector.broadcast %parallel_loop3A_1138 : i32 to vector<16xi32>
        %parallel_loop3A_1140 = arith.addi %broadcast_in_dim3A_4, %parallel_loop3A_1139 : vector<16xi32>
        %parallel_loop3A_1141 = arith.constant 8 : i32
        %parallel_loop3A_1142 = arith.muli %parallel_loop3A_976, %parallel_loop3A_1141 : i32
        %parallel_loop3A_1143 = vector.broadcast %parallel_loop3A_1142 : i32 to vector<16xi32>
        %parallel_loop3A_1144 = arith.addi %broadcast_in_dim3A_6, %parallel_loop3A_1143 : vector<16xi32>
        %parallel_loop3A_1145 = arith.constant 8 : i32
        %parallel_loop3A_1146 = arith.muli %parallel_loop3A_976, %parallel_loop3A_1145 : i32
        %parallel_loop3A_1147 = vector.broadcast %parallel_loop3A_1146 : i32 to vector<16xi32>
        %parallel_loop3A_1148 = arith.addi %broadcast_in_dim3A_8, %parallel_loop3A_1147 : vector<16xi32>
        %parallel_loop3A_1149 = arith.constant 8 : i32
        %parallel_loop3A_1150 = arith.muli %parallel_loop3A_976, %parallel_loop3A_1149 : i32
        %parallel_loop3A_1151 = vector.broadcast %parallel_loop3A_1150 : i32 to vector<16xi32>
        %parallel_loop3A_1152 = arith.addi %broadcast_in_dim3A_10, %parallel_loop3A_1151 : vector<16xi32>
        %parallel_loop3A_1153 = arith.constant 8 : i32
        %parallel_loop3A_1154 = arith.muli %parallel_loop3A_976, %parallel_loop3A_1153 : i32
        %parallel_loop3A_1155 = vector.broadcast %parallel_loop3A_1154 : i32 to vector<16xi32>
        %parallel_loop3A_1156 = arith.addi %broadcast_in_dim3A_12, %parallel_loop3A_1155 : vector<16xi32>
        %parallel_loop3A_1157 = arith.constant 8 : i32
        %parallel_loop3A_1158 = arith.muli %parallel_loop3A_976, %parallel_loop3A_1157 : i32
        %parallel_loop3A_1159 = vector.broadcast %parallel_loop3A_1158 : i32 to vector<16xi32>
        %parallel_loop3A_1160 = arith.addi %broadcast_in_dim3A_14, %parallel_loop3A_1159 : vector<16xi32>
        %parallel_loop3A_1161 = arith.constant 8 : i32
        %parallel_loop3A_1162 = arith.muli %parallel_loop3A_976, %parallel_loop3A_1161 : i32
        %parallel_loop3A_1163 = vector.broadcast %parallel_loop3A_1162 : i32 to vector<16xi32>
        %parallel_loop3A_1164 = arith.addi %broadcast_in_dim3A_16, %parallel_loop3A_1163 : vector<16xi32>
        %parallel_loop3A_1165 = arith.constant 8 : i32
        %parallel_loop3A_1166 = arith.muli %parallel_loop3A_976, %parallel_loop3A_1165 : i32
        %parallel_loop3A_1167 = vector.broadcast %parallel_loop3A_1166 : i32 to vector<16xi32>
        %parallel_loop3A_1168 = arith.addi %broadcast_in_dim3A_18, %parallel_loop3A_1167 : vector<16xi32>
        %parallel_loop3A_1169 = arith.constant 0 : i32
        %parallel_loop3A_1170 = arith.constant 0 : i32
        %parallel_loop3A_1171 = tpu.memref_slice %arg10[%parallel_loop3A_1169, %parallel_loop3A_1170] : memref<128x129xf32, #tpu.memory_space<vmem>> -> memref<32x129xf32, #tpu.memory_space<vmem>>
        tpu.vector_store_idx %parallel_loop3A_1171[%iota3A, %parallel_loop3A_1140], %parallel_loop3A_986 : memref<32x129xf32, #tpu.memory_space<vmem>>[vector<16xi32>, vector<16xi32>], vector<16xf32>,
        %parallel_loop3A_1172 = arith.constant 0 : i32
        %parallel_loop3A_1173 = arith.constant 0 : i32
        %parallel_loop3A_1174 = tpu.memref_slice %arg10[%parallel_loop3A_1172, %parallel_loop3A_1173] : memref<128x129xf32, #tpu.memory_space<vmem>> -> memref<32x129xf32, #tpu.memory_space<vmem>>
        tpu.vector_store_idx %parallel_loop3A_1174[%add3A_3, %parallel_loop3A_1140], %parallel_loop3A_1066 : memref<32x129xf32, #tpu.memory_space<vmem>>[vector<16xi32>, vector<16xi32>], vector<16xf32>,
        %parallel_loop3A_1175 = arith.constant 0 : i32
        %parallel_loop3A_1176 = arith.constant 0 : i32
        %parallel_loop3A_1177 = tpu.memref_slice %arg10[%parallel_loop3A_1175, %parallel_loop3A_1176] : memref<128x129xf32, #tpu.memory_space<vmem>> -> memref<32x129xf32, #tpu.memory_space<vmem>>
        tpu.vector_store_idx %parallel_loop3A_1177[%iota3A, %parallel_loop3A_1144], %parallel_loop3A_996 : memref<32x129xf32, #tpu.memory_space<vmem>>[vector<16xi32>, vector<16xi32>], vector<16xf32>,
        %parallel_loop3A_1178 = arith.constant 0 : i32
        %parallel_loop3A_1179 = arith.constant 0 : i32
        %parallel_loop3A_1180 = tpu.memref_slice %arg10[%parallel_loop3A_1178, %parallel_loop3A_1179] : memref<128x129xf32, #tpu.memory_space<vmem>> -> memref<32x129xf32, #tpu.memory_space<vmem>>
        tpu.vector_store_idx %parallel_loop3A_1180[%add3A_3, %parallel_loop3A_1144], %parallel_loop3A_1076 : memref<32x129xf32, #tpu.memory_space<vmem>>[vector<16xi32>, vector<16xi32>], vector<16xf32>,
        %parallel_loop3A_1181 = arith.constant 0 : i32
        %parallel_loop3A_1182 = arith.constant 0 : i32
        %parallel_loop3A_1183 = tpu.memref_slice %arg10[%parallel_loop3A_1181, %parallel_loop3A_1182] : memref<128x129xf32, #tpu.memory_space<vmem>> -> memref<32x129xf32, #tpu.memory_space<vmem>>
        tpu.vector_store_idx %parallel_loop3A_1183[%iota3A, %parallel_loop3A_1148], %parallel_loop3A_1006 : memref<32x129xf32, #tpu.memory_space<vmem>>[vector<16xi32>, vector<16xi32>], vector<16xf32>,
        %parallel_loop3A_1184 = arith.constant 0 : i32
        %parallel_loop3A_1185 = arith.constant 0 : i32
        %parallel_loop3A_1186 = tpu.memref_slice %arg10[%parallel_loop3A_1184, %parallel_loop3A_1185] : memref<128x129xf32, #tpu.memory_space<vmem>> -> memref<32x129xf32, #tpu.memory_space<vmem>>
        tpu.vector_store_idx %parallel_loop3A_1186[%add3A_3, %parallel_loop3A_1148], %parallel_loop3A_1086 : memref<32x129xf32, #tpu.memory_space<vmem>>[vector<16xi32>, vector<16xi32>], vector<16xf32>,
        %parallel_loop3A_1187 = arith.constant 0 : i32
        %parallel_loop3A_1188 = arith.constant 0 : i32
        %parallel_loop3A_1189 = tpu.memref_slice %arg10[%parallel_loop3A_1187, %parallel_loop3A_1188] : memref<128x129xf32, #tpu.memory_space<vmem>> -> memref<32x129xf32, #tpu.memory_space<vmem>>
        tpu.vector_store_idx %parallel_loop3A_1189[%iota3A, %parallel_loop3A_1152], %parallel_loop3A_1016 : memref<32x129xf32, #tpu.memory_space<vmem>>[vector<16xi32>, vector<16xi32>], vector<16xf32>,
        %parallel_loop3A_1190 = arith.constant 0 : i32
        %parallel_loop3A_1191 = arith.constant 0 : i32
        %parallel_loop3A_1192 = tpu.memref_slice %arg10[%parallel_loop3A_1190, %parallel_loop3A_1191] : memref<128x129xf32, #tpu.memory_space<vmem>> -> memref<32x129xf32, #tpu.memory_space<vmem>>
        tpu.vector_store_idx %parallel_loop3A_1192[%add3A_3, %parallel_loop3A_1152], %parallel_loop3A_1096 : memref<32x129xf32, #tpu.memory_space<vmem>>[vector<16xi32>, vector<16xi32>], vector<16xf32>,
        %parallel_loop3A_1193 = arith.constant 0 : i32
        %parallel_loop3A_1194 = arith.constant 0 : i32
        %parallel_loop3A_1195 = tpu.memref_slice %arg10[%parallel_loop3A_1193, %parallel_loop3A_1194] : memref<128x129xf32, #tpu.memory_space<vmem>> -> memref<32x129xf32, #tpu.memory_space<vmem>>
        tpu.vector_store_idx %parallel_loop3A_1195[%iota3A, %parallel_loop3A_1156], %parallel_loop3A_1026 : memref<32x129xf32, #tpu.memory_space<vmem>>[vector<16xi32>, vector<16xi32>], vector<16xf32>,
        %parallel_loop3A_1196 = arith.constant 0 : i32
        %parallel_loop3A_1197 = arith.constant 0 : i32
        %parallel_loop3A_1198 = tpu.memref_slice %arg10[%parallel_loop3A_1196, %parallel_loop3A_1197] : memref<128x129xf32, #tpu.memory_space<vmem>> -> memref<32x129xf32, #tpu.memory_space<vmem>>
        tpu.vector_store_idx %parallel_loop3A_1198[%add3A_3, %parallel_loop3A_1156], %parallel_loop3A_1106 : memref<32x129xf32, #tpu.memory_space<vmem>>[vector<16xi32>, vector<16xi32>], vector<16xf32>,
        %parallel_loop3A_1199 = arith.constant 0 : i32
        %parallel_loop3A_1200 = arith.constant 0 : i32
        %parallel_loop3A_1201 = tpu.memref_slice %arg10[%parallel_loop3A_1199, %parallel_loop3A_1200] : memref<128x129xf32, #tpu.memory_space<vmem>> -> memref<32x129xf32, #tpu.memory_space<vmem>>
        tpu.vector_store_idx %parallel_loop3A_1201[%iota3A, %parallel_loop3A_1160], %parallel_loop3A_1036 : memref<32x129xf32, #tpu.memory_space<vmem>>[vector<16xi32>, vector<16xi32>], vector<16xf32>,
        %parallel_loop3A_1202 = arith.constant 0 : i32
        %parallel_loop3A_1203 = arith.constant 0 : i32
        %parallel_loop3A_1204 = tpu.memref_slice %arg10[%parallel_loop3A_1202, %parallel_loop3A_1203] : memref<128x129xf32, #tpu.memory_space<vmem>> -> memref<32x129xf32, #tpu.memory_space<vmem>>
        tpu.vector_store_idx %parallel_loop3A_1204[%add3A_3, %parallel_loop3A_1160], %parallel_loop3A_1116 : memref<32x129xf32, #tpu.memory_space<vmem>>[vector<16xi32>, vector<16xi32>], vector<16xf32>,
        %parallel_loop3A_1205 = arith.constant 0 : i32
        %parallel_loop3A_1206 = arith.constant 0 : i32
        %parallel_loop3A_1207 = tpu.memref_slice %arg10[%parallel_loop3A_1205, %parallel_loop3A_1206] : memref<128x129xf32, #tpu.memory_space<vmem>> -> memref<32x129xf32, #tpu.memory_space<vmem>>
        tpu.vector_store_idx %parallel_loop3A_1207[%iota3A, %parallel_loop3A_1164], %parallel_loop3A_1046 : memref<32x129xf32, #tpu.memory_space<vmem>>[vector<16xi32>, vector<16xi32>], vector<16xf32>,
        %parallel_loop3A_1208 = arith.constant 0 : i32
        %parallel_loop3A_1209 = arith.constant 0 : i32
        %parallel_loop3A_1210 = tpu.memref_slice %arg10[%parallel_loop3A_1208, %parallel_loop3A_1209] : memref<128x129xf32, #tpu.memory_space<vmem>> -> memref<32x129xf32, #tpu.memory_space<vmem>>
        tpu.vector_store_idx %parallel_loop3A_1210[%add3A_3, %parallel_loop3A_1164], %parallel_loop3A_1126 : memref<32x129xf32, #tpu.memory_space<vmem>>[vector<16xi32>, vector<16xi32>], vector<16xf32>,
        %parallel_loop3A_1211 = arith.constant 0 : i32
        %parallel_loop3A_1212 = arith.constant 0 : i32
        %parallel_loop3A_1213 = tpu.memref_slice %arg10[%parallel_loop3A_1211, %parallel_loop3A_1212] : memref<128x129xf32, #tpu.memory_space<vmem>> -> memref<32x129xf32, #tpu.memory_space<vmem>>
        tpu.vector_store_idx %parallel_loop3A_1213[%iota3A, %parallel_loop3A_1168], %parallel_loop3A_1056 : memref<32x129xf32, #tpu.memory_space<vmem>>[vector<16xi32>, vector<16xi32>], vector<16xf32>,
        %parallel_loop3A_1214 = arith.constant 0 : i32
        %parallel_loop3A_1215 = arith.constant 0 : i32
        %parallel_loop3A_1216 = tpu.memref_slice %arg10[%parallel_loop3A_1214, %parallel_loop3A_1215] : memref<128x129xf32, #tpu.memory_space<vmem>> -> memref<32x129xf32, #tpu.memory_space<vmem>>
        tpu.vector_store_idx %parallel_loop3A_1216[%add3A_3, %parallel_loop3A_1168], %parallel_loop3A_1136 : memref<32x129xf32, #tpu.memory_space<vmem>>[vector<16xi32>, vector<16xi32>], vector<16xf32>,
      } {sc.loop_unroll_factor = 1 : i64, sc.parallel_access}
      %add3A_637 = arith.constant 1 : i32
      %add3A_638 = arith.addi %add3A_625, %add3A_637 : i32
      %get3A_639 = arith.index_cast %add3A_638 : i32 to index
      %get3A_640 = arith.constant 0 : index
      %get3A_641 = tpu.vector_load %arg11[%get3A_639, %get3A_640] {strides = array<i32>} : memref<200x32xf32, #tpu.memory_space<vmem>>, vector<16xf32>,
      %get3A_642 = arith.index_cast %add3A_638 : i32 to index
      %get3A_643 = arith.constant 16 : index
      %get3A_644 = tpu.vector_load %arg11[%get3A_642, %get3A_643] {strides = array<i32>} : memref<200x32xf32, #tpu.memory_space<vmem>>, vector<16xf32>,
      %parallel_loop3A_645 = arith.constant 0 : i32
      %parallel_loop3A_646 = arith.constant 16 : i32
      %parallel_loop3A_647 = arith.constant 1 : i32
      scf.for %parallel_loop3A_976 = %parallel_loop3A_645 to %parallel_loop3A_646 step %parallel_loop3A_647  : i32 {
        %parallel_loop3A_977 = arith.constant 8 : i32
        %parallel_loop3A_978 = arith.muli %parallel_loop3A_976, %parallel_loop3A_977 : i32
        %parallel_loop3A_979 = arith.constant 128 : i32
        %parallel_loop3A_980 = arith.addi %parallel_loop3A_979, %parallel_loop3A_978 : i32
        %parallel_loop3A_981 = arith.constant 0 : i32
        %parallel_loop3A_982 = arith.addi %parallel_loop3A_980, %parallel_loop3A_981 : i32
        %parallel_loop3A_983 = arith.index_cast %parallel_loop3A_982 : i32 to index
        %parallel_loop3A_984 = arith.constant 0 : index
        %parallel_loop3A_985 = tpu.vector_load %arg8[%parallel_loop3A_983, %parallel_loop3A_984] {strides = array<i32>} : memref<512x32xf32, #tpu.memory_space<vmem>>, vector<16xf32>,
        %parallel_loop3A_986 = arith.addf %parallel_loop3A_985, %get3A_641 : vector<16xf32>
        %parallel_loop3A_987 = arith.constant 8 : i32
        %parallel_loop3A_988 = arith.muli %parallel_loop3A_976, %parallel_loop3A_987 : i32
        %parallel_loop3A_989 = arith.constant 128 : i32
        %parallel_loop3A_990 = arith.addi %parallel_loop3A_989, %parallel_loop3A_988 : i32
        %parallel_loop3A_991 = arith.constant 1 : i32
        %parallel_loop3A_992 = arith.addi %parallel_loop3A_990, %parallel_loop3A_991 : i32
        %parallel_loop3A_993 = arith.index_cast %parallel_loop3A_992 : i32 to index
        %parallel_loop3A_994 = arith.constant 0 : index
        %parallel_loop3A_995 = tpu.vector_load %arg8[%parallel_loop3A_993, %parallel_loop3A_994] {strides = array<i32>} : memref<512x32xf32, #tpu.memory_space<vmem>>, vector<16xf32>,
        %parallel_loop3A_996 = arith.addf %parallel_loop3A_995, %get3A_641 : vector<16xf32>
        %parallel_loop3A_997 = arith.constant 8 : i32
        %parallel_loop3A_998 = arith.muli %parallel_loop3A_976, %parallel_loop3A_997 : i32
        %parallel_loop3A_999 = arith.constant 128 : i32
        %parallel_loop3A_1000 = arith.addi %parallel_loop3A_999, %parallel_loop3A_998 : i32
        %parallel_loop3A_1001 = arith.constant 2 : i32
        %parallel_loop3A_1002 = arith.addi %parallel_loop3A_1000, %parallel_loop3A_1001 : i32
        %parallel_loop3A_1003 = arith.index_cast %parallel_loop3A_1002 : i32 to index
        %parallel_loop3A_1004 = arith.constant 0 : index
        %parallel_loop3A_1005 = tpu.vector_load %arg8[%parallel_loop3A_1003, %parallel_loop3A_1004] {strides = array<i32>} : memref<512x32xf32, #tpu.memory_space<vmem>>, vector<16xf32>,
        %parallel_loop3A_1006 = arith.addf %parallel_loop3A_1005, %get3A_641 : vector<16xf32>
        %parallel_loop3A_1007 = arith.constant 8 : i32
        %parallel_loop3A_1008 = arith.muli %parallel_loop3A_976, %parallel_loop3A_1007 : i32
        %parallel_loop3A_1009 = arith.constant 128 : i32
        %parallel_loop3A_1010 = arith.addi %parallel_loop3A_1009, %parallel_loop3A_1008 : i32
        %parallel_loop3A_1011 = arith.constant 3 : i32
        %parallel_loop3A_1012 = arith.addi %parallel_loop3A_1010, %parallel_loop3A_1011 : i32
        %parallel_loop3A_1013 = arith.index_cast %parallel_loop3A_1012 : i32 to index
        %parallel_loop3A_1014 = arith.constant 0 : index
        %parallel_loop3A_1015 = tpu.vector_load %arg8[%parallel_loop3A_1013, %parallel_loop3A_1014] {strides = array<i32>} : memref<512x32xf32, #tpu.memory_space<vmem>>, vector<16xf32>,
        %parallel_loop3A_1016 = arith.addf %parallel_loop3A_1015, %get3A_641 : vector<16xf32>
        %parallel_loop3A_1017 = arith.constant 8 : i32
        %parallel_loop3A_1018 = arith.muli %parallel_loop3A_976, %parallel_loop3A_1017 : i32
        %parallel_loop3A_1019 = arith.constant 128 : i32
        %parallel_loop3A_1020 = arith.addi %parallel_loop3A_1019, %parallel_loop3A_1018 : i32
        %parallel_loop3A_1021 = arith.constant 4 : i32
        %parallel_loop3A_1022 = arith.addi %parallel_loop3A_1020, %parallel_loop3A_1021 : i32
        %parallel_loop3A_1023 = arith.index_cast %parallel_loop3A_1022 : i32 to index
        %parallel_loop3A_1024 = arith.constant 0 : index
        %parallel_loop3A_1025 = tpu.vector_load %arg8[%parallel_loop3A_1023, %parallel_loop3A_1024] {strides = array<i32>} : memref<512x32xf32, #tpu.memory_space<vmem>>, vector<16xf32>,
        %parallel_loop3A_1026 = arith.addf %parallel_loop3A_1025, %get3A_641 : vector<16xf32>
        %parallel_loop3A_1027 = arith.constant 8 : i32
        %parallel_loop3A_1028 = arith.muli %parallel_loop3A_976, %parallel_loop3A_1027 : i32
        %parallel_loop3A_1029 = arith.constant 128 : i32
        %parallel_loop3A_1030 = arith.addi %parallel_loop3A_1029, %parallel_loop3A_1028 : i32
        %parallel_loop3A_1031 = arith.constant 5 : i32
        %parallel_loop3A_1032 = arith.addi %parallel_loop3A_1030, %parallel_loop3A_1031 : i32
        %parallel_loop3A_1033 = arith.index_cast %parallel_loop3A_1032 : i32 to index
        %parallel_loop3A_1034 = arith.constant 0 : index
        %parallel_loop3A_1035 = tpu.vector_load %arg8[%parallel_loop3A_1033, %parallel_loop3A_1034] {strides = array<i32>} : memref<512x32xf32, #tpu.memory_space<vmem>>, vector<16xf32>,
        %parallel_loop3A_1036 = arith.addf %parallel_loop3A_1035, %get3A_641 : vector<16xf32>
        %parallel_loop3A_1037 = arith.constant 8 : i32
        %parallel_loop3A_1038 = arith.muli %parallel_loop3A_976, %parallel_loop3A_1037 : i32
        %parallel_loop3A_1039 = arith.constant 128 : i32
        %parallel_loop3A_1040 = arith.addi %parallel_loop3A_1039, %parallel_loop3A_1038 : i32
        %parallel_loop3A_1041 = arith.constant 6 : i32
        %parallel_loop3A_1042 = arith.addi %parallel_loop3A_1040, %parallel_loop3A_1041 : i32
        %parallel_loop3A_1043 = arith.index_cast %parallel_loop3A_1042 : i32 to index
        %parallel_loop3A_1044 = arith.constant 0 : index
        %parallel_loop3A_1045 = tpu.vector_load %arg8[%parallel_loop3A_1043, %parallel_loop3A_1044] {strides = array<i32>} : memref<512x32xf32, #tpu.memory_space<vmem>>, vector<16xf32>,
        %parallel_loop3A_1046 = arith.addf %parallel_loop3A_1045, %get3A_641 : vector<16xf32>
        %parallel_loop3A_1047 = arith.constant 8 : i32
        %parallel_loop3A_1048 = arith.muli %parallel_loop3A_976, %parallel_loop3A_1047 : i32
        %parallel_loop3A_1049 = arith.constant 128 : i32
        %parallel_loop3A_1050 = arith.addi %parallel_loop3A_1049, %parallel_loop3A_1048 : i32
        %parallel_loop3A_1051 = arith.constant 7 : i32
        %parallel_loop3A_1052 = arith.addi %parallel_loop3A_1050, %parallel_loop3A_1051 : i32
        %parallel_loop3A_1053 = arith.index_cast %parallel_loop3A_1052 : i32 to index
        %parallel_loop3A_1054 = arith.constant 0 : index
        %parallel_loop3A_1055 = tpu.vector_load %arg8[%parallel_loop3A_1053, %parallel_loop3A_1054] {strides = array<i32>} : memref<512x32xf32, #tpu.memory_space<vmem>>, vector<16xf32>,
        %parallel_loop3A_1056 = arith.addf %parallel_loop3A_1055, %get3A_641 : vector<16xf32>
        %parallel_loop3A_1057 = arith.constant 8 : i32
        %parallel_loop3A_1058 = arith.muli %parallel_loop3A_976, %parallel_loop3A_1057 : i32
        %parallel_loop3A_1059 = arith.constant 128 : i32
        %parallel_loop3A_1060 = arith.addi %parallel_loop3A_1059, %parallel_loop3A_1058 : i32
        %parallel_loop3A_1061 = arith.constant 0 : i32
        %parallel_loop3A_1062 = arith.addi %parallel_loop3A_1060, %parallel_loop3A_1061 : i32
        %parallel_loop3A_1063 = arith.index_cast %parallel_loop3A_1062 : i32 to index
        %parallel_loop3A_1064 = arith.constant 16 : index
        %parallel_loop3A_1065 = tpu.vector_load %arg8[%parallel_loop3A_1063, %parallel_loop3A_1064] {strides = array<i32>} : memref<512x32xf32, #tpu.memory_space<vmem>>, vector<16xf32>,
        %parallel_loop3A_1066 = arith.addf %parallel_loop3A_1065, %get3A_644 : vector<16xf32>
        %parallel_loop3A_1067 = arith.constant 8 : i32
        %parallel_loop3A_1068 = arith.muli %parallel_loop3A_976, %parallel_loop3A_1067 : i32
        %parallel_loop3A_1069 = arith.constant 128 : i32
        %parallel_loop3A_1070 = arith.addi %parallel_loop3A_1069, %parallel_loop3A_1068 : i32
        %parallel_loop3A_1071 = arith.constant 1 : i32
        %parallel_loop3A_1072 = arith.addi %parallel_loop3A_1070, %parallel_loop3A_1071 : i32
        %parallel_loop3A_1073 = arith.index_cast %parallel_loop3A_1072 : i32 to index
        %parallel_loop3A_1074 = arith.constant 16 : index
        %parallel_loop3A_1075 = tpu.vector_load %arg8[%parallel_loop3A_1073, %parallel_loop3A_1074] {strides = array<i32>} : memref<512x32xf32, #tpu.memory_space<vmem>>, vector<16xf32>,
        %parallel_loop3A_1076 = arith.addf %parallel_loop3A_1075, %get3A_644 : vector<16xf32>
        %parallel_loop3A_1077 = arith.constant 8 : i32
        %parallel_loop3A_1078 = arith.muli %parallel_loop3A_976, %parallel_loop3A_1077 : i32
        %parallel_loop3A_1079 = arith.constant 128 : i32
        %parallel_loop3A_1080 = arith.addi %parallel_loop3A_1079, %parallel_loop3A_1078 : i32
        %parallel_loop3A_1081 = arith.constant 2 : i32
        %parallel_loop3A_1082 = arith.addi %parallel_loop3A_1080, %parallel_loop3A_1081 : i32
        %parallel_loop3A_1083 = arith.index_cast %parallel_loop3A_1082 : i32 to index
        %parallel_loop3A_1084 = arith.constant 16 : index
        %parallel_loop3A_1085 = tpu.vector_load %arg8[%parallel_loop3A_1083, %parallel_loop3A_1084] {strides = array<i32>} : memref<512x32xf32, #tpu.memory_space<vmem>>, vector<16xf32>,
        %parallel_loop3A_1086 = arith.addf %parallel_loop3A_1085, %get3A_644 : vector<16xf32>
        %parallel_loop3A_1087 = arith.constant 8 : i32
        %parallel_loop3A_1088 = arith.muli %parallel_loop3A_976, %parallel_loop3A_1087 : i32
        %parallel_loop3A_1089 = arith.constant 128 : i32
        %parallel_loop3A_1090 = arith.addi %parallel_loop3A_1089, %parallel_loop3A_1088 : i32
        %parallel_loop3A_1091 = arith.constant 3 : i32
        %parallel_loop3A_1092 = arith.addi %parallel_loop3A_1090, %parallel_loop3A_1091 : i32
        %parallel_loop3A_1093 = arith.index_cast %parallel_loop3A_1092 : i32 to index
        %parallel_loop3A_1094 = arith.constant 16 : index
        %parallel_loop3A_1095 = tpu.vector_load %arg8[%parallel_loop3A_1093, %parallel_loop3A_1094] {strides = array<i32>} : memref<512x32xf32, #tpu.memory_space<vmem>>, vector<16xf32>,
        %parallel_loop3A_1096 = arith.addf %parallel_loop3A_1095, %get3A_644 : vector<16xf32>
        %parallel_loop3A_1097 = arith.constant 8 : i32
        %parallel_loop3A_1098 = arith.muli %parallel_loop3A_976, %parallel_loop3A_1097 : i32
        %parallel_loop3A_1099 = arith.constant 128 : i32
        %parallel_loop3A_1100 = arith.addi %parallel_loop3A_1099, %parallel_loop3A_1098 : i32
        %parallel_loop3A_1101 = arith.constant 4 : i32
        %parallel_loop3A_1102 = arith.addi %parallel_loop3A_1100, %parallel_loop3A_1101 : i32
        %parallel_loop3A_1103 = arith.index_cast %parallel_loop3A_1102 : i32 to index
        %parallel_loop3A_1104 = arith.constant 16 : index
        %parallel_loop3A_1105 = tpu.vector_load %arg8[%parallel_loop3A_1103, %parallel_loop3A_1104] {strides = array<i32>} : memref<512x32xf32, #tpu.memory_space<vmem>>, vector<16xf32>,
        %parallel_loop3A_1106 = arith.addf %parallel_loop3A_1105, %get3A_644 : vector<16xf32>
        %parallel_loop3A_1107 = arith.constant 8 : i32
        %parallel_loop3A_1108 = arith.muli %parallel_loop3A_976, %parallel_loop3A_1107 : i32
        %parallel_loop3A_1109 = arith.constant 128 : i32
        %parallel_loop3A_1110 = arith.addi %parallel_loop3A_1109, %parallel_loop3A_1108 : i32
        %parallel_loop3A_1111 = arith.constant 5 : i32
        %parallel_loop3A_1112 = arith.addi %parallel_loop3A_1110, %parallel_loop3A_1111 : i32
        %parallel_loop3A_1113 = arith.index_cast %parallel_loop3A_1112 : i32 to index
        %parallel_loop3A_1114 = arith.constant 16 : index
        %parallel_loop3A_1115 = tpu.vector_load %arg8[%parallel_loop3A_1113, %parallel_loop3A_1114] {strides = array<i32>} : memref<512x32xf32, #tpu.memory_space<vmem>>, vector<16xf32>,
        %parallel_loop3A_1116 = arith.addf %parallel_loop3A_1115, %get3A_644 : vector<16xf32>
        %parallel_loop3A_1117 = arith.constant 8 : i32
        %parallel_loop3A_1118 = arith.muli %parallel_loop3A_976, %parallel_loop3A_1117 : i32
        %parallel_loop3A_1119 = arith.constant 128 : i32
        %parallel_loop3A_1120 = arith.addi %parallel_loop3A_1119, %parallel_loop3A_1118 : i32
        %parallel_loop3A_1121 = arith.constant 6 : i32
        %parallel_loop3A_1122 = arith.addi %parallel_loop3A_1120, %parallel_loop3A_1121 : i32
        %parallel_loop3A_1123 = arith.index_cast %parallel_loop3A_1122 : i32 to index
        %parallel_loop3A_1124 = arith.constant 16 : index
        %parallel_loop3A_1125 = tpu.vector_load %arg8[%parallel_loop3A_1123, %parallel_loop3A_1124] {strides = array<i32>} : memref<512x32xf32, #tpu.memory_space<vmem>>, vector<16xf32>,
        %parallel_loop3A_1126 = arith.addf %parallel_loop3A_1125, %get3A_644 : vector<16xf32>
        %parallel_loop3A_1127 = arith.constant 8 : i32
        %parallel_loop3A_1128 = arith.muli %parallel_loop3A_976, %parallel_loop3A_1127 : i32
        %parallel_loop3A_1129 = arith.constant 128 : i32
        %parallel_loop3A_1130 = arith.addi %parallel_loop3A_1129, %parallel_loop3A_1128 : i32
        %parallel_loop3A_1131 = arith.constant 7 : i32
        %parallel_loop3A_1132 = arith.addi %parallel_loop3A_1130, %parallel_loop3A_1131 : i32
        %parallel_loop3A_1133 = arith.index_cast %parallel_loop3A_1132 : i32 to index
        %parallel_loop3A_1134 = arith.constant 16 : index
        %parallel_loop3A_1135 = tpu.vector_load %arg8[%parallel_loop3A_1133, %parallel_loop3A_1134] {strides = array<i32>} : memref<512x32xf32, #tpu.memory_space<vmem>>, vector<16xf32>,
        %parallel_loop3A_1136 = arith.addf %parallel_loop3A_1135, %get3A_644 : vector<16xf32>
        %parallel_loop3A_1137 = arith.constant 8 : i32
        %parallel_loop3A_1138 = arith.muli %parallel_loop3A_976, %parallel_loop3A_1137 : i32
        %parallel_loop3A_1139 = vector.broadcast %parallel_loop3A_1138 : i32 to vector<16xi32>
        %parallel_loop3A_1140 = arith.addi %broadcast_in_dim3A_4, %parallel_loop3A_1139 : vector<16xi32>
        %parallel_loop3A_1141 = arith.constant 8 : i32
        %parallel_loop3A_1142 = arith.muli %parallel_loop3A_976, %parallel_loop3A_1141 : i32
        %parallel_loop3A_1143 = vector.broadcast %parallel_loop3A_1142 : i32 to vector<16xi32>
        %parallel_loop3A_1144 = arith.addi %broadcast_in_dim3A_6, %parallel_loop3A_1143 : vector<16xi32>
        %parallel_loop3A_1145 = arith.constant 8 : i32
        %parallel_loop3A_1146 = arith.muli %parallel_loop3A_976, %parallel_loop3A_1145 : i32
        %parallel_loop3A_1147 = vector.broadcast %parallel_loop3A_1146 : i32 to vector<16xi32>
        %parallel_loop3A_1148 = arith.addi %broadcast_in_dim3A_8, %parallel_loop3A_1147 : vector<16xi32>
        %parallel_loop3A_1149 = arith.constant 8 : i32
        %parallel_loop3A_1150 = arith.muli %parallel_loop3A_976, %parallel_loop3A_1149 : i32
        %parallel_loop3A_1151 = vector.broadcast %parallel_loop3A_1150 : i32 to vector<16xi32>
        %parallel_loop3A_1152 = arith.addi %broadcast_in_dim3A_10, %parallel_loop3A_1151 : vector<16xi32>
        %parallel_loop3A_1153 = arith.constant 8 : i32
        %parallel_loop3A_1154 = arith.muli %parallel_loop3A_976, %parallel_loop3A_1153 : i32
        %parallel_loop3A_1155 = vector.broadcast %parallel_loop3A_1154 : i32 to vector<16xi32>
        %parallel_loop3A_1156 = arith.addi %broadcast_in_dim3A_12, %parallel_loop3A_1155 : vector<16xi32>
        %parallel_loop3A_1157 = arith.constant 8 : i32
        %parallel_loop3A_1158 = arith.muli %parallel_loop3A_976, %parallel_loop3A_1157 : i32
        %parallel_loop3A_1159 = vector.broadcast %parallel_loop3A_1158 : i32 to vector<16xi32>
        %parallel_loop3A_1160 = arith.addi %broadcast_in_dim3A_14, %parallel_loop3A_1159 : vector<16xi32>
        %parallel_loop3A_1161 = arith.constant 8 : i32
        %parallel_loop3A_1162 = arith.muli %parallel_loop3A_976, %parallel_loop3A_1161 : i32
        %parallel_loop3A_1163 = vector.broadcast %parallel_loop3A_1162 : i32 to vector<16xi32>
        %parallel_loop3A_1164 = arith.addi %broadcast_in_dim3A_16, %parallel_loop3A_1163 : vector<16xi32>
        %parallel_loop3A_1165 = arith.constant 8 : i32
        %parallel_loop3A_1166 = arith.muli %parallel_loop3A_976, %parallel_loop3A_1165 : i32
        %parallel_loop3A_1167 = vector.broadcast %parallel_loop3A_1166 : i32 to vector<16xi32>
        %parallel_loop3A_1168 = arith.addi %broadcast_in_dim3A_18, %parallel_loop3A_1167 : vector<16xi32>
        %parallel_loop3A_1169 = arith.constant 32 : i32
        %parallel_loop3A_1170 = arith.constant 0 : i32
        %parallel_loop3A_1171 = tpu.memref_slice %arg10[%parallel_loop3A_1169, %parallel_loop3A_1170] : memref<128x129xf32, #tpu.memory_space<vmem>> -> memref<32x129xf32, #tpu.memory_space<vmem>>
        tpu.vector_store_idx %parallel_loop3A_1171[%iota3A, %parallel_loop3A_1140], %parallel_loop3A_986 : memref<32x129xf32, #tpu.memory_space<vmem>>[vector<16xi32>, vector<16xi32>], vector<16xf32>,
        %parallel_loop3A_1172 = arith.constant 32 : i32
        %parallel_loop3A_1173 = arith.constant 0 : i32
        %parallel_loop3A_1174 = tpu.memref_slice %arg10[%parallel_loop3A_1172, %parallel_loop3A_1173] : memref<128x129xf32, #tpu.memory_space<vmem>> -> memref<32x129xf32, #tpu.memory_space<vmem>>
        tpu.vector_store_idx %parallel_loop3A_1174[%add3A_3, %parallel_loop3A_1140], %parallel_loop3A_1066 : memref<32x129xf32, #tpu.memory_space<vmem>>[vector<16xi32>, vector<16xi32>], vector<16xf32>,
        %parallel_loop3A_1175 = arith.constant 32 : i32
        %parallel_loop3A_1176 = arith.constant 0 : i32
        %parallel_loop3A_1177 = tpu.memref_slice %arg10[%parallel_loop3A_1175, %parallel_loop3A_1176] : memref<128x129xf32, #tpu.memory_space<vmem>> -> memref<32x129xf32, #tpu.memory_space<vmem>>
        tpu.vector_store_idx %parallel_loop3A_1177[%iota3A, %parallel_loop3A_1144], %parallel_loop3A_996 : memref<32x129xf32, #tpu.memory_space<vmem>>[vector<16xi32>, vector<16xi32>], vector<16xf32>,
        %parallel_loop3A_1178 = arith.constant 32 : i32
        %parallel_loop3A_1179 = arith.constant 0 : i32
        %parallel_loop3A_1180 = tpu.memref_slice %arg10[%parallel_loop3A_1178, %parallel_loop3A_1179] : memref<128x129xf32, #tpu.memory_space<vmem>> -> memref<32x129xf32, #tpu.memory_space<vmem>>
        tpu.vector_store_idx %parallel_loop3A_1180[%add3A_3, %parallel_loop3A_1144], %parallel_loop3A_1076 : memref<32x129xf32, #tpu.memory_space<vmem>>[vector<16xi32>, vector<16xi32>], vector<16xf32>,
        %parallel_loop3A_1181 = arith.constant 32 : i32
        %parallel_loop3A_1182 = arith.constant 0 : i32
        %parallel_loop3A_1183 = tpu.memref_slice %arg10[%parallel_loop3A_1181, %parallel_loop3A_1182] : memref<128x129xf32, #tpu.memory_space<vmem>> -> memref<32x129xf32, #tpu.memory_space<vmem>>
        tpu.vector_store_idx %parallel_loop3A_1183[%iota3A, %parallel_loop3A_1148], %parallel_loop3A_1006 : memref<32x129xf32, #tpu.memory_space<vmem>>[vector<16xi32>, vector<16xi32>], vector<16xf32>,
        %parallel_loop3A_1184 = arith.constant 32 : i32
        %parallel_loop3A_1185 = arith.constant 0 : i32
        %parallel_loop3A_1186 = tpu.memref_slice %arg10[%parallel_loop3A_1184, %parallel_loop3A_1185] : memref<128x129xf32, #tpu.memory_space<vmem>> -> memref<32x129xf32, #tpu.memory_space<vmem>>
        tpu.vector_store_idx %parallel_loop3A_1186[%add3A_3, %parallel_loop3A_1148], %parallel_loop3A_1086 : memref<32x129xf32, #tpu.memory_space<vmem>>[vector<16xi32>, vector<16xi32>], vector<16xf32>,
        %parallel_loop3A_1187 = arith.constant 32 : i32
        %parallel_loop3A_1188 = arith.constant 0 : i32
        %parallel_loop3A_1189 = tpu.memref_slice %arg10[%parallel_loop3A_1187, %parallel_loop3A_1188] : memref<128x129xf32, #tpu.memory_space<vmem>> -> memref<32x129xf32, #tpu.memory_space<vmem>>
        tpu.vector_store_idx %parallel_loop3A_1189[%iota3A, %parallel_loop3A_1152], %parallel_loop3A_1016 : memref<32x129xf32, #tpu.memory_space<vmem>>[vector<16xi32>, vector<16xi32>], vector<16xf32>,
        %parallel_loop3A_1190 = arith.constant 32 : i32
        %parallel_loop3A_1191 = arith.constant 0 : i32
        %parallel_loop3A_1192 = tpu.memref_slice %arg10[%parallel_loop3A_1190, %parallel_loop3A_1191] : memref<128x129xf32, #tpu.memory_space<vmem>> -> memref<32x129xf32, #tpu.memory_space<vmem>>
        tpu.vector_store_idx %parallel_loop3A_1192[%add3A_3, %parallel_loop3A_1152], %parallel_loop3A_1096 : memref<32x129xf32, #tpu.memory_space<vmem>>[vector<16xi32>, vector<16xi32>], vector<16xf32>,
        %parallel_loop3A_1193 = arith.constant 32 : i32
        %parallel_loop3A_1194 = arith.constant 0 : i32
        %parallel_loop3A_1195 = tpu.memref_slice %arg10[%parallel_loop3A_1193, %parallel_loop3A_1194] : memref<128x129xf32, #tpu.memory_space<vmem>> -> memref<32x129xf32, #tpu.memory_space<vmem>>
        tpu.vector_store_idx %parallel_loop3A_1195[%iota3A, %parallel_loop3A_1156], %parallel_loop3A_1026 : memref<32x129xf32, #tpu.memory_space<vmem>>[vector<16xi32>, vector<16xi32>], vector<16xf32>,
        %parallel_loop3A_1196 = arith.constant 32 : i32
        %parallel_loop3A_1197 = arith.constant 0 : i32
        %parallel_loop3A_1198 = tpu.memref_slice %arg10[%parallel_loop3A_1196, %parallel_loop3A_1197] : memref<128x129xf32, #tpu.memory_space<vmem>> -> memref<32x129xf32, #tpu.memory_space<vmem>>
        tpu.vector_store_idx %parallel_loop3A_1198[%add3A_3, %parallel_loop3A_1156], %parallel_loop3A_1106 : memref<32x129xf32, #tpu.memory_space<vmem>>[vector<16xi32>, vector<16xi32>], vector<16xf32>,
        %parallel_loop3A_1199 = arith.constant 32 : i32
        %parallel_loop3A_1200 = arith.constant 0 : i32
        %parallel_loop3A_1201 = tpu.memref_slice %arg10[%parallel_loop3A_1199, %parallel_loop3A_1200] : memref<128x129xf32, #tpu.memory_space<vmem>> -> memref<32x129xf32, #tpu.memory_space<vmem>>
        tpu.vector_store_idx %parallel_loop3A_1201[%iota3A, %parallel_loop3A_1160], %parallel_loop3A_1036 : memref<32x129xf32, #tpu.memory_space<vmem>>[vector<16xi32>, vector<16xi32>], vector<16xf32>,
        %parallel_loop3A_1202 = arith.constant 32 : i32
        %parallel_loop3A_1203 = arith.constant 0 : i32
        %parallel_loop3A_1204 = tpu.memref_slice %arg10[%parallel_loop3A_1202, %parallel_loop3A_1203] : memref<128x129xf32, #tpu.memory_space<vmem>> -> memref<32x129xf32, #tpu.memory_space<vmem>>
        tpu.vector_store_idx %parallel_loop3A_1204[%add3A_3, %parallel_loop3A_1160], %parallel_loop3A_1116 : memref<32x129xf32, #tpu.memory_space<vmem>>[vector<16xi32>, vector<16xi32>], vector<16xf32>,
        %parallel_loop3A_1205 = arith.constant 32 : i32
        %parallel_loop3A_1206 = arith.constant 0 : i32
        %parallel_loop3A_1207 = tpu.memref_slice %arg10[%parallel_loop3A_1205, %parallel_loop3A_1206] : memref<128x129xf32, #tpu.memory_space<vmem>> -> memref<32x129xf32, #tpu.memory_space<vmem>>
        tpu.vector_store_idx %parallel_loop3A_1207[%iota3A, %parallel_loop3A_1164], %parallel_loop3A_1046 : memref<32x129xf32, #tpu.memory_space<vmem>>[vector<16xi32>, vector<16xi32>], vector<16xf32>,
        %parallel_loop3A_1208 = arith.constant 32 : i32
        %parallel_loop3A_1209 = arith.constant 0 : i32
        %parallel_loop3A_1210 = tpu.memref_slice %arg10[%parallel_loop3A_1208, %parallel_loop3A_1209] : memref<128x129xf32, #tpu.memory_space<vmem>> -> memref<32x129xf32, #tpu.memory_space<vmem>>
        tpu.vector_store_idx %parallel_loop3A_1210[%add3A_3, %parallel_loop3A_1164], %parallel_loop3A_1126 : memref<32x129xf32, #tpu.memory_space<vmem>>[vector<16xi32>, vector<16xi32>], vector<16xf32>,
        %parallel_loop3A_1211 = arith.constant 32 : i32
        %parallel_loop3A_1212 = arith.constant 0 : i32
        %parallel_loop3A_1213 = tpu.memref_slice %arg10[%parallel_loop3A_1211, %parallel_loop3A_1212] : memref<128x129xf32, #tpu.memory_space<vmem>> -> memref<32x129xf32, #tpu.memory_space<vmem>>
        tpu.vector_store_idx %parallel_loop3A_1213[%iota3A, %parallel_loop3A_1168], %parallel_loop3A_1056 : memref<32x129xf32, #tpu.memory_space<vmem>>[vector<16xi32>, vector<16xi32>], vector<16xf32>,
        %parallel_loop3A_1214 = arith.constant 32 : i32
        %parallel_loop3A_1215 = arith.constant 0 : i32
        %parallel_loop3A_1216 = tpu.memref_slice %arg10[%parallel_loop3A_1214, %parallel_loop3A_1215] : memref<128x129xf32, #tpu.memory_space<vmem>> -> memref<32x129xf32, #tpu.memory_space<vmem>>
        tpu.vector_store_idx %parallel_loop3A_1216[%add3A_3, %parallel_loop3A_1168], %parallel_loop3A_1136 : memref<32x129xf32, #tpu.memory_space<vmem>>[vector<16xi32>, vector<16xi32>], vector<16xf32>,
      } {sc.loop_unroll_factor = 1 : i64, sc.parallel_access}
      %add3A_648 = arith.constant 2 : i32
      %add3A_649 = arith.addi %add3A_625, %add3A_648 : i32
      %get3A_650 = arith.index_cast %add3A_649 : i32 to index
      %get3A_651 = arith.constant 0 : index
      %get3A_652 = tpu.vector_load %arg11[%get3A_650, %get3A_651] {strides = array<i32>} : memref<200x32xf32, #tpu.memory_space<vmem>>, vector<16xf32>,
      %get3A_653 = arith.index_cast %add3A_649 : i32 to index
      %get3A_654 = arith.constant 16 : index
      %get3A_655 = tpu.vector_load %arg11[%get3A_653, %get3A_654] {strides = array<i32>} : memref<200x32xf32, #tpu.memory_space<vmem>>, vector<16xf32>,
      %parallel_loop3A_656 = arith.constant 0 : i32
      %parallel_loop3A_657 = arith.constant 16 : i32
      %parallel_loop3A_658 = arith.constant 1 : i32
      scf.for %parallel_loop3A_976 = %parallel_loop3A_656 to %parallel_loop3A_657 step %parallel_loop3A_658  : i32 {
        %parallel_loop3A_977 = arith.constant 8 : i32
        %parallel_loop3A_978 = arith.muli %parallel_loop3A_976, %parallel_loop3A_977 : i32
        %parallel_loop3A_979 = arith.constant 256 : i32
        %parallel_loop3A_980 = arith.addi %parallel_loop3A_979, %parallel_loop3A_978 : i32
        %parallel_loop3A_981 = arith.constant 0 : i32
        %parallel_loop3A_982 = arith.addi %parallel_loop3A_980, %parallel_loop3A_981 : i32
        %parallel_loop3A_983 = arith.index_cast %parallel_loop3A_982 : i32 to index
        %parallel_loop3A_984 = arith.constant 0 : index
        %parallel_loop3A_985 = tpu.vector_load %arg8[%parallel_loop3A_983, %parallel_loop3A_984] {strides = array<i32>} : memref<512x32xf32, #tpu.memory_space<vmem>>, vector<16xf32>,
        %parallel_loop3A_986 = arith.addf %parallel_loop3A_985, %get3A_652 : vector<16xf32>
        %parallel_loop3A_987 = arith.constant 8 : i32
        %parallel_loop3A_988 = arith.muli %parallel_loop3A_976, %parallel_loop3A_987 : i32
        %parallel_loop3A_989 = arith.constant 256 : i32
        %parallel_loop3A_990 = arith.addi %parallel_loop3A_989, %parallel_loop3A_988 : i32
        %parallel_loop3A_991 = arith.constant 1 : i32
        %parallel_loop3A_992 = arith.addi %parallel_loop3A_990, %parallel_loop3A_991 : i32
        %parallel_loop3A_993 = arith.index_cast %parallel_loop3A_992 : i32 to index
        %parallel_loop3A_994 = arith.constant 0 : index
        %parallel_loop3A_995 = tpu.vector_load %arg8[%parallel_loop3A_993, %parallel_loop3A_994] {strides = array<i32>} : memref<512x32xf32, #tpu.memory_space<vmem>>, vector<16xf32>,
        %parallel_loop3A_996 = arith.addf %parallel_loop3A_995, %get3A_652 : vector<16xf32>
        %parallel_loop3A_997 = arith.constant 8 : i32
        %parallel_loop3A_998 = arith.muli %parallel_loop3A_976, %parallel_loop3A_997 : i32
        %parallel_loop3A_999 = arith.constant 256 : i32
        %parallel_loop3A_1000 = arith.addi %parallel_loop3A_999, %parallel_loop3A_998 : i32
        %parallel_loop3A_1001 = arith.constant 2 : i32
        %parallel_loop3A_1002 = arith.addi %parallel_loop3A_1000, %parallel_loop3A_1001 : i32
        %parallel_loop3A_1003 = arith.index_cast %parallel_loop3A_1002 : i32 to index
        %parallel_loop3A_1004 = arith.constant 0 : index
        %parallel_loop3A_1005 = tpu.vector_load %arg8[%parallel_loop3A_1003, %parallel_loop3A_1004] {strides = array<i32>} : memref<512x32xf32, #tpu.memory_space<vmem>>, vector<16xf32>,
        %parallel_loop3A_1006 = arith.addf %parallel_loop3A_1005, %get3A_652 : vector<16xf32>
        %parallel_loop3A_1007 = arith.constant 8 : i32
        %parallel_loop3A_1008 = arith.muli %parallel_loop3A_976, %parallel_loop3A_1007 : i32
        %parallel_loop3A_1009 = arith.constant 256 : i32
        %parallel_loop3A_1010 = arith.addi %parallel_loop3A_1009, %parallel_loop3A_1008 : i32
        %parallel_loop3A_1011 = arith.constant 3 : i32
        %parallel_loop3A_1012 = arith.addi %parallel_loop3A_1010, %parallel_loop3A_1011 : i32
        %parallel_loop3A_1013 = arith.index_cast %parallel_loop3A_1012 : i32 to index
        %parallel_loop3A_1014 = arith.constant 0 : index
        %parallel_loop3A_1015 = tpu.vector_load %arg8[%parallel_loop3A_1013, %parallel_loop3A_1014] {strides = array<i32>} : memref<512x32xf32, #tpu.memory_space<vmem>>, vector<16xf32>,
        %parallel_loop3A_1016 = arith.addf %parallel_loop3A_1015, %get3A_652 : vector<16xf32>
        %parallel_loop3A_1017 = arith.constant 8 : i32
        %parallel_loop3A_1018 = arith.muli %parallel_loop3A_976, %parallel_loop3A_1017 : i32
        %parallel_loop3A_1019 = arith.constant 256 : i32
        %parallel_loop3A_1020 = arith.addi %parallel_loop3A_1019, %parallel_loop3A_1018 : i32
        %parallel_loop3A_1021 = arith.constant 4 : i32
        %parallel_loop3A_1022 = arith.addi %parallel_loop3A_1020, %parallel_loop3A_1021 : i32
        %parallel_loop3A_1023 = arith.index_cast %parallel_loop3A_1022 : i32 to index
        %parallel_loop3A_1024 = arith.constant 0 : index
        %parallel_loop3A_1025 = tpu.vector_load %arg8[%parallel_loop3A_1023, %parallel_loop3A_1024] {strides = array<i32>} : memref<512x32xf32, #tpu.memory_space<vmem>>, vector<16xf32>,
        %parallel_loop3A_1026 = arith.addf %parallel_loop3A_1025, %get3A_652 : vector<16xf32>
        %parallel_loop3A_1027 = arith.constant 8 : i32
        %parallel_loop3A_1028 = arith.muli %parallel_loop3A_976, %parallel_loop3A_1027 : i32
        %parallel_loop3A_1029 = arith.constant 256 : i32
        %parallel_loop3A_1030 = arith.addi %parallel_loop3A_1029, %parallel_loop3A_1028 : i32
        %parallel_loop3A_1031 = arith.constant 5 : i32
        %parallel_loop3A_1032 = arith.addi %parallel_loop3A_1030, %parallel_loop3A_1031 : i32
        %parallel_loop3A_1033 = arith.index_cast %parallel_loop3A_1032 : i32 to index
        %parallel_loop3A_1034 = arith.constant 0 : index
        %parallel_loop3A_1035 = tpu.vector_load %arg8[%parallel_loop3A_1033, %parallel_loop3A_1034] {strides = array<i32>} : memref<512x32xf32, #tpu.memory_space<vmem>>, vector<16xf32>,
        %parallel_loop3A_1036 = arith.addf %parallel_loop3A_1035, %get3A_652 : vector<16xf32>
        %parallel_loop3A_1037 = arith.constant 8 : i32
        %parallel_loop3A_1038 = arith.muli %parallel_loop3A_976, %parallel_loop3A_1037 : i32
        %parallel_loop3A_1039 = arith.constant 256 : i32
        %parallel_loop3A_1040 = arith.addi %parallel_loop3A_1039, %parallel_loop3A_1038 : i32
        %parallel_loop3A_1041 = arith.constant 6 : i32
        %parallel_loop3A_1042 = arith.addi %parallel_loop3A_1040, %parallel_loop3A_1041 : i32
        %parallel_loop3A_1043 = arith.index_cast %parallel_loop3A_1042 : i32 to index
        %parallel_loop3A_1044 = arith.constant 0 : index
        %parallel_loop3A_1045 = tpu.vector_load %arg8[%parallel_loop3A_1043, %parallel_loop3A_1044] {strides = array<i32>} : memref<512x32xf32, #tpu.memory_space<vmem>>, vector<16xf32>,
        %parallel_loop3A_1046 = arith.addf %parallel_loop3A_1045, %get3A_652 : vector<16xf32>
        %parallel_loop3A_1047 = arith.constant 8 : i32
        %parallel_loop3A_1048 = arith.muli %parallel_loop3A_976, %parallel_loop3A_1047 : i32
        %parallel_loop3A_1049 = arith.constant 256 : i32
        %parallel_loop3A_1050 = arith.addi %parallel_loop3A_1049, %parallel_loop3A_1048 : i32
        %parallel_loop3A_1051 = arith.constant 7 : i32
        %parallel_loop3A_1052 = arith.addi %parallel_loop3A_1050, %parallel_loop3A_1051 : i32
        %parallel_loop3A_1053 = arith.index_cast %parallel_loop3A_1052 : i32 to index
        %parallel_loop3A_1054 = arith.constant 0 : index
        %parallel_loop3A_1055 = tpu.vector_load %arg8[%parallel_loop3A_1053, %parallel_loop3A_1054] {strides = array<i32>} : memref<512x32xf32, #tpu.memory_space<vmem>>, vector<16xf32>,
        %parallel_loop3A_1056 = arith.addf %parallel_loop3A_1055, %get3A_652 : vector<16xf32>
        %parallel_loop3A_1057 = arith.constant 8 : i32
        %parallel_loop3A_1058 = arith.muli %parallel_loop3A_976, %parallel_loop3A_1057 : i32
        %parallel_loop3A_1059 = arith.constant 256 : i32
        %parallel_loop3A_1060 = arith.addi %parallel_loop3A_1059, %parallel_loop3A_1058 : i32
        %parallel_loop3A_1061 = arith.constant 0 : i32
        %parallel_loop3A_1062 = arith.addi %parallel_loop3A_1060, %parallel_loop3A_1061 : i32
        %parallel_loop3A_1063 = arith.index_cast %parallel_loop3A_1062 : i32 to index
        %parallel_loop3A_1064 = arith.constant 16 : index
        %parallel_loop3A_1065 = tpu.vector_load %arg8[%parallel_loop3A_1063, %parallel_loop3A_1064] {strides = array<i32>} : memref<512x32xf32, #tpu.memory_space<vmem>>, vector<16xf32>,
        %parallel_loop3A_1066 = arith.addf %parallel_loop3A_1065, %get3A_655 : vector<16xf32>
        %parallel_loop3A_1067 = arith.constant 8 : i32
        %parallel_loop3A_1068 = arith.muli %parallel_loop3A_976, %parallel_loop3A_1067 : i32
        %parallel_loop3A_1069 = arith.constant 256 : i32
        %parallel_loop3A_1070 = arith.addi %parallel_loop3A_1069, %parallel_loop3A_1068 : i32
        %parallel_loop3A_1071 = arith.constant 1 : i32
        %parallel_loop3A_1072 = arith.addi %parallel_loop3A_1070, %parallel_loop3A_1071 : i32
        %parallel_loop3A_1073 = arith.index_cast %parallel_loop3A_1072 : i32 to index
        %parallel_loop3A_1074 = arith.constant 16 : index
        %parallel_loop3A_1075 = tpu.vector_load %arg8[%parallel_loop3A_1073, %parallel_loop3A_1074] {strides = array<i32>} : memref<512x32xf32, #tpu.memory_space<vmem>>, vector<16xf32>,
        %parallel_loop3A_1076 = arith.addf %parallel_loop3A_1075, %get3A_655 : vector<16xf32>
        %parallel_loop3A_1077 = arith.constant 8 : i32
        %parallel_loop3A_1078 = arith.muli %parallel_loop3A_976, %parallel_loop3A_1077 : i32
        %parallel_loop3A_1079 = arith.constant 256 : i32
        %parallel_loop3A_1080 = arith.addi %parallel_loop3A_1079, %parallel_loop3A_1078 : i32
        %parallel_loop3A_1081 = arith.constant 2 : i32
        %parallel_loop3A_1082 = arith.addi %parallel_loop3A_1080, %parallel_loop3A_1081 : i32
        %parallel_loop3A_1083 = arith.index_cast %parallel_loop3A_1082 : i32 to index
        %parallel_loop3A_1084 = arith.constant 16 : index
        %parallel_loop3A_1085 = tpu.vector_load %arg8[%parallel_loop3A_1083, %parallel_loop3A_1084] {strides = array<i32>} : memref<512x32xf32, #tpu.memory_space<vmem>>, vector<16xf32>,
        %parallel_loop3A_1086 = arith.addf %parallel_loop3A_1085, %get3A_655 : vector<16xf32>
        %parallel_loop3A_1087 = arith.constant 8 : i32
        %parallel_loop3A_1088 = arith.muli %parallel_loop3A_976, %parallel_loop3A_1087 : i32
        %parallel_loop3A_1089 = arith.constant 256 : i32
        %parallel_loop3A_1090 = arith.addi %parallel_loop3A_1089, %parallel_loop3A_1088 : i32
        %parallel_loop3A_1091 = arith.constant 3 : i32
        %parallel_loop3A_1092 = arith.addi %parallel_loop3A_1090, %parallel_loop3A_1091 : i32
        %parallel_loop3A_1093 = arith.index_cast %parallel_loop3A_1092 : i32 to index
        %parallel_loop3A_1094 = arith.constant 16 : index
        %parallel_loop3A_1095 = tpu.vector_load %arg8[%parallel_loop3A_1093, %parallel_loop3A_1094] {strides = array<i32>} : memref<512x32xf32, #tpu.memory_space<vmem>>, vector<16xf32>,
        %parallel_loop3A_1096 = arith.addf %parallel_loop3A_1095, %get3A_655 : vector<16xf32>
        %parallel_loop3A_1097 = arith.constant 8 : i32
        %parallel_loop3A_1098 = arith.muli %parallel_loop3A_976, %parallel_loop3A_1097 : i32
        %parallel_loop3A_1099 = arith.constant 256 : i32
        %parallel_loop3A_1100 = arith.addi %parallel_loop3A_1099, %parallel_loop3A_1098 : i32
        %parallel_loop3A_1101 = arith.constant 4 : i32
        %parallel_loop3A_1102 = arith.addi %parallel_loop3A_1100, %parallel_loop3A_1101 : i32
        %parallel_loop3A_1103 = arith.index_cast %parallel_loop3A_1102 : i32 to index
        %parallel_loop3A_1104 = arith.constant 16 : index
        %parallel_loop3A_1105 = tpu.vector_load %arg8[%parallel_loop3A_1103, %parallel_loop3A_1104] {strides = array<i32>} : memref<512x32xf32, #tpu.memory_space<vmem>>, vector<16xf32>,
        %parallel_loop3A_1106 = arith.addf %parallel_loop3A_1105, %get3A_655 : vector<16xf32>
        %parallel_loop3A_1107 = arith.constant 8 : i32
        %parallel_loop3A_1108 = arith.muli %parallel_loop3A_976, %parallel_loop3A_1107 : i32
        %parallel_loop3A_1109 = arith.constant 256 : i32
        %parallel_loop3A_1110 = arith.addi %parallel_loop3A_1109, %parallel_loop3A_1108 : i32
        %parallel_loop3A_1111 = arith.constant 5 : i32
        %parallel_loop3A_1112 = arith.addi %parallel_loop3A_1110, %parallel_loop3A_1111 : i32
        %parallel_loop3A_1113 = arith.index_cast %parallel_loop3A_1112 : i32 to index
        %parallel_loop3A_1114 = arith.constant 16 : index
        %parallel_loop3A_1115 = tpu.vector_load %arg8[%parallel_loop3A_1113, %parallel_loop3A_1114] {strides = array<i32>} : memref<512x32xf32, #tpu.memory_space<vmem>>, vector<16xf32>,
        %parallel_loop3A_1116 = arith.addf %parallel_loop3A_1115, %get3A_655 : vector<16xf32>
        %parallel_loop3A_1117 = arith.constant 8 : i32
        %parallel_loop3A_1118 = arith.muli %parallel_loop3A_976, %parallel_loop3A_1117 : i32
        %parallel_loop3A_1119 = arith.constant 256 : i32
        %parallel_loop3A_1120 = arith.addi %parallel_loop3A_1119, %parallel_loop3A_1118 : i32
        %parallel_loop3A_1121 = arith.constant 6 : i32
        %parallel_loop3A_1122 = arith.addi %parallel_loop3A_1120, %parallel_loop3A_1121 : i32
        %parallel_loop3A_1123 = arith.index_cast %parallel_loop3A_1122 : i32 to index
        %parallel_loop3A_1124 = arith.constant 16 : index
        %parallel_loop3A_1125 = tpu.vector_load %arg8[%parallel_loop3A_1123, %parallel_loop3A_1124] {strides = array<i32>} : memref<512x32xf32, #tpu.memory_space<vmem>>, vector<16xf32>,
        %parallel_loop3A_1126 = arith.addf %parallel_loop3A_1125, %get3A_655 : vector<16xf32>
        %parallel_loop3A_1127 = arith.constant 8 : i32
        %parallel_loop3A_1128 = arith.muli %parallel_loop3A_976, %parallel_loop3A_1127 : i32
        %parallel_loop3A_1129 = arith.constant 256 : i32
        %parallel_loop3A_1130 = arith.addi %parallel_loop3A_1129, %parallel_loop3A_1128 : i32
        %parallel_loop3A_1131 = arith.constant 7 : i32
        %parallel_loop3A_1132 = arith.addi %parallel_loop3A_1130, %parallel_loop3A_1131 : i32
        %parallel_loop3A_1133 = arith.index_cast %parallel_loop3A_1132 : i32 to index
        %parallel_loop3A_1134 = arith.constant 16 : index
        %parallel_loop3A_1135 = tpu.vector_load %arg8[%parallel_loop3A_1133, %parallel_loop3A_1134] {strides = array<i32>} : memref<512x32xf32, #tpu.memory_space<vmem>>, vector<16xf32>,
        %parallel_loop3A_1136 = arith.addf %parallel_loop3A_1135, %get3A_655 : vector<16xf32>
        %parallel_loop3A_1137 = arith.constant 8 : i32
        %parallel_loop3A_1138 = arith.muli %parallel_loop3A_976, %parallel_loop3A_1137 : i32
        %parallel_loop3A_1139 = vector.broadcast %parallel_loop3A_1138 : i32 to vector<16xi32>
        %parallel_loop3A_1140 = arith.addi %broadcast_in_dim3A_4, %parallel_loop3A_1139 : vector<16xi32>
        %parallel_loop3A_1141 = arith.constant 8 : i32
        %parallel_loop3A_1142 = arith.muli %parallel_loop3A_976, %parallel_loop3A_1141 : i32
        %parallel_loop3A_1143 = vector.broadcast %parallel_loop3A_1142 : i32 to vector<16xi32>
        %parallel_loop3A_1144 = arith.addi %broadcast_in_dim3A_6, %parallel_loop3A_1143 : vector<16xi32>
        %parallel_loop3A_1145 = arith.constant 8 : i32
        %parallel_loop3A_1146 = arith.muli %parallel_loop3A_976, %parallel_loop3A_1145 : i32
        %parallel_loop3A_1147 = vector.broadcast %parallel_loop3A_1146 : i32 to vector<16xi32>
        %parallel_loop3A_1148 = arith.addi %broadcast_in_dim3A_8, %parallel_loop3A_1147 : vector<16xi32>
        %parallel_loop3A_1149 = arith.constant 8 : i32
        %parallel_loop3A_1150 = arith.muli %parallel_loop3A_976, %parallel_loop3A_1149 : i32
        %parallel_loop3A_1151 = vector.broadcast %parallel_loop3A_1150 : i32 to vector<16xi32>
        %parallel_loop3A_1152 = arith.addi %broadcast_in_dim3A_10, %parallel_loop3A_1151 : vector<16xi32>
        %parallel_loop3A_1153 = arith.constant 8 : i32
        %parallel_loop3A_1154 = arith.muli %parallel_loop3A_976, %parallel_loop3A_1153 : i32
        %parallel_loop3A_1155 = vector.broadcast %parallel_loop3A_1154 : i32 to vector<16xi32>
        %parallel_loop3A_1156 = arith.addi %broadcast_in_dim3A_12, %parallel_loop3A_1155 : vector<16xi32>
        %parallel_loop3A_1157 = arith.constant 8 : i32
        %parallel_loop3A_1158 = arith.muli %parallel_loop3A_976, %parallel_loop3A_1157 : i32
        %parallel_loop3A_1159 = vector.broadcast %parallel_loop3A_1158 : i32 to vector<16xi32>
        %parallel_loop3A_1160 = arith.addi %broadcast_in_dim3A_14, %parallel_loop3A_1159 : vector<16xi32>
        %parallel_loop3A_1161 = arith.constant 8 : i32
        %parallel_loop3A_1162 = arith.muli %parallel_loop3A_976, %parallel_loop3A_1161 : i32
        %parallel_loop3A_1163 = vector.broadcast %parallel_loop3A_1162 : i32 to vector<16xi32>
        %parallel_loop3A_1164 = arith.addi %broadcast_in_dim3A_16, %parallel_loop3A_1163 : vector<16xi32>
        %parallel_loop3A_1165 = arith.constant 8 : i32
        %parallel_loop3A_1166 = arith.muli %parallel_loop3A_976, %parallel_loop3A_1165 : i32
        %parallel_loop3A_1167 = vector.broadcast %parallel_loop3A_1166 : i32 to vector<16xi32>
        %parallel_loop3A_1168 = arith.addi %broadcast_in_dim3A_18, %parallel_loop3A_1167 : vector<16xi32>
        %parallel_loop3A_1169 = arith.constant 64 : i32
        %parallel_loop3A_1170 = arith.constant 0 : i32
        %parallel_loop3A_1171 = tpu.memref_slice %arg10[%parallel_loop3A_1169, %parallel_loop3A_1170] : memref<128x129xf32, #tpu.memory_space<vmem>> -> memref<32x129xf32, #tpu.memory_space<vmem>>
        tpu.vector_store_idx %parallel_loop3A_1171[%iota3A, %parallel_loop3A_1140], %parallel_loop3A_986 : memref<32x129xf32, #tpu.memory_space<vmem>>[vector<16xi32>, vector<16xi32>], vector<16xf32>,
        %parallel_loop3A_1172 = arith.constant 64 : i32
        %parallel_loop3A_1173 = arith.constant 0 : i32
        %parallel_loop3A_1174 = tpu.memref_slice %arg10[%parallel_loop3A_1172, %parallel_loop3A_1173] : memref<128x129xf32, #tpu.memory_space<vmem>> -> memref<32x129xf32, #tpu.memory_space<vmem>>
        tpu.vector_store_idx %parallel_loop3A_1174[%add3A_3, %parallel_loop3A_1140], %parallel_loop3A_1066 : memref<32x129xf32, #tpu.memory_space<vmem>>[vector<16xi32>, vector<16xi32>], vector<16xf32>,
        %parallel_loop3A_1175 = arith.constant 64 : i32
        %parallel_loop3A_1176 = arith.constant 0 : i32
        %parallel_loop3A_1177 = tpu.memref_slice %arg10[%parallel_loop3A_1175, %parallel_loop3A_1176] : memref<128x129xf32, #tpu.memory_space<vmem>> -> memref<32x129xf32, #tpu.memory_space<vmem>>
        tpu.vector_store_idx %parallel_loop3A_1177[%iota3A, %parallel_loop3A_1144], %parallel_loop3A_996 : memref<32x129xf32, #tpu.memory_space<vmem>>[vector<16xi32>, vector<16xi32>], vector<16xf32>,
        %parallel_loop3A_1178 = arith.constant 64 : i32
        %parallel_loop3A_1179 = arith.constant 0 : i32
        %parallel_loop3A_1180 = tpu.memref_slice %arg10[%parallel_loop3A_1178, %parallel_loop3A_1179] : memref<128x129xf32, #tpu.memory_space<vmem>> -> memref<32x129xf32, #tpu.memory_space<vmem>>
        tpu.vector_store_idx %parallel_loop3A_1180[%add3A_3, %parallel_loop3A_1144], %parallel_loop3A_1076 : memref<32x129xf32, #tpu.memory_space<vmem>>[vector<16xi32>, vector<16xi32>], vector<16xf32>,
        %parallel_loop3A_1181 = arith.constant 64 : i32
        %parallel_loop3A_1182 = arith.constant 0 : i32
        %parallel_loop3A_1183 = tpu.memref_slice %arg10[%parallel_loop3A_1181, %parallel_loop3A_1182] : memref<128x129xf32, #tpu.memory_space<vmem>> -> memref<32x129xf32, #tpu.memory_space<vmem>>
        tpu.vector_store_idx %parallel_loop3A_1183[%iota3A, %parallel_loop3A_1148], %parallel_loop3A_1006 : memref<32x129xf32, #tpu.memory_space<vmem>>[vector<16xi32>, vector<16xi32>], vector<16xf32>,
        %parallel_loop3A_1184 = arith.constant 64 : i32
        %parallel_loop3A_1185 = arith.constant 0 : i32
        %parallel_loop3A_1186 = tpu.memref_slice %arg10[%parallel_loop3A_1184, %parallel_loop3A_1185] : memref<128x129xf32, #tpu.memory_space<vmem>> -> memref<32x129xf32, #tpu.memory_space<vmem>>
        tpu.vector_store_idx %parallel_loop3A_1186[%add3A_3, %parallel_loop3A_1148], %parallel_loop3A_1086 : memref<32x129xf32, #tpu.memory_space<vmem>>[vector<16xi32>, vector<16xi32>], vector<16xf32>,
        %parallel_loop3A_1187 = arith.constant 64 : i32
        %parallel_loop3A_1188 = arith.constant 0 : i32
        %parallel_loop3A_1189 = tpu.memref_slice %arg10[%parallel_loop3A_1187, %parallel_loop3A_1188] : memref<128x129xf32, #tpu.memory_space<vmem>> -> memref<32x129xf32, #tpu.memory_space<vmem>>
        tpu.vector_store_idx %parallel_loop3A_1189[%iota3A, %parallel_loop3A_1152], %parallel_loop3A_1016 : memref<32x129xf32, #tpu.memory_space<vmem>>[vector<16xi32>, vector<16xi32>], vector<16xf32>,
        %parallel_loop3A_1190 = arith.constant 64 : i32
        %parallel_loop3A_1191 = arith.constant 0 : i32
        %parallel_loop3A_1192 = tpu.memref_slice %arg10[%parallel_loop3A_1190, %parallel_loop3A_1191] : memref<128x129xf32, #tpu.memory_space<vmem>> -> memref<32x129xf32, #tpu.memory_space<vmem>>
        tpu.vector_store_idx %parallel_loop3A_1192[%add3A_3, %parallel_loop3A_1152], %parallel_loop3A_1096 : memref<32x129xf32, #tpu.memory_space<vmem>>[vector<16xi32>, vector<16xi32>], vector<16xf32>,
        %parallel_loop3A_1193 = arith.constant 64 : i32
        %parallel_loop3A_1194 = arith.constant 0 : i32
        %parallel_loop3A_1195 = tpu.memref_slice %arg10[%parallel_loop3A_1193, %parallel_loop3A_1194] : memref<128x129xf32, #tpu.memory_space<vmem>> -> memref<32x129xf32, #tpu.memory_space<vmem>>
        tpu.vector_store_idx %parallel_loop3A_1195[%iota3A, %parallel_loop3A_1156], %parallel_loop3A_1026 : memref<32x129xf32, #tpu.memory_space<vmem>>[vector<16xi32>, vector<16xi32>], vector<16xf32>,
        %parallel_loop3A_1196 = arith.constant 64 : i32
        %parallel_loop3A_1197 = arith.constant 0 : i32
        %parallel_loop3A_1198 = tpu.memref_slice %arg10[%parallel_loop3A_1196, %parallel_loop3A_1197] : memref<128x129xf32, #tpu.memory_space<vmem>> -> memref<32x129xf32, #tpu.memory_space<vmem>>
        tpu.vector_store_idx %parallel_loop3A_1198[%add3A_3, %parallel_loop3A_1156], %parallel_loop3A_1106 : memref<32x129xf32, #tpu.memory_space<vmem>>[vector<16xi32>, vector<16xi32>], vector<16xf32>,
        %parallel_loop3A_1199 = arith.constant 64 : i32
        %parallel_loop3A_1200 = arith.constant 0 : i32
        %parallel_loop3A_1201 = tpu.memref_slice %arg10[%parallel_loop3A_1199, %parallel_loop3A_1200] : memref<128x129xf32, #tpu.memory_space<vmem>> -> memref<32x129xf32, #tpu.memory_space<vmem>>
        tpu.vector_store_idx %parallel_loop3A_1201[%iota3A, %parallel_loop3A_1160], %parallel_loop3A_1036 : memref<32x129xf32, #tpu.memory_space<vmem>>[vector<16xi32>, vector<16xi32>], vector<16xf32>,
        %parallel_loop3A_1202 = arith.constant 64 : i32
        %parallel_loop3A_1203 = arith.constant 0 : i32
        %parallel_loop3A_1204 = tpu.memref_slice %arg10[%parallel_loop3A_1202, %parallel_loop3A_1203] : memref<128x129xf32, #tpu.memory_space<vmem>> -> memref<32x129xf32, #tpu.memory_space<vmem>>
        tpu.vector_store_idx %parallel_loop3A_1204[%add3A_3, %parallel_loop3A_1160], %parallel_loop3A_1116 : memref<32x129xf32, #tpu.memory_space<vmem>>[vector<16xi32>, vector<16xi32>], vector<16xf32>,
        %parallel_loop3A_1205 = arith.constant 64 : i32
        %parallel_loop3A_1206 = arith.constant 0 : i32
        %parallel_loop3A_1207 = tpu.memref_slice %arg10[%parallel_loop3A_1205, %parallel_loop3A_1206] : memref<128x129xf32, #tpu.memory_space<vmem>> -> memref<32x129xf32, #tpu.memory_space<vmem>>
        tpu.vector_store_idx %parallel_loop3A_1207[%iota3A, %parallel_loop3A_1164], %parallel_loop3A_1046 : memref<32x129xf32, #tpu.memory_space<vmem>>[vector<16xi32>, vector<16xi32>], vector<16xf32>,
        %parallel_loop3A_1208 = arith.constant 64 : i32
        %parallel_loop3A_1209 = arith.constant 0 : i32
        %parallel_loop3A_1210 = tpu.memref_slice %arg10[%parallel_loop3A_1208, %parallel_loop3A_1209] : memref<128x129xf32, #tpu.memory_space<vmem>> -> memref<32x129xf32, #tpu.memory_space<vmem>>
        tpu.vector_store_idx %parallel_loop3A_1210[%add3A_3, %parallel_loop3A_1164], %parallel_loop3A_1126 : memref<32x129xf32, #tpu.memory_space<vmem>>[vector<16xi32>, vector<16xi32>], vector<16xf32>,
        %parallel_loop3A_1211 = arith.constant 64 : i32
        %parallel_loop3A_1212 = arith.constant 0 : i32
        %parallel_loop3A_1213 = tpu.memref_slice %arg10[%parallel_loop3A_1211, %parallel_loop3A_1212] : memref<128x129xf32, #tpu.memory_space<vmem>> -> memref<32x129xf32, #tpu.memory_space<vmem>>
        tpu.vector_store_idx %parallel_loop3A_1213[%iota3A, %parallel_loop3A_1168], %parallel_loop3A_1056 : memref<32x129xf32, #tpu.memory_space<vmem>>[vector<16xi32>, vector<16xi32>], vector<16xf32>,
        %parallel_loop3A_1214 = arith.constant 64 : i32
        %parallel_loop3A_1215 = arith.constant 0 : i32
        %parallel_loop3A_1216 = tpu.memref_slice %arg10[%parallel_loop3A_1214, %parallel_loop3A_1215] : memref<128x129xf32, #tpu.memory_space<vmem>> -> memref<32x129xf32, #tpu.memory_space<vmem>>
        tpu.vector_store_idx %parallel_loop3A_1216[%add3A_3, %parallel_loop3A_1168], %parallel_loop3A_1136 : memref<32x129xf32, #tpu.memory_space<vmem>>[vector<16xi32>, vector<16xi32>], vector<16xf32>,
      } {sc.loop_unroll_factor = 1 : i64, sc.parallel_access}
      %add3A_659 = arith.constant 3 : i32
      %add3A_660 = arith.addi %add3A_625, %add3A_659 : i32
      %get3A_661 = arith.index_cast %add3A_660 : i32 to index
      %get3A_662 = arith.constant 0 : index
      %get3A_663 = tpu.vector_load %arg11[%get3A_661, %get3A_662] {strides = array<i32>} : memref<200x32xf32, #tpu.memory_space<vmem>>, vector<16xf32>,
      %get3A_664 = arith.index_cast %add3A_660 : i32 to index
      %get3A_665 = arith.constant 16 : index
      %get3A_666 = tpu.vector_load %arg11[%get3A_664, %get3A_665] {strides = array<i32>} : memref<200x32xf32, #tpu.memory_space<vmem>>, vector<16xf32>,
      %parallel_loop3A_667 = arith.constant 0 : i32
      %parallel_loop3A_668 = arith.constant 16 : i32
      %parallel_loop3A_669 = arith.constant 1 : i32
      scf.for %parallel_loop3A_976 = %parallel_loop3A_667 to %parallel_loop3A_668 step %parallel_loop3A_669  : i32 {
        %parallel_loop3A_977 = arith.constant 8 : i32
        %parallel_loop3A_978 = arith.muli %parallel_loop3A_976, %parallel_loop3A_977 : i32
        %parallel_loop3A_979 = arith.constant 384 : i32
        %parallel_loop3A_980 = arith.addi %parallel_loop3A_979, %parallel_loop3A_978 : i32
        %parallel_loop3A_981 = arith.constant 0 : i32
        %parallel_loop3A_982 = arith.addi %parallel_loop3A_980, %parallel_loop3A_981 : i32
        %parallel_loop3A_983 = arith.index_cast %parallel_loop3A_982 : i32 to index
        %parallel_loop3A_984 = arith.constant 0 : index
        %parallel_loop3A_985 = tpu.vector_load %arg8[%parallel_loop3A_983, %parallel_loop3A_984] {strides = array<i32>} : memref<512x32xf32, #tpu.memory_space<vmem>>, vector<16xf32>,
        %parallel_loop3A_986 = arith.addf %parallel_loop3A_985, %get3A_663 : vector<16xf32>
        %parallel_loop3A_987 = arith.constant 8 : i32
        %parallel_loop3A_988 = arith.muli %parallel_loop3A_976, %parallel_loop3A_987 : i32
        %parallel_loop3A_989 = arith.constant 384 : i32
        %parallel_loop3A_990 = arith.addi %parallel_loop3A_989, %parallel_loop3A_988 : i32
        %parallel_loop3A_991 = arith.constant 1 : i32
        %parallel_loop3A_992 = arith.addi %parallel_loop3A_990, %parallel_loop3A_991 : i32
        %parallel_loop3A_993 = arith.index_cast %parallel_loop3A_992 : i32 to index
        %parallel_loop3A_994 = arith.constant 0 : index
        %parallel_loop3A_995 = tpu.vector_load %arg8[%parallel_loop3A_993, %parallel_loop3A_994] {strides = array<i32>} : memref<512x32xf32, #tpu.memory_space<vmem>>, vector<16xf32>,
        %parallel_loop3A_996 = arith.addf %parallel_loop3A_995, %get3A_663 : vector<16xf32>
        %parallel_loop3A_997 = arith.constant 8 : i32
        %parallel_loop3A_998 = arith.muli %parallel_loop3A_976, %parallel_loop3A_997 : i32
        %parallel_loop3A_999 = arith.constant 384 : i32
        %parallel_loop3A_1000 = arith.addi %parallel_loop3A_999, %parallel_loop3A_998 : i32
        %parallel_loop3A_1001 = arith.constant 2 : i32
        %parallel_loop3A_1002 = arith.addi %parallel_loop3A_1000, %parallel_loop3A_1001 : i32
        %parallel_loop3A_1003 = arith.index_cast %parallel_loop3A_1002 : i32 to index
        %parallel_loop3A_1004 = arith.constant 0 : index
        %parallel_loop3A_1005 = tpu.vector_load %arg8[%parallel_loop3A_1003, %parallel_loop3A_1004] {strides = array<i32>} : memref<512x32xf32, #tpu.memory_space<vmem>>, vector<16xf32>,
        %parallel_loop3A_1006 = arith.addf %parallel_loop3A_1005, %get3A_663 : vector<16xf32>
        %parallel_loop3A_1007 = arith.constant 8 : i32
        %parallel_loop3A_1008 = arith.muli %parallel_loop3A_976, %parallel_loop3A_1007 : i32
        %parallel_loop3A_1009 = arith.constant 384 : i32
        %parallel_loop3A_1010 = arith.addi %parallel_loop3A_1009, %parallel_loop3A_1008 : i32
        %parallel_loop3A_1011 = arith.constant 3 : i32
        %parallel_loop3A_1012 = arith.addi %parallel_loop3A_1010, %parallel_loop3A_1011 : i32
        %parallel_loop3A_1013 = arith.index_cast %parallel_loop3A_1012 : i32 to index
        %parallel_loop3A_1014 = arith.constant 0 : index
        %parallel_loop3A_1015 = tpu.vector_load %arg8[%parallel_loop3A_1013, %parallel_loop3A_1014] {strides = array<i32>} : memref<512x32xf32, #tpu.memory_space<vmem>>, vector<16xf32>,
        %parallel_loop3A_1016 = arith.addf %parallel_loop3A_1015, %get3A_663 : vector<16xf32>
        %parallel_loop3A_1017 = arith.constant 8 : i32
        %parallel_loop3A_1018 = arith.muli %parallel_loop3A_976, %parallel_loop3A_1017 : i32
        %parallel_loop3A_1019 = arith.constant 384 : i32
        %parallel_loop3A_1020 = arith.addi %parallel_loop3A_1019, %parallel_loop3A_1018 : i32
        %parallel_loop3A_1021 = arith.constant 4 : i32
        %parallel_loop3A_1022 = arith.addi %parallel_loop3A_1020, %parallel_loop3A_1021 : i32
        %parallel_loop3A_1023 = arith.index_cast %parallel_loop3A_1022 : i32 to index
        %parallel_loop3A_1024 = arith.constant 0 : index
        %parallel_loop3A_1025 = tpu.vector_load %arg8[%parallel_loop3A_1023, %parallel_loop3A_1024] {strides = array<i32>} : memref<512x32xf32, #tpu.memory_space<vmem>>, vector<16xf32>,
        %parallel_loop3A_1026 = arith.addf %parallel_loop3A_1025, %get3A_663 : vector<16xf32>
        %parallel_loop3A_1027 = arith.constant 8 : i32
        %parallel_loop3A_1028 = arith.muli %parallel_loop3A_976, %parallel_loop3A_1027 : i32
        %parallel_loop3A_1029 = arith.constant 384 : i32
        %parallel_loop3A_1030 = arith.addi %parallel_loop3A_1029, %parallel_loop3A_1028 : i32
        %parallel_loop3A_1031 = arith.constant 5 : i32
        %parallel_loop3A_1032 = arith.addi %parallel_loop3A_1030, %parallel_loop3A_1031 : i32
        %parallel_loop3A_1033 = arith.index_cast %parallel_loop3A_1032 : i32 to index
        %parallel_loop3A_1034 = arith.constant 0 : index
        %parallel_loop3A_1035 = tpu.vector_load %arg8[%parallel_loop3A_1033, %parallel_loop3A_1034] {strides = array<i32>} : memref<512x32xf32, #tpu.memory_space<vmem>>, vector<16xf32>,
        %parallel_loop3A_1036 = arith.addf %parallel_loop3A_1035, %get3A_663 : vector<16xf32>
        %parallel_loop3A_1037 = arith.constant 8 : i32
        %parallel_loop3A_1038 = arith.muli %parallel_loop3A_976, %parallel_loop3A_1037 : i32
        %parallel_loop3A_1039 = arith.constant 384 : i32
        %parallel_loop3A_1040 = arith.addi %parallel_loop3A_1039, %parallel_loop3A_1038 : i32
        %parallel_loop3A_1041 = arith.constant 6 : i32
        %parallel_loop3A_1042 = arith.addi %parallel_loop3A_1040, %parallel_loop3A_1041 : i32
        %parallel_loop3A_1043 = arith.index_cast %parallel_loop3A_1042 : i32 to index
        %parallel_loop3A_1044 = arith.constant 0 : index
        %parallel_loop3A_1045 = tpu.vector_load %arg8[%parallel_loop3A_1043, %parallel_loop3A_1044] {strides = array<i32>} : memref<512x32xf32, #tpu.memory_space<vmem>>, vector<16xf32>,
        %parallel_loop3A_1046 = arith.addf %parallel_loop3A_1045, %get3A_663 : vector<16xf32>
        %parallel_loop3A_1047 = arith.constant 8 : i32
        %parallel_loop3A_1048 = arith.muli %parallel_loop3A_976, %parallel_loop3A_1047 : i32
        %parallel_loop3A_1049 = arith.constant 384 : i32
        %parallel_loop3A_1050 = arith.addi %parallel_loop3A_1049, %parallel_loop3A_1048 : i32
        %parallel_loop3A_1051 = arith.constant 7 : i32
        %parallel_loop3A_1052 = arith.addi %parallel_loop3A_1050, %parallel_loop3A_1051 : i32
        %parallel_loop3A_1053 = arith.index_cast %parallel_loop3A_1052 : i32 to index
        %parallel_loop3A_1054 = arith.constant 0 : index
        %parallel_loop3A_1055 = tpu.vector_load %arg8[%parallel_loop3A_1053, %parallel_loop3A_1054] {strides = array<i32>} : memref<512x32xf32, #tpu.memory_space<vmem>>, vector<16xf32>,
        %parallel_loop3A_1056 = arith.addf %parallel_loop3A_1055, %get3A_663 : vector<16xf32>
        %parallel_loop3A_1057 = arith.constant 8 : i32
        %parallel_loop3A_1058 = arith.muli %parallel_loop3A_976, %parallel_loop3A_1057 : i32
        %parallel_loop3A_1059 = arith.constant 384 : i32
        %parallel_loop3A_1060 = arith.addi %parallel_loop3A_1059, %parallel_loop3A_1058 : i32
        %parallel_loop3A_1061 = arith.constant 0 : i32
        %parallel_loop3A_1062 = arith.addi %parallel_loop3A_1060, %parallel_loop3A_1061 : i32
        %parallel_loop3A_1063 = arith.index_cast %parallel_loop3A_1062 : i32 to index
        %parallel_loop3A_1064 = arith.constant 16 : index
        %parallel_loop3A_1065 = tpu.vector_load %arg8[%parallel_loop3A_1063, %parallel_loop3A_1064] {strides = array<i32>} : memref<512x32xf32, #tpu.memory_space<vmem>>, vector<16xf32>,
        %parallel_loop3A_1066 = arith.addf %parallel_loop3A_1065, %get3A_666 : vector<16xf32>
        %parallel_loop3A_1067 = arith.constant 8 : i32
        %parallel_loop3A_1068 = arith.muli %parallel_loop3A_976, %parallel_loop3A_1067 : i32
        %parallel_loop3A_1069 = arith.constant 384 : i32
        %parallel_loop3A_1070 = arith.addi %parallel_loop3A_1069, %parallel_loop3A_1068 : i32
        %parallel_loop3A_1071 = arith.constant 1 : i32
        %parallel_loop3A_1072 = arith.addi %parallel_loop3A_1070, %parallel_loop3A_1071 : i32
        %parallel_loop3A_1073 = arith.index_cast %parallel_loop3A_1072 : i32 to index
        %parallel_loop3A_1074 = arith.constant 16 : index
        %parallel_loop3A_1075 = tpu.vector_load %arg8[%parallel_loop3A_1073, %parallel_loop3A_1074] {strides = array<i32>} : memref<512x32xf32, #tpu.memory_space<vmem>>, vector<16xf32>,
        %parallel_loop3A_1076 = arith.addf %parallel_loop3A_1075, %get3A_666 : vector<16xf32>
        %parallel_loop3A_1077 = arith.constant 8 : i32
        %parallel_loop3A_1078 = arith.muli %parallel_loop3A_976, %parallel_loop3A_1077 : i32
        %parallel_loop3A_1079 = arith.constant 384 : i32
        %parallel_loop3A_1080 = arith.addi %parallel_loop3A_1079, %parallel_loop3A_1078 : i32
        %parallel_loop3A_1081 = arith.constant 2 : i32
        %parallel_loop3A_1082 = arith.addi %parallel_loop3A_1080, %parallel_loop3A_1081 : i32
        %parallel_loop3A_1083 = arith.index_cast %parallel_loop3A_1082 : i32 to index
        %parallel_loop3A_1084 = arith.constant 16 : index
        %parallel_loop3A_1085 = tpu.vector_load %arg8[%parallel_loop3A_1083, %parallel_loop3A_1084] {strides = array<i32>} : memref<512x32xf32, #tpu.memory_space<vmem>>, vector<16xf32>,
        %parallel_loop3A_1086 = arith.addf %parallel_loop3A_1085, %get3A_666 : vector<16xf32>
        %parallel_loop3A_1087 = arith.constant 8 : i32
        %parallel_loop3A_1088 = arith.muli %parallel_loop3A_976, %parallel_loop3A_1087 : i32
        %parallel_loop3A_1089 = arith.constant 384 : i32
        %parallel_loop3A_1090 = arith.addi %parallel_loop3A_1089, %parallel_loop3A_1088 : i32
        %parallel_loop3A_1091 = arith.constant 3 : i32
        %parallel_loop3A_1092 = arith.addi %parallel_loop3A_1090, %parallel_loop3A_1091 : i32
        %parallel_loop3A_1093 = arith.index_cast %parallel_loop3A_1092 : i32 to index
        %parallel_loop3A_1094 = arith.constant 16 : index
        %parallel_loop3A_1095 = tpu.vector_load %arg8[%parallel_loop3A_1093, %parallel_loop3A_1094] {strides = array<i32>} : memref<512x32xf32, #tpu.memory_space<vmem>>, vector<16xf32>,
        %parallel_loop3A_1096 = arith.addf %parallel_loop3A_1095, %get3A_666 : vector<16xf32>
        %parallel_loop3A_1097 = arith.constant 8 : i32
        %parallel_loop3A_1098 = arith.muli %parallel_loop3A_976, %parallel_loop3A_1097 : i32
        %parallel_loop3A_1099 = arith.constant 384 : i32
        %parallel_loop3A_1100 = arith.addi %parallel_loop3A_1099, %parallel_loop3A_1098 : i32
        %parallel_loop3A_1101 = arith.constant 4 : i32
        %parallel_loop3A_1102 = arith.addi %parallel_loop3A_1100, %parallel_loop3A_1101 : i32
        %parallel_loop3A_1103 = arith.index_cast %parallel_loop3A_1102 : i32 to index
        %parallel_loop3A_1104 = arith.constant 16 : index
        %parallel_loop3A_1105 = tpu.vector_load %arg8[%parallel_loop3A_1103, %parallel_loop3A_1104] {strides = array<i32>} : memref<512x32xf32, #tpu.memory_space<vmem>>, vector<16xf32>,
        %parallel_loop3A_1106 = arith.addf %parallel_loop3A_1105, %get3A_666 : vector<16xf32>
        %parallel_loop3A_1107 = arith.constant 8 : i32
        %parallel_loop3A_1108 = arith.muli %parallel_loop3A_976, %parallel_loop3A_1107 : i32
        %parallel_loop3A_1109 = arith.constant 384 : i32
        %parallel_loop3A_1110 = arith.addi %parallel_loop3A_1109, %parallel_loop3A_1108 : i32
        %parallel_loop3A_1111 = arith.constant 5 : i32
        %parallel_loop3A_1112 = arith.addi %parallel_loop3A_1110, %parallel_loop3A_1111 : i32
        %parallel_loop3A_1113 = arith.index_cast %parallel_loop3A_1112 : i32 to index
        %parallel_loop3A_1114 = arith.constant 16 : index
        %parallel_loop3A_1115 = tpu.vector_load %arg8[%parallel_loop3A_1113, %parallel_loop3A_1114] {strides = array<i32>} : memref<512x32xf32, #tpu.memory_space<vmem>>, vector<16xf32>,
        %parallel_loop3A_1116 = arith.addf %parallel_loop3A_1115, %get3A_666 : vector<16xf32>
        %parallel_loop3A_1117 = arith.constant 8 : i32
        %parallel_loop3A_1118 = arith.muli %parallel_loop3A_976, %parallel_loop3A_1117 : i32
        %parallel_loop3A_1119 = arith.constant 384 : i32
        %parallel_loop3A_1120 = arith.addi %parallel_loop3A_1119, %parallel_loop3A_1118 : i32
        %parallel_loop3A_1121 = arith.constant 6 : i32
        %parallel_loop3A_1122 = arith.addi %parallel_loop3A_1120, %parallel_loop3A_1121 : i32
        %parallel_loop3A_1123 = arith.index_cast %parallel_loop3A_1122 : i32 to index
        %parallel_loop3A_1124 = arith.constant 16 : index
        %parallel_loop3A_1125 = tpu.vector_load %arg8[%parallel_loop3A_1123, %parallel_loop3A_1124] {strides = array<i32>} : memref<512x32xf32, #tpu.memory_space<vmem>>, vector<16xf32>,
        %parallel_loop3A_1126 = arith.addf %parallel_loop3A_1125, %get3A_666 : vector<16xf32>
        %parallel_loop3A_1127 = arith.constant 8 : i32
        %parallel_loop3A_1128 = arith.muli %parallel_loop3A_976, %parallel_loop3A_1127 : i32
        %parallel_loop3A_1129 = arith.constant 384 : i32
        %parallel_loop3A_1130 = arith.addi %parallel_loop3A_1129, %parallel_loop3A_1128 : i32
        %parallel_loop3A_1131 = arith.constant 7 : i32
        %parallel_loop3A_1132 = arith.addi %parallel_loop3A_1130, %parallel_loop3A_1131 : i32
        %parallel_loop3A_1133 = arith.index_cast %parallel_loop3A_1132 : i32 to index
        %parallel_loop3A_1134 = arith.constant 16 : index
        %parallel_loop3A_1135 = tpu.vector_load %arg8[%parallel_loop3A_1133, %parallel_loop3A_1134] {strides = array<i32>} : memref<512x32xf32, #tpu.memory_space<vmem>>, vector<16xf32>,
        %parallel_loop3A_1136 = arith.addf %parallel_loop3A_1135, %get3A_666 : vector<16xf32>
        %parallel_loop3A_1137 = arith.constant 8 : i32
        %parallel_loop3A_1138 = arith.muli %parallel_loop3A_976, %parallel_loop3A_1137 : i32
        %parallel_loop3A_1139 = vector.broadcast %parallel_loop3A_1138 : i32 to vector<16xi32>
        %parallel_loop3A_1140 = arith.addi %broadcast_in_dim3A_4, %parallel_loop3A_1139 : vector<16xi32>
        %parallel_loop3A_1141 = arith.constant 8 : i32
        %parallel_loop3A_1142 = arith.muli %parallel_loop3A_976, %parallel_loop3A_1141 : i32
        %parallel_loop3A_1143 = vector.broadcast %parallel_loop3A_1142 : i32 to vector<16xi32>
        %parallel_loop3A_1144 = arith.addi %broadcast_in_dim3A_6, %parallel_loop3A_1143 : vector<16xi32>
        %parallel_loop3A_1145 = arith.constant 8 : i32
        %parallel_loop3A_1146 = arith.muli %parallel_loop3A_976, %parallel_loop3A_1145 : i32
        %parallel_loop3A_1147 = vector.broadcast %parallel_loop3A_1146 : i32 to vector<16xi32>
        %parallel_loop3A_1148 = arith.addi %broadcast_in_dim3A_8, %parallel_loop3A_1147 : vector<16xi32>
        %parallel_loop3A_1149 = arith.constant 8 : i32
        %parallel_loop3A_1150 = arith.muli %parallel_loop3A_976, %parallel_loop3A_1149 : i32
        %parallel_loop3A_1151 = vector.broadcast %parallel_loop3A_1150 : i32 to vector<16xi32>
        %parallel_loop3A_1152 = arith.addi %broadcast_in_dim3A_10, %parallel_loop3A_1151 : vector<16xi32>
        %parallel_loop3A_1153 = arith.constant 8 : i32
        %parallel_loop3A_1154 = arith.muli %parallel_loop3A_976, %parallel_loop3A_1153 : i32
        %parallel_loop3A_1155 = vector.broadcast %parallel_loop3A_1154 : i32 to vector<16xi32>
        %parallel_loop3A_1156 = arith.addi %broadcast_in_dim3A_12, %parallel_loop3A_1155 : vector<16xi32>
        %parallel_loop3A_1157 = arith.constant 8 : i32
        %parallel_loop3A_1158 = arith.muli %parallel_loop3A_976, %parallel_loop3A_1157 : i32
        %parallel_loop3A_1159 = vector.broadcast %parallel_loop3A_1158 : i32 to vector<16xi32>
        %parallel_loop3A_1160 = arith.addi %broadcast_in_dim3A_14, %parallel_loop3A_1159 : vector<16xi32>
        %parallel_loop3A_1161 = arith.constant 8 : i32
        %parallel_loop3A_1162 = arith.muli %parallel_loop3A_976, %parallel_loop3A_1161 : i32
        %parallel_loop3A_1163 = vector.broadcast %parallel_loop3A_1162 : i32 to vector<16xi32>
        %parallel_loop3A_1164 = arith.addi %broadcast_in_dim3A_16, %parallel_loop3A_1163 : vector<16xi32>
        %parallel_loop3A_1165 = arith.constant 8 : i32
        %parallel_loop3A_1166 = arith.muli %parallel_loop3A_976, %parallel_loop3A_1165 : i32
        %parallel_loop3A_1167 = vector.broadcast %parallel_loop3A_1166 : i32 to vector<16xi32>
        %parallel_loop3A_1168 = arith.addi %broadcast_in_dim3A_18, %parallel_loop3A_1167 : vector<16xi32>
        %parallel_loop3A_1169 = arith.constant 96 : i32
        %parallel_loop3A_1170 = arith.constant 0 : i32
        %parallel_loop3A_1171 = tpu.memref_slice %arg10[%parallel_loop3A_1169, %parallel_loop3A_1170] : memref<128x129xf32, #tpu.memory_space<vmem>> -> memref<32x129xf32, #tpu.memory_space<vmem>>
        tpu.vector_store_idx %parallel_loop3A_1171[%iota3A, %parallel_loop3A_1140], %parallel_loop3A_986 : memref<32x129xf32, #tpu.memory_space<vmem>>[vector<16xi32>, vector<16xi32>], vector<16xf32>,
        %parallel_loop3A_1172 = arith.constant 96 : i32
        %parallel_loop3A_1173 = arith.constant 0 : i32
        %parallel_loop3A_1174 = tpu.memref_slice %arg10[%parallel_loop3A_1172, %parallel_loop3A_1173] : memref<128x129xf32, #tpu.memory_space<vmem>> -> memref<32x129xf32, #tpu.memory_space<vmem>>
        tpu.vector_store_idx %parallel_loop3A_1174[%add3A_3, %parallel_loop3A_1140], %parallel_loop3A_1066 : memref<32x129xf32, #tpu.memory_space<vmem>>[vector<16xi32>, vector<16xi32>], vector<16xf32>,
        %parallel_loop3A_1175 = arith.constant 96 : i32
        %parallel_loop3A_1176 = arith.constant 0 : i32
        %parallel_loop3A_1177 = tpu.memref_slice %arg10[%parallel_loop3A_1175, %parallel_loop3A_1176] : memref<128x129xf32, #tpu.memory_space<vmem>> -> memref<32x129xf32, #tpu.memory_space<vmem>>
        tpu.vector_store_idx %parallel_loop3A_1177[%iota3A, %parallel_loop3A_1144], %parallel_loop3A_996 : memref<32x129xf32, #tpu.memory_space<vmem>>[vector<16xi32>, vector<16xi32>], vector<16xf32>,
        %parallel_loop3A_1178 = arith.constant 96 : i32
        %parallel_loop3A_1179 = arith.constant 0 : i32
        %parallel_loop3A_1180 = tpu.memref_slice %arg10[%parallel_loop3A_1178, %parallel_loop3A_1179] : memref<128x129xf32, #tpu.memory_space<vmem>> -> memref<32x129xf32, #tpu.memory_space<vmem>>
        tpu.vector_store_idx %parallel_loop3A_1180[%add3A_3, %parallel_loop3A_1144], %parallel_loop3A_1076 : memref<32x129xf32, #tpu.memory_space<vmem>>[vector<16xi32>, vector<16xi32>], vector<16xf32>,
        %parallel_loop3A_1181 = arith.constant 96 : i32
        %parallel_loop3A_1182 = arith.constant 0 : i32
        %parallel_loop3A_1183 = tpu.memref_slice %arg10[%parallel_loop3A_1181, %parallel_loop3A_1182] : memref<128x129xf32, #tpu.memory_space<vmem>> -> memref<32x129xf32, #tpu.memory_space<vmem>>
        tpu.vector_store_idx %parallel_loop3A_1183[%iota3A, %parallel_loop3A_1148], %parallel_loop3A_1006 : memref<32x129xf32, #tpu.memory_space<vmem>>[vector<16xi32>, vector<16xi32>], vector<16xf32>,
        %parallel_loop3A_1184 = arith.constant 96 : i32
        %parallel_loop3A_1185 = arith.constant 0 : i32
        %parallel_loop3A_1186 = tpu.memref_slice %arg10[%parallel_loop3A_1184, %parallel_loop3A_1185] : memref<128x129xf32, #tpu.memory_space<vmem>> -> memref<32x129xf32, #tpu.memory_space<vmem>>
        tpu.vector_store_idx %parallel_loop3A_1186[%add3A_3, %parallel_loop3A_1148], %parallel_loop3A_1086 : memref<32x129xf32, #tpu.memory_space<vmem>>[vector<16xi32>, vector<16xi32>], vector<16xf32>,
        %parallel_loop3A_1187 = arith.constant 96 : i32
        %parallel_loop3A_1188 = arith.constant 0 : i32
        %parallel_loop3A_1189 = tpu.memref_slice %arg10[%parallel_loop3A_1187, %parallel_loop3A_1188] : memref<128x129xf32, #tpu.memory_space<vmem>> -> memref<32x129xf32, #tpu.memory_space<vmem>>
        tpu.vector_store_idx %parallel_loop3A_1189[%iota3A, %parallel_loop3A_1152], %parallel_loop3A_1016 : memref<32x129xf32, #tpu.memory_space<vmem>>[vector<16xi32>, vector<16xi32>], vector<16xf32>,
        %parallel_loop3A_1190 = arith.constant 96 : i32
        %parallel_loop3A_1191 = arith.constant 0 : i32
        %parallel_loop3A_1192 = tpu.memref_slice %arg10[%parallel_loop3A_1190, %parallel_loop3A_1191] : memref<128x129xf32, #tpu.memory_space<vmem>> -> memref<32x129xf32, #tpu.memory_space<vmem>>
        tpu.vector_store_idx %parallel_loop3A_1192[%add3A_3, %parallel_loop3A_1152], %parallel_loop3A_1096 : memref<32x129xf32, #tpu.memory_space<vmem>>[vector<16xi32>, vector<16xi32>], vector<16xf32>,
        %parallel_loop3A_1193 = arith.constant 96 : i32
        %parallel_loop3A_1194 = arith.constant 0 : i32
        %parallel_loop3A_1195 = tpu.memref_slice %arg10[%parallel_loop3A_1193, %parallel_loop3A_1194] : memref<128x129xf32, #tpu.memory_space<vmem>> -> memref<32x129xf32, #tpu.memory_space<vmem>>
        tpu.vector_store_idx %parallel_loop3A_1195[%iota3A, %parallel_loop3A_1156], %parallel_loop3A_1026 : memref<32x129xf32, #tpu.memory_space<vmem>>[vector<16xi32>, vector<16xi32>], vector<16xf32>,
        %parallel_loop3A_1196 = arith.constant 96 : i32
        %parallel_loop3A_1197 = arith.constant 0 : i32
        %parallel_loop3A_1198 = tpu.memref_slice %arg10[%parallel_loop3A_1196, %parallel_loop3A_1197] : memref<128x129xf32, #tpu.memory_space<vmem>> -> memref<32x129xf32, #tpu.memory_space<vmem>>
        tpu.vector_store_idx %parallel_loop3A_1198[%add3A_3, %parallel_loop3A_1156], %parallel_loop3A_1106 : memref<32x129xf32, #tpu.memory_space<vmem>>[vector<16xi32>, vector<16xi32>], vector<16xf32>,
        %parallel_loop3A_1199 = arith.constant 96 : i32
        %parallel_loop3A_1200 = arith.constant 0 : i32
        %parallel_loop3A_1201 = tpu.memref_slice %arg10[%parallel_loop3A_1199, %parallel_loop3A_1200] : memref<128x129xf32, #tpu.memory_space<vmem>> -> memref<32x129xf32, #tpu.memory_space<vmem>>
        tpu.vector_store_idx %parallel_loop3A_1201[%iota3A, %parallel_loop3A_1160], %parallel_loop3A_1036 : memref<32x129xf32, #tpu.memory_space<vmem>>[vector<16xi32>, vector<16xi32>], vector<16xf32>,
        %parallel_loop3A_1202 = arith.constant 96 : i32
        %parallel_loop3A_1203 = arith.constant 0 : i32
        %parallel_loop3A_1204 = tpu.memref_slice %arg10[%parallel_loop3A_1202, %parallel_loop3A_1203] : memref<128x129xf32, #tpu.memory_space<vmem>> -> memref<32x129xf32, #tpu.memory_space<vmem>>
        tpu.vector_store_idx %parallel_loop3A_1204[%add3A_3, %parallel_loop3A_1160], %parallel_loop3A_1116 : memref<32x129xf32, #tpu.memory_space<vmem>>[vector<16xi32>, vector<16xi32>], vector<16xf32>,
        %parallel_loop3A_1205 = arith.constant 96 : i32
        %parallel_loop3A_1206 = arith.constant 0 : i32
        %parallel_loop3A_1207 = tpu.memref_slice %arg10[%parallel_loop3A_1205, %parallel_loop3A_1206] : memref<128x129xf32, #tpu.memory_space<vmem>> -> memref<32x129xf32, #tpu.memory_space<vmem>>
        tpu.vector_store_idx %parallel_loop3A_1207[%iota3A, %parallel_loop3A_1164], %parallel_loop3A_1046 : memref<32x129xf32, #tpu.memory_space<vmem>>[vector<16xi32>, vector<16xi32>], vector<16xf32>,
        %parallel_loop3A_1208 = arith.constant 96 : i32
        %parallel_loop3A_1209 = arith.constant 0 : i32
        %parallel_loop3A_1210 = tpu.memref_slice %arg10[%parallel_loop3A_1208, %parallel_loop3A_1209] : memref<128x129xf32, #tpu.memory_space<vmem>> -> memref<32x129xf32, #tpu.memory_space<vmem>>
        tpu.vector_store_idx %parallel_loop3A_1210[%add3A_3, %parallel_loop3A_1164], %parallel_loop3A_1126 : memref<32x129xf32, #tpu.memory_space<vmem>>[vector<16xi32>, vector<16xi32>], vector<16xf32>,
        %parallel_loop3A_1211 = arith.constant 96 : i32
        %parallel_loop3A_1212 = arith.constant 0 : i32
        %parallel_loop3A_1213 = tpu.memref_slice %arg10[%parallel_loop3A_1211, %parallel_loop3A_1212] : memref<128x129xf32, #tpu.memory_space<vmem>> -> memref<32x129xf32, #tpu.memory_space<vmem>>
        tpu.vector_store_idx %parallel_loop3A_1213[%iota3A, %parallel_loop3A_1168], %parallel_loop3A_1056 : memref<32x129xf32, #tpu.memory_space<vmem>>[vector<16xi32>, vector<16xi32>], vector<16xf32>,
        %parallel_loop3A_1214 = arith.constant 96 : i32
        %parallel_loop3A_1215 = arith.constant 0 : i32
        %parallel_loop3A_1216 = tpu.memref_slice %arg10[%parallel_loop3A_1214, %parallel_loop3A_1215] : memref<128x129xf32, #tpu.memory_space<vmem>> -> memref<32x129xf32, #tpu.memory_space<vmem>>
        tpu.vector_store_idx %parallel_loop3A_1216[%add3A_3, %parallel_loop3A_1168], %parallel_loop3A_1136 : memref<32x129xf32, #tpu.memory_space<vmem>>[vector<16xi32>, vector<16xi32>], vector<16xf32>,
      } {sc.loop_unroll_factor = 1 : i64, sc.parallel_access}
      %add3A_670 = arith.constant 4 : i32
      %add3A_671 = arith.addi %mul3A_110, %add3A_670 : i32
      %add3A_672 = arith.constant 0 : i32
      %add3A_673 = arith.addi %add3A_671, %add3A_672 : i32
      %mul3A_674 = arith.constant 1024 : i32
      %mul3A_675 = arith.muli %add3A_673, %mul3A_674 : i32
      %add3A_676 = arith.constant 0 : i32
      %add3A_677 = arith.addi %mul3A_675, %add3A_676 : i32
      %mul3A_678 = arith.constant 8 : i32
      %mul3A_679 = arith.muli %add3A, %mul3A_678 : i32
      %add3A_680 = arith.addi %add3A_677, %mul3A_679 : i32
      %dma_start3A_681 = arith.constant 0 : i32
      %dma_start3A_682 = arith.constant 0 : i32
      %dma_start3A_683 = tpu.memref_slice %arg10[%dma_start3A_681, %dma_start3A_682] : memref<128x129xf32, #tpu.memory_space<vmem>> -> memref<8x128xf32, #tpu.memory_space<vmem>>
      %dma_start3A_684 = arith.constant 0 : i32
      %dma_start3A_685 = tpu.memref_slice %arg5[%add3A_680, %dma_start3A_684] : memref<204800x128xf32, #tpu.memory_space<hbm>> -> memref<8x128xf32, #tpu.memory_space<hbm>>
      %dma_start3A_686 = arith.constant 0 : i32
      %dma_start3A_687 = tpu.memref_slice %arg5[%add3A_680, %dma_start3A_686] : memref<204800x128xf32, #tpu.memory_space<hbm>> -> memref<8x128xf32, #tpu.memory_space<hbm>>
      %dma_start3A_688 = arith.constant 0 : i32
      %dma_start3A_689 = arith.constant 0 : i32
      %dma_start3A_690 = tpu.memref_slice %arg10[%dma_start3A_688, %dma_start3A_689] : memref<128x129xf32, #tpu.memory_space<vmem>> -> memref<8x128xf32, #tpu.memory_space<vmem>>
      tpu.enqueue_dma source(%dma_start3A_690 : memref<8x128xf32, #tpu.memory_space<vmem>>) target(%dma_start3A_687 : memref<8x128xf32, #tpu.memory_space<hbm>>) target_semaphore(%arg15 : memref<!tpu.dma_semaphore, #tpu.memory_space<semaphore_mem>>)
      %add3A_691 = arith.constant 0 : i32
      %add3A_692 = arith.addi %add3A_671, %add3A_691 : i32
      %mul3A_693 = arith.constant 1024 : i32
      %mul3A_694 = arith.muli %add3A_692, %mul3A_693 : i32
      %add3A_695 = arith.constant 256 : i32
      %add3A_696 = arith.addi %mul3A_694, %add3A_695 : i32
      %mul3A_697 = arith.constant 8 : i32
      %mul3A_698 = arith.muli %add3A, %mul3A_697 : i32
      %add3A_699 = arith.addi %add3A_696, %mul3A_698 : i32
      %dma_start3A_700 = arith.constant 8 : i32
      %dma_start3A_701 = arith.constant 0 : i32
      %dma_start3A_702 = tpu.memref_slice %arg10[%dma_start3A_700, %dma_start3A_701] : memref<128x129xf32, #tpu.memory_space<vmem>> -> memref<8x128xf32, #tpu.memory_space<vmem>>
      %dma_start3A_703 = arith.constant 0 : i32
      %dma_start3A_704 = tpu.memref_slice %arg5[%add3A_699, %dma_start3A_703] : memref<204800x128xf32, #tpu.memory_space<hbm>> -> memref<8x128xf32, #tpu.memory_space<hbm>>
      %dma_start3A_705 = arith.constant 0 : i32
      %dma_start3A_706 = tpu.memref_slice %arg5[%add3A_699, %dma_start3A_705] : memref<204800x128xf32, #tpu.memory_space<hbm>> -> memref<8x128xf32, #tpu.memory_space<hbm>>
      %dma_start3A_707 = arith.constant 8 : i32
      %dma_start3A_708 = arith.constant 0 : i32
      %dma_start3A_709 = tpu.memref_slice %arg10[%dma_start3A_707, %dma_start3A_708] : memref<128x129xf32, #tpu.memory_space<vmem>> -> memref<8x128xf32, #tpu.memory_space<vmem>>
      tpu.enqueue_dma source(%dma_start3A_709 : memref<8x128xf32, #tpu.memory_space<vmem>>) target(%dma_start3A_706 : memref<8x128xf32, #tpu.memory_space<hbm>>) target_semaphore(%arg15 : memref<!tpu.dma_semaphore, #tpu.memory_space<semaphore_mem>>)
      %add3A_710 = arith.constant 0 : i32
      %add3A_711 = arith.addi %add3A_671, %add3A_710 : i32
      %mul3A_712 = arith.constant 1024 : i32
      %mul3A_713 = arith.muli %add3A_711, %mul3A_712 : i32
      %add3A_714 = arith.constant 512 : i32
      %add3A_715 = arith.addi %mul3A_713, %add3A_714 : i32
      %mul3A_716 = arith.constant 8 : i32
      %mul3A_717 = arith.muli %add3A, %mul3A_716 : i32
      %add3A_718 = arith.addi %add3A_715, %mul3A_717 : i32
      %dma_start3A_719 = arith.constant 16 : i32
      %dma_start3A_720 = arith.constant 0 : i32
      %dma_start3A_721 = tpu.memref_slice %arg10[%dma_start3A_719, %dma_start3A_720] : memref<128x129xf32, #tpu.memory_space<vmem>> -> memref<8x128xf32, #tpu.memory_space<vmem>>
      %dma_start3A_722 = arith.constant 0 : i32
      %dma_start3A_723 = tpu.memref_slice %arg5[%add3A_718, %dma_start3A_722] : memref<204800x128xf32, #tpu.memory_space<hbm>> -> memref<8x128xf32, #tpu.memory_space<hbm>>
      %dma_start3A_724 = arith.constant 0 : i32
      %dma_start3A_725 = tpu.memref_slice %arg5[%add3A_718, %dma_start3A_724] : memref<204800x128xf32, #tpu.memory_space<hbm>> -> memref<8x128xf32, #tpu.memory_space<hbm>>
      %dma_start3A_726 = arith.constant 16 : i32
      %dma_start3A_727 = arith.constant 0 : i32
      %dma_start3A_728 = tpu.memref_slice %arg10[%dma_start3A_726, %dma_start3A_727] : memref<128x129xf32, #tpu.memory_space<vmem>> -> memref<8x128xf32, #tpu.memory_space<vmem>>
      tpu.enqueue_dma source(%dma_start3A_728 : memref<8x128xf32, #tpu.memory_space<vmem>>) target(%dma_start3A_725 : memref<8x128xf32, #tpu.memory_space<hbm>>) target_semaphore(%arg15 : memref<!tpu.dma_semaphore, #tpu.memory_space<semaphore_mem>>)
      %add3A_729 = arith.constant 0 : i32
      %add3A_730 = arith.addi %add3A_671, %add3A_729 : i32
      %mul3A_731 = arith.constant 1024 : i32
      %mul3A_732 = arith.muli %add3A_730, %mul3A_731 : i32
      %add3A_733 = arith.constant 768 : i32
      %add3A_734 = arith.addi %mul3A_732, %add3A_733 : i32
      %mul3A_735 = arith.constant 8 : i32
      %mul3A_736 = arith.muli %add3A, %mul3A_735 : i32
      %add3A_737 = arith.addi %add3A_734, %mul3A_736 : i32
      %dma_start3A_738 = arith.constant 24 : i32
      %dma_start3A_739 = arith.constant 0 : i32
      %dma_start3A_740 = tpu.memref_slice %arg10[%dma_start3A_738, %dma_start3A_739] : memref<128x129xf32, #tpu.memory_space<vmem>> -> memref<8x128xf32, #tpu.memory_space<vmem>>
      %dma_start3A_741 = arith.constant 0 : i32
      %dma_start3A_742 = tpu.memref_slice %arg5[%add3A_737, %dma_start3A_741] : memref<204800x128xf32, #tpu.memory_space<hbm>> -> memref<8x128xf32, #tpu.memory_space<hbm>>
      %dma_start3A_743 = arith.constant 0 : i32
      %dma_start3A_744 = tpu.memref_slice %arg5[%add3A_737, %dma_start3A_743] : memref<204800x128xf32, #tpu.memory_space<hbm>> -> memref<8x128xf32, #tpu.memory_space<hbm>>
      %dma_start3A_745 = arith.constant 24 : i32
      %dma_start3A_746 = arith.constant 0 : i32
      %dma_start3A_747 = tpu.memref_slice %arg10[%dma_start3A_745, %dma_start3A_746] : memref<128x129xf32, #tpu.memory_space<vmem>> -> memref<8x128xf32, #tpu.memory_space<vmem>>
      tpu.enqueue_dma source(%dma_start3A_747 : memref<8x128xf32, #tpu.memory_space<vmem>>) target(%dma_start3A_744 : memref<8x128xf32, #tpu.memory_space<hbm>>) target_semaphore(%arg15 : memref<!tpu.dma_semaphore, #tpu.memory_space<semaphore_mem>>)
      %add3A_748 = arith.constant 1 : i32
      %add3A_749 = arith.addi %add3A_671, %add3A_748 : i32
      %mul3A_750 = arith.constant 1024 : i32
      %mul3A_751 = arith.muli %add3A_749, %mul3A_750 : i32
      %add3A_752 = arith.constant 0 : i32
      %add3A_753 = arith.addi %mul3A_751, %add3A_752 : i32
      %mul3A_754 = arith.constant 8 : i32
      %mul3A_755 = arith.muli %add3A, %mul3A_754 : i32
      %add3A_756 = arith.addi %add3A_753, %mul3A_755 : i32
      %dma_start3A_757 = arith.constant 32 : i32
      %dma_start3A_758 = arith.constant 0 : i32
      %dma_start3A_759 = tpu.memref_slice %arg10[%dma_start3A_757, %dma_start3A_758] : memref<128x129xf32, #tpu.memory_space<vmem>> -> memref<8x128xf32, #tpu.memory_space<vmem>>
      %dma_start3A_760 = arith.constant 0 : i32
      %dma_start3A_761 = tpu.memref_slice %arg5[%add3A_756, %dma_start3A_760] : memref<204800x128xf32, #tpu.memory_space<hbm>> -> memref<8x128xf32, #tpu.memory_space<hbm>>
      %dma_start3A_762 = arith.constant 0 : i32
      %dma_start3A_763 = tpu.memref_slice %arg5[%add3A_756, %dma_start3A_762] : memref<204800x128xf32, #tpu.memory_space<hbm>> -> memref<8x128xf32, #tpu.memory_space<hbm>>
      %dma_start3A_764 = arith.constant 32 : i32
      %dma_start3A_765 = arith.constant 0 : i32
      %dma_start3A_766 = tpu.memref_slice %arg10[%dma_start3A_764, %dma_start3A_765] : memref<128x129xf32, #tpu.memory_space<vmem>> -> memref<8x128xf32, #tpu.memory_space<vmem>>
      tpu.enqueue_dma source(%dma_start3A_766 : memref<8x128xf32, #tpu.memory_space<vmem>>) target(%dma_start3A_763 : memref<8x128xf32, #tpu.memory_space<hbm>>) target_semaphore(%arg15 : memref<!tpu.dma_semaphore, #tpu.memory_space<semaphore_mem>>)
      %add3A_767 = arith.constant 1 : i32
      %add3A_768 = arith.addi %add3A_671, %add3A_767 : i32
      %mul3A_769 = arith.constant 1024 : i32
      %mul3A_770 = arith.muli %add3A_768, %mul3A_769 : i32
      %add3A_771 = arith.constant 256 : i32
      %add3A_772 = arith.addi %mul3A_770, %add3A_771 : i32
      %mul3A_773 = arith.constant 8 : i32
      %mul3A_774 = arith.muli %add3A, %mul3A_773 : i32
      %add3A_775 = arith.addi %add3A_772, %mul3A_774 : i32
      %dma_start3A_776 = arith.constant 40 : i32
      %dma_start3A_777 = arith.constant 0 : i32
      %dma_start3A_778 = tpu.memref_slice %arg10[%dma_start3A_776, %dma_start3A_777] : memref<128x129xf32, #tpu.memory_space<vmem>> -> memref<8x128xf32, #tpu.memory_space<vmem>>
      %dma_start3A_779 = arith.constant 0 : i32
      %dma_start3A_780 = tpu.memref_slice %arg5[%add3A_775, %dma_start3A_779] : memref<204800x128xf32, #tpu.memory_space<hbm>> -> memref<8x128xf32, #tpu.memory_space<hbm>>
      %dma_start3A_781 = arith.constant 0 : i32
      %dma_start3A_782 = tpu.memref_slice %arg5[%add3A_775, %dma_start3A_781] : memref<204800x128xf32, #tpu.memory_space<hbm>> -> memref<8x128xf32, #tpu.memory_space<hbm>>
      %dma_start3A_783 = arith.constant 40 : i32
      %dma_start3A_784 = arith.constant 0 : i32
      %dma_start3A_785 = tpu.memref_slice %arg10[%dma_start3A_783, %dma_start3A_784] : memref<128x129xf32, #tpu.memory_space<vmem>> -> memref<8x128xf32, #tpu.memory_space<vmem>>
      tpu.enqueue_dma source(%dma_start3A_785 : memref<8x128xf32, #tpu.memory_space<vmem>>) target(%dma_start3A_782 : memref<8x128xf32, #tpu.memory_space<hbm>>) target_semaphore(%arg15 : memref<!tpu.dma_semaphore, #tpu.memory_space<semaphore_mem>>)
      %add3A_786 = arith.constant 1 : i32
      %add3A_787 = arith.addi %add3A_671, %add3A_786 : i32
      %mul3A_788 = arith.constant 1024 : i32
      %mul3A_789 = arith.muli %add3A_787, %mul3A_788 : i32
      %add3A_790 = arith.constant 512 : i32
      %add3A_791 = arith.addi %mul3A_789, %add3A_790 : i32
      %mul3A_792 = arith.constant 8 : i32
      %mul3A_793 = arith.muli %add3A, %mul3A_792 : i32
      %add3A_794 = arith.addi %add3A_791, %mul3A_793 : i32
      %dma_start3A_795 = arith.constant 48 : i32
      %dma_start3A_796 = arith.constant 0 : i32
      %dma_start3A_797 = tpu.memref_slice %arg10[%dma_start3A_795, %dma_start3A_796] : memref<128x129xf32, #tpu.memory_space<vmem>> -> memref<8x128xf32, #tpu.memory_space<vmem>>
      %dma_start3A_798 = arith.constant 0 : i32
      %dma_start3A_799 = tpu.memref_slice %arg5[%add3A_794, %dma_start3A_798] : memref<204800x128xf32, #tpu.memory_space<hbm>> -> memref<8x128xf32, #tpu.memory_space<hbm>>
      %dma_start3A_800 = arith.constant 0 : i32
      %dma_start3A_801 = tpu.memref_slice %arg5[%add3A_794, %dma_start3A_800] : memref<204800x128xf32, #tpu.memory_space<hbm>> -> memref<8x128xf32, #tpu.memory_space<hbm>>
      %dma_start3A_802 = arith.constant 48 : i32
      %dma_start3A_803 = arith.constant 0 : i32
      %dma_start3A_804 = tpu.memref_slice %arg10[%dma_start3A_802, %dma_start3A_803] : memref<128x129xf32, #tpu.memory_space<vmem>> -> memref<8x128xf32, #tpu.memory_space<vmem>>
      tpu.enqueue_dma source(%dma_start3A_804 : memref<8x128xf32, #tpu.memory_space<vmem>>) target(%dma_start3A_801 : memref<8x128xf32, #tpu.memory_space<hbm>>) target_semaphore(%arg15 : memref<!tpu.dma_semaphore, #tpu.memory_space<semaphore_mem>>)
      %add3A_805 = arith.constant 1 : i32
      %add3A_806 = arith.addi %add3A_671, %add3A_805 : i32
      %mul3A_807 = arith.constant 1024 : i32
      %mul3A_808 = arith.muli %add3A_806, %mul3A_807 : i32
      %add3A_809 = arith.constant 768 : i32
      %add3A_810 = arith.addi %mul3A_808, %add3A_809 : i32
      %mul3A_811 = arith.constant 8 : i32
      %mul3A_812 = arith.muli %add3A, %mul3A_811 : i32
      %add3A_813 = arith.addi %add3A_810, %mul3A_812 : i32
      %dma_start3A_814 = arith.constant 56 : i32
      %dma_start3A_815 = arith.constant 0 : i32
      %dma_start3A_816 = tpu.memref_slice %arg10[%dma_start3A_814, %dma_start3A_815] : memref<128x129xf32, #tpu.memory_space<vmem>> -> memref<8x128xf32, #tpu.memory_space<vmem>>
      %dma_start3A_817 = arith.constant 0 : i32
      %dma_start3A_818 = tpu.memref_slice %arg5[%add3A_813, %dma_start3A_817] : memref<204800x128xf32, #tpu.memory_space<hbm>> -> memref<8x128xf32, #tpu.memory_space<hbm>>
      %dma_start3A_819 = arith.constant 0 : i32
      %dma_start3A_820 = tpu.memref_slice %arg5[%add3A_813, %dma_start3A_819] : memref<204800x128xf32, #tpu.memory_space<hbm>> -> memref<8x128xf32, #tpu.memory_space<hbm>>
      %dma_start3A_821 = arith.constant 56 : i32
      %dma_start3A_822 = arith.constant 0 : i32
      %dma_start3A_823 = tpu.memref_slice %arg10[%dma_start3A_821, %dma_start3A_822] : memref<128x129xf32, #tpu.memory_space<vmem>> -> memref<8x128xf32, #tpu.memory_space<vmem>>
      tpu.enqueue_dma source(%dma_start3A_823 : memref<8x128xf32, #tpu.memory_space<vmem>>) target(%dma_start3A_820 : memref<8x128xf32, #tpu.memory_space<hbm>>) target_semaphore(%arg15 : memref<!tpu.dma_semaphore, #tpu.memory_space<semaphore_mem>>)
      %add3A_824 = arith.constant 2 : i32
      %add3A_825 = arith.addi %add3A_671, %add3A_824 : i32
      %mul3A_826 = arith.constant 1024 : i32
      %mul3A_827 = arith.muli %add3A_825, %mul3A_826 : i32
      %add3A_828 = arith.constant 0 : i32
      %add3A_829 = arith.addi %mul3A_827, %add3A_828 : i32
      %mul3A_830 = arith.constant 8 : i32
      %mul3A_831 = arith.muli %add3A, %mul3A_830 : i32
      %add3A_832 = arith.addi %add3A_829, %mul3A_831 : i32
      %dma_start3A_833 = arith.constant 64 : i32
      %dma_start3A_834 = arith.constant 0 : i32
      %dma_start3A_835 = tpu.memref_slice %arg10[%dma_start3A_833, %dma_start3A_834] : memref<128x129xf32, #tpu.memory_space<vmem>> -> memref<8x128xf32, #tpu.memory_space<vmem>>
      %dma_start3A_836 = arith.constant 0 : i32
      %dma_start3A_837 = tpu.memref_slice %arg5[%add3A_832, %dma_start3A_836] : memref<204800x128xf32, #tpu.memory_space<hbm>> -> memref<8x128xf32, #tpu.memory_space<hbm>>
      %dma_start3A_838 = arith.constant 0 : i32
      %dma_start3A_839 = tpu.memref_slice %arg5[%add3A_832, %dma_start3A_838] : memref<204800x128xf32, #tpu.memory_space<hbm>> -> memref<8x128xf32, #tpu.memory_space<hbm>>
      %dma_start3A_840 = arith.constant 64 : i32
      %dma_start3A_841 = arith.constant 0 : i32
      %dma_start3A_842 = tpu.memref_slice %arg10[%dma_start3A_840, %dma_start3A_841] : memref<128x129xf32, #tpu.memory_space<vmem>> -> memref<8x128xf32, #tpu.memory_space<vmem>>
      tpu.enqueue_dma source(%dma_start3A_842 : memref<8x128xf32, #tpu.memory_space<vmem>>) target(%dma_start3A_839 : memref<8x128xf32, #tpu.memory_space<hbm>>) target_semaphore(%arg15 : memref<!tpu.dma_semaphore, #tpu.memory_space<semaphore_mem>>)
      %add3A_843 = arith.constant 2 : i32
      %add3A_844 = arith.addi %add3A_671, %add3A_843 : i32
      %mul3A_845 = arith.constant 1024 : i32
      %mul3A_846 = arith.muli %add3A_844, %mul3A_845 : i32
      %add3A_847 = arith.constant 256 : i32
      %add3A_848 = arith.addi %mul3A_846, %add3A_847 : i32
      %mul3A_849 = arith.constant 8 : i32
      %mul3A_850 = arith.muli %add3A, %mul3A_849 : i32
      %add3A_851 = arith.addi %add3A_848, %mul3A_850 : i32
      %dma_start3A_852 = arith.constant 72 : i32
      %dma_start3A_853 = arith.constant 0 : i32
      %dma_start3A_854 = tpu.memref_slice %arg10[%dma_start3A_852, %dma_start3A_853] : memref<128x129xf32, #tpu.memory_space<vmem>> -> memref<8x128xf32, #tpu.memory_space<vmem>>
      %dma_start3A_855 = arith.constant 0 : i32
      %dma_start3A_856 = tpu.memref_slice %arg5[%add3A_851, %dma_start3A_855] : memref<204800x128xf32, #tpu.memory_space<hbm>> -> memref<8x128xf32, #tpu.memory_space<hbm>>
      %dma_start3A_857 = arith.constant 0 : i32
      %dma_start3A_858 = tpu.memref_slice %arg5[%add3A_851, %dma_start3A_857] : memref<204800x128xf32, #tpu.memory_space<hbm>> -> memref<8x128xf32, #tpu.memory_space<hbm>>
      %dma_start3A_859 = arith.constant 72 : i32
      %dma_start3A_860 = arith.constant 0 : i32
      %dma_start3A_861 = tpu.memref_slice %arg10[%dma_start3A_859, %dma_start3A_860] : memref<128x129xf32, #tpu.memory_space<vmem>> -> memref<8x128xf32, #tpu.memory_space<vmem>>
      tpu.enqueue_dma source(%dma_start3A_861 : memref<8x128xf32, #tpu.memory_space<vmem>>) target(%dma_start3A_858 : memref<8x128xf32, #tpu.memory_space<hbm>>) target_semaphore(%arg15 : memref<!tpu.dma_semaphore, #tpu.memory_space<semaphore_mem>>)
      %add3A_862 = arith.constant 2 : i32
      %add3A_863 = arith.addi %add3A_671, %add3A_862 : i32
      %mul3A_864 = arith.constant 1024 : i32
      %mul3A_865 = arith.muli %add3A_863, %mul3A_864 : i32
      %add3A_866 = arith.constant 512 : i32
      %add3A_867 = arith.addi %mul3A_865, %add3A_866 : i32
      %mul3A_868 = arith.constant 8 : i32
      %mul3A_869 = arith.muli %add3A, %mul3A_868 : i32
      %add3A_870 = arith.addi %add3A_867, %mul3A_869 : i32
      %dma_start3A_871 = arith.constant 80 : i32
      %dma_start3A_872 = arith.constant 0 : i32
      %dma_start3A_873 = tpu.memref_slice %arg10[%dma_start3A_871, %dma_start3A_872] : memref<128x129xf32, #tpu.memory_space<vmem>> -> memref<8x128xf32, #tpu.memory_space<vmem>>
      %dma_start3A_874 = arith.constant 0 : i32
      %dma_start3A_875 = tpu.memref_slice %arg5[%add3A_870, %dma_start3A_874] : memref<204800x128xf32, #tpu.memory_space<hbm>> -> memref<8x128xf32, #tpu.memory_space<hbm>>
      %dma_start3A_876 = arith.constant 0 : i32
      %dma_start3A_877 = tpu.memref_slice %arg5[%add3A_870, %dma_start3A_876] : memref<204800x128xf32, #tpu.memory_space<hbm>> -> memref<8x128xf32, #tpu.memory_space<hbm>>
      %dma_start3A_878 = arith.constant 80 : i32
      %dma_start3A_879 = arith.constant 0 : i32
      %dma_start3A_880 = tpu.memref_slice %arg10[%dma_start3A_878, %dma_start3A_879] : memref<128x129xf32, #tpu.memory_space<vmem>> -> memref<8x128xf32, #tpu.memory_space<vmem>>
      tpu.enqueue_dma source(%dma_start3A_880 : memref<8x128xf32, #tpu.memory_space<vmem>>) target(%dma_start3A_877 : memref<8x128xf32, #tpu.memory_space<hbm>>) target_semaphore(%arg15 : memref<!tpu.dma_semaphore, #tpu.memory_space<semaphore_mem>>)
      %add3A_881 = arith.constant 2 : i32
      %add3A_882 = arith.addi %add3A_671, %add3A_881 : i32
      %mul3A_883 = arith.constant 1024 : i32
      %mul3A_884 = arith.muli %add3A_882, %mul3A_883 : i32
      %add3A_885 = arith.constant 768 : i32
      %add3A_886 = arith.addi %mul3A_884, %add3A_885 : i32
      %mul3A_887 = arith.constant 8 : i32
      %mul3A_888 = arith.muli %add3A, %mul3A_887 : i32
      %add3A_889 = arith.addi %add3A_886, %mul3A_888 : i32
      %dma_start3A_890 = arith.constant 88 : i32
      %dma_start3A_891 = arith.constant 0 : i32
      %dma_start3A_892 = tpu.memref_slice %arg10[%dma_start3A_890, %dma_start3A_891] : memref<128x129xf32, #tpu.memory_space<vmem>> -> memref<8x128xf32, #tpu.memory_space<vmem>>
      %dma_start3A_893 = arith.constant 0 : i32
      %dma_start3A_894 = tpu.memref_slice %arg5[%add3A_889, %dma_start3A_893] : memref<204800x128xf32, #tpu.memory_space<hbm>> -> memref<8x128xf32, #tpu.memory_space<hbm>>
      %dma_start3A_895 = arith.constant 0 : i32
      %dma_start3A_896 = tpu.memref_slice %arg5[%add3A_889, %dma_start3A_895] : memref<204800x128xf32, #tpu.memory_space<hbm>> -> memref<8x128xf32, #tpu.memory_space<hbm>>
      %dma_start3A_897 = arith.constant 88 : i32
      %dma_start3A_898 = arith.constant 0 : i32
      %dma_start3A_899 = tpu.memref_slice %arg10[%dma_start3A_897, %dma_start3A_898] : memref<128x129xf32, #tpu.memory_space<vmem>> -> memref<8x128xf32, #tpu.memory_space<vmem>>
      tpu.enqueue_dma source(%dma_start3A_899 : memref<8x128xf32, #tpu.memory_space<vmem>>) target(%dma_start3A_896 : memref<8x128xf32, #tpu.memory_space<hbm>>) target_semaphore(%arg15 : memref<!tpu.dma_semaphore, #tpu.memory_space<semaphore_mem>>)
      %add3A_900 = arith.constant 3 : i32
      %add3A_901 = arith.addi %add3A_671, %add3A_900 : i32
      %mul3A_902 = arith.constant 1024 : i32
      %mul3A_903 = arith.muli %add3A_901, %mul3A_902 : i32
      %add3A_904 = arith.constant 0 : i32
      %add3A_905 = arith.addi %mul3A_903, %add3A_904 : i32
      %mul3A_906 = arith.constant 8 : i32
      %mul3A_907 = arith.muli %add3A, %mul3A_906 : i32
      %add3A_908 = arith.addi %add3A_905, %mul3A_907 : i32
      %dma_start3A_909 = arith.constant 96 : i32
      %dma_start3A_910 = arith.constant 0 : i32
      %dma_start3A_911 = tpu.memref_slice %arg10[%dma_start3A_909, %dma_start3A_910] : memref<128x129xf32, #tpu.memory_space<vmem>> -> memref<8x128xf32, #tpu.memory_space<vmem>>
      %dma_start3A_912 = arith.constant 0 : i32
      %dma_start3A_913 = tpu.memref_slice %arg5[%add3A_908, %dma_start3A_912] : memref<204800x128xf32, #tpu.memory_space<hbm>> -> memref<8x128xf32, #tpu.memory_space<hbm>>
      %dma_start3A_914 = arith.constant 0 : i32
      %dma_start3A_915 = tpu.memref_slice %arg5[%add3A_908, %dma_start3A_914] : memref<204800x128xf32, #tpu.memory_space<hbm>> -> memref<8x128xf32, #tpu.memory_space<hbm>>
      %dma_start3A_916 = arith.constant 96 : i32
      %dma_start3A_917 = arith.constant 0 : i32
      %dma_start3A_918 = tpu.memref_slice %arg10[%dma_start3A_916, %dma_start3A_917] : memref<128x129xf32, #tpu.memory_space<vmem>> -> memref<8x128xf32, #tpu.memory_space<vmem>>
      tpu.enqueue_dma source(%dma_start3A_918 : memref<8x128xf32, #tpu.memory_space<vmem>>) target(%dma_start3A_915 : memref<8x128xf32, #tpu.memory_space<hbm>>) target_semaphore(%arg15 : memref<!tpu.dma_semaphore, #tpu.memory_space<semaphore_mem>>)
      %add3A_919 = arith.constant 3 : i32
      %add3A_920 = arith.addi %add3A_671, %add3A_919 : i32
      %mul3A_921 = arith.constant 1024 : i32
      %mul3A_922 = arith.muli %add3A_920, %mul3A_921 : i32
      %add3A_923 = arith.constant 256 : i32
      %add3A_924 = arith.addi %mul3A_922, %add3A_923 : i32
      %mul3A_925 = arith.constant 8 : i32
      %mul3A_926 = arith.muli %add3A, %mul3A_925 : i32
      %add3A_927 = arith.addi %add3A_924, %mul3A_926 : i32
      %dma_start3A_928 = arith.constant 104 : i32
      %dma_start3A_929 = arith.constant 0 : i32
      %dma_start3A_930 = tpu.memref_slice %arg10[%dma_start3A_928, %dma_start3A_929] : memref<128x129xf32, #tpu.memory_space<vmem>> -> memref<8x128xf32, #tpu.memory_space<vmem>>
      %dma_start3A_931 = arith.constant 0 : i32
      %dma_start3A_932 = tpu.memref_slice %arg5[%add3A_927, %dma_start3A_931] : memref<204800x128xf32, #tpu.memory_space<hbm>> -> memref<8x128xf32, #tpu.memory_space<hbm>>
      %dma_start3A_933 = arith.constant 0 : i32
      %dma_start3A_934 = tpu.memref_slice %arg5[%add3A_927, %dma_start3A_933] : memref<204800x128xf32, #tpu.memory_space<hbm>> -> memref<8x128xf32, #tpu.memory_space<hbm>>
      %dma_start3A_935 = arith.constant 104 : i32
      %dma_start3A_936 = arith.constant 0 : i32
      %dma_start3A_937 = tpu.memref_slice %arg10[%dma_start3A_935, %dma_start3A_936] : memref<128x129xf32, #tpu.memory_space<vmem>> -> memref<8x128xf32, #tpu.memory_space<vmem>>
      tpu.enqueue_dma source(%dma_start3A_937 : memref<8x128xf32, #tpu.memory_space<vmem>>) target(%dma_start3A_934 : memref<8x128xf32, #tpu.memory_space<hbm>>) target_semaphore(%arg15 : memref<!tpu.dma_semaphore, #tpu.memory_space<semaphore_mem>>)
      %add3A_938 = arith.constant 3 : i32
      %add3A_939 = arith.addi %add3A_671, %add3A_938 : i32
      %mul3A_940 = arith.constant 1024 : i32
      %mul3A_941 = arith.muli %add3A_939, %mul3A_940 : i32
      %add3A_942 = arith.constant 512 : i32
      %add3A_943 = arith.addi %mul3A_941, %add3A_942 : i32
      %mul3A_944 = arith.constant 8 : i32
      %mul3A_945 = arith.muli %add3A, %mul3A_944 : i32
      %add3A_946 = arith.addi %add3A_943, %mul3A_945 : i32
      %dma_start3A_947 = arith.constant 112 : i32
      %dma_start3A_948 = arith.constant 0 : i32
      %dma_start3A_949 = tpu.memref_slice %arg10[%dma_start3A_947, %dma_start3A_948] : memref<128x129xf32, #tpu.memory_space<vmem>> -> memref<8x128xf32, #tpu.memory_space<vmem>>
      %dma_start3A_950 = arith.constant 0 : i32
      %dma_start3A_951 = tpu.memref_slice %arg5[%add3A_946, %dma_start3A_950] : memref<204800x128xf32, #tpu.memory_space<hbm>> -> memref<8x128xf32, #tpu.memory_space<hbm>>
      %dma_start3A_952 = arith.constant 0 : i32
      %dma_start3A_953 = tpu.memref_slice %arg5[%add3A_946, %dma_start3A_952] : memref<204800x128xf32, #tpu.memory_space<hbm>> -> memref<8x128xf32, #tpu.memory_space<hbm>>
      %dma_start3A_954 = arith.constant 112 : i32
      %dma_start3A_955 = arith.constant 0 : i32
      %dma_start3A_956 = tpu.memref_slice %arg10[%dma_start3A_954, %dma_start3A_955] : memref<128x129xf32, #tpu.memory_space<vmem>> -> memref<8x128xf32, #tpu.memory_space<vmem>>
      tpu.enqueue_dma source(%dma_start3A_956 : memref<8x128xf32, #tpu.memory_space<vmem>>) target(%dma_start3A_953 : memref<8x128xf32, #tpu.memory_space<hbm>>) target_semaphore(%arg15 : memref<!tpu.dma_semaphore, #tpu.memory_space<semaphore_mem>>)
      %add3A_957 = arith.constant 3 : i32
      %add3A_958 = arith.addi %add3A_671, %add3A_957 : i32
      %mul3A_959 = arith.constant 1024 : i32
      %mul3A_960 = arith.muli %add3A_958, %mul3A_959 : i32
      %add3A_961 = arith.constant 768 : i32
      %add3A_962 = arith.addi %mul3A_960, %add3A_961 : i32
      %mul3A_963 = arith.constant 8 : i32
      %mul3A_964 = arith.muli %add3A, %mul3A_963 : i32
      %add3A_965 = arith.addi %add3A_962, %mul3A_964 : i32
      %dma_start3A_966 = arith.constant 120 : i32
      %dma_start3A_967 = arith.constant 0 : i32
      %dma_start3A_968 = tpu.memref_slice %arg10[%dma_start3A_966, %dma_start3A_967] : memref<128x129xf32, #tpu.memory_space<vmem>> -> memref<8x128xf32, #tpu.memory_space<vmem>>
      %dma_start3A_969 = arith.constant 0 : i32
      %dma_start3A_970 = tpu.memref_slice %arg5[%add3A_965, %dma_start3A_969] : memref<204800x128xf32, #tpu.memory_space<hbm>> -> memref<8x128xf32, #tpu.memory_space<hbm>>
      %dma_start3A_971 = arith.constant 0 : i32
      %dma_start3A_972 = tpu.memref_slice %arg5[%add3A_965, %dma_start3A_971] : memref<204800x128xf32, #tpu.memory_space<hbm>> -> memref<8x128xf32, #tpu.memory_space<hbm>>
      %dma_start3A_973 = arith.constant 120 : i32
      %dma_start3A_974 = arith.constant 0 : i32
      %dma_start3A_975 = tpu.memref_slice %arg10[%dma_start3A_973, %dma_start3A_974] : memref<128x129xf32, #tpu.memory_space<vmem>> -> memref<8x128xf32, #tpu.memory_space<vmem>>
      tpu.enqueue_dma source(%dma_start3A_975 : memref<8x128xf32, #tpu.memory_space<vmem>>) target(%dma_start3A_972 : memref<8x128xf32, #tpu.memory_space<hbm>>) target_semaphore(%arg15 : memref<!tpu.dma_semaphore, #tpu.memory_space<semaphore_mem>>)
    }
    %scan3A_82 = arith.constant 25 : i32
    %dma_wait3A = arith.constant 0 : i32
    %dma_wait3A_83 = arith.constant 0 : i32
    %dma_wait3A_84 = tpu.memref_slice %arg9[%dma_wait3A, %dma_wait3A_83] : memref<128x129xf32, #tpu.memory_space<vmem>> -> memref<128x128xf32, #tpu.memory_space<vmem>>
    %dma_wait3A_85 = arith.constant 0 : i32
    %dma_wait3A_86 = arith.constant 0 : i32
    %dma_wait3A_87 = tpu.memref_slice %arg5[%dma_wait3A_85, %dma_wait3A_86] : memref<204800x128xf32, #tpu.memory_space<hbm>> -> memref<128x128xf32, #tpu.memory_space<hbm>>
    %dma_wait3A_88 = arith.constant 0 : i32
    %dma_wait3A_89 = arith.constant 0 : i32
    %dma_wait3A_90 = tpu.memref_slice %arg5[%dma_wait3A_88, %dma_wait3A_89] : memref<204800x128xf32, #tpu.memory_space<hbm>> -> memref<128x128xf32, #tpu.memory_space<hbm>>
    %dma_wait3A_91 = arith.constant 0 : i32
    %dma_wait3A_92 = arith.constant 0 : i32
    %dma_wait3A_93 = tpu.memref_slice %arg9[%dma_wait3A_91, %dma_wait3A_92] : memref<128x129xf32, #tpu.memory_space<vmem>> -> memref<128x128xf32, #tpu.memory_space<vmem>>
    tpu.wait_dma2 semaphore(%arg14 : memref<!tpu.dma_semaphore, #tpu.memory_space<semaphore_mem>>) src(%dma_wait3A_93 : memref<128x128xf32, #tpu.memory_space<vmem>>) dst(%dma_wait3A_90 : memref<128x128xf32, #tpu.memory_space<hbm>>)
    %dma_wait3A_94 = arith.constant 0 : i32
    %dma_wait3A_95 = arith.constant 0 : i32
    %dma_wait3A_96 = tpu.memref_slice %arg10[%dma_wait3A_94, %dma_wait3A_95] : memref<128x129xf32, #tpu.memory_space<vmem>> -> memref<128x128xf32, #tpu.memory_space<vmem>>
    %dma_wait3A_97 = arith.constant 0 : i32
    %dma_wait3A_98 = arith.constant 0 : i32
    %dma_wait3A_99 = tpu.memref_slice %arg5[%dma_wait3A_97, %dma_wait3A_98] : memref<204800x128xf32, #tpu.memory_space<hbm>> -> memref<128x128xf32, #tpu.memory_space<hbm>>
    %dma_wait3A_100 = arith.constant 0 : i32
    %dma_wait3A_101 = arith.constant 0 : i32
    %dma_wait3A_102 = tpu.memref_slice %arg5[%dma_wait3A_100, %dma_wait3A_101] : memref<204800x128xf32, #tpu.memory_space<hbm>> -> memref<128x128xf32, #tpu.memory_space<hbm>>
    %dma_wait3A_103 = arith.constant 0 : i32
    %dma_wait3A_104 = arith.constant 0 : i32
    %dma_wait3A_105 = tpu.memref_slice %arg10[%dma_wait3A_103, %dma_wait3A_104] : memref<128x129xf32, #tpu.memory_space<vmem>> -> memref<128x128xf32, #tpu.memory_space<vmem>>
    tpu.wait_dma2 semaphore(%arg15 : memref<!tpu.dma_semaphore, #tpu.memory_space<semaphore_mem>>) src(%dma_wait3A_105 : memref<128x128xf32, #tpu.memory_space<vmem>>) dst(%dma_wait3A_102 : memref<128x128xf32, #tpu.memory_space<hbm>>)
    return
  }
}

</mosaic_0001>

<sc_bundles>
// kernel: kernel.3.cloned.1.call-start
scs
__scs_entry_jumppad:
0x0: {  	(pc) =	sbr.rel $0x88, $3  }
0x1: {  	(tag) =	ssettag $0x0;
	lr =	simm.s32 $0x1  }
0x2: {  	[smem:$0x3F9E] =	sst lr;
	_ =	strace $0xD0000000  }
0x3: {  	_ = 	snop  }
0x4: {  	_ = 	snop  }
0x5: {  	_ = 	snop  }
0x6: {  	_ = 	snop  }
0x7: {  	_ = 	snop  }
__scs_overlays_trampoline_lowered:
0x8: {  	[smem:$0x3FAD] =	sst s0  }
0x9: {  	[smem:$0x3FAE] =	sst s1  }
0xa: {  	[smem:$0x3FAF] =	sst s2  }
0xb: {  	[smem:$0x3FB0] =	sst s3  }
0xc: {  	[smem:$0x3FB1] =	sst s4  }
0xd: {  	[smem:$0x3FB2] =	sst s5  }
0xe: {  	[smem:$0x3FB3] =	sst s6  }
0xf: {  	[smem:$0x3FB4] =	sst s7  }
0x10: {  	[smem:$0x3FB5] =	sst s8  }
0x11: {  	[smem:$0x3FB6] =	sst s9;
	s0 =	simm.s32 @!p0 $0x0  }
0x12: {  	s1 =	sld [smem:$0x3F9C];
	s0 =	simm.s32 @p0 $0x1  }
0x13: {  	[smem:$0x3FB7] =	sst s0;
	s0 =	simm.s32 @!p1 $0x0  }
0x14: {  	s2 =	sld [smem:$0x3F9B];
	s0 =	simm.s32 @p1 $0x1  }
0x15: {  	[smem:$0x3FB8] =	sst s0;
	s0 =	simm.s32 @!p2 $0x0  }
0x16: {  	s3 =	sld [smem:$0x3FDB];
	s0 =	simm.s32 @p2 $0x1  }
0x17: {  	s4 =	simm.s32 $0x1BF5;
	[smem:$0x3FBA] =	sst s0  }
0x18: {  	s0 =	sld [smem:$0x3F9D];
	_ =	swait.ge [sflag:s4], $0x0  }
0x19: {  	s7 =	sld [smem:$0x3F9E]  }
0x1a: {  	s8 =	sadd.s32 $0xFFFFE003, lr  }
0x1b: {  	s9 =	sadd.s32 $0xFFFFFEF7, lr;
	s5 =	simm.s32 $0xFFFFFFFF;
	p2 =	slt.u32 s8, $0xFFFFF086  }
0x1c: {  	p1 =	slt.u32 s9, $0xF7A;
	s5 =	simm.s32 @!p2 $0x0  }
0x1d: {  	s5 =	simm.s32 @p1 $0x1;
	p0 =	seq.s32 s7, s2  }
0x1e: {  	s7 =	smul.u32 @!p0 $0xF7A, s2;
	p2 =	seq.s32 @!p0 s5, $0x0  }
0x1f: {  	s9 =	smul.u32 $0xF7A, s1;
	s8 =	simm.s32 @!p0 $0x1BF5;
	p2 =	por !p2, p0  }
0x20: {  	[sflag:s8] =	ssyncset.s32 @!p0 $0xFFFFF086;
	s6 =	sadd.s32 @!p0 s3, s7;
	s7 =	simm.s32 @!p0 $0x108  }
0x21: {  	s3 =	sadd.s32 s3, s9;
	s6 =	sadd.s32 @!p0 $0x88, s6;
	s7 =	simm.s32 @p2 $0x1082  }
0x22: {  	[simem:s7], [sflag:s8] =	dma.local @!p0 [hbm:s6], $0xF7A  }
0x23: {  	s9 =	sor.u32 $0xD0000000, s2;
	s6 =	simm.s32 $0x108;
	_ =	swait.ge @!p0 [sflag:s8], $0x0  }
0x24: {  	s3 =	sadd.s32 $0x88, s3;
	s6 =	simm.s32 @!p1 $0x1082;
	[sflag:s4] =	ssyncset.s32 $0xFFFFF086  }
0x25: {  	[simem:s6], [sflag:s4] =	dma.local [hbm:s3], $0xF7A  }
0x26: {  	[smem:$0x3F9E] =	sst s1;
	(tag) =	ssettag s2;
	_ =	strace s9  }
0x27: {  	s1 =	sld [smem:$0x3FAE]  }
0x28: {  	s2 =	sld [smem:$0x3FAF]  }
0x29: {  	s4 =	sld [smem:$0x3FB1]  }
0x2a: {  	p0 =	seq.s32 s5, $0x0;
	s5 =	sld [smem:$0x3FB2]  }
0x2b: {  	s6 =	sld [smem:$0x3FB3]  }
0x2c: {  	s7 =	sld [smem:$0x3FB4]  }
0x2d: {  	s3 =	simm.s32 $0x108;
	s8 =	sld [smem:$0x3FB5]  }
0x2e: {  	s3 =	simm.s32 @!p0 $0x1082;
	s9 =	sld [smem:$0x3FB6]  }
0x2f: {  	lr =	sadd.s32 s0, s3;
	s0 =	sld [smem:$0x3FAD]  }
0x30: {  	s3 =	sld [smem:$0x3FB0]  }
0x31: {  	[smem:$0x3FB9] =	sst s10  }
0x32: {  	s10 =	sld [smem:$0x3FB7];
	_ =	sdelay $0x3  }
0x33: {  	p0 =	seq.s32 s10, $0x1;
	s10 =	sld [smem:$0x3FB9];
	_ =	sdelay $0x3  }
0x34: {  	[smem:$0x3FB9] =	sst s10  }
0x35: {  	s10 =	sld [smem:$0x3FB8];
	_ =	sdelay $0x3  }
0x36: {  	p1 =	seq.s32 s10, $0x1;
	s10 =	sld [smem:$0x3FB9];
	_ =	sdelay $0x3  }
0x37: {  	[smem:$0x3FB9] =	sst s10  }
0x38: {  	s10 =	sld [smem:$0x3FBA]  }
0x39: {  	_ = 	snop;
	(pc) =	sbr.ind lr, $3  }
0x3a: {  	_ = 	snop  }
0x3b: {  	_ = 	snop  }
0x3c: {  	p2 =	seq.s32 s10, $0x1;
	s10 =	sld [smem:$0x3FB9]  }
0x3d: {  	_ =	shalt  }
0x3e: {  	_ =	shalt  }
0x3f: {  	_ =	shalt  }
0x40: {  	_ =	shalt  }
0x41: {  	_ =	shalt  }
0x42: {  	_ =	shalt  }
0x43: {  	_ =	shalt  }
0x44: {  	_ =	shalt  }
0x45: {  	_ =	shalt  }
0x46: {  	_ =	shalt  }
0x47: {  	_ =	shalt  }
0x48: {  	_ =	shalt  }
0x49: {  	_ =	shalt  }
0x4a: {  	_ =	shalt  }
0x4b: {  	_ =	shalt  }
0x4c: {  	_ =	shalt  }
0x4d: {  	_ =	shalt  }
0x4e: {  	_ =	shalt  }
0x4f: {  	_ =	shalt  }
0x50: {  	_ =	shalt  }
0x51: {  	_ =	shalt  }
0x52: {  	_ =	shalt  }
0x53: {  	_ =	shalt  }
0x54: {  	_ =	shalt  }
0x55: {  	_ =	shalt  }
0x56: {  	_ =	shalt  }
0x57: {  	_ =	shalt  }
0x58: {  	_ =	shalt  }
0x59: {  	_ =	shalt  }
0x5a: {  	_ =	shalt  }
0x5b: {  	_ =	shalt  }
0x5c: {  	_ =	shalt  }
0x5d: {  	_ =	shalt  }
0x5e: {  	_ =	shalt  }
0x5f: {  	_ =	shalt  }
0x60: {  	_ =	shalt  }
0x61: {  	_ =	shalt  }
0x62: {  	_ =	shalt  }
0x63: {  	_ =	shalt  }
0x64: {  	_ =	shalt  }
0x65: {  	_ =	shalt  }
0x66: {  	_ =	shalt  }
0x67: {  	_ =	shalt  }
0x68: {  	_ =	shalt  }
0x69: {  	_ =	shalt  }
0x6a: {  	_ =	shalt  }
0x6b: {  	_ =	shalt  }
0x6c: {  	_ =	shalt  }
0x6d: {  	_ =	shalt  }
0x6e: {  	_ =	shalt  }
0x6f: {  	_ =	shalt  }
0x70: {  	_ =	shalt  }
0x71: {  	_ =	shalt  }
0x72: {  	_ =	shalt  }
0x73: {  	_ =	shalt  }
0x74: {  	_ =	shalt  }
0x75: {  	_ =	shalt  }
0x76: {  	_ =	shalt  }
0x77: {  	_ =	shalt  }
0x78: {  	_ =	shalt  }
0x79: {  	_ =	shalt  }
0x7a: {  	_ =	shalt  }
0x7b: {  	_ =	shalt  }
0x7c: {  	_ =	shalt  }
0x7d: {  	_ =	shalt  }
0x7e: {  	_ =	shalt  }
0x7f: {  	_ =	shalt  }
0x80: {  	_ =	shalt  }
0x81: {  	_ =	shalt  }
0x82: {  	_ =	shalt  }
0x83: {  	_ =	shalt  }
0x84: {  	_ =	shalt  }
0x85: {  	_ =	shalt  }
0x86: {  	_ =	shalt  }
0x87: {  	_ =	shalt  }
.Lfunc_end0:
.L_simem_size_0:
called_computation_lowered:
.L_overlay_start_0:
0x88: {  	s2 =	sld [smem:$0x3FD9]  }
0x89: {  	s3 =	sld [smem:$0x3FFE];
	_ =	sdelay $0x1  }
0x8a: {  	s1 =	srdreg.scid  }
0x8b: {  	s0 =	sand.u32 $0x1, s1  }
0x8c: {  	s17 =	sshll.u32 s0, $0xA;
	s2 =	sadd.s32 s3, s2  }
0x8d: {  	s2 =	sadd.s32 s2, s17  }
0x8e: {  	[smem:$0x3FC5] =	sst s2  }
0x8f: {  	_ = 	snop  }
0x90: {  	s2 =	sld [smem:$0x3FC9]  }
0x91: {  	s18 =	sld [smem:$0x3FD0];
	(tm) =	ssettm $0x1  }
0x92: {  	s4 =	sld [smem:$0x3FFB];
	_ =	sdelay $0x3  }
0x93: {  	_ =	strace s4  }
0x94: {  	s4 =	sld [smem:$0x3FFC];
	_ =	sdelay $0x3  }
0x95: {  	_ =	strace s4  }
0x96: {  	s4 =	sld [smem:$0x3FFD];
	_ =	sdelay $0x3  }
0x97: {  	_ =	strace s4  }
0x98: {  	_ =	strace $0x8FFFFFFF  }
0x99: {  	s19 =	sld [smem:$0x3FDB];
	_ =	sdelay $0x1  }
0x9a: {  	s5 =	simm.s32 $_scs_section_size  }
0x9b: {  	s6 =	simm.s32 $_size__tile_overlayer_lowered;
	s7 =	simm.s32 $_tile_overlayer_lowered  }
0x9c: {  	s22 =	simm.s32 $0x1BFF;
	s21 =	sshll.u32 s7, $0x1;
	s4 =	sadd.s32 s5, s19  }
0x9d: {  	s8 =	simm.s32 $0x0;
	s20 =	sshll.u32 s6, $0x1;
	s6 =	sadd.s32 s21, s4  }
0x9e: {  	[timem:s8], [sflag:s22] =	dma.local [hbm:s6], s20  }
0x9f: {  	_ =	swait.ge [sflag:s22], s20  }
0xa0: {  	s5 =	ssub.s32 $0x0, s20;
	[sflag:s22] =	ssyncset.done $0x0  }
0xa1: {  	[sflag:s22] =	ssyncadd.s32 s5;
	_ =	sdelay $0x1  }
0xa2: {  	s23 =	simm.s32 $0x1B8B  }
0xa3: {  	_ =	swait.ge [sflag:s23], $0x1  }
0xa4: {  	[sflag:s23] =	ssyncset.done $0x0  }
0xa5: {  	s25 =	simm.s32 $0x1B8E;
	s24 =	sld [smem:$0x3FFE];
	[sflag:s23] =	ssyncadd.s32 $0xFFFFFFFF  }
0xa6: {  	s26 =	simm.s32 $execute0_lowered;
	[smem:$0x3FD2] =	sst s25  }
0xa7: {  	s6 =	sshll.u32 s26, $0x1;
	_ =	strace $0x80000046;
	[dreg:$0x1] =	wrdreg $0xFFFFFFFF  }
0xa8: {  	s28 =	simm.s32 $_size_execute0_lowered;
	s4 =	sadd.s32 s4, s6;
	[dreg:$0x0] =	wrdreg $0x0  }
0xa9: {  	s6 =	sshll.u32 s28, $0x1;
	[dreg:$0x2] =	wrdreg s4  }
0xaa: {  	[dreg:$0x3] =	wrdreg s6  }
0xab: {  	[dreg:$0x4] =	wrdreg $0xC0  }
0xac: {  	_ =	task [dreg:s8], $0x5FFFF  }
0xad: {  	[dreg:$0x1] =	wrdreg $0xFFFFFFFF  }
0xae: {  	[dreg:$0x0] =	wrdreg $0x60  }
0xaf: {  	[dreg:$0x2] =	wrdreg s2  }
0xb0: {  	[dreg:$0x3] =	wrdreg s24  }
0xb1: {  	[dreg:$0x4] =	wrdreg s18  }
0xb2: {  	[dreg:$0x5] =	wrdreg $0x9  }
0xb3: {  	_ =	task.clear_ibuf [dreg:s8], $0x6FFFF;
	_ =	strace $0x90000046  }
0xb4: {  	s29 =	simm.s32 $0x9;
	_ =	strace $0x80000048  }
0xb5: {  	_ =	swait.ge [sflag:s29], $0x1  }
0xb6: {  	[sflag:s29] =	ssyncadd.s32 $0xFFFFFFFF  }
0xb7: {  	_ =	strace $0x90000048  }
0xb8: {  	_ =	sfence  }
0xb9: {  	s30 =	sld [smem:$0x0];
	_ =	sdelay $0x2  }
0xba: {  	s31 =	sshll.u32 s1, $0xD;
	s1 =	sshrl.u32 s1, $0x2  }
0xbb: {  	s3 =	sand.u32 $0x4000, s31;
	s1 =	sadd.s32 s1, s30  }
0xbc: {  	s0 =	sor.u32 s3, s0;
	s1 =	sshll.u32 s1, $0x11  }
0xbd: {  	s0 =	sor.u32 s1, s0  }
0xbe: {  	s0 =	sadd.s32 $0x8F2B, s0  }
0xbf: {  	[sflag:s0] =	ssyncadd.remote.s32 $0x1  }
0xc0: {  	_ =	sfence.sel $0xFFFF  }
0xc1: {  	[dreg:$0x0] =	wrdreg $0xFFFFFFFF;
	(pc) =	sbr.abs _section_cstart, $3  }
0xc2: {  	[dreg:$0x1] =	wrdreg $0xFFFFFFFF  }
0xc3: {  	_ =	task.clear_ibuf [dreg:s8], $0x2FFFF;
	_ =	strace $0x9FFFFFFF  }
0xc4: {  	(tm) =	ssettm $0x7FFFFFFF  }
0xc5: {  	_ =	shalt  }
tec
execute0_lowered:
.L_overlay_start_1:
0x0: {  	(tag) =	ssettag $0x1  }
0x1: {  	s0 =	rddreg [dreg:$0x0]  }
0x2: {  	s3 =	rddreg [dreg:$0x1]  }
0x3: {  	s1 =	rddreg [dreg:$0x2];
	s2 =	simm.s32 $0x0  }
0x4: {  	s5 =	srdreg.scid;
	s6 =	stileid.u32;
	s16 =	simm.s32 $0x80  }
0x5: {  	s28 =	simm.s32 $0x1;
	s29 =	simm.s32 $0xE400;
	s30 =	simm.s32 $0xF500  }
0x6: {  	s31 =	simm.s32 $0x10600;
	s12 =	simm.s32 $0x14A00;
	s14 =	simm.s32 $0x15B00  }
0x7: {  	s11 =	simm.s32 $0x16408;
	s13 =	simm.s32 $0x16490;
	s17 =	simm.s32 $0x0  }
0x8: {  	v0 =	vlaneseq.u32;
	[smem:$0x7FF] =	sst s2;
	s4 =	sadd.s32 $0x800, s3;
	s5 =	sand.u32 $0x1, s5  }
0x9: {  	s6 =	sshll.u32 s6, $0x8;
	s3 =	sadd.s32 $0x400, s3;
	s8 =	sadd.s32 $0x1000, s1;
	v0 =	vmul.u32 $0x88, v0  }
0xa: {  	s9 =	sadd.s32 $0x2000, s1;
	s10 =	sadd.s32 $0x3000, s1;
	s7 =	ssub.s32 $0x2, s5  }
0xb: {  	_ =	strace $0x80000047;
	s5 =	sshll.u32 s5, $0x7;
	s25 =	sshrl.u32 s7, $0x1;
	v1 =	vadd.s32 $0x880, v0;
	v2 =	vor.u32 $0x1, v0;
	v3 =	vadd.s32 $0x881, v0  }
0xc: {  	[dreg:$0x4] =	wrdreg s3;
	s6 =	sor.u32 s5, s6;
	v4 =	vor.u32 $0x2, v0;
	v5 =	vadd.s32 $0x882, v0;
	v6 =	vor.u32 $0x3, v0;
	s3 =	ssub.s32 s7, s25  }
0xd: {  	v7 =	vadd.s32 $0x883, v0;
	v8 =	vor.u32 $0x4, v0;
	v9 =	vadd.s32 $0x884, v0;
	s0 =	sadd.s32 s0, s6;
	s25 =	simm.s32 $0x2;
	s7 =	simm.s32 $0x16380  }
0xe: {  	v10 =	vor.u32 $0x5, v0;
	v11 =	vadd.s32 $0x885, v0;
	v12 =	vor.u32 $0x6, v0;
	[dreg:$0x5] =	wrdreg s0;
	s26 =	smax.u32 s3, $0x1;
	s0 =	simm.s32 $0x11700  }
0xf: {  	v13 =	vadd.s32 $0x886, v0;
	v14 =	vor.u32 $0x7, v0;
	v15 =	vadd.s32 $0x887, v0;
	s3 =	simm.s32 $0x13900;
	[dreg:$0x6] =	wrdreg s26;
	s26 =	simm.s32 $0x12800  }
.LBB2_1:
0x10: {  	[dreg:$0x7] =	wrdreg s17  }
0x11: {  	s5 =	rddreg [dreg:$0x4];
	s15 =	simm.s32 $0x16C00;
	s22 =	simm.s32 $0x5  }
0x12: {  	[tilespmem:s15], [sflag:$0x5] =	stream.linear.gather [hbm4b:s5+s2], $0x1900, $0x38;
	[tilespmem:$0x18500] =	vst v63  }
0x13: {  	_ =	swait.ge [sflag:s22], $0x1900  }
0x14: {  	s24 =	simm.s32 $0x400;
	[sflag:s22] =	ssyncset.done $0x0  }
0x15: {  	s18 =	simm.s32 $0x8000;
	s23 =	rddreg [dreg:$0x5];
	[sflag:s22] =	ssyncadd.s32 $0xFFFFE700  }
0x16: {  	[tilespmem:s2], [sflag:$0x5] =	stream.strided.gather [hbm4b:s23+s24], $0x6400, s18, s24, $0x38;
	[tilespmem:$0x18500] =	vst v63  }
0x17: {  	_ =	swait.ge [sflag:s22], $0x6400  }
0x18: {  	[sflag:s22] =	ssyncset.done $0x0  }
0x19: {  	s19 =	simm.s32 $0x6400;
	[sflag:s22] =	ssyncadd.s32 $0xFFFF9C00  }
0x1a: {  	[tilespmem:s19], [sflag:$0x1] =	stream.indirect.gather [hbm4b:s4+s16], $0x20, s2, s16, $0xb8;
	[tilespmem:$0x18500] =	vst v63  }
0x1b: {  	s20 =	simm.s32 $0x7400  }
0x1c: {  	[tilespmem:s20], [sflag:$0x1] =	stream.indirect.gather [hbm4b:s4+s16], $0x20, s16, s16, $0xb8;
	[tilespmem:$0x18500] =	vst v63  }
0x1d: {  	s21 =	simm.s32 $0x100;
	s22 =	simm.s32 $0x8400  }
0x1e: {  	[tilespmem:s22], [sflag:$0x1] =	stream.indirect.gather [hbm4b:s4+s16], $0x20, s21, s16, $0xb8;
	[tilespmem:$0x18500] =	vst v63  }
0x1f: {  	s17 =	simm.s32 $0x0;
	s23 =	simm.s32 $0x180;
	s24 =	simm.s32 $0x9400  }
0x20: {  	[tilespmem:s24], [sflag:$0x1] =	stream.indirect.gather [hbm4b:s4+s16], $0x20, s23, s16, $0xb8;
	[tilespmem:$0x18500] =	vst v63  }
.LBB2_2:
0x21: {  	p0 =	seq.s32 s17, $0x0  }
0x22: {  	s5 =	simm.s32 @!p0 $0x3  }
0x23: {  	s15 =	sshll.u32 s17, $0xA;
	_ =	swait.ge @!p0 [sflag:s5], $0x4000  }
0x24: {  	s20 =	sand.u32 $0x3FFFFC00, s15;
	[sflag:s5] =	ssyncset.done @!p0 $0x0  }
0x25: {  	s22 =	simm.s32 $0xA400;
	s21 =	sor.u32 $0x200, s20;
	[sflag:s5] =	ssyncadd.s32 @!p0 $0xFFFFC000  }
0x26: {  	[tilespmem:s22], [sflag:$0x2] =	stream.indirect.gather [hbm4b:s4+s16], $0x20, s21, s16, $0xb8;
	[tilespmem:$0x18500] =	vst v63  }
0x27: {  	s24 =	simm.s32 $0xB400;
	s23 =	sor.u32 $0x280, s20  }
0x28: {  	[tilespmem:s24], [sflag:$0x2] =	stream.indirect.gather [hbm4b:s4+s16], $0x20, s23, s16, $0xb8;
	[tilespmem:$0x18500] =	vst v63  }
0x29: {  	s18 =	simm.s32 $0xC400;
	s15 =	sor.u32 $0x300, s20  }
0x2a: {  	[tilespmem:s18], [sflag:$0x2] =	stream.indirect.gather [hbm4b:s4+s16], $0x20, s15, s16, $0xb8;
	[tilespmem:$0x18500] =	vst v63  }
0x2b: {  	s19 =	sor.u32 $0x380, s20;
	s21 =	simm.s32 $0xD400  }
0x2c: {  	[tilespmem:s21], [sflag:$0x2] =	stream.indirect.gather [hbm4b:s4+s16], $0x20, s19, s16, $0xb8;
	[tilespmem:$0x18500] =	vst v63  }
0x2d: {  	_ =	swait.ge [sflag:s28], $0x1000  }
0x2e: {  	[sflag:s28] =	ssyncset.done $0x0  }
0x2f: {  	[sflag:s28] =	ssyncadd.s32 $0xFFFFF000  }
0x30: {  	_ =	swait.ge [sflag:s28], $0x1000  }
0x31: {  	[sflag:s28] =	ssyncset.done $0x0  }
0x32: {  	[sflag:s28] =	ssyncadd.s32 $0xFFFFF000  }
0x33: {  	_ =	swait.ge [sflag:s28], $0x1000  }
0x34: {  	[sflag:s28] =	ssyncset.done $0x0  }
0x35: {  	[sflag:s28] =	ssyncadd.s32 $0xFFFFF000  }
0x36: {  	_ =	swait.ge [sflag:s28], $0x1000  }
0x37: {  	s22 =	sshll.u32 s17, $0x8;
	[sflag:s28] =	ssyncset.done $0x0  }
0x38: {  	s5 =	sand.u32 $0x3FFFFF00, s22;
	[sflag:s28] =	ssyncadd.s32 $0xFFFFF000  }
0x39: {  	v17 =	vld [tilespmem:s5+$0x16C00]  }
0x3a: {  	s23 =	simm.s32 $0x6480;
	v16 =	vld [tilespmem:s5+$0x16C10]  }
0x3b: {  	v23 =	vld [tilespmem:s23+$0xFFFFFFE0]  }
0x3c: {  	v24 =	vld [tilespmem:s23+$0x0]  }
0x3d: {  	v28 =	vld [tilespmem:s23+$0x20]  }
0x3e: {  	v30 =	vld [tilespmem:s23+$0x40]  }
0x3f: {  	v33 =	vld [tilespmem:s23+$0x60]  }
0x40: {  	v25 =	vld [tilespmem:s23+$0xFFFFFFF0]  }
0x41: {  	v29 =	vld [tilespmem:s23+$0x10]  }
0x42: {  	v31 =	vld [tilespmem:s23+$0x30]  }
0x43: {  	v32 =	vld [tilespmem:s23+$0x50]  }
0x44: {  	v37 =	vld [tilespmem:s23+$0x70]  }
0x45: {  	v18 =	vld [tilespmem:s23+$0xFFFFFF80]  }
0x46: {  	s24 =	simm.s32 $0x0;
	v19 =	vld [tilespmem:s23+$0xFFFFFF90]  }
0x47: {  	v26 =	vadd.s32 s24, v0;
	v20 =	vld [tilespmem:s23+$0xFFFFFFA0]  }
0x48: {  	v34 =	vadd.s32 s24, v1;
	v27 =	vld [tilespmem:s23+$0xFFFFFFB0]  }
0x49: {  	v36 =	vadd.s32 s24, v2;
	v35 =	vld [tilespmem:s23+$0xFFFFFFC0]  }
0x4a: {  	v39 =	vadd.s32 s24, v3;
	s19 =	simm.s32 $0x6580;
	v38 =	vld [tilespmem:s23+$0xFFFFFFD0];
	v18 =	vadd.f32 v18, v17  }
0x4b: {  	v40 =	vadd.s32 s24, v4;
	v22 =	vld [tilespmem:s19+$0xFFFFFFE0];
	v19 =	vadd.f32 v19, v16  }
0x4c: {  	v42 =	vadd.s32 s24, v5;
	v21 =	vld [tilespmem:s19+$0x0];
	v41 =	vadd.f32 v20, v17;
	[tilespmem:v26+s29+$0x0] =	vst.idx.msk $0xffff, v18  }
0x4d: {  	v50 =	vadd.s32 s24, v6;
	v60 =	vld [tilespmem:s19+$0xFFFFFF80];
	v26 =	vadd.f32 v27, v16;
	[tilespmem:v34+s29+$0x0] =	vst.idx.msk $0xffff, v19  }
0x4e: {  	v51 =	vadd.s32 s24, v7;
	v20 =	vld [tilespmem:s19+$0x20];
	v35 =	vadd.f32 v35, v17;
	[tilespmem:v36+s29+$0x0] =	vst.idx.msk $0xffff, v41  }
0x4f: {  	v52 =	vadd.s32 s24, v8;
	v38 =	vadd.f32 v38, v16;
	v54 =	vadd.f32 v25, v16;
	v25 =	vld [tilespmem:s19+$0x30];
	[tilespmem:v39+s29+$0x0] =	vst.idx.msk $0xffff, v26  }
0x50: {  	v53 =	vadd.s32 s24, v9;
	v23 =	vadd.f32 v23, v17;
	v56 =	vadd.f32 v24, v17;
	v24 =	vld [tilespmem:s19+$0x50];
	[tilespmem:v40+s29+$0x0] =	vst.idx.msk $0xffff, v35  }
0x51: {  	v55 =	vadd.s32 s24, v10;
	v62 =	vadd.f32 v30, v17;
	v30 =	vld [tilespmem:s19+$0xFFFFFFA0];
	[tilespmem:v42+s29+$0x0] =	vst.idx.msk $0xffff, v38  }
0x52: {  	v57 =	vadd.s32 s24, v11;
	v18 =	vld [tilespmem:s19+$0x60];
	[tilespmem:v50+s29+$0x0] =	vst.idx.msk $0xffff, v23  }
0x53: {  	v58 =	vadd.s32 s24, v12;
	v29 =	vadd.f32 v29, v16;
	v27 =	vld [tilespmem:s19+$0xFFFFFFF0];
	[tilespmem:v51+s29+$0x0] =	vst.idx.msk $0xffff, v54  }
0x54: {  	v59 =	vadd.s32 s24, v13;
	v28 =	vadd.f32 v28, v17;
	v19 =	vld [tilespmem:s19+$0x40];
	[tilespmem:v52+s29+$0x0] =	vst.idx.msk $0xffff, v56  }
0x55: {  	v61 =	vadd.s32 s24, v14;
	v31 =	vadd.f32 v31, v16;
	v26 =	vld [tilespmem:s19+$0x10];
	[tilespmem:v53+s29+$0x0] =	vst.idx.msk $0xffff, v29  }
0x56: {  	s22 =	simm.s32 $0x8;
	v63 =	vadd.f32 v32, v16;
	v32 =	vadd.s32 s24, v15;
	v29 =	vld [tilespmem:s19+$0xFFFFFF90];
	[tilespmem:v55+s29+$0x0] =	vst.idx.msk $0xffff, v28  }
0x57: {  	v34 =	vadd.s32 s22, v0;
	v35 =	vld [tilespmem:s19+$0xFFFFFFC0];
	[tilespmem:v57+s29+$0x0] =	vst.idx.msk $0xffff, v31  }
0x58: {  	v43 =	vadd.f32 v33, v17;
	v33 =	vadd.s32 s22, v1;
	v31 =	vld [tilespmem:s19+$0xFFFFFFB0];
	[tilespmem:v58+s29+$0x0] =	vst.idx.msk $0xffff, v62  }
0x59: {  	v36 =	vadd.s32 s22, v2;
	v40 =	vadd.f32 v37, v16;
	v37 =	vld [tilespmem:s19+$0xFFFFFFD0];
	[tilespmem:v59+s29+$0x0] =	vst.idx.msk $0xffff, v63  }
0x5a: {  	s18 =	sshll.u32 s17, $0x3;
	s15 =	simm.s32 $0x10;
	v39 =	vadd.f32 v60, v17;
	v38 =	vadd.s32 s22, v3;
	v23 =	vld [tilespmem:s19+$0x70];
	v28 =	vadd.s32 s22, v4;
	s19 =	simm.s32 $0x6680;
	[tilespmem:v61+s29+$0x0] =	vst.idx.msk $0xffff, v43  }
.LBB2_3:
0x5b: {  	v41 =	vld [tilespmem:s19+$0xFFFFFFE0];
	v42 =	vadd.s32 s15, v4;
	p1 =	sne.s32 s15, $0x78;
	v29 =	vadd.f32 v29, v16;
	[tilespmem:v32+s29+$0x0] =	vst.idx.msk $0xffff, v40;
	s21 =	smov.u32 s15;
	s15 =	sadd.s32 $0x8, s15  }
0x5c: {  	v32 =	vld [tilespmem:s19+$0x0];
	v30 =	vadd.f32 v30, v17;
	[tilespmem:v34+s29+$0x0] =	vst.idx.msk $0xffff, v39;
	v34 =	vadd.s32 s22, v5  }
0x5d: {  	v39 =	vld [tilespmem:s19+$0x20];
	v31 =	vadd.f32 v31, v16;
	[tilespmem:v33+s29+$0x0] =	vst.idx.msk $0xffff, v29;
	v29 =	vadd.s32 s22, v6  }
0x5e: {  	v33 =	vld [tilespmem:s19+$0x40];
	v35 =	vadd.f32 v35, v17;
	[tilespmem:v36+s29+$0x0] =	vst.idx.msk $0xffff, v30;
	v30 =	vadd.s32 s22, v7  }
0x5f: {  	v36 =	vld [tilespmem:s19+$0x60];
	v37 =	vadd.f32 v37, v16;
	[tilespmem:v38+s29+$0x0] =	vst.idx.msk $0xffff, v31;
	v31 =	vadd.s32 s22, v8  }
0x60: {  	v40 =	vadd.f32 v22, v17;
	v38 =	vld [tilespmem:s19+$0xFFFFFFF0];
	[tilespmem:v28+s29+$0x0] =	vst.idx.msk $0xffff, v35;
	v35 =	vadd.s32 s22, v9;
	v22 =	vmovc v41;
	v28 =	vmov v42  }
0x61: {  	v27 =	vadd.f32 v27, v16;
	v41 =	vld [tilespmem:s19+$0x10];
	[tilespmem:v34+s29+$0x0] =	vst.idx.msk $0xffff, v37;
	v34 =	vadd.s32 s22, v10  }
0x62: {  	v42 =	vadd.f32 v21, v17;
	v21 =	vmov v32;
	v37 =	vld [tilespmem:s19+$0x30];
	[tilespmem:v29+s29+$0x0] =	vst.idx.msk $0xffff, v40;
	v40 =	vadd.s32 s22, v11  }
0x63: {  	v47 =	vadd.f32 v26, v16;
	v44 =	vadd.s32 s22, v12;
	v43 =	vld [tilespmem:s19+$0x50];
	[tilespmem:v30+s29+$0x0] =	vst.idx.msk $0xffff, v27  }
0x64: {  	v30 =	vadd.f32 v20, v17;
	v20 =	vmov v39;
	v45 =	vld [tilespmem:s19+$0x70];
	[tilespmem:v31+s29+$0x0] =	vst.idx.msk $0xffff, v42;
	v42 =	vadd.s32 s22, v13  }
0x65: {  	v46 =	vadd.s32 s22, v14;
	v31 =	vadd.f32 v25, v16;
	v39 =	vld [tilespmem:s19+$0xFFFFFF80];
	[tilespmem:v35+s29+$0x0] =	vst.idx.msk $0xffff, v47;
	v27 =	vmov v38  }
.Ltmp0:
0x66: {  	v32 =	vadd.s32 s22, v15;
	s22 =	smov.u32 s21;
	v35 =	vadd.f32 v19, v17;
	v19 =	vmovc v33;
	v29 =	vld [tilespmem:s19+$0xFFFFFF90];
	[tilespmem:v34+s29+$0x0] =	vst.idx.msk $0xffff, v30;
	v26 =	vmov v41;
	(pc) =	sbr.rel @p1 .LBB2_3-.Ltmp0, $4  }
0x67: {  	v38 =	vadd.f32 v24, v16;
	v34 =	vadd.s32 s22, v0;
	v30 =	vld [tilespmem:s19+$0xFFFFFFA0];
	[tilespmem:v40+s29+$0x0] =	vst.idx.msk $0xffff, v31;
	v25 =	vmov v37  }
0x68: {  	v33 =	vadd.s32 s22, v1;
	v41 =	vadd.f32 v18, v17;
	v18 =	vmovc v36;
	v31 =	vld [tilespmem:s19+$0xFFFFFFB0];
	[tilespmem:v44+s29+$0x0] =	vst.idx.msk $0xffff, v35;
	v24 =	vmov v43  }
0x69: {  	v36 =	vadd.s32 s22, v2;
	v40 =	vadd.f32 v23, v16;
	v35 =	vld [tilespmem:s19+$0xFFFFFFC0];
	[tilespmem:v42+s29+$0x0] =	vst.idx.msk $0xffff, v38;
	v23 =	vmov v45  }
0x6a: {  	v38 =	vadd.s32 s22, v3;
	v39 =	vadd.f32 v39, v17;
	v37 =	vld [tilespmem:s19+$0xFFFFFFD0];
	s19 =	sadd.s32 $0x100, s19;
	[tilespmem:v46+s29+$0x0] =	vst.idx.msk $0xffff, v41  }
0x6b: {  	_ =	sdelay $0x3  }
0x6c: {  	v29 =	vadd.f32 v29, v16;
	[tilespmem:v32+s29+$0x0] =	vst.idx.msk $0xffff, v40  }
0x6d: {  	v41 =	vadd.s32 s22, v5;
	v30 =	vadd.f32 v30, v17;
	[tilespmem:v34+s29+$0x0] =	vst.idx.msk $0xffff, v39  }
0x6e: {  	v31 =	vadd.f32 v31, v16;
	[tilespmem:v33+s29+$0x0] =	vst.idx.msk $0xffff, v29;
	v29 =	vadd.s32 s22, v6  }
0x6f: {  	v42 =	vadd.f32 v35, v17;
	[tilespmem:v36+s29+$0x0] =	vst.idx.msk $0xffff, v30;
	v30 =	vadd.s32 s22, v7  }
0x70: {  	v43 =	vadd.f32 v37, v16;
	[tilespmem:v38+s29+$0x0] =	vst.idx.msk $0xffff, v31;
	v31 =	vadd.s32 s22, v8  }
0x71: {  	v22 =	vadd.f32 v22, v17;
	[tilespmem:v28+s29+$0x0] =	vst.idx.msk $0xffff, v42;
	v28 =	vadd.s32 s22, v9  }
0x72: {  	v27 =	vadd.f32 v27, v16;
	v44 =	vadd.s32 s22, v10;
	[tilespmem:v41+s29+$0x0] =	vst.idx.msk $0xffff, v43  }
0x73: {  	v21 =	vadd.f32 v21, v17;
	[tilespmem:v29+s29+$0x0] =	vst.idx.msk $0xffff, v22;
	v22 =	vadd.s32 s22, v11  }
0x74: {  	v26 =	vadd.f32 v26, v16;
	[tilespmem:v30+s29+$0x0] =	vst.idx.msk $0xffff, v27;
	v27 =	vadd.s32 s22, v12  }
0x75: {  	v20 =	vadd.f32 v20, v17;
	[tilespmem:v31+s29+$0x0] =	vst.idx.msk $0xffff, v21;
	v21 =	vadd.s32 s22, v13  }
0x76: {  	v25 =	vadd.f32 v25, v16;
	[tilespmem:v28+s29+$0x0] =	vst.idx.msk $0xffff, v26;
	v26 =	vadd.s32 s22, v14  }
0x77: {  	v19 =	vadd.f32 v19, v17;
	[tilespmem:v44+s29+$0x0] =	vst.idx.msk $0xffff, v20;
	v20 =	vadd.s32 s22, v15  }
0x78: {  	v24 =	vadd.f32 v24, v16;
	[tilespmem:v22+s29+$0x0] =	vst.idx.msk $0xffff, v25  }
0x79: {  	v17 =	vadd.f32 v18, v17;
	[tilespmem:v27+s29+$0x0] =	vst.idx.msk $0xffff, v19  }
0x7a: {  	v16 =	vadd.f32 v23, v16;
	s22 =	sor.u32 $0x1, s18;
	[tilespmem:v21+s29+$0x0] =	vst.idx.msk $0xffff, v24  }
0x7b: {  	s5 =	sshll.u32 s22, $0x5;
	[tilespmem:v26+s29+$0x0] =	vst.idx.msk $0xffff, v17  }
0x7c: {  	s5 =	sand.u32 $0x3FFFFFE0, s5;
	[tilespmem:v20+s29+$0x0] =	vst.idx.msk $0xffff, v16  }
0x7d: {  	v17 =	vld [tilespmem:s5+$0x16C00]  }
0x7e: {  	s23 =	simm.s32 $0x74F0;
	v16 =	vld [tilespmem:s5+$0x16C10]  }
0x7f: {  	v23 =	vld [tilespmem:s23+$0xFFFFFF70]  }
0x80: {  	v24 =	vld [tilespmem:s23+$0xFFFFFF90]  }
0x81: {  	v28 =	vld [tilespmem:s23+$0xFFFFFFB0]  }
0x82: {  	v30 =	vld [tilespmem:s23+$0xFFFFFFD0]  }
0x83: {  	v33 =	vld [tilespmem:s23+$0xFFFFFFF0]  }
0x84: {  	v25 =	vld [tilespmem:s23+$0xFFFFFF80]  }
0x85: {  	v29 =	vld [tilespmem:s23+$0xFFFFFFA0]  }
0x86: {  	v31 =	vld [tilespmem:s23+$0xFFFFFFC0]  }
0x87: {  	v32 =	vld [tilespmem:s23+$0xFFFFFFE0]  }
0x88: {  	v37 =	vld [tilespmem:s23+$0x0]  }
0x89: {  	v18 =	vld [tilespmem:s23+$0xFFFFFF10]  }
0x8a: {  	s15 =	simm.s32 $0x0;
	v19 =	vld [tilespmem:s23+$0xFFFFFF20]  }
0x8b: {  	v26 =	vadd.s32 s15, v0;
	v20 =	vld [tilespmem:s23+$0xFFFFFF30]  }
0x8c: {  	v45 =	vadd.s32 s15, v1;
	v27 =	vld [tilespmem:s23+$0xFFFFFF40]  }
0x8d: {  	v47 =	vadd.s32 s15, v2;
	v46 =	vld [tilespmem:s23+$0xFFFFFF50]  }
0x8e: {  	s24 =	simm.s32 $0x75F0;
	v48 =	vadd.s32 s15, v3;
	v38 =	vld [tilespmem:s23+$0xFFFFFF60];
	v18 =	vadd.f32 v18, v17  }
0x8f: {  	v49 =	vadd.s32 s15, v4;
	v22 =	vld [tilespmem:s24+$0xFFFFFF70];
	v19 =	vadd.f32 v19, v16  }
0x90: {  	v42 =	vadd.s32 s15, v5;
	v21 =	vld [tilespmem:s24+$0xFFFFFF90];
	v41 =	vadd.f32 v20, v17;
	[tilespmem:v26+s30+$0x0] =	vst.idx.msk $0xffff, v18  }
0x91: {  	v50 =	vadd.s32 s15, v6;
	v60 =	vld [tilespmem:s24+$0xFFFFFF10];
	v26 =	vadd.f32 v27, v16;
	[tilespmem:v45+s30+$0x0] =	vst.idx.msk $0xffff, v19  }
0x92: {  	v51 =	vadd.s32 s15, v7;
	v20 =	vld [tilespmem:s24+$0xFFFFFFB0];
	v35 =	vadd.f32 v46, v17;
	[tilespmem:v47+s30+$0x0] =	vst.idx.msk $0xffff, v41  }
0x93: {  	v52 =	vadd.s32 s15, v8;
	v38 =	vadd.f32 v38, v16;
	v54 =	vadd.f32 v25, v16;
	v25 =	vld [tilespmem:s24+$0xFFFFFFC0];
	[tilespmem:v48+s30+$0x0] =	vst.idx.msk $0xffff, v26  }
0x94: {  	v53 =	vadd.s32 s15, v9;
	v23 =	vadd.f32 v23, v17;
	v56 =	vadd.f32 v24, v17;
	v24 =	vld [tilespmem:s24+$0xFFFFFFE0];
	[tilespmem:v49+s30+$0x0] =	vst.idx.msk $0xffff, v35  }
0x95: {  	v55 =	vadd.s32 s15, v10;
	v62 =	vadd.f32 v30, v17;
	v30 =	vld [tilespmem:s24+$0xFFFFFF30];
	[tilespmem:v42+s30+$0x0] =	vst.idx.msk $0xffff, v38  }
0x96: {  	v57 =	vadd.s32 s15, v11;
	v40 =	vadd.f32 v37, v16;
	v37 =	vld [tilespmem:s24+$0xFFFFFF60];
	[tilespmem:v50+s30+$0x0] =	vst.idx.msk $0xffff, v23  }
0x97: {  	v58 =	vadd.s32 s15, v12;
	v29 =	vadd.f32 v29, v16;
	v18 =	vld [tilespmem:s24+$0xFFFFFFF0];
	[tilespmem:v51+s30+$0x0] =	vst.idx.msk $0xffff, v54  }
0x98: {  	v59 =	vadd.s32 s15, v13;
	v28 =	vadd.f32 v28, v17;
	v27 =	vld [tilespmem:s24+$0xFFFFFF80];
	[tilespmem:v52+s30+$0x0] =	vst.idx.msk $0xffff, v56  }
0x99: {  	v61 =	vadd.s32 s15, v14;
	v31 =	vadd.f32 v31, v16;
	v19 =	vld [tilespmem:s24+$0xFFFFFFD0];
	[tilespmem:v53+s30+$0x0] =	vst.idx.msk $0xffff, v29  }
0x9a: {  	s23 =	simm.s32 $0x8;
	v63 =	vadd.f32 v32, v16;
	v32 =	vadd.s32 s15, v15;
	v29 =	vld [tilespmem:s24+$0xFFFFFF20];
	[tilespmem:v55+s30+$0x0] =	vst.idx.msk $0xffff, v28  }
0x9b: {  	v34 =	vadd.s32 s23, v0;
	v26 =	vld [tilespmem:s24+$0xFFFFFFA0];
	[tilespmem:v57+s30+$0x0] =	vst.idx.msk $0xffff, v31  }
0x9c: {  	v43 =	vadd.f32 v33, v17;
	v33 =	vadd.s32 s23, v1;
	v31 =	vld [tilespmem:s24+$0xFFFFFF40];
	[tilespmem:v58+s30+$0x0] =	vst.idx.msk $0xffff, v62  }
0x9d: {  	v36 =	vadd.s32 s23, v2;
	v35 =	vld [tilespmem:s24+$0xFFFFFF50];
	[tilespmem:v59+s30+$0x0] =	vst.idx.msk $0xffff, v63  }
0x9e: {  	s19 =	simm.s32 $0x76F0;
	s15 =	simm.s32 $0x10;
	v39 =	vadd.f32 v60, v17;
	v38 =	vadd.s32 s23, v3;
	v23 =	vld [tilespmem:s24+$0x0];
	v28 =	vadd.s32 s23, v4;
	[tilespmem:v61+s30+$0x0] =	vst.idx.msk $0xffff, v43  }
.LBB2_5:
0x9f: {  	v41 =	vld [tilespmem:s19+$0xFFFFFF70];
	v42 =	vadd.s32 s15, v4;
	p1 =	sne.s32 s15, $0x78;
	v29 =	vadd.f32 v29, v16;
	[tilespmem:v32+s30+$0x0] =	vst.idx.msk $0xffff, v40;
	s21 =	smov.u32 s15;
	s15 =	sadd.s32 $0x8, s15  }
0xa0: {  	v32 =	vld [tilespmem:s19+$0xFFFFFF90];
	v30 =	vadd.f32 v30, v17;
	[tilespmem:v34+s30+$0x0] =	vst.idx.msk $0xffff, v39;
	v34 =	vadd.s32 s23, v5  }
0xa1: {  	v39 =	vld [tilespmem:s19+$0xFFFFFFB0];
	v31 =	vadd.f32 v31, v16;
	[tilespmem:v33+s30+$0x0] =	vst.idx.msk $0xffff, v29;
	v29 =	vadd.s32 s23, v6  }
0xa2: {  	v33 =	vld [tilespmem:s19+$0xFFFFFFD0];
	v35 =	vadd.f32 v35, v17;
	[tilespmem:v36+s30+$0x0] =	vst.idx.msk $0xffff, v30;
	v30 =	vadd.s32 s23, v7  }
0xa3: {  	v36 =	vld [tilespmem:s19+$0xFFFFFFF0];
	v37 =	vadd.f32 v37, v16;
	[tilespmem:v38+s30+$0x0] =	vst.idx.msk $0xffff, v31;
	v31 =	vadd.s32 s23, v8  }
0xa4: {  	v40 =	vadd.f32 v22, v17;
	v38 =	vld [tilespmem:s19+$0xFFFFFF80];
	[tilespmem:v28+s30+$0x0] =	vst.idx.msk $0xffff, v35;
	v35 =	vadd.s32 s23, v9;
	v22 =	vmovc v41;
	v28 =	vmov v42  }
0xa5: {  	v27 =	vadd.f32 v27, v16;
	v41 =	vld [tilespmem:s19+$0xFFFFFFA0];
	[tilespmem:v34+s30+$0x0] =	vst.idx.msk $0xffff, v37;
	v34 =	vadd.s32 s23, v10  }
0xa6: {  	v42 =	vadd.f32 v21, v17;
	v21 =	vmov v32;
	v37 =	vld [tilespmem:s19+$0xFFFFFFC0];
	[tilespmem:v29+s30+$0x0] =	vst.idx.msk $0xffff, v40;
	v40 =	vadd.s32 s23, v11  }
0xa7: {  	v47 =	vadd.f32 v26, v16;
	v44 =	vadd.s32 s23, v12;
	v43 =	vld [tilespmem:s19+$0xFFFFFFE0];
	[tilespmem:v30+s30+$0x0] =	vst.idx.msk $0xffff, v27  }
0xa8: {  	v30 =	vadd.f32 v20, v17;
	v20 =	vmov v39;
	v45 =	vld [tilespmem:s19+$0x0];
	[tilespmem:v31+s30+$0x0] =	vst.idx.msk $0xffff, v42;
	v42 =	vadd.s32 s23, v13  }
0xa9: {  	v46 =	vadd.s32 s23, v14;
	v31 =	vadd.f32 v25, v16;
	v39 =	vld [tilespmem:s19+$0xFFFFFF10];
	[tilespmem:v35+s30+$0x0] =	vst.idx.msk $0xffff, v47;
	v27 =	vmov v38  }
.Ltmp1:
0xaa: {  	v32 =	vadd.s32 s23, v15;
	s23 =	smov.u32 s21;
	v35 =	vadd.f32 v19, v17;
	v19 =	vmovc v33;
	v29 =	vld [tilespmem:s19+$0xFFFFFF20];
	[tilespmem:v34+s30+$0x0] =	vst.idx.msk $0xffff, v30;
	v26 =	vmov v41;
	(pc) =	sbr.rel @p1 .LBB2_5-.Ltmp1, $4  }
0xab: {  	v38 =	vadd.f32 v24, v16;
	v34 =	vadd.s32 s23, v0;
	v30 =	vld [tilespmem:s19+$0xFFFFFF30];
	[tilespmem:v40+s30+$0x0] =	vst.idx.msk $0xffff, v31;
	v25 =	vmov v37  }
0xac: {  	v33 =	vadd.s32 s23, v1;
	v41 =	vadd.f32 v18, v17;
	v18 =	vmovc v36;
	v31 =	vld [tilespmem:s19+$0xFFFFFF40];
	[tilespmem:v44+s30+$0x0] =	vst.idx.msk $0xffff, v35;
	v24 =	vmov v43  }
0xad: {  	v36 =	vadd.s32 s23, v2;
	v40 =	vadd.f32 v23, v16;
	v35 =	vld [tilespmem:s19+$0xFFFFFF50];
	[tilespmem:v42+s30+$0x0] =	vst.idx.msk $0xffff, v38;
	v23 =	vmov v45  }
0xae: {  	v38 =	vadd.s32 s23, v3;
	v39 =	vadd.f32 v39, v17;
	v37 =	vld [tilespmem:s19+$0xFFFFFF60];
	s19 =	sadd.s32 $0x100, s19;
	[tilespmem:v46+s30+$0x0] =	vst.idx.msk $0xffff, v41  }
0xaf: {  	_ =	sdelay $0x3  }
0xb0: {  	v29 =	vadd.f32 v29, v16;
	[tilespmem:v32+s30+$0x0] =	vst.idx.msk $0xffff, v40  }
0xb1: {  	v41 =	vadd.s32 s23, v5;
	v30 =	vadd.f32 v30, v17;
	[tilespmem:v34+s30+$0x0] =	vst.idx.msk $0xffff, v39  }
0xb2: {  	v31 =	vadd.f32 v31, v16;
	[tilespmem:v33+s30+$0x0] =	vst.idx.msk $0xffff, v29;
	v29 =	vadd.s32 s23, v6  }
0xb3: {  	v42 =	vadd.f32 v35, v17;
	[tilespmem:v36+s30+$0x0] =	vst.idx.msk $0xffff, v30;
	v30 =	vadd.s32 s23, v7  }
0xb4: {  	v43 =	vadd.f32 v37, v16;
	[tilespmem:v38+s30+$0x0] =	vst.idx.msk $0xffff, v31;
	v31 =	vadd.s32 s23, v8  }
0xb5: {  	v22 =	vadd.f32 v22, v17;
	[tilespmem:v28+s30+$0x0] =	vst.idx.msk $0xffff, v42;
	v28 =	vadd.s32 s23, v9  }
0xb6: {  	v27 =	vadd.f32 v27, v16;
	v44 =	vadd.s32 s23, v10;
	[tilespmem:v41+s30+$0x0] =	vst.idx.msk $0xffff, v43  }
0xb7: {  	v21 =	vadd.f32 v21, v17;
	[tilespmem:v29+s30+$0x0] =	vst.idx.msk $0xffff, v22;
	v22 =	vadd.s32 s23, v11  }
0xb8: {  	v26 =	vadd.f32 v26, v16;
	[tilespmem:v30+s30+$0x0] =	vst.idx.msk $0xffff, v27;
	v27 =	vadd.s32 s23, v12  }
0xb9: {  	v20 =	vadd.f32 v20, v17;
	[tilespmem:v31+s30+$0x0] =	vst.idx.msk $0xffff, v21;
	v21 =	vadd.s32 s23, v13  }
0xba: {  	v25 =	vadd.f32 v25, v16;
	[tilespmem:v28+s30+$0x0] =	vst.idx.msk $0xffff, v26;
	v26 =	vadd.s32 s23, v14  }
0xbb: {  	v19 =	vadd.f32 v19, v17;
	[tilespmem:v44+s30+$0x0] =	vst.idx.msk $0xffff, v20;
	v20 =	vadd.s32 s23, v15  }
0xbc: {  	v24 =	vadd.f32 v24, v16;
	[tilespmem:v22+s30+$0x0] =	vst.idx.msk $0xffff, v25  }
0xbd: {  	v17 =	vadd.f32 v18, v17;
	[tilespmem:v27+s30+$0x0] =	vst.idx.msk $0xffff, v19  }
0xbe: {  	v16 =	vadd.f32 v23, v16;
	s23 =	sor.u32 $0x2, s18;
	[tilespmem:v21+s30+$0x0] =	vst.idx.msk $0xffff, v24  }
0xbf: {  	s5 =	sshll.u32 s23, $0x5;
	[tilespmem:v26+s30+$0x0] =	vst.idx.msk $0xffff, v17  }
0xc0: {  	s5 =	sand.u32 $0x3FFFFFE0, s5;
	[tilespmem:v20+s30+$0x0] =	vst.idx.msk $0xffff, v16  }
0xc1: {  	v17 =	vld [tilespmem:s5+$0x16C00]  }
0xc2: {  	s19 =	simm.s32 $0x84F0;
	v16 =	vld [tilespmem:s5+$0x16C10]  }
0xc3: {  	v23 =	vld [tilespmem:s19+$0xFFFFFF70]  }
0xc4: {  	v24 =	vld [tilespmem:s19+$0xFFFFFF90]  }
0xc5: {  	v28 =	vld [tilespmem:s19+$0xFFFFFFB0]  }
0xc6: {  	v30 =	vld [tilespmem:s19+$0xFFFFFFD0]  }
0xc7: {  	v33 =	vld [tilespmem:s19+$0xFFFFFFF0]  }
0xc8: {  	v25 =	vld [tilespmem:s19+$0xFFFFFF80]  }
0xc9: {  	v29 =	vld [tilespmem:s19+$0xFFFFFFA0]  }
0xca: {  	v31 =	vld [tilespmem:s19+$0xFFFFFFC0]  }
0xcb: {  	v32 =	vld [tilespmem:s19+$0xFFFFFFE0]  }
0xcc: {  	v37 =	vld [tilespmem:s19+$0x0]  }
0xcd: {  	v18 =	vld [tilespmem:s19+$0xFFFFFF10]  }
0xce: {  	s15 =	simm.s32 $0x0;
	v19 =	vld [tilespmem:s19+$0xFFFFFF20]  }
0xcf: {  	v26 =	vadd.s32 s15, v0;
	v20 =	vld [tilespmem:s19+$0xFFFFFF30]  }
0xd0: {  	v45 =	vadd.s32 s15, v1;
	v27 =	vld [tilespmem:s19+$0xFFFFFF40]  }
0xd1: {  	v47 =	vadd.s32 s15, v2;
	v46 =	vld [tilespmem:s19+$0xFFFFFF50]  }
0xd2: {  	s21 =	simm.s32 $0x85F0;
	v48 =	vadd.s32 s15, v3;
	v38 =	vld [tilespmem:s19+$0xFFFFFF60];
	v18 =	vadd.f32 v18, v17  }
0xd3: {  	v49 =	vadd.s32 s15, v4;
	v22 =	vld [tilespmem:s21+$0xFFFFFF70];
	v19 =	vadd.f32 v19, v16  }
0xd4: {  	v42 =	vadd.s32 s15, v5;
	v21 =	vld [tilespmem:s21+$0xFFFFFF90];
	v41 =	vadd.f32 v20, v17;
	[tilespmem:v26+s31+$0x0] =	vst.idx.msk $0xffff, v18  }
0xd5: {  	v50 =	vadd.s32 s15, v6;
	v60 =	vld [tilespmem:s21+$0xFFFFFF10];
	v26 =	vadd.f32 v27, v16;
	[tilespmem:v45+s31+$0x0] =	vst.idx.msk $0xffff, v19  }
0xd6: {  	v51 =	vadd.s32 s15, v7;
	v20 =	vld [tilespmem:s21+$0xFFFFFFB0];
	v35 =	vadd.f32 v46, v17;
	[tilespmem:v47+s31+$0x0] =	vst.idx.msk $0xffff, v41  }
0xd7: {  	v52 =	vadd.s32 s15, v8;
	v38 =	vadd.f32 v38, v16;
	v54 =	vadd.f32 v25, v16;
	v25 =	vld [tilespmem:s21+$0xFFFFFFC0];
	[tilespmem:v48+s31+$0x0] =	vst.idx.msk $0xffff, v26  }
0xd8: {  	v53 =	vadd.s32 s15, v9;
	v23 =	vadd.f32 v23, v17;
	v56 =	vadd.f32 v24, v17;
	v24 =	vld [tilespmem:s21+$0xFFFFFFE0];
	[tilespmem:v49+s31+$0x0] =	vst.idx.msk $0xffff, v35  }
0xd9: {  	v55 =	vadd.s32 s15, v10;
	v62 =	vadd.f32 v30, v17;
	v30 =	vld [tilespmem:s21+$0xFFFFFF30];
	[tilespmem:v42+s31+$0x0] =	vst.idx.msk $0xffff, v38  }
0xda: {  	v57 =	vadd.s32 s15, v11;
	v40 =	vadd.f32 v37, v16;
	v37 =	vld [tilespmem:s21+$0xFFFFFF60];
	[tilespmem:v50+s31+$0x0] =	vst.idx.msk $0xffff, v23  }
0xdb: {  	v58 =	vadd.s32 s15, v12;
	v29 =	vadd.f32 v29, v16;
	v18 =	vld [tilespmem:s21+$0xFFFFFFF0];
	[tilespmem:v51+s31+$0x0] =	vst.idx.msk $0xffff, v54  }
0xdc: {  	v59 =	vadd.s32 s15, v13;
	v28 =	vadd.f32 v28, v17;
	v27 =	vld [tilespmem:s21+$0xFFFFFF80];
	[tilespmem:v52+s31+$0x0] =	vst.idx.msk $0xffff, v56  }
0xdd: {  	v61 =	vadd.s32 s15, v14;
	v31 =	vadd.f32 v31, v16;
	v19 =	vld [tilespmem:s21+$0xFFFFFFD0];
	[tilespmem:v53+s31+$0x0] =	vst.idx.msk $0xffff, v29  }
0xde: {  	s24 =	simm.s32 $0x8;
	v63 =	vadd.f32 v32, v16;
	v32 =	vadd.s32 s15, v15;
	v29 =	vld [tilespmem:s21+$0xFFFFFF20];
	[tilespmem:v55+s31+$0x0] =	vst.idx.msk $0xffff, v28  }
0xdf: {  	v34 =	vadd.s32 s24, v0;
	v26 =	vld [tilespmem:s21+$0xFFFFFFA0];
	[tilespmem:v57+s31+$0x0] =	vst.idx.msk $0xffff, v31  }
0xe0: {  	v43 =	vadd.f32 v33, v17;
	v33 =	vadd.s32 s24, v1;
	v31 =	vld [tilespmem:s21+$0xFFFFFF40];
	[tilespmem:v58+s31+$0x0] =	vst.idx.msk $0xffff, v62  }
0xe1: {  	v36 =	vadd.s32 s24, v2;
	v35 =	vld [tilespmem:s21+$0xFFFFFF50];
	[tilespmem:v59+s31+$0x0] =	vst.idx.msk $0xffff, v63  }
0xe2: {  	s19 =	simm.s32 $0x86F0;
	s15 =	simm.s32 $0x10;
	v39 =	vadd.f32 v60, v17;
	v38 =	vadd.s32 s24, v3;
	v23 =	vld [tilespmem:s21+$0x0];
	v28 =	vadd.s32 s24, v4;
	[tilespmem:v61+s31+$0x0] =	vst.idx.msk $0xffff, v43  }
.LBB2_7:
0xe3: {  	v41 =	vld [tilespmem:s19+$0xFFFFFF70];
	v42 =	vadd.s32 s15, v4;
	p1 =	sne.s32 s15, $0x78;
	v29 =	vadd.f32 v29, v16;
	[tilespmem:v32+s31+$0x0] =	vst.idx.msk $0xffff, v40;
	s21 =	smov.u32 s15;
	s15 =	sadd.s32 $0x8, s15  }
0xe4: {  	v32 =	vld [tilespmem:s19+$0xFFFFFF90];
	v30 =	vadd.f32 v30, v17;
	[tilespmem:v34+s31+$0x0] =	vst.idx.msk $0xffff, v39;
	v34 =	vadd.s32 s24, v5  }
0xe5: {  	v39 =	vld [tilespmem:s19+$0xFFFFFFB0];
	v31 =	vadd.f32 v31, v16;
	[tilespmem:v33+s31+$0x0] =	vst.idx.msk $0xffff, v29;
	v29 =	vadd.s32 s24, v6  }
0xe6: {  	v33 =	vld [tilespmem:s19+$0xFFFFFFD0];
	v35 =	vadd.f32 v35, v17;
	[tilespmem:v36+s31+$0x0] =	vst.idx.msk $0xffff, v30;
	v30 =	vadd.s32 s24, v7  }
0xe7: {  	v36 =	vld [tilespmem:s19+$0xFFFFFFF0];
	v37 =	vadd.f32 v37, v16;
	[tilespmem:v38+s31+$0x0] =	vst.idx.msk $0xffff, v31;
	v31 =	vadd.s32 s24, v8  }
0xe8: {  	v40 =	vadd.f32 v22, v17;
	v38 =	vld [tilespmem:s19+$0xFFFFFF80];
	[tilespmem:v28+s31+$0x0] =	vst.idx.msk $0xffff, v35;
	v35 =	vadd.s32 s24, v9;
	v22 =	vmovc v41;
	v28 =	vmov v42  }
0xe9: {  	v27 =	vadd.f32 v27, v16;
	v41 =	vld [tilespmem:s19+$0xFFFFFFA0];
	[tilespmem:v34+s31+$0x0] =	vst.idx.msk $0xffff, v37;
	v34 =	vadd.s32 s24, v10  }
0xea: {  	v42 =	vadd.f32 v21, v17;
	v21 =	vmov v32;
	v37 =	vld [tilespmem:s19+$0xFFFFFFC0];
	[tilespmem:v29+s31+$0x0] =	vst.idx.msk $0xffff, v40;
	v40 =	vadd.s32 s24, v11  }
0xeb: {  	v47 =	vadd.f32 v26, v16;
	v44 =	vadd.s32 s24, v12;
	v43 =	vld [tilespmem:s19+$0xFFFFFFE0];
	[tilespmem:v30+s31+$0x0] =	vst.idx.msk $0xffff, v27  }
0xec: {  	v30 =	vadd.f32 v20, v17;
	v20 =	vmov v39;
	v45 =	vld [tilespmem:s19+$0x0];
	[tilespmem:v31+s31+$0x0] =	vst.idx.msk $0xffff, v42;
	v42 =	vadd.s32 s24, v13  }
0xed: {  	v46 =	vadd.s32 s24, v14;
	v31 =	vadd.f32 v25, v16;
	v39 =	vld [tilespmem:s19+$0xFFFFFF10];
	[tilespmem:v35+s31+$0x0] =	vst.idx.msk $0xffff, v47;
	v27 =	vmov v38  }
.Ltmp2:
0xee: {  	v32 =	vadd.s32 s24, v15;
	s24 =	smov.u32 s21;
	v35 =	vadd.f32 v19, v17;
	v19 =	vmovc v33;
	v29 =	vld [tilespmem:s19+$0xFFFFFF20];
	[tilespmem:v34+s31+$0x0] =	vst.idx.msk $0xffff, v30;
	v26 =	vmov v41;
	(pc) =	sbr.rel @p1 .LBB2_7-.Ltmp2, $4  }
0xef: {  	v38 =	vadd.f32 v24, v16;
	v34 =	vadd.s32 s24, v0;
	v30 =	vld [tilespmem:s19+$0xFFFFFF30];
	[tilespmem:v40+s31+$0x0] =	vst.idx.msk $0xffff, v31;
	v25 =	vmov v37  }
0xf0: {  	v33 =	vadd.s32 s24, v1;
	v41 =	vadd.f32 v18, v17;
	v18 =	vmovc v36;
	v31 =	vld [tilespmem:s19+$0xFFFFFF40];
	[tilespmem:v44+s31+$0x0] =	vst.idx.msk $0xffff, v35;
	v24 =	vmov v43  }
0xf1: {  	v36 =	vadd.s32 s24, v2;
	v40 =	vadd.f32 v23, v16;
	v35 =	vld [tilespmem:s19+$0xFFFFFF50];
	[tilespmem:v42+s31+$0x0] =	vst.idx.msk $0xffff, v38;
	v23 =	vmov v45  }
0xf2: {  	v38 =	vadd.s32 s24, v3;
	v39 =	vadd.f32 v39, v17;
	v37 =	vld [tilespmem:s19+$0xFFFFFF60];
	s19 =	sadd.s32 $0x100, s19;
	[tilespmem:v46+s31+$0x0] =	vst.idx.msk $0xffff, v41  }
0xf3: {  	_ =	sdelay $0x3  }
0xf4: {  	v29 =	vadd.f32 v29, v16;
	[tilespmem:v32+s31+$0x0] =	vst.idx.msk $0xffff, v40  }
0xf5: {  	v41 =	vadd.s32 s24, v5;
	v30 =	vadd.f32 v30, v17;
	[tilespmem:v34+s31+$0x0] =	vst.idx.msk $0xffff, v39  }
0xf6: {  	v31 =	vadd.f32 v31, v16;
	[tilespmem:v33+s31+$0x0] =	vst.idx.msk $0xffff, v29;
	v29 =	vadd.s32 s24, v6  }
0xf7: {  	v42 =	vadd.f32 v35, v17;
	[tilespmem:v36+s31+$0x0] =	vst.idx.msk $0xffff, v30;
	v30 =	vadd.s32 s24, v7  }
0xf8: {  	v43 =	vadd.f32 v37, v16;
	[tilespmem:v38+s31+$0x0] =	vst.idx.msk $0xffff, v31;
	v31 =	vadd.s32 s24, v8  }
0xf9: {  	v22 =	vadd.f32 v22, v17;
	[tilespmem:v28+s31+$0x0] =	vst.idx.msk $0xffff, v42;
	v28 =	vadd.s32 s24, v9  }
0xfa: {  	v27 =	vadd.f32 v27, v16;
	v44 =	vadd.s32 s24, v10;
	[tilespmem:v41+s31+$0x0] =	vst.idx.msk $0xffff, v43  }
0xfb: {  	v21 =	vadd.f32 v21, v17;
	[tilespmem:v29+s31+$0x0] =	vst.idx.msk $0xffff, v22;
	v22 =	vadd.s32 s24, v11  }
0xfc: {  	v26 =	vadd.f32 v26, v16;
	[tilespmem:v30+s31+$0x0] =	vst.idx.msk $0xffff, v27;
	v27 =	vadd.s32 s24, v12  }
0xfd: {  	v20 =	vadd.f32 v20, v17;
	[tilespmem:v31+s31+$0x0] =	vst.idx.msk $0xffff, v21;
	v21 =	vadd.s32 s24, v13  }
0xfe: {  	v25 =	vadd.f32 v25, v16;
	[tilespmem:v28+s31+$0x0] =	vst.idx.msk $0xffff, v26;
	v26 =	vadd.s32 s24, v14  }
0xff: {  	v19 =	vadd.f32 v19, v17;
	[tilespmem:v44+s31+$0x0] =	vst.idx.msk $0xffff, v20;
	v20 =	vadd.s32 s24, v15  }
0x100: {  	v24 =	vadd.f32 v24, v16;
	[tilespmem:v22+s31+$0x0] =	vst.idx.msk $0xffff, v25  }
0x101: {  	v17 =	vadd.f32 v18, v17;
	[tilespmem:v27+s31+$0x0] =	vst.idx.msk $0xffff, v19  }
0x102: {  	v16 =	vadd.f32 v23, v16;
	s24 =	sor.u32 $0x3, s18;
	[tilespmem:v21+s31+$0x0] =	vst.idx.msk $0xffff, v24  }
0x103: {  	s5 =	sshll.u32 s24, $0x5;
	[tilespmem:v26+s31+$0x0] =	vst.idx.msk $0xffff, v17  }
0x104: {  	s5 =	sand.u32 $0x3FFFFFE0, s5;
	[tilespmem:v20+s31+$0x0] =	vst.idx.msk $0xffff, v16  }
0x105: {  	v17 =	vld [tilespmem:s5+$0x16C00]  }
0x106: {  	s15 =	simm.s32 $0x94F0;
	v16 =	vld [tilespmem:s5+$0x16C10]  }
0x107: {  	v23 =	vld [tilespmem:s15+$0xFFFFFF70]  }
0x108: {  	v24 =	vld [tilespmem:s15+$0xFFFFFF90]  }
0x109: {  	v28 =	vld [tilespmem:s15+$0xFFFFFFB0]  }
0x10a: {  	v30 =	vld [tilespmem:s15+$0xFFFFFFD0]  }
0x10b: {  	v33 =	vld [tilespmem:s15+$0xFFFFFFF0]  }
0x10c: {  	v25 =	vld [tilespmem:s15+$0xFFFFFF80]  }
0x10d: {  	v29 =	vld [tilespmem:s15+$0xFFFFFFA0]  }
0x10e: {  	v31 =	vld [tilespmem:s15+$0xFFFFFFC0]  }
0x10f: {  	v32 =	vld [tilespmem:s15+$0xFFFFFFE0]  }
0x110: {  	v37 =	vld [tilespmem:s15+$0x0]  }
0x111: {  	v18 =	vld [tilespmem:s15+$0xFFFFFF10]  }
0x112: {  	s19 =	simm.s32 $0x0;
	v19 =	vld [tilespmem:s15+$0xFFFFFF20]  }
0x113: {  	v26 =	vadd.s32 s19, v0;
	v20 =	vld [tilespmem:s15+$0xFFFFFF30]  }
0x114: {  	v45 =	vadd.s32 s19, v1;
	v27 =	vld [tilespmem:s15+$0xFFFFFF40]  }
0x115: {  	v47 =	vadd.s32 s19, v2;
	v46 =	vld [tilespmem:s15+$0xFFFFFF50]  }
0x116: {  	s21 =	simm.s32 $0x95F0;
	v48 =	vadd.s32 s19, v3;
	v38 =	vld [tilespmem:s15+$0xFFFFFF60];
	v18 =	vadd.f32 v18, v17  }
0x117: {  	v49 =	vadd.s32 s19, v4;
	v22 =	vld [tilespmem:s21+$0xFFFFFF70];
	v19 =	vadd.f32 v19, v16  }
0x118: {  	v42 =	vadd.s32 s19, v5;
	v21 =	vld [tilespmem:s21+$0xFFFFFF90];
	v41 =	vadd.f32 v20, v17;
	[tilespmem:v26+s0+$0x0] =	vst.idx.msk $0xffff, v18  }
0x119: {  	v50 =	vadd.s32 s19, v6;
	v60 =	vld [tilespmem:s21+$0xFFFFFF10];
	v26 =	vadd.f32 v27, v16;
	[tilespmem:v45+s0+$0x0] =	vst.idx.msk $0xffff, v19  }
0x11a: {  	v51 =	vadd.s32 s19, v7;
	v20 =	vld [tilespmem:s21+$0xFFFFFFB0];
	v35 =	vadd.f32 v46, v17;
	[tilespmem:v47+s0+$0x0] =	vst.idx.msk $0xffff, v41  }
0x11b: {  	v52 =	vadd.s32 s19, v8;
	v38 =	vadd.f32 v38, v16;
	v54 =	vadd.f32 v25, v16;
	v25 =	vld [tilespmem:s21+$0xFFFFFFC0];
	[tilespmem:v48+s0+$0x0] =	vst.idx.msk $0xffff, v26  }
0x11c: {  	v53 =	vadd.s32 s19, v9;
	v23 =	vadd.f32 v23, v17;
	v56 =	vadd.f32 v24, v17;
	v24 =	vld [tilespmem:s21+$0xFFFFFFE0];
	[tilespmem:v49+s0+$0x0] =	vst.idx.msk $0xffff, v35  }
0x11d: {  	v55 =	vadd.s32 s19, v10;
	v62 =	vadd.f32 v30, v17;
	v30 =	vld [tilespmem:s21+$0xFFFFFF30];
	[tilespmem:v42+s0+$0x0] =	vst.idx.msk $0xffff, v38  }
0x11e: {  	v57 =	vadd.s32 s19, v11;
	v40 =	vadd.f32 v37, v16;
	v37 =	vld [tilespmem:s21+$0xFFFFFF60];
	[tilespmem:v50+s0+$0x0] =	vst.idx.msk $0xffff, v23  }
0x11f: {  	v58 =	vadd.s32 s19, v12;
	v29 =	vadd.f32 v29, v16;
	v18 =	vld [tilespmem:s21+$0xFFFFFFF0];
	[tilespmem:v51+s0+$0x0] =	vst.idx.msk $0xffff, v54  }
0x120: {  	v59 =	vadd.s32 s19, v13;
	v28 =	vadd.f32 v28, v17;
	v27 =	vld [tilespmem:s21+$0xFFFFFF80];
	[tilespmem:v52+s0+$0x0] =	vst.idx.msk $0xffff, v56  }
0x121: {  	v61 =	vadd.s32 s19, v14;
	v31 =	vadd.f32 v31, v16;
	v19 =	vld [tilespmem:s21+$0xFFFFFFD0];
	[tilespmem:v53+s0+$0x0] =	vst.idx.msk $0xffff, v29  }
0x122: {  	s15 =	simm.s32 $0x8;
	v63 =	vadd.f32 v32, v16;
	v32 =	vadd.s32 s19, v15;
	v29 =	vld [tilespmem:s21+$0xFFFFFF20];
	[tilespmem:v55+s0+$0x0] =	vst.idx.msk $0xffff, v28  }
0x123: {  	v34 =	vadd.s32 s15, v0;
	v26 =	vld [tilespmem:s21+$0xFFFFFFA0];
	[tilespmem:v57+s0+$0x0] =	vst.idx.msk $0xffff, v31  }
0x124: {  	v43 =	vadd.f32 v33, v17;
	v33 =	vadd.s32 s15, v1;
	v31 =	vld [tilespmem:s21+$0xFFFFFF40];
	[tilespmem:v58+s0+$0x0] =	vst.idx.msk $0xffff, v62  }
0x125: {  	v36 =	vadd.s32 s15, v2;
	v35 =	vld [tilespmem:s21+$0xFFFFFF50];
	[tilespmem:v59+s0+$0x0] =	vst.idx.msk $0xffff, v63  }
0x126: {  	s19 =	simm.s32 $0x10;
	v39 =	vadd.f32 v60, v17;
	v38 =	vadd.s32 s15, v3;
	v23 =	vld [tilespmem:s21+$0x0];
	v28 =	vadd.s32 s15, v4;
	s21 =	simm.s32 $0x96F0;
	[tilespmem:v61+s0+$0x0] =	vst.idx.msk $0xffff, v43  }
.LBB2_9:
0x127: {  	v41 =	vld [tilespmem:s21+$0xFFFFFF70];
	v42 =	vadd.s32 s19, v4;
	p1 =	sne.s32 s19, $0x78;
	v29 =	vadd.f32 v29, v16;
	[tilespmem:v32+s0+$0x0] =	vst.idx.msk $0xffff, v40;
	s5 =	smov.u32 s19;
	s19 =	sadd.s32 $0x8, s19  }
0x128: {  	v32 =	vld [tilespmem:s21+$0xFFFFFF90];
	v30 =	vadd.f32 v30, v17;
	[tilespmem:v34+s0+$0x0] =	vst.idx.msk $0xffff, v39;
	v34 =	vadd.s32 s15, v5  }
0x129: {  	v39 =	vld [tilespmem:s21+$0xFFFFFFB0];
	v31 =	vadd.f32 v31, v16;
	[tilespmem:v33+s0+$0x0] =	vst.idx.msk $0xffff, v29;
	v29 =	vadd.s32 s15, v6  }
0x12a: {  	v33 =	vld [tilespmem:s21+$0xFFFFFFD0];
	v35 =	vadd.f32 v35, v17;
	[tilespmem:v36+s0+$0x0] =	vst.idx.msk $0xffff, v30;
	v30 =	vadd.s32 s15, v7  }
0x12b: {  	v36 =	vld [tilespmem:s21+$0xFFFFFFF0];
	v37 =	vadd.f32 v37, v16;
	[tilespmem:v38+s0+$0x0] =	vst.idx.msk $0xffff, v31;
	v31 =	vadd.s32 s15, v8  }
0x12c: {  	v40 =	vadd.f32 v22, v17;
	v38 =	vld [tilespmem:s21+$0xFFFFFF80];
	[tilespmem:v28+s0+$0x0] =	vst.idx.msk $0xffff, v35;
	v35 =	vadd.s32 s15, v9;
	v22 =	vmovc v41;
	v28 =	vmov v42  }
0x12d: {  	v27 =	vadd.f32 v27, v16;
	v41 =	vld [tilespmem:s21+$0xFFFFFFA0];
	[tilespmem:v34+s0+$0x0] =	vst.idx.msk $0xffff, v37;
	v34 =	vadd.s32 s15, v10  }
0x12e: {  	v42 =	vadd.f32 v21, v17;
	v21 =	vmov v32;
	v37 =	vld [tilespmem:s21+$0xFFFFFFC0];
	[tilespmem:v29+s0+$0x0] =	vst.idx.msk $0xffff, v40;
	v40 =	vadd.s32 s15, v11  }
0x12f: {  	v47 =	vadd.f32 v26, v16;
	v44 =	vadd.s32 s15, v12;
	v43 =	vld [tilespmem:s21+$0xFFFFFFE0];
	[tilespmem:v30+s0+$0x0] =	vst.idx.msk $0xffff, v27  }
0x130: {  	v30 =	vadd.f32 v20, v17;
	v20 =	vmov v39;
	v45 =	vld [tilespmem:s21+$0x0];
	[tilespmem:v31+s0+$0x0] =	vst.idx.msk $0xffff, v42;
	v42 =	vadd.s32 s15, v13  }
0x131: {  	v46 =	vadd.s32 s15, v14;
	v31 =	vadd.f32 v25, v16;
	v39 =	vld [tilespmem:s21+$0xFFFFFF10];
	[tilespmem:v35+s0+$0x0] =	vst.idx.msk $0xffff, v47;
	v27 =	vmov v38  }
.Ltmp3:
0x132: {  	v32 =	vadd.s32 s15, v15;
	s15 =	smov.u32 s5;
	v35 =	vadd.f32 v19, v17;
	v19 =	vmovc v33;
	v29 =	vld [tilespmem:s21+$0xFFFFFF20];
	[tilespmem:v34+s0+$0x0] =	vst.idx.msk $0xffff, v30;
	v26 =	vmov v41;
	(pc) =	sbr.rel @p1 .LBB2_9-.Ltmp3, $4  }
0x133: {  	v38 =	vadd.f32 v24, v16;
	v34 =	vadd.s32 s15, v0;
	v30 =	vld [tilespmem:s21+$0xFFFFFF30];
	[tilespmem:v40+s0+$0x0] =	vst.idx.msk $0xffff, v31;
	v25 =	vmov v37  }
0x134: {  	v33 =	vadd.s32 s15, v1;
	v41 =	vadd.f32 v18, v17;
	v18 =	vmovc v36;
	v31 =	vld [tilespmem:s21+$0xFFFFFF40];
	[tilespmem:v44+s0+$0x0] =	vst.idx.msk $0xffff, v35;
	v24 =	vmov v43  }
0x135: {  	v36 =	vadd.s32 s15, v2;
	v40 =	vadd.f32 v23, v16;
	v35 =	vld [tilespmem:s21+$0xFFFFFF50];
	[tilespmem:v42+s0+$0x0] =	vst.idx.msk $0xffff, v38;
	v23 =	vmov v45  }
0x136: {  	v38 =	vadd.s32 s15, v3;
	v39 =	vadd.f32 v39, v17;
	v37 =	vld [tilespmem:s21+$0xFFFFFF60];
	s21 =	sadd.s32 $0x100, s21;
	[tilespmem:v46+s0+$0x0] =	vst.idx.msk $0xffff, v41  }
0x137: {  	_ =	sdelay $0x3  }
0x138: {  	v29 =	vadd.f32 v29, v16;
	[tilespmem:v32+s0+$0x0] =	vst.idx.msk $0xffff, v40  }
0x139: {  	v59 =	vadd.s32 s15, v5;
	v30 =	vadd.f32 v30, v17;
	[tilespmem:v34+s0+$0x0] =	vst.idx.msk $0xffff, v39  }
0x13a: {  	v31 =	vadd.f32 v31, v16;
	[tilespmem:v33+s0+$0x0] =	vst.idx.msk $0xffff, v29;
	v29 =	vadd.s32 s15, v6  }
0x13b: {  	v60 =	vadd.f32 v35, v17;
	[tilespmem:v36+s0+$0x0] =	vst.idx.msk $0xffff, v30;
	v30 =	vadd.s32 s15, v7  }
0x13c: {  	v61 =	vadd.f32 v37, v16;
	[tilespmem:v38+s0+$0x0] =	vst.idx.msk $0xffff, v31;
	v31 =	vadd.s32 s15, v8  }
0x13d: {  	v22 =	vadd.f32 v22, v17;
	[tilespmem:v28+s0+$0x0] =	vst.idx.msk $0xffff, v60;
	v28 =	vadd.s32 s15, v9  }
0x13e: {  	v27 =	vadd.f32 v27, v16;
	v62 =	vadd.s32 s15, v10;
	[tilespmem:v59+s0+$0x0] =	vst.idx.msk $0xffff, v61  }
0x13f: {  	v21 =	vadd.f32 v21, v17;
	[tilespmem:v29+s0+$0x0] =	vst.idx.msk $0xffff, v22;
	v22 =	vadd.s32 s15, v11  }
0x140: {  	v26 =	vadd.f32 v26, v16;
	[tilespmem:v30+s0+$0x0] =	vst.idx.msk $0xffff, v27;
	v27 =	vadd.s32 s15, v12  }
0x141: {  	v20 =	vadd.f32 v20, v17;
	[tilespmem:v31+s0+$0x0] =	vst.idx.msk $0xffff, v21;
	v21 =	vadd.s32 s15, v13  }
0x142: {  	v25 =	vadd.f32 v25, v16;
	[tilespmem:v28+s0+$0x0] =	vst.idx.msk $0xffff, v26;
	v26 =	vadd.s32 s15, v14  }
0x143: {  	v19 =	vadd.f32 v19, v17;
	[tilespmem:v62+s0+$0x0] =	vst.idx.msk $0xffff, v20;
	v20 =	vadd.s32 s15, v15  }
0x144: {  	v24 =	vadd.f32 v24, v16;
	[tilespmem:v22+s0+$0x0] =	vst.idx.msk $0xffff, v25  }
0x145: {  	v17 =	vadd.f32 v18, v17;
	[tilespmem:v27+s0+$0x0] =	vst.idx.msk $0xffff, v19  }
0x146: {  	s5 =	sshll.u32 s17, $0x11;
	v16 =	vadd.f32 v23, v16;
	[tilespmem:v21+s0+$0x0] =	vst.idx.msk $0xffff, v24  }
0x147: {  	s5 =	sor.u32 s6, s5;
	[tilespmem:v26+s0+$0x0] =	vst.idx.msk $0xffff, v17  }
0x148: {  	s15 =	sadd.s32 s1, s5;
	[tilespmem:v20+s0+$0x0] =	vst.idx.msk $0xffff, v16  }
0x149: {  	[hbm4b:s15+s2] =	stream.linear.scatter [tilespmem:s29], [sflag:$0x3], $0x80, $0x38;
	[tilespmem:$0x18500] =	vst v63  }
0x14a: {  	s21 =	simm.s32 $0xE488;
	s19 =	sadd.s32 $0x10, s15  }
0x14b: {  	[hbm4b:s19+s2] =	stream.linear.scatter [tilespmem:s21], [sflag:$0x3], $0x80, $0x38;
	[tilespmem:$0x18500] =	vst v63  }
0x14c: {  	s19 =	sadd.s32 $0x20, s15;
	s21 =	simm.s32 $0xE510  }
0x14d: {  	[hbm4b:s19+s2] =	stream.linear.scatter [tilespmem:s21], [sflag:$0x3], $0x80, $0x38;
	[tilespmem:$0x18500] =	vst v63  }
0x14e: {  	s19 =	sadd.s32 $0x30, s15;
	s21 =	simm.s32 $0xE598  }
0x14f: {  	[hbm4b:s19+s2] =	stream.linear.scatter [tilespmem:s21], [sflag:$0x3], $0x80, $0x38;
	[tilespmem:$0x18500] =	vst v63  }
0x150: {  	s19 =	sadd.s32 $0x40, s15;
	s21 =	simm.s32 $0xE620  }
0x151: {  	[hbm4b:s19+s2] =	stream.linear.scatter [tilespmem:s21], [sflag:$0x3], $0x80, $0x38;
	[tilespmem:$0x18500] =	vst v63  }
0x152: {  	s19 =	sadd.s32 $0x50, s15;
	s21 =	simm.s32 $0xE6A8  }
0x153: {  	[hbm4b:s19+s2] =	stream.linear.scatter [tilespmem:s21], [sflag:$0x3], $0x80, $0x38;
	[tilespmem:$0x18500] =	vst v63  }
0x154: {  	s19 =	sadd.s32 $0x60, s15;
	s21 =	simm.s32 $0xE730  }
0x155: {  	[hbm4b:s19+s2] =	stream.linear.scatter [tilespmem:s21], [sflag:$0x3], $0x80, $0x38;
	[tilespmem:$0x18500] =	vst v63  }
0x156: {  	s15 =	sadd.s32 $0x70, s15;
	s21 =	simm.s32 $0xE7B8  }
0x157: {  	[hbm4b:s15+s2] =	stream.linear.scatter [tilespmem:s21], [sflag:$0x3], $0x80, $0x38;
	[tilespmem:$0x18500] =	vst v63  }
0x158: {  	s15 =	sadd.s32 s5, s8;
	s21 =	simm.s32 $0xE840  }
0x159: {  	[hbm4b:s15+s2] =	stream.linear.scatter [tilespmem:s21], [sflag:$0x3], $0x80, $0x38;
	[tilespmem:$0x18500] =	vst v63  }
0x15a: {  	s19 =	sadd.s32 $0x10, s15;
	s21 =	simm.s32 $0xE8C8  }
0x15b: {  	[hbm4b:s19+s2] =	stream.linear.scatter [tilespmem:s21], [sflag:$0x3], $0x80, $0x38;
	[tilespmem:$0x18500] =	vst v63  }
0x15c: {  	s19 =	sadd.s32 $0x20, s15;
	s21 =	simm.s32 $0xE950  }
0x15d: {  	[hbm4b:s19+s2] =	stream.linear.scatter [tilespmem:s21], [sflag:$0x3], $0x80, $0x38;
	[tilespmem:$0x18500] =	vst v63  }
0x15e: {  	s19 =	sadd.s32 $0x30, s15;
	s21 =	simm.s32 $0xE9D8  }
0x15f: {  	[hbm4b:s19+s2] =	stream.linear.scatter [tilespmem:s21], [sflag:$0x3], $0x80, $0x38;
	[tilespmem:$0x18500] =	vst v63  }
0x160: {  	s19 =	sadd.s32 $0x40, s15;
	s21 =	simm.s32 $0xEA60  }
0x161: {  	[hbm4b:s19+s2] =	stream.linear.scatter [tilespmem:s21], [sflag:$0x3], $0x80, $0x38;
	[tilespmem:$0x18500] =	vst v63  }
0x162: {  	s19 =	sadd.s32 $0x50, s15;
	s21 =	simm.s32 $0xEAE8  }
0x163: {  	[hbm4b:s19+s2] =	stream.linear.scatter [tilespmem:s21], [sflag:$0x3], $0x80, $0x38;
	[tilespmem:$0x18500] =	vst v63  }
0x164: {  	s19 =	sadd.s32 $0x60, s15;
	s21 =	simm.s32 $0xEB70  }
0x165: {  	[hbm4b:s19+s2] =	stream.linear.scatter [tilespmem:s21], [sflag:$0x3], $0x80, $0x38;
	[tilespmem:$0x18500] =	vst v63  }
0x166: {  	s15 =	sadd.s32 $0x70, s15;
	s21 =	simm.s32 $0xEBF8  }
0x167: {  	[hbm4b:s15+s2] =	stream.linear.scatter [tilespmem:s21], [sflag:$0x3], $0x80, $0x38;
	[tilespmem:$0x18500] =	vst v63  }
0x168: {  	s15 =	sadd.s32 s5, s9;
	s21 =	simm.s32 $0xEC80  }
0x169: {  	[hbm4b:s15+s2] =	stream.linear.scatter [tilespmem:s21], [sflag:$0x3], $0x80, $0x38;
	[tilespmem:$0x18500] =	vst v63  }
0x16a: {  	s19 =	sadd.s32 $0x10, s15;
	s21 =	simm.s32 $0xED08  }
0x16b: {  	[hbm4b:s19+s2] =	stream.linear.scatter [tilespmem:s21], [sflag:$0x3], $0x80, $0x38;
	[tilespmem:$0x18500] =	vst v63  }
0x16c: {  	s19 =	sadd.s32 $0x20, s15;
	s21 =	simm.s32 $0xED90  }
0x16d: {  	[hbm4b:s19+s2] =	stream.linear.scatter [tilespmem:s21], [sflag:$0x3], $0x80, $0x38;
	[tilespmem:$0x18500] =	vst v63  }
0x16e: {  	s19 =	sadd.s32 $0x30, s15;
	s21 =	simm.s32 $0xEE18  }
0x16f: {  	[hbm4b:s19+s2] =	stream.linear.scatter [tilespmem:s21], [sflag:$0x3], $0x80, $0x38;
	[tilespmem:$0x18500] =	vst v63  }
0x170: {  	s19 =	sadd.s32 $0x40, s15;
	s21 =	simm.s32 $0xEEA0  }
0x171: {  	[hbm4b:s19+s2] =	stream.linear.scatter [tilespmem:s21], [sflag:$0x3], $0x80, $0x38;
	[tilespmem:$0x18500] =	vst v63  }
0x172: {  	s19 =	sadd.s32 $0x50, s15;
	s21 =	simm.s32 $0xEF28  }
0x173: {  	[hbm4b:s19+s2] =	stream.linear.scatter [tilespmem:s21], [sflag:$0x3], $0x80, $0x38;
	[tilespmem:$0x18500] =	vst v63  }
0x174: {  	s19 =	sadd.s32 $0x60, s15;
	s21 =	simm.s32 $0xEFB0  }
0x175: {  	[hbm4b:s19+s2] =	stream.linear.scatter [tilespmem:s21], [sflag:$0x3], $0x80, $0x38;
	[tilespmem:$0x18500] =	vst v63  }
0x176: {  	s15 =	sadd.s32 $0x70, s15;
	s21 =	simm.s32 $0xF038  }
0x177: {  	[hbm4b:s15+s2] =	stream.linear.scatter [tilespmem:s21], [sflag:$0x3], $0x80, $0x38;
	[tilespmem:$0x18500] =	vst v63  }
0x178: {  	s5 =	sadd.s32 s5, s10;
	s21 =	simm.s32 $0xF0C0  }
0x179: {  	[hbm4b:s5+s2] =	stream.linear.scatter [tilespmem:s21], [sflag:$0x3], $0x80, $0x38;
	[tilespmem:$0x18500] =	vst v63  }
0x17a: {  	s19 =	sadd.s32 $0x10, s5;
	s21 =	simm.s32 $0xF148  }
0x17b: {  	[hbm4b:s19+s2] =	stream.linear.scatter [tilespmem:s21], [sflag:$0x3], $0x80, $0x38;
	[tilespmem:$0x18500] =	vst v63  }
0x17c: {  	s19 =	sadd.s32 $0x20, s5;
	s21 =	simm.s32 $0xF1D0  }
0x17d: {  	[hbm4b:s19+s2] =	stream.linear.scatter [tilespmem:s21], [sflag:$0x3], $0x80, $0x38;
	[tilespmem:$0x18500] =	vst v63  }
0x17e: {  	s19 =	sadd.s32 $0x30, s5;
	s21 =	simm.s32 $0xF258  }
0x17f: {  	[hbm4b:s19+s2] =	stream.linear.scatter [tilespmem:s21], [sflag:$0x3], $0x80, $0x38;
	[tilespmem:$0x18500] =	vst v63  }
0x180: {  	s19 =	sadd.s32 $0x40, s5;
	s21 =	simm.s32 $0xF2E0  }
0x181: {  	[hbm4b:s19+s2] =	stream.linear.scatter [tilespmem:s21], [sflag:$0x3], $0x80, $0x38;
	[tilespmem:$0x18500] =	vst v63  }
0x182: {  	s19 =	sadd.s32 $0x50, s5;
	s21 =	simm.s32 $0xF368  }
0x183: {  	[hbm4b:s19+s2] =	stream.linear.scatter [tilespmem:s21], [sflag:$0x3], $0x80, $0x38;
	[tilespmem:$0x18500] =	vst v63  }
0x184: {  	s19 =	sadd.s32 $0x60, s5;
	s21 =	simm.s32 $0xF3F0  }
0x185: {  	[hbm4b:s19+s2] =	stream.linear.scatter [tilespmem:s21], [sflag:$0x3], $0x80, $0x38;
	[tilespmem:$0x18500] =	vst v63  }
0x186: {  	s5 =	sadd.s32 $0x70, s5;
	s21 =	simm.s32 $0xF478;
	s19 =	sshll.u32 s22, $0xE  }
0x187: {  	[hbm4b:s5+s2] =	stream.linear.scatter [tilespmem:s21], [sflag:$0x3], $0x80, $0x38;
	[tilespmem:$0x18500] =	vst v63  }
0x188: {  	s5 =	sor.u32 s6, s19  }
0x189: {  	s15 =	sadd.s32 s1, s5  }
0x18a: {  	[hbm4b:s15+s2] =	stream.linear.scatter [tilespmem:s30], [sflag:$0x3], $0x80, $0x38;
	[tilespmem:$0x18500] =	vst v63  }
0x18b: {  	s22 =	simm.s32 $0xF588;
	s21 =	sadd.s32 $0x10, s15  }
0x18c: {  	[hbm4b:s21+s2] =	stream.linear.scatter [tilespmem:s22], [sflag:$0x3], $0x80, $0x38;
	[tilespmem:$0x18500] =	vst v63  }
0x18d: {  	s21 =	sadd.s32 $0x20, s15;
	s22 =	simm.s32 $0xF610  }
0x18e: {  	[hbm4b:s21+s2] =	stream.linear.scatter [tilespmem:s22], [sflag:$0x3], $0x80, $0x38;
	[tilespmem:$0x18500] =	vst v63  }
0x18f: {  	s21 =	sadd.s32 $0x30, s15;
	s22 =	simm.s32 $0xF698  }
0x190: {  	[hbm4b:s21+s2] =	stream.linear.scatter [tilespmem:s22], [sflag:$0x3], $0x80, $0x38;
	[tilespmem:$0x18500] =	vst v63  }
0x191: {  	s21 =	sadd.s32 $0x40, s15;
	s22 =	simm.s32 $0xF720  }
0x192: {  	[hbm4b:s21+s2] =	stream.linear.scatter [tilespmem:s22], [sflag:$0x3], $0x80, $0x38;
	[tilespmem:$0x18500] =	vst v63  }
0x193: {  	s21 =	sadd.s32 $0x50, s15;
	s22 =	simm.s32 $0xF7A8  }
0x194: {  	[hbm4b:s21+s2] =	stream.linear.scatter [tilespmem:s22], [sflag:$0x3], $0x80, $0x38;
	[tilespmem:$0x18500] =	vst v63  }
0x195: {  	s21 =	sadd.s32 $0x60, s15;
	s22 =	simm.s32 $0xF830  }
0x196: {  	[hbm4b:s21+s2] =	stream.linear.scatter [tilespmem:s22], [sflag:$0x3], $0x80, $0x38;
	[tilespmem:$0x18500] =	vst v63  }
0x197: {  	s15 =	sadd.s32 $0x70, s15;
	s21 =	simm.s32 $0xF8B8  }
0x198: {  	[hbm4b:s15+s2] =	stream.linear.scatter [tilespmem:s21], [sflag:$0x3], $0x80, $0x38;
	[tilespmem:$0x18500] =	vst v63  }
0x199: {  	s22 =	simm.s32 $0xF940;
	s15 =	sadd.s32 s5, s8  }
0x19a: {  	[hbm4b:s15+s2] =	stream.linear.scatter [tilespmem:s22], [sflag:$0x3], $0x80, $0x38;
	[tilespmem:$0x18500] =	vst v63  }
0x19b: {  	s21 =	sadd.s32 $0x10, s15;
	s22 =	simm.s32 $0xF9C8  }
0x19c: {  	[hbm4b:s21+s2] =	stream.linear.scatter [tilespmem:s22], [sflag:$0x3], $0x80, $0x38;
	[tilespmem:$0x18500] =	vst v63  }
0x19d: {  	s21 =	sadd.s32 $0x20, s15;
	s22 =	simm.s32 $0xFA50  }
0x19e: {  	[hbm4b:s21+s2] =	stream.linear.scatter [tilespmem:s22], [sflag:$0x3], $0x80, $0x38;
	[tilespmem:$0x18500] =	vst v63  }
0x19f: {  	s21 =	sadd.s32 $0x30, s15;
	s22 =	simm.s32 $0xFAD8  }
0x1a0: {  	[hbm4b:s21+s2] =	stream.linear.scatter [tilespmem:s22], [sflag:$0x3], $0x80, $0x38;
	[tilespmem:$0x18500] =	vst v63  }
0x1a1: {  	s21 =	sadd.s32 $0x40, s15;
	s22 =	simm.s32 $0xFB60  }
0x1a2: {  	[hbm4b:s21+s2] =	stream.linear.scatter [tilespmem:s22], [sflag:$0x3], $0x80, $0x38;
	[tilespmem:$0x18500] =	vst v63  }
0x1a3: {  	s21 =	sadd.s32 $0x50, s15;
	s22 =	simm.s32 $0xFBE8  }
0x1a4: {  	[hbm4b:s21+s2] =	stream.linear.scatter [tilespmem:s22], [sflag:$0x3], $0x80, $0x38;
	[tilespmem:$0x18500] =	vst v63  }
0x1a5: {  	s21 =	sadd.s32 $0x60, s15;
	s22 =	simm.s32 $0xFC70  }
0x1a6: {  	[hbm4b:s21+s2] =	stream.linear.scatter [tilespmem:s22], [sflag:$0x3], $0x80, $0x38;
	[tilespmem:$0x18500] =	vst v63  }
0x1a7: {  	s15 =	sadd.s32 $0x70, s15;
	s21 =	simm.s32 $0xFCF8  }
0x1a8: {  	[hbm4b:s15+s2] =	stream.linear.scatter [tilespmem:s21], [sflag:$0x3], $0x80, $0x38;
	[tilespmem:$0x18500] =	vst v63  }
0x1a9: {  	s22 =	simm.s32 $0xFD80;
	s15 =	sadd.s32 s5, s9  }
0x1aa: {  	[hbm4b:s15+s2] =	stream.linear.scatter [tilespmem:s22], [sflag:$0x3], $0x80, $0x38;
	[tilespmem:$0x18500] =	vst v63  }
0x1ab: {  	s21 =	sadd.s32 $0x10, s15;
	s22 =	simm.s32 $0xFE08  }
0x1ac: {  	[hbm4b:s21+s2] =	stream.linear.scatter [tilespmem:s22], [sflag:$0x3], $0x80, $0x38;
	[tilespmem:$0x18500] =	vst v63  }
0x1ad: {  	s21 =	sadd.s32 $0x20, s15;
	s22 =	simm.s32 $0xFE90  }
0x1ae: {  	[hbm4b:s21+s2] =	stream.linear.scatter [tilespmem:s22], [sflag:$0x3], $0x80, $0x38;
	[tilespmem:$0x18500] =	vst v63  }
0x1af: {  	s21 =	sadd.s32 $0x30, s15;
	s22 =	simm.s32 $0xFF18  }
0x1b0: {  	[hbm4b:s21+s2] =	stream.linear.scatter [tilespmem:s22], [sflag:$0x3], $0x80, $0x38;
	[tilespmem:$0x18500] =	vst v63  }
0x1b1: {  	s21 =	sadd.s32 $0x40, s15;
	s22 =	simm.s32 $0xFFA0  }
0x1b2: {  	[hbm4b:s21+s2] =	stream.linear.scatter [tilespmem:s22], [sflag:$0x3], $0x80, $0x38;
	[tilespmem:$0x18500] =	vst v63  }
0x1b3: {  	s21 =	sadd.s32 $0x50, s15;
	s22 =	simm.s32 $0x10028  }
0x1b4: {  	[hbm4b:s21+s2] =	stream.linear.scatter [tilespmem:s22], [sflag:$0x3], $0x80, $0x38;
	[tilespmem:$0x18500] =	vst v63  }
0x1b5: {  	s21 =	sadd.s32 $0x60, s15;
	s22 =	simm.s32 $0x100B0  }
0x1b6: {  	[hbm4b:s21+s2] =	stream.linear.scatter [tilespmem:s22], [sflag:$0x3], $0x80, $0x38;
	[tilespmem:$0x18500] =	vst v63  }
0x1b7: {  	s15 =	sadd.s32 $0x70, s15;
	s22 =	simm.s32 $0x10138  }
0x1b8: {  	[hbm4b:s15+s2] =	stream.linear.scatter [tilespmem:s22], [sflag:$0x3], $0x80, $0x38;
	[tilespmem:$0x18500] =	vst v63  }
0x1b9: {  	s19 =	simm.s32 $0x101C0;
	s5 =	sadd.s32 s5, s10  }
0x1ba: {  	[hbm4b:s5+s2] =	stream.linear.scatter [tilespmem:s19], [sflag:$0x3], $0x80, $0x38;
	[tilespmem:$0x18500] =	vst v63  }
0x1bb: {  	s21 =	sadd.s32 $0x10, s5;
	s22 =	simm.s32 $0x10248  }
0x1bc: {  	[hbm4b:s21+s2] =	stream.linear.scatter [tilespmem:s22], [sflag:$0x3], $0x80, $0x38;
	[tilespmem:$0x18500] =	vst v63  }
0x1bd: {  	s21 =	sadd.s32 $0x20, s5;
	s22 =	simm.s32 $0x102D0  }
0x1be: {  	[hbm4b:s21+s2] =	stream.linear.scatter [tilespmem:s22], [sflag:$0x3], $0x80, $0x38;
	[tilespmem:$0x18500] =	vst v63  }
0x1bf: {  	s21 =	sadd.s32 $0x30, s5;
	s22 =	simm.s32 $0x10358  }
0x1c0: {  	[hbm4b:s21+s2] =	stream.linear.scatter [tilespmem:s22], [sflag:$0x3], $0x80, $0x38;
	[tilespmem:$0x18500] =	vst v63  }
0x1c1: {  	s21 =	sadd.s32 $0x40, s5;
	s22 =	simm.s32 $0x103E0  }
0x1c2: {  	[hbm4b:s21+s2] =	stream.linear.scatter [tilespmem:s22], [sflag:$0x3], $0x80, $0x38;
	[tilespmem:$0x18500] =	vst v63  }
0x1c3: {  	s21 =	sadd.s32 $0x50, s5;
	s22 =	simm.s32 $0x10468  }
0x1c4: {  	[hbm4b:s21+s2] =	stream.linear.scatter [tilespmem:s22], [sflag:$0x3], $0x80, $0x38;
	[tilespmem:$0x18500] =	vst v63  }
0x1c5: {  	s21 =	sadd.s32 $0x60, s5;
	s22 =	simm.s32 $0x104F0  }
0x1c6: {  	[hbm4b:s21+s2] =	stream.linear.scatter [tilespmem:s22], [sflag:$0x3], $0x80, $0x38;
	[tilespmem:$0x18500] =	vst v63  }
0x1c7: {  	s19 =	simm.s32 $0x10578;
	s5 =	sadd.s32 $0x70, s5;
	s21 =	sshll.u32 s23, $0xE  }
0x1c8: {  	[hbm4b:s5+s2] =	stream.linear.scatter [tilespmem:s19], [sflag:$0x3], $0x80, $0x38;
	[tilespmem:$0x18500] =	vst v63  }
0x1c9: {  	s5 =	sor.u32 s6, s21  }
0x1ca: {  	s15 =	sadd.s32 s1, s5  }
0x1cb: {  	[hbm4b:s15+s2] =	stream.linear.scatter [tilespmem:s31], [sflag:$0x3], $0x80, $0x38;
	[tilespmem:$0x18500] =	vst v63  }
0x1cc: {  	s23 =	simm.s32 $0x10688;
	s22 =	sadd.s32 $0x10, s15  }
0x1cd: {  	[hbm4b:s22+s2] =	stream.linear.scatter [tilespmem:s23], [sflag:$0x3], $0x80, $0x38;
	[tilespmem:$0x18500] =	vst v63  }
0x1ce: {  	s22 =	sadd.s32 $0x20, s15;
	s23 =	simm.s32 $0x10710  }
0x1cf: {  	[hbm4b:s22+s2] =	stream.linear.scatter [tilespmem:s23], [sflag:$0x3], $0x80, $0x38;
	[tilespmem:$0x18500] =	vst v63  }
0x1d0: {  	s22 =	sadd.s32 $0x30, s15;
	s23 =	simm.s32 $0x10798  }
0x1d1: {  	[hbm4b:s22+s2] =	stream.linear.scatter [tilespmem:s23], [sflag:$0x3], $0x80, $0x38;
	[tilespmem:$0x18500] =	vst v63  }
0x1d2: {  	s22 =	sadd.s32 $0x40, s15;
	s23 =	simm.s32 $0x10820  }
0x1d3: {  	[hbm4b:s22+s2] =	stream.linear.scatter [tilespmem:s23], [sflag:$0x3], $0x80, $0x38;
	[tilespmem:$0x18500] =	vst v63  }
0x1d4: {  	s22 =	sadd.s32 $0x50, s15;
	s23 =	simm.s32 $0x108A8  }
0x1d5: {  	[hbm4b:s22+s2] =	stream.linear.scatter [tilespmem:s23], [sflag:$0x3], $0x80, $0x38;
	[tilespmem:$0x18500] =	vst v63  }
0x1d6: {  	s21 =	sadd.s32 $0x60, s15;
	s22 =	simm.s32 $0x10930  }
0x1d7: {  	[hbm4b:s21+s2] =	stream.linear.scatter [tilespmem:s22], [sflag:$0x3], $0x80, $0x38;
	[tilespmem:$0x18500] =	vst v63  }
0x1d8: {  	s15 =	sadd.s32 $0x70, s15;
	s23 =	simm.s32 $0x109B8  }
0x1d9: {  	[hbm4b:s15+s2] =	stream.linear.scatter [tilespmem:s23], [sflag:$0x3], $0x80, $0x38;
	[tilespmem:$0x18500] =	vst v63  }
0x1da: {  	s21 =	simm.s32 $0x10A40;
	s15 =	sadd.s32 s5, s8  }
0x1db: {  	[hbm4b:s15+s2] =	stream.linear.scatter [tilespmem:s21], [sflag:$0x3], $0x80, $0x38;
	[tilespmem:$0x18500] =	vst v63  }
0x1dc: {  	s23 =	simm.s32 $0x10AC8;
	s22 =	sadd.s32 $0x10, s15  }
0x1dd: {  	[hbm4b:s22+s2] =	stream.linear.scatter [tilespmem:s23], [sflag:$0x3], $0x80, $0x38;
	[tilespmem:$0x18500] =	vst v63  }
0x1de: {  	s22 =	sadd.s32 $0x20, s15;
	s23 =	simm.s32 $0x10B50  }
0x1df: {  	[hbm4b:s22+s2] =	stream.linear.scatter [tilespmem:s23], [sflag:$0x3], $0x80, $0x38;
	[tilespmem:$0x18500] =	vst v63  }
0x1e0: {  	s22 =	sadd.s32 $0x30, s15;
	s23 =	simm.s32 $0x10BD8  }
0x1e1: {  	[hbm4b:s22+s2] =	stream.linear.scatter [tilespmem:s23], [sflag:$0x3], $0x80, $0x38;
	[tilespmem:$0x18500] =	vst v63  }
0x1e2: {  	s22 =	sadd.s32 $0x40, s15;
	s23 =	simm.s32 $0x10C60  }
0x1e3: {  	[hbm4b:s22+s2] =	stream.linear.scatter [tilespmem:s23], [sflag:$0x3], $0x80, $0x38;
	[tilespmem:$0x18500] =	vst v63  }
0x1e4: {  	s22 =	sadd.s32 $0x50, s15;
	s23 =	simm.s32 $0x10CE8  }
0x1e5: {  	[hbm4b:s22+s2] =	stream.linear.scatter [tilespmem:s23], [sflag:$0x3], $0x80, $0x38;
	[tilespmem:$0x18500] =	vst v63  }
0x1e6: {  	s21 =	sadd.s32 $0x60, s15;
	s22 =	simm.s32 $0x10D70  }
0x1e7: {  	[hbm4b:s21+s2] =	stream.linear.scatter [tilespmem:s22], [sflag:$0x3], $0x80, $0x38;
	[tilespmem:$0x18500] =	vst v63  }
0x1e8: {  	s15 =	sadd.s32 $0x70, s15;
	s23 =	simm.s32 $0x10DF8  }
0x1e9: {  	[hbm4b:s15+s2] =	stream.linear.scatter [tilespmem:s23], [sflag:$0x3], $0x80, $0x38;
	[tilespmem:$0x18500] =	vst v63  }
0x1ea: {  	s21 =	simm.s32 $0x10E80;
	s15 =	sadd.s32 s5, s9  }
0x1eb: {  	[hbm4b:s15+s2] =	stream.linear.scatter [tilespmem:s21], [sflag:$0x3], $0x80, $0x38;
	[tilespmem:$0x18500] =	vst v63  }
0x1ec: {  	s23 =	simm.s32 $0x10F08;
	s22 =	sadd.s32 $0x10, s15  }
0x1ed: {  	[hbm4b:s22+s2] =	stream.linear.scatter [tilespmem:s23], [sflag:$0x3], $0x80, $0x38;
	[tilespmem:$0x18500] =	vst v63  }
0x1ee: {  	s22 =	sadd.s32 $0x20, s15;
	s23 =	simm.s32 $0x10F90  }
0x1ef: {  	[hbm4b:s22+s2] =	stream.linear.scatter [tilespmem:s23], [sflag:$0x3], $0x80, $0x38;
	[tilespmem:$0x18500] =	vst v63  }
0x1f0: {  	s22 =	sadd.s32 $0x30, s15;
	s23 =	simm.s32 $0x11018  }
0x1f1: {  	[hbm4b:s22+s2] =	stream.linear.scatter [tilespmem:s23], [sflag:$0x3], $0x80, $0x38;
	[tilespmem:$0x18500] =	vst v63  }
0x1f2: {  	s22 =	sadd.s32 $0x40, s15;
	s23 =	simm.s32 $0x110A0  }
0x1f3: {  	[hbm4b:s22+s2] =	stream.linear.scatter [tilespmem:s23], [sflag:$0x3], $0x80, $0x38;
	[tilespmem:$0x18500] =	vst v63  }
0x1f4: {  	s22 =	sadd.s32 $0x50, s15;
	s23 =	simm.s32 $0x11128  }
0x1f5: {  	[hbm4b:s22+s2] =	stream.linear.scatter [tilespmem:s23], [sflag:$0x3], $0x80, $0x38;
	[tilespmem:$0x18500] =	vst v63  }
0x1f6: {  	s22 =	sadd.s32 $0x60, s15;
	s23 =	simm.s32 $0x111B0  }
0x1f7: {  	[hbm4b:s22+s2] =	stream.linear.scatter [tilespmem:s23], [sflag:$0x3], $0x80, $0x38;
	[tilespmem:$0x18500] =	vst v63  }
0x1f8: {  	s15 =	sadd.s32 $0x70, s15;
	s22 =	simm.s32 $0x11238  }
0x1f9: {  	[hbm4b:s15+s2] =	stream.linear.scatter [tilespmem:s22], [sflag:$0x3], $0x80, $0x38;
	[tilespmem:$0x18500] =	vst v63  }
0x1fa: {  	s5 =	sadd.s32 s5, s10;
	s23 =	simm.s32 $0x112C0  }
0x1fb: {  	[hbm4b:s5+s2] =	stream.linear.scatter [tilespmem:s23], [sflag:$0x3], $0x80, $0x38;
	[tilespmem:$0x18500] =	vst v63  }
0x1fc: {  	s19 =	sadd.s32 $0x10, s5;
	s21 =	simm.s32 $0x11348  }
0x1fd: {  	[hbm4b:s19+s2] =	stream.linear.scatter [tilespmem:s21], [sflag:$0x3], $0x80, $0x38;
	[tilespmem:$0x18500] =	vst v63  }
0x1fe: {  	s22 =	sadd.s32 $0x20, s5;
	s23 =	simm.s32 $0x113D0  }
0x1ff: {  	[hbm4b:s22+s2] =	stream.linear.scatter [tilespmem:s23], [sflag:$0x3], $0x80, $0x38;
	[tilespmem:$0x18500] =	vst v63  }
0x200: {  	s19 =	sadd.s32 $0x30, s5;
	s21 =	simm.s32 $0x11458  }
0x201: {  	[hbm4b:s19+s2] =	stream.linear.scatter [tilespmem:s21], [sflag:$0x3], $0x80, $0x38;
	[tilespmem:$0x18500] =	vst v63  }
0x202: {  	s22 =	sadd.s32 $0x40, s5;
	s23 =	simm.s32 $0x114E0  }
0x203: {  	[hbm4b:s22+s2] =	stream.linear.scatter [tilespmem:s23], [sflag:$0x3], $0x80, $0x38;
	[tilespmem:$0x18500] =	vst v63  }
0x204: {  	s19 =	sadd.s32 $0x50, s5;
	s21 =	simm.s32 $0x11568  }
0x205: {  	[hbm4b:s19+s2] =	stream.linear.scatter [tilespmem:s21], [sflag:$0x3], $0x80, $0x38;
	[tilespmem:$0x18500] =	vst v63  }
0x206: {  	s22 =	sadd.s32 $0x60, s5;
	s23 =	simm.s32 $0x115F0  }
0x207: {  	[hbm4b:s22+s2] =	stream.linear.scatter [tilespmem:s23], [sflag:$0x3], $0x80, $0x38;
	[tilespmem:$0x18500] =	vst v63  }
0x208: {  	s5 =	sadd.s32 $0x70, s5;
	s21 =	simm.s32 $0x11678;
	s22 =	sshll.u32 s24, $0xE  }
0x209: {  	[hbm4b:s5+s2] =	stream.linear.scatter [tilespmem:s21], [sflag:$0x3], $0x80, $0x38;
	[tilespmem:$0x18500] =	vst v63  }
0x20a: {  	s5 =	sor.u32 s6, s22  }
0x20b: {  	s15 =	sadd.s32 s1, s5  }
0x20c: {  	[hbm4b:s15+s2] =	stream.linear.scatter [tilespmem:s0], [sflag:$0x3], $0x80, $0x38;
	[tilespmem:$0x18500] =	vst v63  }
0x20d: {  	s24 =	simm.s32 $0x11788;
	s23 =	sadd.s32 $0x10, s15  }
0x20e: {  	[hbm4b:s23+s2] =	stream.linear.scatter [tilespmem:s24], [sflag:$0x3], $0x80, $0x38;
	[tilespmem:$0x18500] =	vst v63  }
0x20f: {  	s22 =	simm.s32 $0x11810;
	s21 =	sadd.s32 $0x20, s15  }
0x210: {  	[hbm4b:s21+s2] =	stream.linear.scatter [tilespmem:s22], [sflag:$0x3], $0x80, $0x38;
	[tilespmem:$0x18500] =	vst v63  }
0x211: {  	s23 =	sadd.s32 $0x30, s15;
	s24 =	simm.s32 $0x11898  }
0x212: {  	[hbm4b:s23+s2] =	stream.linear.scatter [tilespmem:s24], [sflag:$0x3], $0x80, $0x38;
	[tilespmem:$0x18500] =	vst v63  }
0x213: {  	s21 =	sadd.s32 $0x40, s15;
	s22 =	simm.s32 $0x11920  }
0x214: {  	[hbm4b:s21+s2] =	stream.linear.scatter [tilespmem:s22], [sflag:$0x3], $0x80, $0x38;
	[tilespmem:$0x18500] =	vst v63  }
0x215: {  	s23 =	sadd.s32 $0x50, s15;
	s24 =	simm.s32 $0x119A8  }
0x216: {  	[hbm4b:s23+s2] =	stream.linear.scatter [tilespmem:s24], [sflag:$0x3], $0x80, $0x38;
	[tilespmem:$0x18500] =	vst v63  }
0x217: {  	s21 =	sadd.s32 $0x60, s15;
	s22 =	simm.s32 $0x11A30  }
0x218: {  	[hbm4b:s21+s2] =	stream.linear.scatter [tilespmem:s22], [sflag:$0x3], $0x80, $0x38;
	[tilespmem:$0x18500] =	vst v63  }
0x219: {  	s15 =	sadd.s32 $0x70, s15;
	s23 =	simm.s32 $0x11AB8  }
0x21a: {  	[hbm4b:s15+s2] =	stream.linear.scatter [tilespmem:s23], [sflag:$0x3], $0x80, $0x38;
	[tilespmem:$0x18500] =	vst v63  }
0x21b: {  	s24 =	simm.s32 $0x11B40;
	s15 =	sadd.s32 s5, s8  }
0x21c: {  	[hbm4b:s15+s2] =	stream.linear.scatter [tilespmem:s24], [sflag:$0x3], $0x80, $0x38;
	[tilespmem:$0x18500] =	vst v63  }
0x21d: {  	s22 =	simm.s32 $0x11BC8;
	s21 =	sadd.s32 $0x10, s15  }
0x21e: {  	[hbm4b:s21+s2] =	stream.linear.scatter [tilespmem:s22], [sflag:$0x3], $0x80, $0x38;
	[tilespmem:$0x18500] =	vst v63  }
0x21f: {  	s23 =	sadd.s32 $0x20, s15;
	s24 =	simm.s32 $0x11C50  }
0x220: {  	[hbm4b:s23+s2] =	stream.linear.scatter [tilespmem:s24], [sflag:$0x3], $0x80, $0x38;
	[tilespmem:$0x18500] =	vst v63  }
0x221: {  	s21 =	sadd.s32 $0x30, s15;
	s22 =	simm.s32 $0x11CD8  }
0x222: {  	[hbm4b:s21+s2] =	stream.linear.scatter [tilespmem:s22], [sflag:$0x3], $0x80, $0x38;
	[tilespmem:$0x18500] =	vst v63  }
0x223: {  	s23 =	sadd.s32 $0x40, s15;
	s24 =	simm.s32 $0x11D60  }
0x224: {  	[hbm4b:s23+s2] =	stream.linear.scatter [tilespmem:s24], [sflag:$0x3], $0x80, $0x38;
	[tilespmem:$0x18500] =	vst v63  }
0x225: {  	s21 =	sadd.s32 $0x50, s15;
	s22 =	simm.s32 $0x11DE8  }
0x226: {  	[hbm4b:s21+s2] =	stream.linear.scatter [tilespmem:s22], [sflag:$0x3], $0x80, $0x38;
	[tilespmem:$0x18500] =	vst v63  }
0x227: {  	s23 =	sadd.s32 $0x60, s15;
	s24 =	simm.s32 $0x11E70  }
0x228: {  	[hbm4b:s23+s2] =	stream.linear.scatter [tilespmem:s24], [sflag:$0x3], $0x80, $0x38;
	[tilespmem:$0x18500] =	vst v63  }
0x229: {  	s15 =	sadd.s32 $0x70, s15;
	s21 =	simm.s32 $0x11EF8  }
0x22a: {  	[hbm4b:s15+s2] =	stream.linear.scatter [tilespmem:s21], [sflag:$0x3], $0x80, $0x38;
	[tilespmem:$0x18500] =	vst v63  }
0x22b: {  	s22 =	simm.s32 $0x11F80;
	s15 =	sadd.s32 s5, s9  }
0x22c: {  	[hbm4b:s15+s2] =	stream.linear.scatter [tilespmem:s22], [sflag:$0x3], $0x80, $0x38;
	[tilespmem:$0x18500] =	vst v63  }
0x22d: {  	s24 =	simm.s32 $0x12008;
	s23 =	sadd.s32 $0x10, s15  }
0x22e: {  	[hbm4b:s23+s2] =	stream.linear.scatter [tilespmem:s24], [sflag:$0x3], $0x80, $0x38;
	[tilespmem:$0x18500] =	vst v63  }
0x22f: {  	s21 =	sadd.s32 $0x20, s15;
	s22 =	simm.s32 $0x12090  }
0x230: {  	[hbm4b:s21+s2] =	stream.linear.scatter [tilespmem:s22], [sflag:$0x3], $0x80, $0x38;
	[tilespmem:$0x18500] =	vst v63  }
0x231: {  	s23 =	sadd.s32 $0x30, s15;
	s24 =	simm.s32 $0x12118  }
0x232: {  	[hbm4b:s23+s2] =	stream.linear.scatter [tilespmem:s24], [sflag:$0x3], $0x80, $0x38;
	[tilespmem:$0x18500] =	vst v63  }
0x233: {  	s21 =	sadd.s32 $0x40, s15;
	s22 =	simm.s32 $0x121A0  }
0x234: {  	[hbm4b:s21+s2] =	stream.linear.scatter [tilespmem:s22], [sflag:$0x3], $0x80, $0x38;
	[tilespmem:$0x18500] =	vst v63  }
0x235: {  	s23 =	sadd.s32 $0x50, s15;
	s24 =	simm.s32 $0x12228  }
0x236: {  	[hbm4b:s23+s2] =	stream.linear.scatter [tilespmem:s24], [sflag:$0x3], $0x80, $0x38;
	[tilespmem:$0x18500] =	vst v63  }
0x237: {  	s22 =	sadd.s32 $0x60, s15;
	s23 =	simm.s32 $0x122B0  }
0x238: {  	[hbm4b:s22+s2] =	stream.linear.scatter [tilespmem:s23], [sflag:$0x3], $0x80, $0x38;
	[tilespmem:$0x18500] =	vst v63  }
0x239: {  	s15 =	sadd.s32 $0x70, s15;
	s24 =	simm.s32 $0x12338  }
0x23a: {  	[hbm4b:s15+s2] =	stream.linear.scatter [tilespmem:s24], [sflag:$0x3], $0x80, $0x38;
	[tilespmem:$0x18500] =	vst v63  }
0x23b: {  	s19 =	simm.s32 $0x123C0;
	s5 =	sadd.s32 s5, s10  }
0x23c: {  	[hbm4b:s5+s2] =	stream.linear.scatter [tilespmem:s19], [sflag:$0x3], $0x80, $0x38;
	[tilespmem:$0x18500] =	vst v63  }
0x23d: {  	s21 =	sadd.s32 $0x10, s5;
	s22 =	simm.s32 $0x12448  }
0x23e: {  	[hbm4b:s21+s2] =	stream.linear.scatter [tilespmem:s22], [sflag:$0x3], $0x80, $0x38;
	[tilespmem:$0x18500] =	vst v63  }
0x23f: {  	s23 =	sadd.s32 $0x20, s5;
	s24 =	simm.s32 $0x124D0  }
0x240: {  	[hbm4b:s23+s2] =	stream.linear.scatter [tilespmem:s24], [sflag:$0x3], $0x80, $0x38;
	[tilespmem:$0x18500] =	vst v63  }
0x241: {  	s21 =	sadd.s32 $0x30, s5;
	s22 =	simm.s32 $0x12558  }
0x242: {  	[hbm4b:s21+s2] =	stream.linear.scatter [tilespmem:s22], [sflag:$0x3], $0x80, $0x38;
	[tilespmem:$0x18500] =	vst v63  }
0x243: {  	s23 =	sadd.s32 $0x40, s5;
	s24 =	simm.s32 $0x125E0  }
0x244: {  	[hbm4b:s23+s2] =	stream.linear.scatter [tilespmem:s24], [sflag:$0x3], $0x80, $0x38;
	[tilespmem:$0x18500] =	vst v63  }
0x245: {  	s21 =	sadd.s32 $0x50, s5;
	s22 =	simm.s32 $0x12668  }
0x246: {  	[hbm4b:s21+s2] =	stream.linear.scatter [tilespmem:s22], [sflag:$0x3], $0x80, $0x38;
	[tilespmem:$0x18500] =	vst v63  }
0x247: {  	s23 =	sadd.s32 $0x60, s5;
	s24 =	simm.s32 $0x126F0  }
0x248: {  	[hbm4b:s23+s2] =	stream.linear.scatter [tilespmem:s24], [sflag:$0x3], $0x80, $0x38;
	[tilespmem:$0x18500] =	vst v63  }
0x249: {  	s19 =	simm.s32 $0x12778;
	s5 =	sadd.s32 $0x70, s5  }
0x24a: {  	[hbm4b:s5+s2] =	stream.linear.scatter [tilespmem:s19], [sflag:$0x3], $0x80, $0x38;
	[tilespmem:$0x18500] =	vst v63  }
0x24b: {  	s5 =	simm.s32 @!p0 $0x4  }
0x24c: {  	p1 =	seq.s32 @!p0 s17, $0x18;
	_ =	swait.ge @!p0 [sflag:s5], $0x4000  }
0x24d: {  	p1 =	por p0, !p1;
	[sflag:s5] =	ssyncset.done @!p0 $0x0  }
0x24e: {  	s15 =	simm.s32 @p1 $0x6400;
	[sflag:s5] =	ssyncadd.s32 @!p0 $0xFFFFC000;
	s5 =	sadd.s32 @p1 $0x400, s20  }
0x24f: {  	[tilespmem:s15], [sflag:$0x1] =	stream.indirect.gather @p1 [hbm4b:s4+s16], $0x20, s5, s16, $0xb8;
	[tilespmem:$0x18500] =	vst v63  }
0x250: {  	s5 =	sadd.s32 @p1 $0x480, s20;
	s15 =	simm.s32 @p1 $0x7400  }
0x251: {  	[tilespmem:s15], [sflag:$0x1] =	stream.indirect.gather @p1 [hbm4b:s4+s16], $0x20, s5, s16, $0xb8;
	[tilespmem:$0x18500] =	vst v63  }
0x252: {  	s5 =	sadd.s32 @p1 $0x500, s20;
	s15 =	simm.s32 @p1 $0x8400  }
0x253: {  	[tilespmem:s15], [sflag:$0x1] =	stream.indirect.gather @p1 [hbm4b:s4+s16], $0x20, s5, s16, $0xb8;
	[tilespmem:$0x18500] =	vst v63  }
0x254: {  	s5 =	sadd.s32 @p1 $0x580, s20;
	s15 =	simm.s32 @p1 $0x9400  }
0x255: {  	[tilespmem:s15], [sflag:$0x1] =	stream.indirect.gather @p1 [hbm4b:s4+s16], $0x20, s5, s16, $0xb8;
	[tilespmem:$0x18500] =	vst v63  }
0x256: {  	_ =	swait.ge [sflag:s25], $0x1000  }
0x257: {  	[sflag:s25] =	ssyncset.done $0x0  }
0x258: {  	[sflag:s25] =	ssyncadd.s32 $0xFFFFF000  }
0x259: {  	_ =	swait.ge [sflag:s25], $0x1000  }
0x25a: {  	[sflag:s25] =	ssyncset.done $0x0  }
0x25b: {  	[sflag:s25] =	ssyncadd.s32 $0xFFFFF000  }
0x25c: {  	_ =	swait.ge [sflag:s25], $0x1000  }
0x25d: {  	[sflag:s25] =	ssyncset.done $0x0  }
0x25e: {  	[sflag:s25] =	ssyncadd.s32 $0xFFFFF000  }
0x25f: {  	s20 =	sor.u32 $0x4, s18;
	_ =	swait.ge [sflag:s25], $0x1000  }
0x260: {  	s21 =	sshll.u32 s20, $0x5;
	[sflag:s25] =	ssyncset.done $0x0  }
0x261: {  	s5 =	sand.u32 $0x3FFFFFE0, s21;
	[sflag:s25] =	ssyncadd.s32 $0xFFFFF000  }
0x262: {  	v17 =	vld [tilespmem:s5+$0x16C00]  }
0x263: {  	s22 =	simm.s32 $0xA480;
	v16 =	vld [tilespmem:s5+$0x16C10]  }
0x264: {  	v23 =	vld [tilespmem:s22+$0xFFFFFFE0]  }
0x265: {  	v24 =	vld [tilespmem:s22+$0x0]  }
0x266: {  	v28 =	vld [tilespmem:s22+$0x20]  }
0x267: {  	v30 =	vld [tilespmem:s22+$0x40]  }
0x268: {  	v33 =	vld [tilespmem:s22+$0x60]  }
0x269: {  	v25 =	vld [tilespmem:s22+$0xFFFFFFF0]  }
0x26a: {  	v29 =	vld [tilespmem:s22+$0x10]  }
0x26b: {  	v31 =	vld [tilespmem:s22+$0x30]  }
0x26c: {  	v32 =	vld [tilespmem:s22+$0x50]  }
0x26d: {  	v37 =	vld [tilespmem:s22+$0x70]  }
0x26e: {  	v18 =	vld [tilespmem:s22+$0xFFFFFF80]  }
0x26f: {  	s23 =	simm.s32 $0x0;
	v19 =	vld [tilespmem:s22+$0xFFFFFF90]  }
0x270: {  	v26 =	vadd.s32 s23, v0;
	v20 =	vld [tilespmem:s22+$0xFFFFFFA0]  }
0x271: {  	v63 =	vadd.s32 s23, v1;
	v27 =	vld [tilespmem:s22+$0xFFFFFFB0]  }
0x272: {  	v46 =	vadd.s32 s23, v2;
	v45 =	vld [tilespmem:s22+$0xFFFFFFC0]  }
0x273: {  	s24 =	simm.s32 $0xA580;
	v48 =	vadd.s32 s23, v3;
	v47 =	vld [tilespmem:s22+$0xFFFFFFD0];
	v18 =	vadd.f32 v18, v17  }
0x274: {  	v49 =	vadd.s32 s23, v4;
	v22 =	vld [tilespmem:s24+$0xFFFFFFE0];
	v19 =	vadd.f32 v19, v16  }
0x275: {  	v42 =	vadd.s32 s23, v5;
	v21 =	vld [tilespmem:s24+$0x0];
	v41 =	vadd.f32 v20, v17;
	[tilespmem:v26+s26+$0x0] =	vst.idx.msk $0xffff, v18  }
0x276: {  	v50 =	vadd.s32 s23, v6;
	v60 =	vld [tilespmem:s24+$0xFFFFFF80];
	v26 =	vadd.f32 v27, v16;
	[tilespmem:v63+s26+$0x0] =	vst.idx.msk $0xffff, v19  }
0x277: {  	v51 =	vadd.s32 s23, v7;
	v20 =	vld [tilespmem:s24+$0x20];
	v35 =	vadd.f32 v45, v17;
	[tilespmem:v46+s26+$0x0] =	vst.idx.msk $0xffff, v41  }
0x278: {  	v52 =	vadd.s32 s23, v8;
	v38 =	vadd.f32 v47, v16;
	v54 =	vadd.f32 v25, v16;
	v25 =	vld [tilespmem:s24+$0x30];
	[tilespmem:v48+s26+$0x0] =	vst.idx.msk $0xffff, v26  }
0x279: {  	v53 =	vadd.s32 s23, v9;
	v23 =	vadd.f32 v23, v17;
	v56 =	vadd.f32 v24, v17;
	v24 =	vld [tilespmem:s24+$0x50];
	[tilespmem:v49+s26+$0x0] =	vst.idx.msk $0xffff, v35  }
0x27a: {  	v55 =	vadd.s32 s23, v10;
	v62 =	vadd.f32 v30, v17;
	v30 =	vld [tilespmem:s24+$0xFFFFFFA0];
	[tilespmem:v42+s26+$0x0] =	vst.idx.msk $0xffff, v38  }
0x27b: {  	v57 =	vadd.s32 s23, v11;
	v40 =	vadd.f32 v37, v16;
	v37 =	vld [tilespmem:s24+$0xFFFFFFD0];
	[tilespmem:v50+s26+$0x0] =	vst.idx.msk $0xffff, v23  }
0x27c: {  	v58 =	vadd.s32 s23, v12;
	v29 =	vadd.f32 v29, v16;
	v18 =	vld [tilespmem:s24+$0x60];
	[tilespmem:v51+s26+$0x0] =	vst.idx.msk $0xffff, v54  }
0x27d: {  	v59 =	vadd.s32 s23, v13;
	v28 =	vadd.f32 v28, v17;
	v27 =	vld [tilespmem:s24+$0xFFFFFFF0];
	[tilespmem:v52+s26+$0x0] =	vst.idx.msk $0xffff, v56  }
0x27e: {  	v61 =	vadd.s32 s23, v14;
	v31 =	vadd.f32 v31, v16;
	v19 =	vld [tilespmem:s24+$0x40];
	[tilespmem:v53+s26+$0x0] =	vst.idx.msk $0xffff, v29  }
0x27f: {  	s15 =	simm.s32 $0x8;
	v63 =	vadd.f32 v32, v16;
	v32 =	vadd.s32 s23, v15;
	v29 =	vld [tilespmem:s24+$0xFFFFFF90];
	[tilespmem:v55+s26+$0x0] =	vst.idx.msk $0xffff, v28  }
0x280: {  	v34 =	vadd.s32 s15, v0;
	v26 =	vld [tilespmem:s24+$0x10];
	[tilespmem:v57+s26+$0x0] =	vst.idx.msk $0xffff, v31  }
0x281: {  	v43 =	vadd.f32 v33, v17;
	v33 =	vadd.s32 s15, v1;
	v31 =	vld [tilespmem:s24+$0xFFFFFFB0];
	[tilespmem:v58+s26+$0x0] =	vst.idx.msk $0xffff, v62  }
0x282: {  	v36 =	vadd.s32 s15, v2;
	v35 =	vld [tilespmem:s24+$0xFFFFFFC0];
	[tilespmem:v59+s26+$0x0] =	vst.idx.msk $0xffff, v63  }
0x283: {  	s19 =	simm.s32 $0x10;
	s21 =	simm.s32 $0xA680;
	v39 =	vadd.f32 v60, v17;
	v38 =	vadd.s32 s15, v3;
	v23 =	vld [tilespmem:s24+$0x70];
	v28 =	vadd.s32 s15, v4;
	[tilespmem:v61+s26+$0x0] =	vst.idx.msk $0xffff, v43  }
.LBB2_11:
0x284: {  	v41 =	vld [tilespmem:s21+$0xFFFFFFE0];
	v42 =	vadd.s32 s19, v4;
	p0 =	sne.s32 s19, $0x78;
	v29 =	vadd.f32 v29, v16;
	[tilespmem:v32+s26+$0x0] =	vst.idx.msk $0xffff, v40;
	s5 =	smov.u32 s19;
	s19 =	sadd.s32 $0x8, s19  }
0x285: {  	v32 =	vld [tilespmem:s21+$0x0];
	v30 =	vadd.f32 v30, v17;
	[tilespmem:v34+s26+$0x0] =	vst.idx.msk $0xffff, v39;
	v34 =	vadd.s32 s15, v5  }
0x286: {  	v39 =	vld [tilespmem:s21+$0x20];
	v31 =	vadd.f32 v31, v16;
	[tilespmem:v33+s26+$0x0] =	vst.idx.msk $0xffff, v29;
	v29 =	vadd.s32 s15, v6  }
0x287: {  	v33 =	vld [tilespmem:s21+$0x40];
	v35 =	vadd.f32 v35, v17;
	[tilespmem:v36+s26+$0x0] =	vst.idx.msk $0xffff, v30;
	v30 =	vadd.s32 s15, v7  }
0x288: {  	v36 =	vld [tilespmem:s21+$0x60];
	v37 =	vadd.f32 v37, v16;
	[tilespmem:v38+s26+$0x0] =	vst.idx.msk $0xffff, v31;
	v31 =	vadd.s32 s15, v8  }
0x289: {  	v40 =	vadd.f32 v22, v17;
	v38 =	vld [tilespmem:s21+$0xFFFFFFF0];
	[tilespmem:v28+s26+$0x0] =	vst.idx.msk $0xffff, v35;
	v35 =	vadd.s32 s15, v9;
	v22 =	vmovc v41;
	v28 =	vmov v42  }
0x28a: {  	v27 =	vadd.f32 v27, v16;
	v41 =	vld [tilespmem:s21+$0x10];
	[tilespmem:v34+s26+$0x0] =	vst.idx.msk $0xffff, v37;
	v34 =	vadd.s32 s15, v10  }
0x28b: {  	v42 =	vadd.f32 v21, v17;
	v21 =	vmov v32;
	v37 =	vld [tilespmem:s21+$0x30];
	[tilespmem:v29+s26+$0x0] =	vst.idx.msk $0xffff, v40;
	v40 =	vadd.s32 s15, v11  }
0x28c: {  	v47 =	vadd.f32 v26, v16;
	v44 =	vadd.s32 s15, v12;
	v43 =	vld [tilespmem:s21+$0x50];
	[tilespmem:v30+s26+$0x0] =	vst.idx.msk $0xffff, v27  }
0x28d: {  	v30 =	vadd.f32 v20, v17;
	v20 =	vmov v39;
	v45 =	vld [tilespmem:s21+$0x70];
	[tilespmem:v31+s26+$0x0] =	vst.idx.msk $0xffff, v42;
	v42 =	vadd.s32 s15, v13  }
0x28e: {  	v46 =	vadd.s32 s15, v14;
	v31 =	vadd.f32 v25, v16;
	v39 =	vld [tilespmem:s21+$0xFFFFFF80];
	[tilespmem:v35+s26+$0x0] =	vst.idx.msk $0xffff, v47;
	v27 =	vmov v38  }
.Ltmp4:
0x28f: {  	v32 =	vadd.s32 s15, v15;
	s15 =	smov.u32 s5;
	v35 =	vadd.f32 v19, v17;
	v19 =	vmovc v33;
	v29 =	vld [tilespmem:s21+$0xFFFFFF90];
	[tilespmem:v34+s26+$0x0] =	vst.idx.msk $0xffff, v30;
	v26 =	vmov v41;
	(pc) =	sbr.rel @p0 .LBB2_11-.Ltmp4, $4  }
0x290: {  	v38 =	vadd.f32 v24, v16;
	v34 =	vadd.s32 s15, v0;
	v30 =	vld [tilespmem:s21+$0xFFFFFFA0];
	[tilespmem:v40+s26+$0x0] =	vst.idx.msk $0xffff, v31;
	v25 =	vmov v37  }
0x291: {  	v33 =	vadd.s32 s15, v1;
	v41 =	vadd.f32 v18, v17;
	v18 =	vmovc v36;
	v31 =	vld [tilespmem:s21+$0xFFFFFFB0];
	[tilespmem:v44+s26+$0x0] =	vst.idx.msk $0xffff, v35;
	v24 =	vmov v43  }
0x292: {  	v36 =	vadd.s32 s15, v2;
	v40 =	vadd.f32 v23, v16;
	v35 =	vld [tilespmem:s21+$0xFFFFFFC0];
	[tilespmem:v42+s26+$0x0] =	vst.idx.msk $0xffff, v38;
	v23 =	vmov v45  }
0x293: {  	v38 =	vadd.s32 s15, v3;
	v39 =	vadd.f32 v39, v17;
	v37 =	vld [tilespmem:s21+$0xFFFFFFD0];
	s21 =	sadd.s32 $0x100, s21;
	[tilespmem:v46+s26+$0x0] =	vst.idx.msk $0xffff, v41  }
0x294: {  	_ =	sdelay $0x3  }
0x295: {  	v29 =	vadd.f32 v29, v16;
	[tilespmem:v32+s26+$0x0] =	vst.idx.msk $0xffff, v40  }
0x296: {  	v41 =	vadd.s32 s15, v5;
	v30 =	vadd.f32 v30, v17;
	[tilespmem:v34+s26+$0x0] =	vst.idx.msk $0xffff, v39  }
0x297: {  	v31 =	vadd.f32 v31, v16;
	[tilespmem:v33+s26+$0x0] =	vst.idx.msk $0xffff, v29;
	v29 =	vadd.s32 s15, v6  }
0x298: {  	v42 =	vadd.f32 v35, v17;
	[tilespmem:v36+s26+$0x0] =	vst.idx.msk $0xffff, v30;
	v30 =	vadd.s32 s15, v7  }
0x299: {  	v43 =	vadd.f32 v37, v16;
	[tilespmem:v38+s26+$0x0] =	vst.idx.msk $0xffff, v31;
	v31 =	vadd.s32 s15, v8  }
0x29a: {  	v22 =	vadd.f32 v22, v17;
	[tilespmem:v28+s26+$0x0] =	vst.idx.msk $0xffff, v42;
	v28 =	vadd.s32 s15, v9  }
0x29b: {  	v27 =	vadd.f32 v27, v16;
	v44 =	vadd.s32 s15, v10;
	[tilespmem:v41+s26+$0x0] =	vst.idx.msk $0xffff, v43  }
0x29c: {  	v21 =	vadd.f32 v21, v17;
	[tilespmem:v29+s26+$0x0] =	vst.idx.msk $0xffff, v22;
	v22 =	vadd.s32 s15, v11  }
0x29d: {  	v26 =	vadd.f32 v26, v16;
	[tilespmem:v30+s26+$0x0] =	vst.idx.msk $0xffff, v27;
	v27 =	vadd.s32 s15, v12  }
0x29e: {  	v20 =	vadd.f32 v20, v17;
	[tilespmem:v31+s26+$0x0] =	vst.idx.msk $0xffff, v21;
	v21 =	vadd.s32 s15, v13  }
0x29f: {  	v25 =	vadd.f32 v25, v16;
	[tilespmem:v28+s26+$0x0] =	vst.idx.msk $0xffff, v26;
	v26 =	vadd.s32 s15, v14  }
0x2a0: {  	v19 =	vadd.f32 v19, v17;
	[tilespmem:v44+s26+$0x0] =	vst.idx.msk $0xffff, v20;
	v20 =	vadd.s32 s15, v15  }
0x2a1: {  	v24 =	vadd.f32 v24, v16;
	[tilespmem:v22+s26+$0x0] =	vst.idx.msk $0xffff, v25  }
0x2a2: {  	v17 =	vadd.f32 v18, v17;
	[tilespmem:v27+s26+$0x0] =	vst.idx.msk $0xffff, v19  }
0x2a3: {  	s22 =	sor.u32 $0x5, s18;
	v16 =	vadd.f32 v23, v16;
	[tilespmem:v21+s26+$0x0] =	vst.idx.msk $0xffff, v24  }
0x2a4: {  	s5 =	sshll.u32 s22, $0x5;
	[tilespmem:v26+s26+$0x0] =	vst.idx.msk $0xffff, v17  }
0x2a5: {  	s5 =	sand.u32 $0x3FFFFFE0, s5;
	[tilespmem:v20+s26+$0x0] =	vst.idx.msk $0xffff, v16  }
0x2a6: {  	v17 =	vld [tilespmem:s5+$0x16C00]  }
0x2a7: {  	s23 =	simm.s32 $0xB4F0;
	v16 =	vld [tilespmem:s5+$0x16C10]  }
0x2a8: {  	v23 =	vld [tilespmem:s23+$0xFFFFFF70]  }
0x2a9: {  	v24 =	vld [tilespmem:s23+$0xFFFFFF90]  }
0x2aa: {  	v28 =	vld [tilespmem:s23+$0xFFFFFFB0]  }
0x2ab: {  	v30 =	vld [tilespmem:s23+$0xFFFFFFD0]  }
0x2ac: {  	v33 =	vld [tilespmem:s23+$0xFFFFFFF0]  }
0x2ad: {  	v25 =	vld [tilespmem:s23+$0xFFFFFF80]  }
0x2ae: {  	v29 =	vld [tilespmem:s23+$0xFFFFFFA0]  }
0x2af: {  	v31 =	vld [tilespmem:s23+$0xFFFFFFC0]  }
0x2b0: {  	v32 =	vld [tilespmem:s23+$0xFFFFFFE0]  }
0x2b1: {  	v37 =	vld [tilespmem:s23+$0x0]  }
0x2b2: {  	v18 =	vld [tilespmem:s23+$0xFFFFFF10]  }
0x2b3: {  	s19 =	simm.s32 $0x0;
	v19 =	vld [tilespmem:s23+$0xFFFFFF20]  }
0x2b4: {  	v26 =	vadd.s32 s19, v0;
	v20 =	vld [tilespmem:s23+$0xFFFFFF30]  }
0x2b5: {  	v45 =	vadd.s32 s19, v1;
	v27 =	vld [tilespmem:s23+$0xFFFFFF40]  }
0x2b6: {  	v47 =	vadd.s32 s19, v2;
	v46 =	vld [tilespmem:s23+$0xFFFFFF50]  }
0x2b7: {  	s24 =	simm.s32 $0xB5F0;
	v48 =	vadd.s32 s19, v3;
	v38 =	vld [tilespmem:s23+$0xFFFFFF60];
	v18 =	vadd.f32 v18, v17  }
0x2b8: {  	v49 =	vadd.s32 s19, v4;
	v22 =	vld [tilespmem:s24+$0xFFFFFF70];
	v19 =	vadd.f32 v19, v16  }
0x2b9: {  	v42 =	vadd.s32 s19, v5;
	v21 =	vld [tilespmem:s24+$0xFFFFFF90];
	v41 =	vadd.f32 v20, v17;
	[tilespmem:v26+s3+$0x0] =	vst.idx.msk $0xffff, v18  }
0x2ba: {  	v50 =	vadd.s32 s19, v6;
	v60 =	vld [tilespmem:s24+$0xFFFFFF10];
	v26 =	vadd.f32 v27, v16;
	[tilespmem:v45+s3+$0x0] =	vst.idx.msk $0xffff, v19  }
0x2bb: {  	v51 =	vadd.s32 s19, v7;
	v20 =	vld [tilespmem:s24+$0xFFFFFFB0];
	v35 =	vadd.f32 v46, v17;
	[tilespmem:v47+s3+$0x0] =	vst.idx.msk $0xffff, v41  }
0x2bc: {  	v52 =	vadd.s32 s19, v8;
	v38 =	vadd.f32 v38, v16;
	v54 =	vadd.f32 v25, v16;
	v25 =	vld [tilespmem:s24+$0xFFFFFFC0];
	[tilespmem:v48+s3+$0x0] =	vst.idx.msk $0xffff, v26  }
0x2bd: {  	v53 =	vadd.s32 s19, v9;
	v23 =	vadd.f32 v23, v17;
	v56 =	vadd.f32 v24, v17;
	v24 =	vld [tilespmem:s24+$0xFFFFFFE0];
	[tilespmem:v49+s3+$0x0] =	vst.idx.msk $0xffff, v35  }
0x2be: {  	v55 =	vadd.s32 s19, v10;
	v62 =	vadd.f32 v30, v17;
	v30 =	vld [tilespmem:s24+$0xFFFFFF30];
	[tilespmem:v42+s3+$0x0] =	vst.idx.msk $0xffff, v38  }
0x2bf: {  	v57 =	vadd.s32 s19, v11;
	v40 =	vadd.f32 v37, v16;
	v37 =	vld [tilespmem:s24+$0xFFFFFF60];
	[tilespmem:v50+s3+$0x0] =	vst.idx.msk $0xffff, v23  }
0x2c0: {  	v58 =	vadd.s32 s19, v12;
	v29 =	vadd.f32 v29, v16;
	v18 =	vld [tilespmem:s24+$0xFFFFFFF0];
	[tilespmem:v51+s3+$0x0] =	vst.idx.msk $0xffff, v54  }
0x2c1: {  	v59 =	vadd.s32 s19, v13;
	v28 =	vadd.f32 v28, v17;
	v27 =	vld [tilespmem:s24+$0xFFFFFF80];
	[tilespmem:v52+s3+$0x0] =	vst.idx.msk $0xffff, v56  }
0x2c2: {  	v61 =	vadd.s32 s19, v14;
	v31 =	vadd.f32 v31, v16;
	v19 =	vld [tilespmem:s24+$0xFFFFFFD0];
	[tilespmem:v53+s3+$0x0] =	vst.idx.msk $0xffff, v29  }
0x2c3: {  	s15 =	simm.s32 $0x8;
	v63 =	vadd.f32 v32, v16;
	v32 =	vadd.s32 s19, v15;
	v29 =	vld [tilespmem:s24+$0xFFFFFF20];
	[tilespmem:v55+s3+$0x0] =	vst.idx.msk $0xffff, v28  }
0x2c4: {  	v34 =	vadd.s32 s15, v0;
	v26 =	vld [tilespmem:s24+$0xFFFFFFA0];
	[tilespmem:v57+s3+$0x0] =	vst.idx.msk $0xffff, v31  }
0x2c5: {  	v43 =	vadd.f32 v33, v17;
	v33 =	vadd.s32 s15, v1;
	v31 =	vld [tilespmem:s24+$0xFFFFFF40];
	[tilespmem:v58+s3+$0x0] =	vst.idx.msk $0xffff, v62  }
0x2c6: {  	v36 =	vadd.s32 s15, v2;
	v35 =	vld [tilespmem:s24+$0xFFFFFF50];
	[tilespmem:v59+s3+$0x0] =	vst.idx.msk $0xffff, v63  }
0x2c7: {  	s21 =	simm.s32 $0xB6F0;
	s19 =	simm.s32 $0x10;
	v39 =	vadd.f32 v60, v17;
	v38 =	vadd.s32 s15, v3;
	v23 =	vld [tilespmem:s24+$0x0];
	v28 =	vadd.s32 s15, v4;
	[tilespmem:v61+s3+$0x0] =	vst.idx.msk $0xffff, v43  }
.LBB2_13:
0x2c8: {  	v41 =	vld [tilespmem:s21+$0xFFFFFF70];
	v42 =	vadd.s32 s19, v4;
	p0 =	sne.s32 s19, $0x78;
	v29 =	vadd.f32 v29, v16;
	[tilespmem:v32+s3+$0x0] =	vst.idx.msk $0xffff, v40;
	s5 =	smov.u32 s19;
	s19 =	sadd.s32 $0x8, s19  }
0x2c9: {  	v32 =	vld [tilespmem:s21+$0xFFFFFF90];
	v30 =	vadd.f32 v30, v17;
	[tilespmem:v34+s3+$0x0] =	vst.idx.msk $0xffff, v39;
	v34 =	vadd.s32 s15, v5  }
0x2ca: {  	v39 =	vld [tilespmem:s21+$0xFFFFFFB0];
	v31 =	vadd.f32 v31, v16;
	[tilespmem:v33+s3+$0x0] =	vst.idx.msk $0xffff, v29;
	v29 =	vadd.s32 s15, v6  }
0x2cb: {  	v33 =	vld [tilespmem:s21+$0xFFFFFFD0];
	v35 =	vadd.f32 v35, v17;
	[tilespmem:v36+s3+$0x0] =	vst.idx.msk $0xffff, v30;
	v30 =	vadd.s32 s15, v7  }
0x2cc: {  	v36 =	vld [tilespmem:s21+$0xFFFFFFF0];
	v37 =	vadd.f32 v37, v16;
	[tilespmem:v38+s3+$0x0] =	vst.idx.msk $0xffff, v31;
	v31 =	vadd.s32 s15, v8  }
0x2cd: {  	v40 =	vadd.f32 v22, v17;
	v38 =	vld [tilespmem:s21+$0xFFFFFF80];
	[tilespmem:v28+s3+$0x0] =	vst.idx.msk $0xffff, v35;
	v35 =	vadd.s32 s15, v9;
	v22 =	vmovc v41;
	v28 =	vmov v42  }
0x2ce: {  	v27 =	vadd.f32 v27, v16;
	v41 =	vld [tilespmem:s21+$0xFFFFFFA0];
	[tilespmem:v34+s3+$0x0] =	vst.idx.msk $0xffff, v37;
	v34 =	vadd.s32 s15, v10  }
0x2cf: {  	v42 =	vadd.f32 v21, v17;
	v21 =	vmov v32;
	v37 =	vld [tilespmem:s21+$0xFFFFFFC0];
	[tilespmem:v29+s3+$0x0] =	vst.idx.msk $0xffff, v40;
	v40 =	vadd.s32 s15, v11  }
0x2d0: {  	v47 =	vadd.f32 v26, v16;
	v44 =	vadd.s32 s15, v12;
	v43 =	vld [tilespmem:s21+$0xFFFFFFE0];
	[tilespmem:v30+s3+$0x0] =	vst.idx.msk $0xffff, v27  }
0x2d1: {  	v30 =	vadd.f32 v20, v17;
	v20 =	vmov v39;
	v45 =	vld [tilespmem:s21+$0x0];
	[tilespmem:v31+s3+$0x0] =	vst.idx.msk $0xffff, v42;
	v42 =	vadd.s32 s15, v13  }
0x2d2: {  	v46 =	vadd.s32 s15, v14;
	v31 =	vadd.f32 v25, v16;
	v39 =	vld [tilespmem:s21+$0xFFFFFF10];
	[tilespmem:v35+s3+$0x0] =	vst.idx.msk $0xffff, v47;
	v27 =	vmov v38  }
.Ltmp5:
0x2d3: {  	v32 =	vadd.s32 s15, v15;
	s15 =	smov.u32 s5;
	v35 =	vadd.f32 v19, v17;
	v19 =	vmovc v33;
	v29 =	vld [tilespmem:s21+$0xFFFFFF20];
	[tilespmem:v34+s3+$0x0] =	vst.idx.msk $0xffff, v30;
	v26 =	vmov v41;
	(pc) =	sbr.rel @p0 .LBB2_13-.Ltmp5, $4  }
0x2d4: {  	v38 =	vadd.f32 v24, v16;
	v34 =	vadd.s32 s15, v0;
	v30 =	vld [tilespmem:s21+$0xFFFFFF30];
	[tilespmem:v40+s3+$0x0] =	vst.idx.msk $0xffff, v31;
	v25 =	vmov v37  }
0x2d5: {  	v33 =	vadd.s32 s15, v1;
	v41 =	vadd.f32 v18, v17;
	v18 =	vmovc v36;
	v31 =	vld [tilespmem:s21+$0xFFFFFF40];
	[tilespmem:v44+s3+$0x0] =	vst.idx.msk $0xffff, v35;
	v24 =	vmov v43  }
0x2d6: {  	v36 =	vadd.s32 s15, v2;
	v40 =	vadd.f32 v23, v16;
	v35 =	vld [tilespmem:s21+$0xFFFFFF50];
	[tilespmem:v42+s3+$0x0] =	vst.idx.msk $0xffff, v38;
	v23 =	vmov v45  }
0x2d7: {  	v38 =	vadd.s32 s15, v3;
	v39 =	vadd.f32 v39, v17;
	v37 =	vld [tilespmem:s21+$0xFFFFFF60];
	s21 =	sadd.s32 $0x100, s21;
	[tilespmem:v46+s3+$0x0] =	vst.idx.msk $0xffff, v41  }
0x2d8: {  	_ =	sdelay $0x3  }
0x2d9: {  	v29 =	vadd.f32 v29, v16;
	[tilespmem:v32+s3+$0x0] =	vst.idx.msk $0xffff, v40  }
0x2da: {  	v41 =	vadd.s32 s15, v5;
	v30 =	vadd.f32 v30, v17;
	[tilespmem:v34+s3+$0x0] =	vst.idx.msk $0xffff, v39  }
0x2db: {  	v31 =	vadd.f32 v31, v16;
	[tilespmem:v33+s3+$0x0] =	vst.idx.msk $0xffff, v29;
	v29 =	vadd.s32 s15, v6  }
0x2dc: {  	v42 =	vadd.f32 v35, v17;
	[tilespmem:v36+s3+$0x0] =	vst.idx.msk $0xffff, v30;
	v30 =	vadd.s32 s15, v7  }
0x2dd: {  	v43 =	vadd.f32 v37, v16;
	[tilespmem:v38+s3+$0x0] =	vst.idx.msk $0xffff, v31;
	v31 =	vadd.s32 s15, v8  }
0x2de: {  	v22 =	vadd.f32 v22, v17;
	[tilespmem:v28+s3+$0x0] =	vst.idx.msk $0xffff, v42;
	v28 =	vadd.s32 s15, v9  }
0x2df: {  	v27 =	vadd.f32 v27, v16;
	v44 =	vadd.s32 s15, v10;
	[tilespmem:v41+s3+$0x0] =	vst.idx.msk $0xffff, v43  }
0x2e0: {  	v21 =	vadd.f32 v21, v17;
	[tilespmem:v29+s3+$0x0] =	vst.idx.msk $0xffff, v22;
	v22 =	vadd.s32 s15, v11  }
0x2e1: {  	v26 =	vadd.f32 v26, v16;
	[tilespmem:v30+s3+$0x0] =	vst.idx.msk $0xffff, v27;
	v27 =	vadd.s32 s15, v12  }
0x2e2: {  	v20 =	vadd.f32 v20, v17;
	[tilespmem:v31+s3+$0x0] =	vst.idx.msk $0xffff, v21;
	v21 =	vadd.s32 s15, v13  }
0x2e3: {  	v25 =	vadd.f32 v25, v16;
	[tilespmem:v28+s3+$0x0] =	vst.idx.msk $0xffff, v26;
	v26 =	vadd.s32 s15, v14  }
0x2e4: {  	v19 =	vadd.f32 v19, v17;
	[tilespmem:v44+s3+$0x0] =	vst.idx.msk $0xffff, v20;
	v20 =	vadd.s32 s15, v15  }
0x2e5: {  	v24 =	vadd.f32 v24, v16;
	[tilespmem:v22+s3+$0x0] =	vst.idx.msk $0xffff, v25  }
0x2e6: {  	v17 =	vadd.f32 v18, v17;
	[tilespmem:v27+s3+$0x0] =	vst.idx.msk $0xffff, v19  }
0x2e7: {  	s23 =	sor.u32 $0x6, s18;
	v16 =	vadd.f32 v23, v16;
	[tilespmem:v21+s3+$0x0] =	vst.idx.msk $0xffff, v24  }
0x2e8: {  	s5 =	sshll.u32 s23, $0x5;
	[tilespmem:v26+s3+$0x0] =	vst.idx.msk $0xffff, v17  }
0x2e9: {  	s5 =	sand.u32 $0x3FFFFFE0, s5;
	[tilespmem:v20+s3+$0x0] =	vst.idx.msk $0xffff, v16  }
0x2ea: {  	v17 =	vld [tilespmem:s5+$0x16C00]  }
0x2eb: {  	s21 =	simm.s32 $0xC4F0;
	v16 =	vld [tilespmem:s5+$0x16C10]  }
0x2ec: {  	v23 =	vld [tilespmem:s21+$0xFFFFFF70]  }
0x2ed: {  	v24 =	vld [tilespmem:s21+$0xFFFFFF90]  }
0x2ee: {  	v28 =	vld [tilespmem:s21+$0xFFFFFFB0]  }
0x2ef: {  	v30 =	vld [tilespmem:s21+$0xFFFFFFD0]  }
0x2f0: {  	v33 =	vld [tilespmem:s21+$0xFFFFFFF0]  }
0x2f1: {  	v25 =	vld [tilespmem:s21+$0xFFFFFF80]  }
0x2f2: {  	v29 =	vld [tilespmem:s21+$0xFFFFFFA0]  }
0x2f3: {  	v31 =	vld [tilespmem:s21+$0xFFFFFFC0]  }
0x2f4: {  	v32 =	vld [tilespmem:s21+$0xFFFFFFE0]  }
0x2f5: {  	v37 =	vld [tilespmem:s21+$0x0]  }
0x2f6: {  	v18 =	vld [tilespmem:s21+$0xFFFFFF10]  }
0x2f7: {  	s19 =	simm.s32 $0x0;
	v19 =	vld [tilespmem:s21+$0xFFFFFF20]  }
0x2f8: {  	v26 =	vadd.s32 s19, v0;
	v20 =	vld [tilespmem:s21+$0xFFFFFF30]  }
0x2f9: {  	v45 =	vadd.s32 s19, v1;
	v27 =	vld [tilespmem:s21+$0xFFFFFF40]  }
0x2fa: {  	v47 =	vadd.s32 s19, v2;
	v46 =	vld [tilespmem:s21+$0xFFFFFF50]  }
0x2fb: {  	s24 =	simm.s32 $0xC5F0;
	v48 =	vadd.s32 s19, v3;
	v38 =	vld [tilespmem:s21+$0xFFFFFF60];
	v18 =	vadd.f32 v18, v17  }
0x2fc: {  	v49 =	vadd.s32 s19, v4;
	v22 =	vld [tilespmem:s24+$0xFFFFFF70];
	v19 =	vadd.f32 v19, v16  }
0x2fd: {  	v42 =	vadd.s32 s19, v5;
	v21 =	vld [tilespmem:s24+$0xFFFFFF90];
	v41 =	vadd.f32 v20, v17;
	[tilespmem:v26+s12+$0x0] =	vst.idx.msk $0xffff, v18  }
0x2fe: {  	v50 =	vadd.s32 s19, v6;
	v60 =	vld [tilespmem:s24+$0xFFFFFF10];
	v26 =	vadd.f32 v27, v16;
	[tilespmem:v45+s12+$0x0] =	vst.idx.msk $0xffff, v19  }
0x2ff: {  	v51 =	vadd.s32 s19, v7;
	v20 =	vld [tilespmem:s24+$0xFFFFFFB0];
	v35 =	vadd.f32 v46, v17;
	[tilespmem:v47+s12+$0x0] =	vst.idx.msk $0xffff, v41  }
0x300: {  	v52 =	vadd.s32 s19, v8;
	v38 =	vadd.f32 v38, v16;
	v54 =	vadd.f32 v25, v16;
	v25 =	vld [tilespmem:s24+$0xFFFFFFC0];
	[tilespmem:v48+s12+$0x0] =	vst.idx.msk $0xffff, v26  }
0x301: {  	v53 =	vadd.s32 s19, v9;
	v23 =	vadd.f32 v23, v17;
	v56 =	vadd.f32 v24, v17;
	v24 =	vld [tilespmem:s24+$0xFFFFFFE0];
	[tilespmem:v49+s12+$0x0] =	vst.idx.msk $0xffff, v35  }
0x302: {  	v55 =	vadd.s32 s19, v10;
	v62 =	vadd.f32 v30, v17;
	v30 =	vld [tilespmem:s24+$0xFFFFFF30];
	[tilespmem:v42+s12+$0x0] =	vst.idx.msk $0xffff, v38  }
0x303: {  	v57 =	vadd.s32 s19, v11;
	v40 =	vadd.f32 v37, v16;
	v37 =	vld [tilespmem:s24+$0xFFFFFF60];
	[tilespmem:v50+s12+$0x0] =	vst.idx.msk $0xffff, v23  }
0x304: {  	v58 =	vadd.s32 s19, v12;
	v29 =	vadd.f32 v29, v16;
	v18 =	vld [tilespmem:s24+$0xFFFFFFF0];
	[tilespmem:v51+s12+$0x0] =	vst.idx.msk $0xffff, v54  }
0x305: {  	v59 =	vadd.s32 s19, v13;
	v28 =	vadd.f32 v28, v17;
	v27 =	vld [tilespmem:s24+$0xFFFFFF80];
	[tilespmem:v52+s12+$0x0] =	vst.idx.msk $0xffff, v56  }
0x306: {  	v61 =	vadd.s32 s19, v14;
	v31 =	vadd.f32 v31, v16;
	v19 =	vld [tilespmem:s24+$0xFFFFFFD0];
	[tilespmem:v53+s12+$0x0] =	vst.idx.msk $0xffff, v29  }
0x307: {  	s15 =	simm.s32 $0x8;
	v63 =	vadd.f32 v32, v16;
	v32 =	vadd.s32 s19, v15;
	v29 =	vld [tilespmem:s24+$0xFFFFFF20];
	[tilespmem:v55+s12+$0x0] =	vst.idx.msk $0xffff, v28  }
0x308: {  	v34 =	vadd.s32 s15, v0;
	v26 =	vld [tilespmem:s24+$0xFFFFFFA0];
	[tilespmem:v57+s12+$0x0] =	vst.idx.msk $0xffff, v31  }
0x309: {  	v43 =	vadd.f32 v33, v17;
	v33 =	vadd.s32 s15, v1;
	v31 =	vld [tilespmem:s24+$0xFFFFFF40];
	[tilespmem:v58+s12+$0x0] =	vst.idx.msk $0xffff, v62  }
0x30a: {  	v36 =	vadd.s32 s15, v2;
	v35 =	vld [tilespmem:s24+$0xFFFFFF50];
	[tilespmem:v59+s12+$0x0] =	vst.idx.msk $0xffff, v63  }
0x30b: {  	s21 =	simm.s32 $0xC6F0;
	s19 =	simm.s32 $0x10;
	v39 =	vadd.f32 v60, v17;
	v38 =	vadd.s32 s15, v3;
	v23 =	vld [tilespmem:s24+$0x0];
	v28 =	vadd.s32 s15, v4;
	[tilespmem:v61+s12+$0x0] =	vst.idx.msk $0xffff, v43  }
.LBB2_15:
0x30c: {  	v41 =	vld [tilespmem:s21+$0xFFFFFF70];
	v42 =	vadd.s32 s19, v4;
	p0 =	sne.s32 s19, $0x78;
	v29 =	vadd.f32 v29, v16;
	[tilespmem:v32+s12+$0x0] =	vst.idx.msk $0xffff, v40;
	s5 =	smov.u32 s19;
	s19 =	sadd.s32 $0x8, s19  }
0x30d: {  	v32 =	vld [tilespmem:s21+$0xFFFFFF90];
	v30 =	vadd.f32 v30, v17;
	[tilespmem:v34+s12+$0x0] =	vst.idx.msk $0xffff, v39;
	v34 =	vadd.s32 s15, v5  }
0x30e: {  	v39 =	vld [tilespmem:s21+$0xFFFFFFB0];
	v31 =	vadd.f32 v31, v16;
	[tilespmem:v33+s12+$0x0] =	vst.idx.msk $0xffff, v29;
	v29 =	vadd.s32 s15, v6  }
0x30f: {  	v33 =	vld [tilespmem:s21+$0xFFFFFFD0];
	v35 =	vadd.f32 v35, v17;
	[tilespmem:v36+s12+$0x0] =	vst.idx.msk $0xffff, v30;
	v30 =	vadd.s32 s15, v7  }
0x310: {  	v36 =	vld [tilespmem:s21+$0xFFFFFFF0];
	v37 =	vadd.f32 v37, v16;
	[tilespmem:v38+s12+$0x0] =	vst.idx.msk $0xffff, v31;
	v31 =	vadd.s32 s15, v8  }
0x311: {  	v40 =	vadd.f32 v22, v17;
	v38 =	vld [tilespmem:s21+$0xFFFFFF80];
	[tilespmem:v28+s12+$0x0] =	vst.idx.msk $0xffff, v35;
	v35 =	vadd.s32 s15, v9;
	v22 =	vmovc v41;
	v28 =	vmov v42  }
0x312: {  	v27 =	vadd.f32 v27, v16;
	v41 =	vld [tilespmem:s21+$0xFFFFFFA0];
	[tilespmem:v34+s12+$0x0] =	vst.idx.msk $0xffff, v37;
	v34 =	vadd.s32 s15, v10  }
0x313: {  	v42 =	vadd.f32 v21, v17;
	v21 =	vmov v32;
	v37 =	vld [tilespmem:s21+$0xFFFFFFC0];
	[tilespmem:v29+s12+$0x0] =	vst.idx.msk $0xffff, v40;
	v40 =	vadd.s32 s15, v11  }
0x314: {  	v47 =	vadd.f32 v26, v16;
	v44 =	vadd.s32 s15, v12;
	v43 =	vld [tilespmem:s21+$0xFFFFFFE0];
	[tilespmem:v30+s12+$0x0] =	vst.idx.msk $0xffff, v27  }
0x315: {  	v30 =	vadd.f32 v20, v17;
	v20 =	vmov v39;
	v45 =	vld [tilespmem:s21+$0x0];
	[tilespmem:v31+s12+$0x0] =	vst.idx.msk $0xffff, v42;
	v42 =	vadd.s32 s15, v13  }
0x316: {  	v46 =	vadd.s32 s15, v14;
	v31 =	vadd.f32 v25, v16;
	v39 =	vld [tilespmem:s21+$0xFFFFFF10];
	[tilespmem:v35+s12+$0x0] =	vst.idx.msk $0xffff, v47;
	v27 =	vmov v38  }
.Ltmp6:
0x317: {  	v32 =	vadd.s32 s15, v15;
	s15 =	smov.u32 s5;
	v35 =	vadd.f32 v19, v17;
	v19 =	vmovc v33;
	v29 =	vld [tilespmem:s21+$0xFFFFFF20];
	[tilespmem:v34+s12+$0x0] =	vst.idx.msk $0xffff, v30;
	v26 =	vmov v41;
	(pc) =	sbr.rel @p0 .LBB2_15-.Ltmp6, $4  }
0x318: {  	v38 =	vadd.f32 v24, v16;
	v34 =	vadd.s32 s15, v0;
	v30 =	vld [tilespmem:s21+$0xFFFFFF30];
	[tilespmem:v40+s12+$0x0] =	vst.idx.msk $0xffff, v31;
	v25 =	vmov v37  }
0x319: {  	v33 =	vadd.s32 s15, v1;
	v41 =	vadd.f32 v18, v17;
	v18 =	vmovc v36;
	v31 =	vld [tilespmem:s21+$0xFFFFFF40];
	[tilespmem:v44+s12+$0x0] =	vst.idx.msk $0xffff, v35;
	v24 =	vmov v43  }
0x31a: {  	v36 =	vadd.s32 s15, v2;
	v40 =	vadd.f32 v23, v16;
	v35 =	vld [tilespmem:s21+$0xFFFFFF50];
	[tilespmem:v42+s12+$0x0] =	vst.idx.msk $0xffff, v38;
	v23 =	vmov v45  }
0x31b: {  	v38 =	vadd.s32 s15, v3;
	v39 =	vadd.f32 v39, v17;
	v37 =	vld [tilespmem:s21+$0xFFFFFF60];
	s21 =	sadd.s32 $0x100, s21;
	[tilespmem:v46+s12+$0x0] =	vst.idx.msk $0xffff, v41  }
0x31c: {  	_ =	sdelay $0x3  }
0x31d: {  	v29 =	vadd.f32 v29, v16;
	[tilespmem:v32+s12+$0x0] =	vst.idx.msk $0xffff, v40  }
0x31e: {  	v41 =	vadd.s32 s15, v5;
	v30 =	vadd.f32 v30, v17;
	[tilespmem:v34+s12+$0x0] =	vst.idx.msk $0xffff, v39  }
0x31f: {  	v31 =	vadd.f32 v31, v16;
	[tilespmem:v33+s12+$0x0] =	vst.idx.msk $0xffff, v29;
	v29 =	vadd.s32 s15, v6  }
0x320: {  	v42 =	vadd.f32 v35, v17;
	[tilespmem:v36+s12+$0x0] =	vst.idx.msk $0xffff, v30;
	v30 =	vadd.s32 s15, v7  }
0x321: {  	v43 =	vadd.f32 v37, v16;
	[tilespmem:v38+s12+$0x0] =	vst.idx.msk $0xffff, v31;
	v31 =	vadd.s32 s15, v8  }
0x322: {  	v22 =	vadd.f32 v22, v17;
	[tilespmem:v28+s12+$0x0] =	vst.idx.msk $0xffff, v42;
	v28 =	vadd.s32 s15, v9  }
0x323: {  	v27 =	vadd.f32 v27, v16;
	v44 =	vadd.s32 s15, v10;
	[tilespmem:v41+s12+$0x0] =	vst.idx.msk $0xffff, v43  }
0x324: {  	v21 =	vadd.f32 v21, v17;
	[tilespmem:v29+s12+$0x0] =	vst.idx.msk $0xffff, v22;
	v22 =	vadd.s32 s15, v11  }
0x325: {  	v26 =	vadd.f32 v26, v16;
	[tilespmem:v30+s12+$0x0] =	vst.idx.msk $0xffff, v27;
	v27 =	vadd.s32 s15, v12  }
0x326: {  	v20 =	vadd.f32 v20, v17;
	[tilespmem:v31+s12+$0x0] =	vst.idx.msk $0xffff, v21;
	v21 =	vadd.s32 s15, v13  }
0x327: {  	v25 =	vadd.f32 v25, v16;
	[tilespmem:v28+s12+$0x0] =	vst.idx.msk $0xffff, v26;
	v26 =	vadd.s32 s15, v14  }
0x328: {  	v19 =	vadd.f32 v19, v17;
	[tilespmem:v44+s12+$0x0] =	vst.idx.msk $0xffff, v20;
	v20 =	vadd.s32 s15, v15  }
0x329: {  	v24 =	vadd.f32 v24, v16;
	[tilespmem:v22+s12+$0x0] =	vst.idx.msk $0xffff, v25  }
0x32a: {  	v17 =	vadd.f32 v18, v17;
	[tilespmem:v27+s12+$0x0] =	vst.idx.msk $0xffff, v19  }
0x32b: {  	s18 =	sor.u32 $0x7, s18;
	v16 =	vadd.f32 v23, v16;
	[tilespmem:v21+s12+$0x0] =	vst.idx.msk $0xffff, v24  }
0x32c: {  	s5 =	sshll.u32 s18, $0x5;
	[tilespmem:v26+s12+$0x0] =	vst.idx.msk $0xffff, v17  }
0x32d: {  	s5 =	sand.u32 $0x3FFFFFE0, s5;
	[tilespmem:v20+s12+$0x0] =	vst.idx.msk $0xffff, v16  }
0x32e: {  	v17 =	vld [tilespmem:s5+$0x16C00]  }
0x32f: {  	s21 =	simm.s32 $0xD4F0;
	v16 =	vld [tilespmem:s5+$0x16C10]  }
0x330: {  	v23 =	vld [tilespmem:s21+$0xFFFFFF70]  }
0x331: {  	v24 =	vld [tilespmem:s21+$0xFFFFFF90]  }
0x332: {  	v28 =	vld [tilespmem:s21+$0xFFFFFFB0]  }
0x333: {  	v30 =	vld [tilespmem:s21+$0xFFFFFFD0]  }
0x334: {  	v33 =	vld [tilespmem:s21+$0xFFFFFFF0]  }
0x335: {  	v25 =	vld [tilespmem:s21+$0xFFFFFF80]  }
0x336: {  	v29 =	vld [tilespmem:s21+$0xFFFFFFA0]  }
0x337: {  	v31 =	vld [tilespmem:s21+$0xFFFFFFC0]  }
0x338: {  	v32 =	vld [tilespmem:s21+$0xFFFFFFE0]  }
0x339: {  	v37 =	vld [tilespmem:s21+$0x0]  }
0x33a: {  	v18 =	vld [tilespmem:s21+$0xFFFFFF10]  }
0x33b: {  	s19 =	simm.s32 $0x0;
	v19 =	vld [tilespmem:s21+$0xFFFFFF20]  }
0x33c: {  	v26 =	vadd.s32 s19, v0;
	v20 =	vld [tilespmem:s21+$0xFFFFFF30]  }
0x33d: {  	v45 =	vadd.s32 s19, v1;
	v27 =	vld [tilespmem:s21+$0xFFFFFF40]  }
0x33e: {  	v47 =	vadd.s32 s19, v2;
	v46 =	vld [tilespmem:s21+$0xFFFFFF50]  }
0x33f: {  	s24 =	simm.s32 $0xD5F0;
	v48 =	vadd.s32 s19, v3;
	v38 =	vld [tilespmem:s21+$0xFFFFFF60];
	v18 =	vadd.f32 v18, v17  }
0x340: {  	v49 =	vadd.s32 s19, v4;
	v22 =	vld [tilespmem:s24+$0xFFFFFF70];
	v19 =	vadd.f32 v19, v16  }
0x341: {  	v42 =	vadd.s32 s19, v5;
	v21 =	vld [tilespmem:s24+$0xFFFFFF90];
	v41 =	vadd.f32 v20, v17;
	[tilespmem:v26+s14+$0x0] =	vst.idx.msk $0xffff, v18  }
0x342: {  	v50 =	vadd.s32 s19, v6;
	v60 =	vld [tilespmem:s24+$0xFFFFFF10];
	v26 =	vadd.f32 v27, v16;
	[tilespmem:v45+s14+$0x0] =	vst.idx.msk $0xffff, v19  }
0x343: {  	v51 =	vadd.s32 s19, v7;
	v20 =	vld [tilespmem:s24+$0xFFFFFFB0];
	v35 =	vadd.f32 v46, v17;
	[tilespmem:v47+s14+$0x0] =	vst.idx.msk $0xffff, v41  }
0x344: {  	v52 =	vadd.s32 s19, v8;
	v38 =	vadd.f32 v38, v16;
	v54 =	vadd.f32 v25, v16;
	v25 =	vld [tilespmem:s24+$0xFFFFFFC0];
	[tilespmem:v48+s14+$0x0] =	vst.idx.msk $0xffff, v26  }
0x345: {  	v53 =	vadd.s32 s19, v9;
	v23 =	vadd.f32 v23, v17;
	v56 =	vadd.f32 v24, v17;
	v24 =	vld [tilespmem:s24+$0xFFFFFFE0];
	[tilespmem:v49+s14+$0x0] =	vst.idx.msk $0xffff, v35  }
0x346: {  	v55 =	vadd.s32 s19, v10;
	v62 =	vadd.f32 v30, v17;
	v30 =	vld [tilespmem:s24+$0xFFFFFF30];
	[tilespmem:v42+s14+$0x0] =	vst.idx.msk $0xffff, v38  }
0x347: {  	v57 =	vadd.s32 s19, v11;
	v40 =	vadd.f32 v37, v16;
	v37 =	vld [tilespmem:s24+$0xFFFFFF60];
	[tilespmem:v50+s14+$0x0] =	vst.idx.msk $0xffff, v23  }
0x348: {  	v58 =	vadd.s32 s19, v12;
	v29 =	vadd.f32 v29, v16;
	v18 =	vld [tilespmem:s24+$0xFFFFFFF0];
	[tilespmem:v51+s14+$0x0] =	vst.idx.msk $0xffff, v54  }
0x349: {  	v59 =	vadd.s32 s19, v13;
	v28 =	vadd.f32 v28, v17;
	v27 =	vld [tilespmem:s24+$0xFFFFFF80];
	[tilespmem:v52+s14+$0x0] =	vst.idx.msk $0xffff, v56  }
0x34a: {  	v61 =	vadd.s32 s19, v14;
	v31 =	vadd.f32 v31, v16;
	v19 =	vld [tilespmem:s24+$0xFFFFFFD0];
	[tilespmem:v53+s14+$0x0] =	vst.idx.msk $0xffff, v29  }
0x34b: {  	s15 =	simm.s32 $0x8;
	v63 =	vadd.f32 v32, v16;
	v32 =	vadd.s32 s19, v15;
	v29 =	vld [tilespmem:s24+$0xFFFFFF20];
	[tilespmem:v55+s14+$0x0] =	vst.idx.msk $0xffff, v28  }
0x34c: {  	v34 =	vadd.s32 s15, v0;
	v26 =	vld [tilespmem:s24+$0xFFFFFFA0];
	[tilespmem:v57+s14+$0x0] =	vst.idx.msk $0xffff, v31  }
0x34d: {  	v43 =	vadd.f32 v33, v17;
	v33 =	vadd.s32 s15, v1;
	v31 =	vld [tilespmem:s24+$0xFFFFFF40];
	[tilespmem:v58+s14+$0x0] =	vst.idx.msk $0xffff, v62  }
0x34e: {  	v36 =	vadd.s32 s15, v2;
	v35 =	vld [tilespmem:s24+$0xFFFFFF50];
	[tilespmem:v59+s14+$0x0] =	vst.idx.msk $0xffff, v63  }
0x34f: {  	s21 =	simm.s32 $0xD6F0;
	s19 =	simm.s32 $0x10;
	v39 =	vadd.f32 v60, v17;
	v38 =	vadd.s32 s15, v3;
	v23 =	vld [tilespmem:s24+$0x0];
	v28 =	vadd.s32 s15, v4;
	[tilespmem:v61+s14+$0x0] =	vst.idx.msk $0xffff, v43  }
.LBB2_17:
0x350: {  	v41 =	vld [tilespmem:s21+$0xFFFFFF70];
	v42 =	vadd.s32 s19, v4;
	p0 =	sne.s32 s19, $0x78;
	v29 =	vadd.f32 v29, v16;
	[tilespmem:v32+s14+$0x0] =	vst.idx.msk $0xffff, v40;
	s5 =	smov.u32 s19;
	s19 =	sadd.s32 $0x8, s19  }
0x351: {  	v32 =	vld [tilespmem:s21+$0xFFFFFF90];
	v30 =	vadd.f32 v30, v17;
	[tilespmem:v34+s14+$0x0] =	vst.idx.msk $0xffff, v39;
	v34 =	vadd.s32 s15, v5  }
0x352: {  	v39 =	vld [tilespmem:s21+$0xFFFFFFB0];
	v31 =	vadd.f32 v31, v16;
	[tilespmem:v33+s14+$0x0] =	vst.idx.msk $0xffff, v29;
	v29 =	vadd.s32 s15, v6  }
0x353: {  	v33 =	vld [tilespmem:s21+$0xFFFFFFD0];
	v35 =	vadd.f32 v35, v17;
	[tilespmem:v36+s14+$0x0] =	vst.idx.msk $0xffff, v30;
	v30 =	vadd.s32 s15, v7  }
0x354: {  	v36 =	vld [tilespmem:s21+$0xFFFFFFF0];
	v37 =	vadd.f32 v37, v16;
	[tilespmem:v38+s14+$0x0] =	vst.idx.msk $0xffff, v31;
	v31 =	vadd.s32 s15, v8  }
0x355: {  	v40 =	vadd.f32 v22, v17;
	v38 =	vld [tilespmem:s21+$0xFFFFFF80];
	[tilespmem:v28+s14+$0x0] =	vst.idx.msk $0xffff, v35;
	v35 =	vadd.s32 s15, v9;
	v22 =	vmovc v41;
	v28 =	vmov v42  }
0x356: {  	v27 =	vadd.f32 v27, v16;
	v41 =	vld [tilespmem:s21+$0xFFFFFFA0];
	[tilespmem:v34+s14+$0x0] =	vst.idx.msk $0xffff, v37;
	v34 =	vadd.s32 s15, v10  }
0x357: {  	v42 =	vadd.f32 v21, v17;
	v21 =	vmov v32;
	v37 =	vld [tilespmem:s21+$0xFFFFFFC0];
	[tilespmem:v29+s14+$0x0] =	vst.idx.msk $0xffff, v40;
	v40 =	vadd.s32 s15, v11  }
0x358: {  	v47 =	vadd.f32 v26, v16;
	v44 =	vadd.s32 s15, v12;
	v43 =	vld [tilespmem:s21+$0xFFFFFFE0];
	[tilespmem:v30+s14+$0x0] =	vst.idx.msk $0xffff, v27  }
0x359: {  	v30 =	vadd.f32 v20, v17;
	v20 =	vmov v39;
	v45 =	vld [tilespmem:s21+$0x0];
	[tilespmem:v31+s14+$0x0] =	vst.idx.msk $0xffff, v42;
	v42 =	vadd.s32 s15, v13  }
0x35a: {  	v46 =	vadd.s32 s15, v14;
	v31 =	vadd.f32 v25, v16;
	v39 =	vld [tilespmem:s21+$0xFFFFFF10];
	[tilespmem:v35+s14+$0x0] =	vst.idx.msk $0xffff, v47;
	v27 =	vmov v38  }
.Ltmp7:
0x35b: {  	v32 =	vadd.s32 s15, v15;
	s15 =	smov.u32 s5;
	v35 =	vadd.f32 v19, v17;
	v19 =	vmovc v33;
	v29 =	vld [tilespmem:s21+$0xFFFFFF20];
	[tilespmem:v34+s14+$0x0] =	vst.idx.msk $0xffff, v30;
	v26 =	vmov v41;
	(pc) =	sbr.rel @p0 .LBB2_17-.Ltmp7, $4  }
0x35c: {  	v38 =	vadd.f32 v24, v16;
	v34 =	vadd.s32 s15, v0;
	v30 =	vld [tilespmem:s21+$0xFFFFFF30];
	[tilespmem:v40+s14+$0x0] =	vst.idx.msk $0xffff, v31;
	v25 =	vmov v37  }
0x35d: {  	v33 =	vadd.s32 s15, v1;
	v41 =	vadd.f32 v18, v17;
	v18 =	vmovc v36;
	v31 =	vld [tilespmem:s21+$0xFFFFFF40];
	[tilespmem:v44+s14+$0x0] =	vst.idx.msk $0xffff, v35;
	v24 =	vmov v43  }
0x35e: {  	v36 =	vadd.s32 s15, v2;
	v40 =	vadd.f32 v23, v16;
	v35 =	vld [tilespmem:s21+$0xFFFFFF50];
	[tilespmem:v42+s14+$0x0] =	vst.idx.msk $0xffff, v38;
	v23 =	vmov v45  }
0x35f: {  	v38 =	vadd.s32 s15, v3;
	v39 =	vadd.f32 v39, v17;
	v37 =	vld [tilespmem:s21+$0xFFFFFF60];
	s21 =	sadd.s32 $0x100, s21;
	[tilespmem:v46+s14+$0x0] =	vst.idx.msk $0xffff, v41  }
0x360: {  	_ =	sdelay $0x3  }
0x361: {  	v29 =	vadd.f32 v29, v16;
	[tilespmem:v32+s14+$0x0] =	vst.idx.msk $0xffff, v40  }
0x362: {  	v51 =	vadd.s32 s15, v5;
	v30 =	vadd.f32 v30, v17;
	[tilespmem:v34+s14+$0x0] =	vst.idx.msk $0xffff, v39  }
0x363: {  	v52 =	vadd.s32 s15, v6;
	v31 =	vadd.f32 v31, v16;
	[tilespmem:v33+s14+$0x0] =	vst.idx.msk $0xffff, v29  }
0x364: {  	v54 =	vadd.s32 s15, v7;
	v53 =	vadd.f32 v35, v17;
	[tilespmem:v36+s14+$0x0] =	vst.idx.msk $0xffff, v30  }
0x365: {  	v56 =	vadd.s32 s15, v8;
	v55 =	vadd.f32 v37, v16;
	[tilespmem:v38+s14+$0x0] =	vst.idx.msk $0xffff, v31  }
0x366: {  	v22 =	vadd.f32 v22, v17;
	v57 =	vadd.s32 s15, v9;
	[tilespmem:v28+s14+$0x0] =	vst.idx.msk $0xffff, v53  }
0x367: {  	v27 =	vadd.f32 v27, v16;
	v58 =	vadd.s32 s15, v10;
	[tilespmem:v51+s14+$0x0] =	vst.idx.msk $0xffff, v55  }
0x368: {  	v21 =	vadd.f32 v21, v17;
	v59 =	vadd.s32 s15, v11;
	[tilespmem:v52+s14+$0x0] =	vst.idx.msk $0xffff, v22  }
0x369: {  	v26 =	vadd.f32 v26, v16;
	v60 =	vadd.s32 s15, v12;
	[tilespmem:v54+s14+$0x0] =	vst.idx.msk $0xffff, v27  }
0x36a: {  	v20 =	vadd.f32 v20, v17;
	v61 =	vadd.s32 s15, v13;
	[tilespmem:v56+s14+$0x0] =	vst.idx.msk $0xffff, v21  }
0x36b: {  	v25 =	vadd.f32 v25, v16;
	v62 =	vadd.s32 s15, v14;
	[tilespmem:v57+s14+$0x0] =	vst.idx.msk $0xffff, v26  }
0x36c: {  	v19 =	vadd.f32 v19, v17;
	v63 =	vadd.s32 s15, v15;
	[tilespmem:v58+s14+$0x0] =	vst.idx.msk $0xffff, v20  }
0x36d: {  	v24 =	vadd.f32 v24, v16;
	[tilespmem:v59+s14+$0x0] =	vst.idx.msk $0xffff, v25  }
0x36e: {  	v17 =	vadd.f32 v18, v17;
	[tilespmem:v60+s14+$0x0] =	vst.idx.msk $0xffff, v19  }
0x36f: {  	s5 =	sshll.u32 s20, $0xE;
	v16 =	vadd.f32 v23, v16;
	[tilespmem:v61+s14+$0x0] =	vst.idx.msk $0xffff, v24  }
0x370: {  	s5 =	sor.u32 s6, s5;
	[tilespmem:v62+s14+$0x0] =	vst.idx.msk $0xffff, v17  }
0x371: {  	s15 =	sadd.s32 s1, s5;
	[tilespmem:v63+s14+$0x0] =	vst.idx.msk $0xffff, v16  }
0x372: {  	[hbm4b:s15+s2] =	stream.linear.scatter [tilespmem:s26], [sflag:$0x4], $0x80, $0x38;
	[tilespmem:$0x18500] =	vst v63  }
0x373: {  	s24 =	simm.s32 $0x12888;
	s19 =	sadd.s32 $0x10, s15  }
0x374: {  	[hbm4b:s19+s2] =	stream.linear.scatter [tilespmem:s24], [sflag:$0x4], $0x80, $0x38;
	[tilespmem:$0x18500] =	vst v63  }
0x375: {  	s21 =	sadd.s32 $0x20, s15;
	s24 =	simm.s32 $0x12910  }
0x376: {  	[hbm4b:s21+s2] =	stream.linear.scatter [tilespmem:s24], [sflag:$0x4], $0x80, $0x38;
	[tilespmem:$0x18500] =	vst v63  }
0x377: {  	s21 =	sadd.s32 $0x30, s15;
	s24 =	simm.s32 $0x12998  }
0x378: {  	[hbm4b:s21+s2] =	stream.linear.scatter [tilespmem:s24], [sflag:$0x4], $0x80, $0x38;
	[tilespmem:$0x18500] =	vst v63  }
0x379: {  	s21 =	sadd.s32 $0x40, s15;
	s24 =	simm.s32 $0x12A20  }
0x37a: {  	[hbm4b:s21+s2] =	stream.linear.scatter [tilespmem:s24], [sflag:$0x4], $0x80, $0x38;
	[tilespmem:$0x18500] =	vst v63  }
0x37b: {  	s21 =	sadd.s32 $0x50, s15;
	s24 =	simm.s32 $0x12AA8  }
0x37c: {  	[hbm4b:s21+s2] =	stream.linear.scatter [tilespmem:s24], [sflag:$0x4], $0x80, $0x38;
	[tilespmem:$0x18500] =	vst v63  }
0x37d: {  	s20 =	sadd.s32 $0x60, s15;
	s21 =	simm.s32 $0x12B30  }
0x37e: {  	[hbm4b:s20+s2] =	stream.linear.scatter [tilespmem:s21], [sflag:$0x4], $0x80, $0x38;
	[tilespmem:$0x18500] =	vst v63  }
0x37f: {  	s15 =	sadd.s32 $0x70, s15;
	s24 =	simm.s32 $0x12BB8  }
0x380: {  	[hbm4b:s15+s2] =	stream.linear.scatter [tilespmem:s24], [sflag:$0x4], $0x80, $0x38;
	[tilespmem:$0x18500] =	vst v63  }
0x381: {  	s20 =	simm.s32 $0x12C40;
	s15 =	sadd.s32 s5, s8  }
0x382: {  	[hbm4b:s15+s2] =	stream.linear.scatter [tilespmem:s20], [sflag:$0x4], $0x80, $0x38;
	[tilespmem:$0x18500] =	vst v63  }
0x383: {  	s24 =	simm.s32 $0x12CC8;
	s21 =	sadd.s32 $0x10, s15  }
0x384: {  	[hbm4b:s21+s2] =	stream.linear.scatter [tilespmem:s24], [sflag:$0x4], $0x80, $0x38;
	[tilespmem:$0x18500] =	vst v63  }
0x385: {  	s21 =	sadd.s32 $0x20, s15;
	s24 =	simm.s32 $0x12D50  }
0x386: {  	[hbm4b:s21+s2] =	stream.linear.scatter [tilespmem:s24], [sflag:$0x4], $0x80, $0x38;
	[tilespmem:$0x18500] =	vst v63  }
0x387: {  	s21 =	sadd.s32 $0x30, s15;
	s24 =	simm.s32 $0x12DD8  }
0x388: {  	[hbm4b:s21+s2] =	stream.linear.scatter [tilespmem:s24], [sflag:$0x4], $0x80, $0x38;
	[tilespmem:$0x18500] =	vst v63  }
0x389: {  	s21 =	sadd.s32 $0x40, s15;
	s24 =	simm.s32 $0x12E60  }
0x38a: {  	[hbm4b:s21+s2] =	stream.linear.scatter [tilespmem:s24], [sflag:$0x4], $0x80, $0x38;
	[tilespmem:$0x18500] =	vst v63  }
0x38b: {  	s21 =	sadd.s32 $0x50, s15;
	s24 =	simm.s32 $0x12EE8  }
0x38c: {  	[hbm4b:s21+s2] =	stream.linear.scatter [tilespmem:s24], [sflag:$0x4], $0x80, $0x38;
	[tilespmem:$0x18500] =	vst v63  }
0x38d: {  	s20 =	sadd.s32 $0x60, s15;
	s21 =	simm.s32 $0x12F70  }
0x38e: {  	[hbm4b:s20+s2] =	stream.linear.scatter [tilespmem:s21], [sflag:$0x4], $0x80, $0x38;
	[tilespmem:$0x18500] =	vst v63  }
0x38f: {  	s15 =	sadd.s32 $0x70, s15;
	s24 =	simm.s32 $0x12FF8  }
0x390: {  	[hbm4b:s15+s2] =	stream.linear.scatter [tilespmem:s24], [sflag:$0x4], $0x80, $0x38;
	[tilespmem:$0x18500] =	vst v63  }
0x391: {  	s20 =	simm.s32 $0x13080;
	s15 =	sadd.s32 s5, s9  }
0x392: {  	[hbm4b:s15+s2] =	stream.linear.scatter [tilespmem:s20], [sflag:$0x4], $0x80, $0x38;
	[tilespmem:$0x18500] =	vst v63  }
0x393: {  	s24 =	simm.s32 $0x13108;
	s21 =	sadd.s32 $0x10, s15  }
0x394: {  	[hbm4b:s21+s2] =	stream.linear.scatter [tilespmem:s24], [sflag:$0x4], $0x80, $0x38;
	[tilespmem:$0x18500] =	vst v63  }
0x395: {  	s21 =	sadd.s32 $0x20, s15;
	s24 =	simm.s32 $0x13190  }
0x396: {  	[hbm4b:s21+s2] =	stream.linear.scatter [tilespmem:s24], [sflag:$0x4], $0x80, $0x38;
	[tilespmem:$0x18500] =	vst v63  }
0x397: {  	s21 =	sadd.s32 $0x30, s15;
	s24 =	simm.s32 $0x13218  }
0x398: {  	[hbm4b:s21+s2] =	stream.linear.scatter [tilespmem:s24], [sflag:$0x4], $0x80, $0x38;
	[tilespmem:$0x18500] =	vst v63  }
0x399: {  	s21 =	sadd.s32 $0x40, s15;
	s24 =	simm.s32 $0x132A0  }
0x39a: {  	[hbm4b:s21+s2] =	stream.linear.scatter [tilespmem:s24], [sflag:$0x4], $0x80, $0x38;
	[tilespmem:$0x18500] =	vst v63  }
0x39b: {  	s21 =	sadd.s32 $0x50, s15;
	s24 =	simm.s32 $0x13328  }
0x39c: {  	[hbm4b:s21+s2] =	stream.linear.scatter [tilespmem:s24], [sflag:$0x4], $0x80, $0x38;
	[tilespmem:$0x18500] =	vst v63  }
0x39d: {  	s21 =	sadd.s32 $0x60, s15;
	s24 =	simm.s32 $0x133B0  }
0x39e: {  	[hbm4b:s21+s2] =	stream.linear.scatter [tilespmem:s24], [sflag:$0x4], $0x80, $0x38;
	[tilespmem:$0x18500] =	vst v63  }
0x39f: {  	s15 =	sadd.s32 $0x70, s15;
	s21 =	simm.s32 $0x13438  }
0x3a0: {  	[hbm4b:s15+s2] =	stream.linear.scatter [tilespmem:s21], [sflag:$0x4], $0x80, $0x38;
	[tilespmem:$0x18500] =	vst v63  }
0x3a1: {  	s5 =	sadd.s32 s5, s10;
	s24 =	simm.s32 $0x134C0  }
0x3a2: {  	[hbm4b:s5+s2] =	stream.linear.scatter [tilespmem:s24], [sflag:$0x4], $0x80, $0x38;
	[tilespmem:$0x18500] =	vst v63  }
0x3a3: {  	s19 =	sadd.s32 $0x10, s5;
	s20 =	simm.s32 $0x13548  }
0x3a4: {  	[hbm4b:s19+s2] =	stream.linear.scatter [tilespmem:s20], [sflag:$0x4], $0x80, $0x38;
	[tilespmem:$0x18500] =	vst v63  }
0x3a5: {  	s21 =	sadd.s32 $0x20, s5;
	s24 =	simm.s32 $0x135D0  }
0x3a6: {  	[hbm4b:s21+s2] =	stream.linear.scatter [tilespmem:s24], [sflag:$0x4], $0x80, $0x38;
	[tilespmem:$0x18500] =	vst v63  }
0x3a7: {  	s19 =	sadd.s32 $0x30, s5;
	s20 =	simm.s32 $0x13658  }
0x3a8: {  	[hbm4b:s19+s2] =	stream.linear.scatter [tilespmem:s20], [sflag:$0x4], $0x80, $0x38;
	[tilespmem:$0x18500] =	vst v63  }
0x3a9: {  	s21 =	sadd.s32 $0x40, s5;
	s24 =	simm.s32 $0x136E0  }
0x3aa: {  	[hbm4b:s21+s2] =	stream.linear.scatter [tilespmem:s24], [sflag:$0x4], $0x80, $0x38;
	[tilespmem:$0x18500] =	vst v63  }
0x3ab: {  	s19 =	sadd.s32 $0x50, s5;
	s20 =	simm.s32 $0x13768  }
0x3ac: {  	[hbm4b:s19+s2] =	stream.linear.scatter [tilespmem:s20], [sflag:$0x4], $0x80, $0x38;
	[tilespmem:$0x18500] =	vst v63  }
0x3ad: {  	s21 =	sadd.s32 $0x60, s5;
	s24 =	simm.s32 $0x137F0  }
0x3ae: {  	[hbm4b:s21+s2] =	stream.linear.scatter [tilespmem:s24], [sflag:$0x4], $0x80, $0x38;
	[tilespmem:$0x18500] =	vst v63  }
0x3af: {  	s5 =	sadd.s32 $0x70, s5;
	s20 =	simm.s32 $0x13878;
	s21 =	sshll.u32 s22, $0xE  }
0x3b0: {  	[hbm4b:s5+s2] =	stream.linear.scatter [tilespmem:s20], [sflag:$0x4], $0x80, $0x38;
	[tilespmem:$0x18500] =	vst v63  }
0x3b1: {  	s5 =	sor.u32 s6, s21  }
0x3b2: {  	s15 =	sadd.s32 s1, s5  }
0x3b3: {  	[hbm4b:s15+s2] =	stream.linear.scatter [tilespmem:s3], [sflag:$0x4], $0x80, $0x38;
	[tilespmem:$0x18500] =	vst v63  }
0x3b4: {  	s24 =	simm.s32 $0x13988;
	s22 =	sadd.s32 $0x10, s15  }
0x3b5: {  	[hbm4b:s22+s2] =	stream.linear.scatter [tilespmem:s24], [sflag:$0x4], $0x80, $0x38;
	[tilespmem:$0x18500] =	vst v63  }
0x3b6: {  	s21 =	simm.s32 $0x13A10;
	s20 =	sadd.s32 $0x20, s15  }
0x3b7: {  	[hbm4b:s20+s2] =	stream.linear.scatter [tilespmem:s21], [sflag:$0x4], $0x80, $0x38;
	[tilespmem:$0x18500] =	vst v63  }
0x3b8: {  	s22 =	sadd.s32 $0x30, s15;
	s24 =	simm.s32 $0x13A98  }
0x3b9: {  	[hbm4b:s22+s2] =	stream.linear.scatter [tilespmem:s24], [sflag:$0x4], $0x80, $0x38;
	[tilespmem:$0x18500] =	vst v63  }
0x3ba: {  	s20 =	sadd.s32 $0x40, s15;
	s21 =	simm.s32 $0x13B20  }
0x3bb: {  	[hbm4b:s20+s2] =	stream.linear.scatter [tilespmem:s21], [sflag:$0x4], $0x80, $0x38;
	[tilespmem:$0x18500] =	vst v63  }
0x3bc: {  	s22 =	sadd.s32 $0x50, s15;
	s24 =	simm.s32 $0x13BA8  }
0x3bd: {  	[hbm4b:s22+s2] =	stream.linear.scatter [tilespmem:s24], [sflag:$0x4], $0x80, $0x38;
	[tilespmem:$0x18500] =	vst v63  }
0x3be: {  	s20 =	sadd.s32 $0x60, s15;
	s21 =	simm.s32 $0x13C30  }
0x3bf: {  	[hbm4b:s20+s2] =	stream.linear.scatter [tilespmem:s21], [sflag:$0x4], $0x80, $0x38;
	[tilespmem:$0x18500] =	vst v63  }
0x3c0: {  	s15 =	sadd.s32 $0x70, s15;
	s22 =	simm.s32 $0x13CB8  }
0x3c1: {  	[hbm4b:s15+s2] =	stream.linear.scatter [tilespmem:s22], [sflag:$0x4], $0x80, $0x38;
	[tilespmem:$0x18500] =	vst v63  }
0x3c2: {  	s24 =	simm.s32 $0x13D40;
	s15 =	sadd.s32 s5, s8  }
0x3c3: {  	[hbm4b:s15+s2] =	stream.linear.scatter [tilespmem:s24], [sflag:$0x4], $0x80, $0x38;
	[tilespmem:$0x18500] =	vst v63  }
0x3c4: {  	s21 =	simm.s32 $0x13DC8;
	s20 =	sadd.s32 $0x10, s15  }
0x3c5: {  	[hbm4b:s20+s2] =	stream.linear.scatter [tilespmem:s21], [sflag:$0x4], $0x80, $0x38;
	[tilespmem:$0x18500] =	vst v63  }
0x3c6: {  	s22 =	sadd.s32 $0x20, s15;
	s24 =	simm.s32 $0x13E50  }
0x3c7: {  	[hbm4b:s22+s2] =	stream.linear.scatter [tilespmem:s24], [sflag:$0x4], $0x80, $0x38;
	[tilespmem:$0x18500] =	vst v63  }
0x3c8: {  	s20 =	sadd.s32 $0x30, s15;
	s21 =	simm.s32 $0x13ED8  }
0x3c9: {  	[hbm4b:s20+s2] =	stream.linear.scatter [tilespmem:s21], [sflag:$0x4], $0x80, $0x38;
	[tilespmem:$0x18500] =	vst v63  }
0x3ca: {  	s22 =	sadd.s32 $0x40, s15;
	s24 =	simm.s32 $0x13F60  }
0x3cb: {  	[hbm4b:s22+s2] =	stream.linear.scatter [tilespmem:s24], [sflag:$0x4], $0x80, $0x38;
	[tilespmem:$0x18500] =	vst v63  }
0x3cc: {  	s20 =	sadd.s32 $0x50, s15;
	s21 =	simm.s32 $0x13FE8  }
0x3cd: {  	[hbm4b:s20+s2] =	stream.linear.scatter [tilespmem:s21], [sflag:$0x4], $0x80, $0x38;
	[tilespmem:$0x18500] =	vst v63  }
0x3ce: {  	s22 =	sadd.s32 $0x60, s15;
	s24 =	simm.s32 $0x14070  }
0x3cf: {  	[hbm4b:s22+s2] =	stream.linear.scatter [tilespmem:s24], [sflag:$0x4], $0x80, $0x38;
	[tilespmem:$0x18500] =	vst v63  }
0x3d0: {  	s15 =	sadd.s32 $0x70, s15;
	s20 =	simm.s32 $0x140F8  }
0x3d1: {  	[hbm4b:s15+s2] =	stream.linear.scatter [tilespmem:s20], [sflag:$0x4], $0x80, $0x38;
	[tilespmem:$0x18500] =	vst v63  }
0x3d2: {  	s21 =	simm.s32 $0x14180;
	s15 =	sadd.s32 s5, s9  }
0x3d3: {  	[hbm4b:s15+s2] =	stream.linear.scatter [tilespmem:s21], [sflag:$0x4], $0x80, $0x38;
	[tilespmem:$0x18500] =	vst v63  }
0x3d4: {  	s24 =	simm.s32 $0x14208;
	s22 =	sadd.s32 $0x10, s15  }
0x3d5: {  	[hbm4b:s22+s2] =	stream.linear.scatter [tilespmem:s24], [sflag:$0x4], $0x80, $0x38;
	[tilespmem:$0x18500] =	vst v63  }
0x3d6: {  	s20 =	sadd.s32 $0x20, s15;
	s21 =	simm.s32 $0x14290  }
0x3d7: {  	[hbm4b:s20+s2] =	stream.linear.scatter [tilespmem:s21], [sflag:$0x4], $0x80, $0x38;
	[tilespmem:$0x18500] =	vst v63  }
0x3d8: {  	s22 =	sadd.s32 $0x30, s15;
	s24 =	simm.s32 $0x14318  }
0x3d9: {  	[hbm4b:s22+s2] =	stream.linear.scatter [tilespmem:s24], [sflag:$0x4], $0x80, $0x38;
	[tilespmem:$0x18500] =	vst v63  }
0x3da: {  	s20 =	sadd.s32 $0x40, s15;
	s21 =	simm.s32 $0x143A0  }
0x3db: {  	[hbm4b:s20+s2] =	stream.linear.scatter [tilespmem:s21], [sflag:$0x4], $0x80, $0x38;
	[tilespmem:$0x18500] =	vst v63  }
0x3dc: {  	s22 =	sadd.s32 $0x50, s15;
	s24 =	simm.s32 $0x14428  }
0x3dd: {  	[hbm4b:s22+s2] =	stream.linear.scatter [tilespmem:s24], [sflag:$0x4], $0x80, $0x38;
	[tilespmem:$0x18500] =	vst v63  }
0x3de: {  	s21 =	sadd.s32 $0x60, s15;
	s22 =	simm.s32 $0x144B0  }
0x3df: {  	[hbm4b:s21+s2] =	stream.linear.scatter [tilespmem:s22], [sflag:$0x4], $0x80, $0x38;
	[tilespmem:$0x18500] =	vst v63  }
0x3e0: {  	s15 =	sadd.s32 $0x70, s15;
	s24 =	simm.s32 $0x14538  }
0x3e1: {  	[hbm4b:s15+s2] =	stream.linear.scatter [tilespmem:s24], [sflag:$0x4], $0x80, $0x38;
	[tilespmem:$0x18500] =	vst v63  }
0x3e2: {  	s19 =	simm.s32 $0x145C0;
	s5 =	sadd.s32 s5, s10  }
0x3e3: {  	[hbm4b:s5+s2] =	stream.linear.scatter [tilespmem:s19], [sflag:$0x4], $0x80, $0x38;
	[tilespmem:$0x18500] =	vst v63  }
0x3e4: {  	s20 =	sadd.s32 $0x10, s5;
	s21 =	simm.s32 $0x14648  }
0x3e5: {  	[hbm4b:s20+s2] =	stream.linear.scatter [tilespmem:s21], [sflag:$0x4], $0x80, $0x38;
	[tilespmem:$0x18500] =	vst v63  }
0x3e6: {  	s22 =	sadd.s32 $0x20, s5;
	s24 =	simm.s32 $0x146D0  }
0x3e7: {  	[hbm4b:s22+s2] =	stream.linear.scatter [tilespmem:s24], [sflag:$0x4], $0x80, $0x38;
	[tilespmem:$0x18500] =	vst v63  }
0x3e8: {  	s20 =	sadd.s32 $0x30, s5;
	s21 =	simm.s32 $0x14758  }
0x3e9: {  	[hbm4b:s20+s2] =	stream.linear.scatter [tilespmem:s21], [sflag:$0x4], $0x80, $0x38;
	[tilespmem:$0x18500] =	vst v63  }
0x3ea: {  	s22 =	sadd.s32 $0x40, s5;
	s24 =	simm.s32 $0x147E0  }
0x3eb: {  	[hbm4b:s22+s2] =	stream.linear.scatter [tilespmem:s24], [sflag:$0x4], $0x80, $0x38;
	[tilespmem:$0x18500] =	vst v63  }
0x3ec: {  	s20 =	sadd.s32 $0x50, s5;
	s21 =	simm.s32 $0x14868  }
0x3ed: {  	[hbm4b:s20+s2] =	stream.linear.scatter [tilespmem:s21], [sflag:$0x4], $0x80, $0x38;
	[tilespmem:$0x18500] =	vst v63  }
0x3ee: {  	s22 =	sadd.s32 $0x60, s5;
	s24 =	simm.s32 $0x148F0  }
0x3ef: {  	[hbm4b:s22+s2] =	stream.linear.scatter [tilespmem:s24], [sflag:$0x4], $0x80, $0x38;
	[tilespmem:$0x18500] =	vst v63  }
0x3f0: {  	s19 =	simm.s32 $0x14978;
	s5 =	sadd.s32 $0x70, s5;
	s20 =	sshll.u32 s23, $0xE  }
0x3f1: {  	[hbm4b:s5+s2] =	stream.linear.scatter [tilespmem:s19], [sflag:$0x4], $0x80, $0x38;
	[tilespmem:$0x18500] =	vst v63  }
0x3f2: {  	s5 =	sor.u32 s6, s20  }
0x3f3: {  	s15 =	sadd.s32 s1, s5  }
0x3f4: {  	[hbm4b:s15+s2] =	stream.linear.scatter [tilespmem:s12], [sflag:$0x4], $0x80, $0x38;
	[tilespmem:$0x18500] =	vst v63  }
0x3f5: {  	s22 =	simm.s32 $0x14A88;
	s21 =	sadd.s32 $0x10, s15  }
0x3f6: {  	[hbm4b:s21+s2] =	stream.linear.scatter [tilespmem:s22], [sflag:$0x4], $0x80, $0x38;
	[tilespmem:$0x18500] =	vst v63  }
0x3f7: {  	s24 =	simm.s32 $0x14B10;
	s23 =	sadd.s32 $0x20, s15  }
0x3f8: {  	[hbm4b:s23+s2] =	stream.linear.scatter [tilespmem:s24], [sflag:$0x4], $0x80, $0x38;
	[tilespmem:$0x18500] =	vst v63  }
0x3f9: {  	s21 =	sadd.s32 $0x30, s15;
	s22 =	simm.s32 $0x14B98  }
0x3fa: {  	[hbm4b:s21+s2] =	stream.linear.scatter [tilespmem:s22], [sflag:$0x4], $0x80, $0x38;
	[tilespmem:$0x18500] =	vst v63  }
0x3fb: {  	s23 =	sadd.s32 $0x40, s15;
	s24 =	simm.s32 $0x14C20  }
0x3fc: {  	[hbm4b:s23+s2] =	stream.linear.scatter [tilespmem:s24], [sflag:$0x4], $0x80, $0x38;
	[tilespmem:$0x18500] =	vst v63  }
0x3fd: {  	s20 =	sadd.s32 $0x50, s15;
	s21 =	simm.s32 $0x14CA8  }
0x3fe: {  	[hbm4b:s20+s2] =	stream.linear.scatter [tilespmem:s21], [sflag:$0x4], $0x80, $0x38;
	[tilespmem:$0x18500] =	vst v63  }
0x3ff: {  	s22 =	sadd.s32 $0x60, s15;
	s23 =	simm.s32 $0x14D30  }
0x400: {  	[hbm4b:s22+s2] =	stream.linear.scatter [tilespmem:s23], [sflag:$0x4], $0x80, $0x38;
	[tilespmem:$0x18500] =	vst v63  }
0x401: {  	s15 =	sadd.s32 $0x70, s15;
	s24 =	simm.s32 $0x14DB8  }
0x402: {  	[hbm4b:s15+s2] =	stream.linear.scatter [tilespmem:s24], [sflag:$0x4], $0x80, $0x38;
	[tilespmem:$0x18500] =	vst v63  }
0x403: {  	s20 =	simm.s32 $0x14E40;
	s15 =	sadd.s32 s5, s8  }
0x404: {  	[hbm4b:s15+s2] =	stream.linear.scatter [tilespmem:s20], [sflag:$0x4], $0x80, $0x38;
	[tilespmem:$0x18500] =	vst v63  }
0x405: {  	s22 =	simm.s32 $0x14EC8;
	s21 =	sadd.s32 $0x10, s15  }
0x406: {  	[hbm4b:s21+s2] =	stream.linear.scatter [tilespmem:s22], [sflag:$0x4], $0x80, $0x38;
	[tilespmem:$0x18500] =	vst v63  }
0x407: {  	s24 =	simm.s32 $0x14F50;
	s23 =	sadd.s32 $0x20, s15  }
0x408: {  	[hbm4b:s23+s2] =	stream.linear.scatter [tilespmem:s24], [sflag:$0x4], $0x80, $0x38;
	[tilespmem:$0x18500] =	vst v63  }
0x409: {  	s21 =	sadd.s32 $0x30, s15;
	s22 =	simm.s32 $0x14FD8  }
0x40a: {  	[hbm4b:s21+s2] =	stream.linear.scatter [tilespmem:s22], [sflag:$0x4], $0x80, $0x38;
	[tilespmem:$0x18500] =	vst v63  }
0x40b: {  	s23 =	sadd.s32 $0x40, s15;
	s24 =	simm.s32 $0x15060  }
0x40c: {  	[hbm4b:s23+s2] =	stream.linear.scatter [tilespmem:s24], [sflag:$0x4], $0x80, $0x38;
	[tilespmem:$0x18500] =	vst v63  }
0x40d: {  	s21 =	sadd.s32 $0x50, s15;
	s22 =	simm.s32 $0x150E8  }
0x40e: {  	[hbm4b:s21+s2] =	stream.linear.scatter [tilespmem:s22], [sflag:$0x4], $0x80, $0x38;
	[tilespmem:$0x18500] =	vst v63  }
0x40f: {  	s23 =	sadd.s32 $0x60, s15;
	s24 =	simm.s32 $0x15170  }
0x410: {  	[hbm4b:s23+s2] =	stream.linear.scatter [tilespmem:s24], [sflag:$0x4], $0x80, $0x38;
	[tilespmem:$0x18500] =	vst v63  }
0x411: {  	s15 =	sadd.s32 $0x70, s15;
	s21 =	simm.s32 $0x151F8  }
0x412: {  	[hbm4b:s15+s2] =	stream.linear.scatter [tilespmem:s21], [sflag:$0x4], $0x80, $0x38;
	[tilespmem:$0x18500] =	vst v63  }
0x413: {  	s22 =	simm.s32 $0x15280;
	s15 =	sadd.s32 s5, s9  }
0x414: {  	[hbm4b:s15+s2] =	stream.linear.scatter [tilespmem:s22], [sflag:$0x4], $0x80, $0x38;
	[tilespmem:$0x18500] =	vst v63  }
0x415: {  	s24 =	simm.s32 $0x15308;
	s23 =	sadd.s32 $0x10, s15  }
0x416: {  	[hbm4b:s23+s2] =	stream.linear.scatter [tilespmem:s24], [sflag:$0x4], $0x80, $0x38;
	[tilespmem:$0x18500] =	vst v63  }
0x417: {  	s21 =	sadd.s32 $0x20, s15;
	s22 =	simm.s32 $0x15390  }
0x418: {  	[hbm4b:s21+s2] =	stream.linear.scatter [tilespmem:s22], [sflag:$0x4], $0x80, $0x38;
	[tilespmem:$0x18500] =	vst v63  }
0x419: {  	s23 =	sadd.s32 $0x30, s15;
	s24 =	simm.s32 $0x15418  }
0x41a: {  	[hbm4b:s23+s2] =	stream.linear.scatter [tilespmem:s24], [sflag:$0x4], $0x80, $0x38;
	[tilespmem:$0x18500] =	vst v63  }
0x41b: {  	s21 =	sadd.s32 $0x40, s15;
	s22 =	simm.s32 $0x154A0  }
0x41c: {  	[hbm4b:s21+s2] =	stream.linear.scatter [tilespmem:s22], [sflag:$0x4], $0x80, $0x38;
	[tilespmem:$0x18500] =	vst v63  }
0x41d: {  	s23 =	sadd.s32 $0x50, s15;
	s24 =	simm.s32 $0x15528  }
0x41e: {  	[hbm4b:s23+s2] =	stream.linear.scatter [tilespmem:s24], [sflag:$0x4], $0x80, $0x38;
	[tilespmem:$0x18500] =	vst v63  }
0x41f: {  	s21 =	sadd.s32 $0x60, s15;
	s22 =	simm.s32 $0x155B0  }
0x420: {  	[hbm4b:s21+s2] =	stream.linear.scatter [tilespmem:s22], [sflag:$0x4], $0x80, $0x38;
	[tilespmem:$0x18500] =	vst v63  }
0x421: {  	s15 =	sadd.s32 $0x70, s15;
	s23 =	simm.s32 $0x15638  }
0x422: {  	[hbm4b:s15+s2] =	stream.linear.scatter [tilespmem:s23], [sflag:$0x4], $0x80, $0x38;
	[tilespmem:$0x18500] =	vst v63  }
0x423: {  	s5 =	sadd.s32 s5, s10;
	s24 =	simm.s32 $0x156C0  }
0x424: {  	[hbm4b:s5+s2] =	stream.linear.scatter [tilespmem:s24], [sflag:$0x4], $0x80, $0x38;
	[tilespmem:$0x18500] =	vst v63  }
0x425: {  	s20 =	simm.s32 $0x15748;
	s19 =	sadd.s32 $0x10, s5  }
0x426: {  	[hbm4b:s19+s2] =	stream.linear.scatter [tilespmem:s20], [sflag:$0x4], $0x80, $0x38;
	[tilespmem:$0x18500] =	vst v63  }
0x427: {  	s21 =	sadd.s32 $0x20, s5;
	s22 =	simm.s32 $0x157D0  }
0x428: {  	[hbm4b:s21+s2] =	stream.linear.scatter [tilespmem:s22], [sflag:$0x4], $0x80, $0x38;
	[tilespmem:$0x18500] =	vst v63  }
0x429: {  	s23 =	sadd.s32 $0x30, s5;
	s24 =	simm.s32 $0x15858  }
0x42a: {  	[hbm4b:s23+s2] =	stream.linear.scatter [tilespmem:s24], [sflag:$0x4], $0x80, $0x38;
	[tilespmem:$0x18500] =	vst v63  }
0x42b: {  	s19 =	sadd.s32 $0x40, s5;
	s20 =	simm.s32 $0x158E0  }
0x42c: {  	[hbm4b:s19+s2] =	stream.linear.scatter [tilespmem:s20], [sflag:$0x4], $0x80, $0x38;
	[tilespmem:$0x18500] =	vst v63  }
0x42d: {  	s21 =	sadd.s32 $0x50, s5;
	s22 =	simm.s32 $0x15968  }
0x42e: {  	[hbm4b:s21+s2] =	stream.linear.scatter [tilespmem:s22], [sflag:$0x4], $0x80, $0x38;
	[tilespmem:$0x18500] =	vst v63  }
0x42f: {  	s23 =	sadd.s32 $0x60, s5;
	s24 =	simm.s32 $0x159F0  }
0x430: {  	[hbm4b:s23+s2] =	stream.linear.scatter [tilespmem:s24], [sflag:$0x4], $0x80, $0x38;
	[tilespmem:$0x18500] =	vst v63  }
0x431: {  	s5 =	sadd.s32 $0x70, s5;
	s19 =	simm.s32 $0x15A78;
	s20 =	sshll.u32 s18, $0xE  }
0x432: {  	[hbm4b:s5+s2] =	stream.linear.scatter [tilespmem:s19], [sflag:$0x4], $0x80, $0x38;
	[tilespmem:$0x18500] =	vst v63  }
0x433: {  	s5 =	sor.u32 s6, s20  }
0x434: {  	s15 =	sadd.s32 s1, s5  }
0x435: {  	[hbm4b:s15+s2] =	stream.linear.scatter [tilespmem:s14], [sflag:$0x4], $0x80, $0x38;
	[tilespmem:$0x18500] =	vst v63  }
0x436: {  	s22 =	simm.s32 $0x15B88;
	s21 =	sadd.s32 $0x10, s15  }
0x437: {  	[hbm4b:s21+s2] =	stream.linear.scatter [tilespmem:s22], [sflag:$0x4], $0x80, $0x38;
	[tilespmem:$0x18500] =	vst v63  }
0x438: {  	s24 =	simm.s32 $0x15C10;
	s23 =	sadd.s32 $0x20, s15  }
0x439: {  	[hbm4b:s23+s2] =	stream.linear.scatter [tilespmem:s24], [sflag:$0x4], $0x80, $0x38;
	[tilespmem:$0x18500] =	vst v63  }
0x43a: {  	s20 =	simm.s32 $0x15C98;
	s19 =	sadd.s32 $0x30, s15  }
0x43b: {  	[hbm4b:s19+s2] =	stream.linear.scatter [tilespmem:s20], [sflag:$0x4], $0x80, $0x38;
	[tilespmem:$0x18500] =	vst v63  }
0x43c: {  	s21 =	sadd.s32 $0x40, s15;
	s22 =	simm.s32 $0x15D20  }
0x43d: {  	[hbm4b:s21+s2] =	stream.linear.scatter [tilespmem:s22], [sflag:$0x4], $0x80, $0x38;
	[tilespmem:$0x18500] =	vst v63  }
0x43e: {  	s23 =	sadd.s32 $0x50, s15;
	s24 =	simm.s32 $0x15DA8  }
0x43f: {  	[hbm4b:s23+s2] =	stream.linear.scatter [tilespmem:s24], [sflag:$0x4], $0x80, $0x38;
	[tilespmem:$0x18500] =	vst v63  }
0x440: {  	s19 =	sadd.s32 $0x60, s15;
	s20 =	simm.s32 $0x15E30  }
0x441: {  	[hbm4b:s19+s2] =	stream.linear.scatter [tilespmem:s20], [sflag:$0x4], $0x80, $0x38;
	[tilespmem:$0x18500] =	vst v63  }
0x442: {  	s15 =	sadd.s32 $0x70, s15;
	s21 =	simm.s32 $0x15EB8  }
0x443: {  	[hbm4b:s15+s2] =	stream.linear.scatter [tilespmem:s21], [sflag:$0x4], $0x80, $0x38;
	[tilespmem:$0x18500] =	vst v63  }
0x444: {  	s22 =	simm.s32 $0x15F40;
	s15 =	sadd.s32 s5, s8  }
0x445: {  	[hbm4b:s15+s2] =	stream.linear.scatter [tilespmem:s22], [sflag:$0x4], $0x80, $0x38;
	[tilespmem:$0x18500] =	vst v63  }
0x446: {  	s24 =	simm.s32 $0x15FC8;
	s23 =	sadd.s32 $0x10, s15  }
0x447: {  	[hbm4b:s23+s2] =	stream.linear.scatter [tilespmem:s24], [sflag:$0x4], $0x80, $0x38;
	[tilespmem:$0x18500] =	vst v63  }
0x448: {  	s20 =	simm.s32 $0x16050;
	s19 =	sadd.s32 $0x20, s15  }
0x449: {  	[hbm4b:s19+s2] =	stream.linear.scatter [tilespmem:s20], [sflag:$0x4], $0x80, $0x38;
	[tilespmem:$0x18500] =	vst v63  }
0x44a: {  	s21 =	sadd.s32 $0x30, s15;
	s22 =	simm.s32 $0x160D8  }
0x44b: {  	[hbm4b:s21+s2] =	stream.linear.scatter [tilespmem:s22], [sflag:$0x4], $0x80, $0x38;
	[tilespmem:$0x18500] =	vst v63  }
0x44c: {  	s23 =	sadd.s32 $0x40, s15;
	s24 =	simm.s32 $0x16160  }
0x44d: {  	[hbm4b:s23+s2] =	stream.linear.scatter [tilespmem:s24], [sflag:$0x4], $0x80, $0x38;
	[tilespmem:$0x18500] =	vst v63  }
0x44e: {  	s20 =	sadd.s32 $0x50, s15;
	s21 =	simm.s32 $0x161E8  }
0x44f: {  	[hbm4b:s20+s2] =	stream.linear.scatter [tilespmem:s21], [sflag:$0x4], $0x80, $0x38;
	[tilespmem:$0x18500] =	vst v63  }
0x450: {  	s22 =	sadd.s32 $0x60, s15;
	s23 =	simm.s32 $0x16270  }
0x451: {  	[hbm4b:s22+s2] =	stream.linear.scatter [tilespmem:s23], [sflag:$0x4], $0x80, $0x38;
	[tilespmem:$0x18500] =	vst v63  }
0x452: {  	s15 =	sadd.s32 $0x70, s15;
	s24 =	simm.s32 $0x162F8  }
0x453: {  	[hbm4b:s15+s2] =	stream.linear.scatter [tilespmem:s24], [sflag:$0x4], $0x80, $0x38;
	[tilespmem:$0x18500] =	vst v63  }
0x454: {  	s15 =	sadd.s32 s5, s9  }
0x455: {  	[hbm4b:s15+s2] =	stream.linear.scatter [tilespmem:s7], [sflag:$0x4], $0x80, $0x38;
	[tilespmem:$0x18500] =	vst v63  }
0x456: {  	s19 =	sadd.s32 $0x10, s15  }
0x457: {  	[hbm4b:s19+s2] =	stream.linear.scatter [tilespmem:s11], [sflag:$0x4], $0x80, $0x38;
	[tilespmem:$0x18500] =	vst v63  }
0x458: {  	s20 =	sadd.s32 $0x20, s15  }
0x459: {  	[hbm4b:s20+s2] =	stream.linear.scatter [tilespmem:s13], [sflag:$0x4], $0x80, $0x38;
	[tilespmem:$0x18500] =	vst v63  }
0x45a: {  	s22 =	simm.s32 $0x16518;
	s21 =	sadd.s32 $0x30, s15  }
0x45b: {  	[hbm4b:s21+s2] =	stream.linear.scatter [tilespmem:s22], [sflag:$0x4], $0x80, $0x38;
	[tilespmem:$0x18500] =	vst v63  }
0x45c: {  	s24 =	simm.s32 $0x165A0;
	s23 =	sadd.s32 $0x40, s15  }
0x45d: {  	[hbm4b:s23+s2] =	stream.linear.scatter [tilespmem:s24], [sflag:$0x4], $0x80, $0x38;
	[tilespmem:$0x18500] =	vst v63  }
0x45e: {  	s20 =	sadd.s32 $0x50, s15;
	s21 =	simm.s32 $0x16628  }
0x45f: {  	[hbm4b:s20+s2] =	stream.linear.scatter [tilespmem:s21], [sflag:$0x4], $0x80, $0x38;
	[tilespmem:$0x18500] =	vst v63  }
0x460: {  	s22 =	sadd.s32 $0x60, s15;
	s23 =	simm.s32 $0x166B0  }
0x461: {  	[hbm4b:s22+s2] =	stream.linear.scatter [tilespmem:s23], [sflag:$0x4], $0x80, $0x38;
	[tilespmem:$0x18500] =	vst v63  }
0x462: {  	s15 =	sadd.s32 $0x70, s15;
	s24 =	simm.s32 $0x16738  }
0x463: {  	[hbm4b:s15+s2] =	stream.linear.scatter [tilespmem:s24], [sflag:$0x4], $0x80, $0x38;
	[tilespmem:$0x18500] =	vst v63  }
0x464: {  	s18 =	simm.s32 $0x167C0;
	s5 =	sadd.s32 s5, s10  }
0x465: {  	[hbm4b:s5+s2] =	stream.linear.scatter [tilespmem:s18], [sflag:$0x4], $0x80, $0x38;
	[tilespmem:$0x18500] =	vst v63  }
0x466: {  	s19 =	sadd.s32 $0x10, s5;
	s20 =	simm.s32 $0x16848  }
0x467: {  	[hbm4b:s19+s2] =	stream.linear.scatter [tilespmem:s20], [sflag:$0x4], $0x80, $0x38;
	[tilespmem:$0x18500] =	vst v63  }
0x468: {  	s21 =	sadd.s32 $0x20, s5;
	s22 =	simm.s32 $0x168D0  }
0x469: {  	[hbm4b:s21+s2] =	stream.linear.scatter [tilespmem:s22], [sflag:$0x4], $0x80, $0x38;
	[tilespmem:$0x18500] =	vst v63  }
0x46a: {  	s23 =	sadd.s32 $0x30, s5;
	s24 =	simm.s32 $0x16958  }
0x46b: {  	[hbm4b:s23+s2] =	stream.linear.scatter [tilespmem:s24], [sflag:$0x4], $0x80, $0x38;
	[tilespmem:$0x18500] =	vst v63  }
0x46c: {  	s17 =	sadd.s32 $0x1, s17;
	s18 =	sadd.s32 $0x40, s5;
	s19 =	simm.s32 $0x169E0  }
0x46d: {  	[hbm4b:s18+s2] =	stream.linear.scatter [tilespmem:s19], [sflag:$0x4], $0x80, $0x38;
	[tilespmem:$0x18500] =	vst v63  }
0x46e: {  	p0 =	sne.s32 s17, $0x19;
	s20 =	sadd.s32 $0x50, s5;
	s21 =	simm.s32 $0x16A68  }
0x46f: {  	[hbm4b:s20+s2] =	stream.linear.scatter [tilespmem:s21], [sflag:$0x4], $0x80, $0x38;
	[tilespmem:$0x18500] =	vst v63  }
.Ltmp8:
0x470: {  	_ = 	snop;
	(pc) =	sbr.rel @p0 .LBB2_2-.Ltmp8, $4  }
0x471: {  	s22 =	sadd.s32 $0x60, s5;
	s23 =	simm.s32 $0x16AF0  }
0x472: {  	[hbm4b:s22+s2] =	stream.linear.scatter [tilespmem:s23], [sflag:$0x4], $0x80, $0x38;
	[tilespmem:$0x18500] =	vst v63  }
0x473: {  	s5 =	sadd.s32 $0x70, s5;
	s24 =	simm.s32 $0x16B78  }
0x474: {  	[hbm4b:s5+s2] =	stream.linear.scatter [tilespmem:s24], [sflag:$0x4], $0x80, $0x38;
	[tilespmem:$0x18500] =	vst v63  }
0x475: {  	s5 =	simm.s32 $0x3  }
0x476: {  	_ =	swait.ge [sflag:s5], $0x4000  }
0x477: {  	[sflag:s5] =	ssyncset.done $0x0  }
0x478: {  	s15 =	simm.s32 $0x4;
	[sflag:s5] =	ssyncadd.s32 $0xFFFFC000  }
0x479: {  	_ =	swait.ge [sflag:s15], $0x4000  }
0x47a: {  	s17 =	rddreg [dreg:$0x7]  }
0x47b: {  	s24 =	rddreg [dreg:$0x6];
	s17 =	sadd.s32 $0x1, s17  }
0x47c: {  	p0 =	sne.s32 s17, s24  }
.Ltmp9:
0x47d: {  	_ = 	snop;
	(pc) =	sbr.rel @p0 .LBB2_1-.Ltmp9, $3  }
0x47e: {  	_ =	sdelay $0x1  }
0x47f: {  	[sflag:s15] =	ssyncset.done $0x0  }
0x480: {  	[sflag:s15] =	ssyncadd.s32 $0xFFFFC000  }
0x481: {  	_ =	sfence.sel $0x180000  }
0x482: {  	[bflag:$0x0] =	sbarrier.arrive $0xFFFF  }
0x483: {  	_ =	strace $0x90000047  }
0x484: {  	s0 =	stileid.u32;
	[bflag:$0x2] =	sbarrier.arrive $0xFFFF  }
0x485: {  	p0 =	sne.s32 s0, $0x0;
	s0 =	rddreg [dreg:$0x3]  }
0x486: {  	s0 =	sadd.s32 @!p0 $0x100000, s0  }
0x487: {  	[sflag:s0] =	ssyncadd.tile.s32 @!p0 $0x1;
	_ =	shalt  }
.Lfunc_end2:
_tile_overlayer_lowered:
.L_overlay_start_2:
0x488: {  	(tag) =	ssettag $0x2  }
0x489: {  	s0 =	rddreg [dreg:$0x0];
	s2 =	stileid.u32  }
0x48a: {  	s1 =	rddreg [dreg:$0x1];
	p0 =	sne.s32 s2, $0x0  }
0x48b: {  	s3 =	rddreg [dreg:$0x2];
	[bflag:$0x3] =	sbarrier.arrive $0xFFFF;
	s2 =	simm.s32 @!p0 $0x1C05  }
0x48c: {  	[timem:s3], [sflag:s2] =	dma.local @!p0 [hbm:s0], s1  }
0x48d: {  	s0 =	simm.s32 @!p0 $0x5  }
0x48e: {  	_ =	swait.ge @!p0 [sflag:s0], s1  }
0x48f: {  	s1 =	ssub.s32 @!p0 $0x0, s1;
	[sflag:s0] =	ssyncset.done @!p0 $0x0  }
0x490: {  	[sflag:s0] =	ssyncadd.s32 @!p0 s1  }
0x491: {  	[bflag:$0x3] =	sbarrier.arrive $0xFFFF  }
0x492: {  	_ =	shalt  }

</sc_bundles>
